<compile_context>
chip_gen: v7x
topology: tpu7x:2x2x1
jax: 0.10.2.dev20260603
libtpu: 0.0.44.dev20260713+nightly
codegen_flags: <defaults>
</compile_context>

<pallas_src>
import jax
import jax.numpy as jnp
from jax import lax
from jax.experimental import pallas as pl
from jax.experimental.pallas import tpu as pltpu
from jax.experimental.pallas import tpu_sc as plsc

B = 4096
D = 64
N_SP, N_MV, N_IT, N_AB = 6, 24, 6, 6
N_ALL = N_SP + N_MV + N_IT + N_AB
N_SMALL = N_ALL - N_SP
VSMALL = 3000
TILES = N_ALL * D // 128

NC, NS = 2, 16
NW = NC * NS
RW = B // NW
NBUF = 4


def _body(ids_t, sidx_t, sp_tab, small_tabs, out,
          idx, sidx, sbufs, bufs, small_shared, *sems):
  wid = lax.axis_index("s") * NC + lax.axis_index("c")
  base = wid * RW
  ssems = sems[:N_SP]
  gsems = sems[N_SP:N_SP + NBUF]
  osems = sems[N_SP + NBUF:]

  pltpu.sync_copy(ids_t.at[:, pl.ds(base, RW)], idx)
  pltpu.sync_copy(sidx_t.at[:, pl.ds(base, RW)], sidx)

  sp_gathers = []
  for j in range(N_SP):
    sp_gathers.append(pltpu.async_copy(
        sp_tab.at[idx.at[j]], sbufs.at[j], ssems[j]))

  @pl.when(lax.axis_index("s") == 0)
  def _():
    pltpu.sync_copy(small_tabs, small_shared)

  plsc.subcore_barrier()

  gathers = [None] * NBUF
  scatters = [None] * NBUF
  for t in range(N_SMALL + 1):
    if t < N_SMALL:
      j = N_SP + t
      s = t % NBUF
      if t >= NBUF:
        scatters[s].wait()
      gathers[s] = pltpu.async_copy(
          small_shared.at[idx.at[j]], bufs.at[s], gsems[s])
    if t >= 1:
      jj = N_SP + t - 1
      ss = (t - 1) % NBUF
      gathers[ss].wait()
      scatters[ss] = pltpu.async_copy(
          bufs.at[ss], out.at[sidx.at[jj]], osems[ss])

  sp_scatters = []
  for j in range(N_SP):
    sp_gathers[j].wait()
    sp_scatters.append(pltpu.async_copy(
        sbufs.at[j], out.at[sidx.at[j]], ssems[j]))

  for s in range(NBUF):
    scatters[s].wait()
  for c in sp_scatters:
    c.wait()


@jax.jit
def _encode(ids_t, sidx_t, sp_tab, small_tabs):
  mesh = plsc.VectorSubcoreMesh(core_axis_name="c", subcore_axis_name="s")
  f = pl.kernel(
      _body,
      out_type=jax.ShapeDtypeStruct((B * N_ALL, D), jnp.float32),
      mesh=mesh,
      compiler_params=pltpu.CompilerParams(use_tc_tiling_on_sc=False),
      scratch_types=[
          pltpu.VMEM((N_ALL, RW), jnp.int32),
          pltpu.VMEM((N_ALL, RW), jnp.int32),
          pltpu.VMEM((N_SP, RW, D), jnp.float32),
          pltpu.VMEM((NBUF, RW, D), jnp.float32),
          pltpu.VMEM_SHARED((VSMALL, D), jnp.float32),
      ] + [pltpu.SemaphoreType.DMA] * (N_SP + 2 * NBUF),
  )
  y = f(ids_t, sidx_t, sp_tab, small_tabs)
  y = y.reshape(B // 8, TILES, 8, 128).transpose(0, 2, 1, 3)
  return y.reshape(B, N_ALL * D)


def kernel(species_ids, move_ids, item_ids, ability_ids,
           species_table, move_table, item_table, ability_table):
  ids_t = jnp.concatenate(
      [species_ids.T.astype(jnp.int32),
       move_ids.T.astype(jnp.int32),
       item_ids.T.astype(jnp.int32) + 1000,
       ability_ids.T.astype(jnp.int32) + 2000],
      axis=0)
  small_tabs = jnp.concatenate([move_table, item_table, ability_table],
                               axis=0)
  j = jnp.arange(N_ALL, dtype=jnp.int32)[:, None]
  b = jnp.arange(B, dtype=jnp.int32)[None, :]
  sidx_t = ((b // 8) * TILES + j // 2) * 16 + (b % 8) * 2 + (j % 2)
  return _encode(ids_t, sidx_t, species_table, small_tabs)

# --- scband reference (transcript-rebuilt; emitter-appended) ---
"""Pipeline reference for scband-encoder-2525440770467 (READ-ONLY COPY).

The authoritative reference and input builder live on the scoring server;
editing this copy changes nothing except your own understanding.
"""

import jax, jax.numpy as jnp
import numpy as np

B = 4096
EMBED_DIM = 64
SPECIES_VOCAB = 100000
MOVE_VOCAB = 1000
ITEM_VOCAB = 1000
ABILITY_VOCAB = 1000


def setup_inputs(seed: int = 0) -> dict:
    key = jax.random.key(seed)
    ks = jax.random.split(key, 8)
    species_ids = jax.random.randint(ks[0], (B, 6), 0, SPECIES_VOCAB, dtype=jnp.int64 if jax.config.read('jax_enable_x64') else jnp.int32)
    move_ids = jax.random.randint(ks[1], (B, 24), 0, MOVE_VOCAB)
    item_ids = jax.random.randint(ks[2], (B, 6), 0, ITEM_VOCAB)
    ability_ids = jax.random.randint(ks[3], (B, 6), 0, ABILITY_VOCAB)
    species_table = jax.random.normal(ks[4], (SPECIES_VOCAB, EMBED_DIM), dtype=jnp.float32)
    move_table = jax.random.normal(ks[5], (MOVE_VOCAB, EMBED_DIM), dtype=jnp.float32)
    item_table = jax.random.normal(ks[6], (ITEM_VOCAB, EMBED_DIM), dtype=jnp.float32)
    ability_table = jax.random.normal(ks[7], (ABILITY_VOCAB, EMBED_DIM), dtype=jnp.float32)
    return {
        'species_ids': species_ids,
        'move_ids': move_ids,
        'item_ids': item_ids,
        'ability_ids': ability_ids,
        'species_table': species_table,
        'move_table': move_table,
        'item_table': item_table,
        'ability_table': ability_table,
    }


def _flatten(x):
    # nn.Flatten(start_dim=1)
    return x.reshape(x.shape[0], -1)


def reference(species_ids, move_ids, item_ids, ability_ids,
              species_table, move_table, item_table, ability_table):
    sp = jnp.take(species_table, species_ids, axis=0)   # [B, 6, D]
    mv = jnp.take(move_table, move_ids, axis=0)          # [B, 24, D]
    it = jnp.take(item_table, item_ids, axis=0)          # [B, 6, D]
    ab = jnp.take(ability_table, ability_ids, axis=0)    # [B, 6, D]
    out = jnp.concatenate([_flatten(sp), _flatten(mv), _flatten(it), _flatten(ab)], axis=1)
    return out  # [B, (6+24+6+6)*D] = [4096, 2688]

if __name__ == "__main__":
    import jax
    _d = setup_inputs()
    print(jax.jit(kernel)(*tuple(_d.values())))

</pallas_src>

<mosaic_0001>
#map = affine_map<(d0, d1) -> (0, 0)>
module attributes {stable_mosaic.version = 14 : i64} {
  func.func @_body(%arg0: i32, %arg1: i32, %arg2: memref<42x4096xi32, #tpu.memory_space<hbm>>, %arg3: memref<42x4096xi32, #tpu.memory_space<hbm>>, %arg4: memref<100000x64xf32, #tpu.memory_space<hbm>>, %arg5: memref<3000x64xf32, #tpu.memory_space<hbm>>, %arg6: memref<172032x64xf32, #tpu.memory_space<hbm>>, %arg7: memref<42x128xi32, #tpu.memory_space<vmem>>, %arg8: memref<42x128xi32, #tpu.memory_space<vmem>>, %arg9: memref<6x128x64xf32, #tpu.memory_space<vmem>>, %arg10: memref<4x128x64xf32, #tpu.memory_space<vmem>>, %arg11: memref<3000x64xf32, #tpu.memory_space<vmem_shared>>, %arg12: memref<!tpu.dma_semaphore, #tpu.memory_space<semaphore_mem>>, %arg13: memref<!tpu.dma_semaphore, #tpu.memory_space<semaphore_mem>>, %arg14: memref<!tpu.dma_semaphore, #tpu.memory_space<semaphore_mem>>, %arg15: memref<!tpu.dma_semaphore, #tpu.memory_space<semaphore_mem>>, %arg16: memref<!tpu.dma_semaphore, #tpu.memory_space<semaphore_mem>>, %arg17: memref<!tpu.dma_semaphore, #tpu.memory_space<semaphore_mem>>, %arg18: memref<!tpu.dma_semaphore, #tpu.memory_space<semaphore_mem>>, %arg19: memref<!tpu.dma_semaphore, #tpu.memory_space<semaphore_mem>>, %arg20: memref<!tpu.dma_semaphore, #tpu.memory_space<semaphore_mem>>, %arg21: memref<!tpu.dma_semaphore, #tpu.memory_space<semaphore_mem>>, %arg22: memref<!tpu.dma_semaphore, #tpu.memory_space<semaphore_mem>>, %arg23: memref<!tpu.dma_semaphore, #tpu.memory_space<semaphore_mem>>, %arg24: memref<!tpu.dma_semaphore, #tpu.memory_space<semaphore_mem>>, %arg25: memref<!tpu.dma_semaphore, #tpu.memory_space<semaphore_mem>>) attributes {dimension_semantics = [#tpu.dimension_semantics<core_parallel>, #tpu.dimension_semantics<subcore_parallel>], iteration_bounds = array<i64: 2, 16>, scalar_prefetch = 0 : i64, scratch_operands = 19 : i64, tpu.core_type = #tpu.core_type<sc_vector_subcore>, window_params = [{transform_indices = #map}, {transform_indices = #map}, {transform_indices = #map}, {transform_indices = #map}, {transform_indices = #map}]} {
    %mul3A = arith.constant 2 : i32
    %mul3A_0 = arith.muli %arg1, %mul3A : i32
    %add3A = arith.addi %mul3A_0, %arg0 : i32
    %mul3A_1 = arith.constant 128 : i32
    %mul3A_2 = arith.muli %add3A, %mul3A_1 : i32
    "tpu.region"() ({
      %run_scoped3A = tpu.sem_alloc : memref<!tpu.dma_semaphore, #tpu.memory_space<semaphore_mem>>
      %dma_start3A_2019 = arith.constant 0 : i32
      %dma_start3A_2020 = tpu.memref_slice %arg2[%dma_start3A_2019, %mul3A_2] : memref<42x4096xi32, #tpu.memory_space<hbm>> -> memref<42x128xi32, #tpu.memory_space<hbm>>
      %dma_start3A_2021 = arith.constant 0 : i32
      %dma_start3A_2022 = tpu.memref_slice %arg2[%dma_start3A_2021, %mul3A_2] : memref<42x4096xi32, #tpu.memory_space<hbm>> -> memref<42x128xi32, #tpu.memory_space<hbm>>
      tpu.enqueue_dma source(%dma_start3A_2022 : memref<42x128xi32, #tpu.memory_space<hbm>>) target(%arg7 : memref<42x128xi32, #tpu.memory_space<vmem>>) target_semaphore(%run_scoped3A : memref<!tpu.dma_semaphore, #tpu.memory_space<semaphore_mem>>)
      %dma_wait3A_2023 = arith.constant 0 : i32
      %dma_wait3A_2024 = tpu.memref_slice %arg2[%dma_wait3A_2023, %mul3A_2] : memref<42x4096xi32, #tpu.memory_space<hbm>> -> memref<42x128xi32, #tpu.memory_space<hbm>>
      %dma_wait3A_2025 = arith.constant 0 : i32
      %dma_wait3A_2026 = tpu.memref_slice %arg2[%dma_wait3A_2025, %mul3A_2] : memref<42x4096xi32, #tpu.memory_space<hbm>> -> memref<42x128xi32, #tpu.memory_space<hbm>>
      tpu.wait_dma2 semaphore(%run_scoped3A : memref<!tpu.dma_semaphore, #tpu.memory_space<semaphore_mem>>) src(%dma_wait3A_2026 : memref<42x128xi32, #tpu.memory_space<hbm>>) dst(%arg7 : memref<42x128xi32, #tpu.memory_space<vmem>>)
      tpu.yield
    }) : () -> ()
    "tpu.region"() ({
      %run_scoped3A = tpu.sem_alloc : memref<!tpu.dma_semaphore, #tpu.memory_space<semaphore_mem>>
      %dma_start3A_2019 = arith.constant 0 : i32
      %dma_start3A_2020 = tpu.memref_slice %arg3[%dma_start3A_2019, %mul3A_2] : memref<42x4096xi32, #tpu.memory_space<hbm>> -> memref<42x128xi32, #tpu.memory_space<hbm>>
      %dma_start3A_2021 = arith.constant 0 : i32
      %dma_start3A_2022 = tpu.memref_slice %arg3[%dma_start3A_2021, %mul3A_2] : memref<42x4096xi32, #tpu.memory_space<hbm>> -> memref<42x128xi32, #tpu.memory_space<hbm>>
      tpu.enqueue_dma source(%dma_start3A_2022 : memref<42x128xi32, #tpu.memory_space<hbm>>) target(%arg8 : memref<42x128xi32, #tpu.memory_space<vmem>>) target_semaphore(%run_scoped3A : memref<!tpu.dma_semaphore, #tpu.memory_space<semaphore_mem>>)
      %dma_wait3A_2023 = arith.constant 0 : i32
      %dma_wait3A_2024 = tpu.memref_slice %arg3[%dma_wait3A_2023, %mul3A_2] : memref<42x4096xi32, #tpu.memory_space<hbm>> -> memref<42x128xi32, #tpu.memory_space<hbm>>
      %dma_wait3A_2025 = arith.constant 0 : i32
      %dma_wait3A_2026 = tpu.memref_slice %arg3[%dma_wait3A_2025, %mul3A_2] : memref<42x4096xi32, #tpu.memory_space<hbm>> -> memref<42x128xi32, #tpu.memory_space<hbm>>
      tpu.wait_dma2 semaphore(%run_scoped3A : memref<!tpu.dma_semaphore, #tpu.memory_space<semaphore_mem>>) src(%dma_wait3A_2026 : memref<42x128xi32, #tpu.memory_space<hbm>>) dst(%arg8 : memref<42x128xi32, #tpu.memory_space<vmem>>)
      tpu.yield
    }) : () -> ()
    %dma_start3A = arith.constant 0 : i32
    %dma_start3A_3 = arith.constant 0 : i32
    %dma_start3A_4 = arith.constant 0 : i32
    %dma_start3A_5 = arith.constant 0 : i32
    %dma_start3A_6 = tpu.memref_slice %arg9[%dma_start3A_3, %dma_start3A_4, %dma_start3A_5] : memref<6x128x64xf32, #tpu.memory_space<vmem>> -> memref<1x128x64xf32, #tpu.memory_space<vmem>>
    %dma_start3A_7 = tpu.memref_squeeze %dma_start3A_6 : memref<1x128x64xf32, #tpu.memory_space<vmem>> -> memref<128x64xf32, #tpu.memory_space<vmem>>
    %dma_start3A_8 = arith.constant 0 : i32
    %dma_start3A_9 = tpu.memref_slice %arg7[%dma_start3A, %dma_start3A_8] : memref<42x128xi32, #tpu.memory_space<vmem>> -> memref<1x128xi32, #tpu.memory_space<vmem>>
    %dma_start3A_10 = tpu.memref_squeeze %dma_start3A_9 : memref<1x128xi32, #tpu.memory_space<vmem>> -> memref<128xi32, #tpu.memory_space<vmem>>
    %dma_start3A_11 = arith.constant 0 : i32
    %dma_start3A_12 = arith.constant 0 : i32
    %dma_start3A_13 = tpu.memref_slice %arg4[%dma_start3A_11, %dma_start3A_12] : memref<100000x64xf32, #tpu.memory_space<hbm>> -> memref<100000x64xf32, #tpu.memory_space<hbm>>
    tpu.enqueue_indirect_dma source(%dma_start3A_13 : memref<100000x64xf32, #tpu.memory_space<hbm>>) target(%dma_start3A_7 : memref<128x64xf32, #tpu.memory_space<vmem>>) offsets(%dma_start3A_10 : memref<128xi32, #tpu.memory_space<vmem>>) semaphore(%arg12 : memref<!tpu.dma_semaphore, #tpu.memory_space<semaphore_mem>>)
    %dma_start3A_14 = arith.constant 1 : i32
    %dma_start3A_15 = arith.constant 1 : i32
    %dma_start3A_16 = arith.constant 0 : i32
    %dma_start3A_17 = arith.constant 0 : i32
    %dma_start3A_18 = tpu.memref_slice %arg9[%dma_start3A_15, %dma_start3A_16, %dma_start3A_17] : memref<6x128x64xf32, #tpu.memory_space<vmem>> -> memref<1x128x64xf32, #tpu.memory_space<vmem>>
    %dma_start3A_19 = tpu.memref_squeeze %dma_start3A_18 : memref<1x128x64xf32, #tpu.memory_space<vmem>> -> memref<128x64xf32, #tpu.memory_space<vmem>>
    %dma_start3A_20 = arith.constant 0 : i32
    %dma_start3A_21 = tpu.memref_slice %arg7[%dma_start3A_14, %dma_start3A_20] : memref<42x128xi32, #tpu.memory_space<vmem>> -> memref<1x128xi32, #tpu.memory_space<vmem>>
    %dma_start3A_22 = tpu.memref_squeeze %dma_start3A_21 : memref<1x128xi32, #tpu.memory_space<vmem>> -> memref<128xi32, #tpu.memory_space<vmem>>
    %dma_start3A_23 = arith.constant 0 : i32
    %dma_start3A_24 = arith.constant 0 : i32
    %dma_start3A_25 = tpu.memref_slice %arg4[%dma_start3A_23, %dma_start3A_24] : memref<100000x64xf32, #tpu.memory_space<hbm>> -> memref<100000x64xf32, #tpu.memory_space<hbm>>
    tpu.enqueue_indirect_dma source(%dma_start3A_25 : memref<100000x64xf32, #tpu.memory_space<hbm>>) target(%dma_start3A_19 : memref<128x64xf32, #tpu.memory_space<vmem>>) offsets(%dma_start3A_22 : memref<128xi32, #tpu.memory_space<vmem>>) semaphore(%arg13 : memref<!tpu.dma_semaphore, #tpu.memory_space<semaphore_mem>>)
    %dma_start3A_26 = arith.constant 2 : i32
    %dma_start3A_27 = arith.constant 2 : i32
    %dma_start3A_28 = arith.constant 0 : i32
    %dma_start3A_29 = arith.constant 0 : i32
    %dma_start3A_30 = tpu.memref_slice %arg9[%dma_start3A_27, %dma_start3A_28, %dma_start3A_29] : memref<6x128x64xf32, #tpu.memory_space<vmem>> -> memref<1x128x64xf32, #tpu.memory_space<vmem>>
    %dma_start3A_31 = tpu.memref_squeeze %dma_start3A_30 : memref<1x128x64xf32, #tpu.memory_space<vmem>> -> memref<128x64xf32, #tpu.memory_space<vmem>>
    %dma_start3A_32 = arith.constant 0 : i32
    %dma_start3A_33 = tpu.memref_slice %arg7[%dma_start3A_26, %dma_start3A_32] : memref<42x128xi32, #tpu.memory_space<vmem>> -> memref<1x128xi32, #tpu.memory_space<vmem>>
    %dma_start3A_34 = tpu.memref_squeeze %dma_start3A_33 : memref<1x128xi32, #tpu.memory_space<vmem>> -> memref<128xi32, #tpu.memory_space<vmem>>
    %dma_start3A_35 = arith.constant 0 : i32
    %dma_start3A_36 = arith.constant 0 : i32
    %dma_start3A_37 = tpu.memref_slice %arg4[%dma_start3A_35, %dma_start3A_36] : memref<100000x64xf32, #tpu.memory_space<hbm>> -> memref<100000x64xf32, #tpu.memory_space<hbm>>
    tpu.enqueue_indirect_dma source(%dma_start3A_37 : memref<100000x64xf32, #tpu.memory_space<hbm>>) target(%dma_start3A_31 : memref<128x64xf32, #tpu.memory_space<vmem>>) offsets(%dma_start3A_34 : memref<128xi32, #tpu.memory_space<vmem>>) semaphore(%arg14 : memref<!tpu.dma_semaphore, #tpu.memory_space<semaphore_mem>>)
    %dma_start3A_38 = arith.constant 3 : i32
    %dma_start3A_39 = arith.constant 3 : i32
    %dma_start3A_40 = arith.constant 0 : i32
    %dma_start3A_41 = arith.constant 0 : i32
    %dma_start3A_42 = tpu.memref_slice %arg9[%dma_start3A_39, %dma_start3A_40, %dma_start3A_41] : memref<6x128x64xf32, #tpu.memory_space<vmem>> -> memref<1x128x64xf32, #tpu.memory_space<vmem>>
    %dma_start3A_43 = tpu.memref_squeeze %dma_start3A_42 : memref<1x128x64xf32, #tpu.memory_space<vmem>> -> memref<128x64xf32, #tpu.memory_space<vmem>>
    %dma_start3A_44 = arith.constant 0 : i32
    %dma_start3A_45 = tpu.memref_slice %arg7[%dma_start3A_38, %dma_start3A_44] : memref<42x128xi32, #tpu.memory_space<vmem>> -> memref<1x128xi32, #tpu.memory_space<vmem>>
    %dma_start3A_46 = tpu.memref_squeeze %dma_start3A_45 : memref<1x128xi32, #tpu.memory_space<vmem>> -> memref<128xi32, #tpu.memory_space<vmem>>
    %dma_start3A_47 = arith.constant 0 : i32
    %dma_start3A_48 = arith.constant 0 : i32
    %dma_start3A_49 = tpu.memref_slice %arg4[%dma_start3A_47, %dma_start3A_48] : memref<100000x64xf32, #tpu.memory_space<hbm>> -> memref<100000x64xf32, #tpu.memory_space<hbm>>
    tpu.enqueue_indirect_dma source(%dma_start3A_49 : memref<100000x64xf32, #tpu.memory_space<hbm>>) target(%dma_start3A_43 : memref<128x64xf32, #tpu.memory_space<vmem>>) offsets(%dma_start3A_46 : memref<128xi32, #tpu.memory_space<vmem>>) semaphore(%arg15 : memref<!tpu.dma_semaphore, #tpu.memory_space<semaphore_mem>>)
    %dma_start3A_50 = arith.constant 4 : i32
    %dma_start3A_51 = arith.constant 4 : i32
    %dma_start3A_52 = arith.constant 0 : i32
    %dma_start3A_53 = arith.constant 0 : i32
    %dma_start3A_54 = tpu.memref_slice %arg9[%dma_start3A_51, %dma_start3A_52, %dma_start3A_53] : memref<6x128x64xf32, #tpu.memory_space<vmem>> -> memref<1x128x64xf32, #tpu.memory_space<vmem>>
    %dma_start3A_55 = tpu.memref_squeeze %dma_start3A_54 : memref<1x128x64xf32, #tpu.memory_space<vmem>> -> memref<128x64xf32, #tpu.memory_space<vmem>>
    %dma_start3A_56 = arith.constant 0 : i32
    %dma_start3A_57 = tpu.memref_slice %arg7[%dma_start3A_50, %dma_start3A_56] : memref<42x128xi32, #tpu.memory_space<vmem>> -> memref<1x128xi32, #tpu.memory_space<vmem>>
    %dma_start3A_58 = tpu.memref_squeeze %dma_start3A_57 : memref<1x128xi32, #tpu.memory_space<vmem>> -> memref<128xi32, #tpu.memory_space<vmem>>
    %dma_start3A_59 = arith.constant 0 : i32
    %dma_start3A_60 = arith.constant 0 : i32
    %dma_start3A_61 = tpu.memref_slice %arg4[%dma_start3A_59, %dma_start3A_60] : memref<100000x64xf32, #tpu.memory_space<hbm>> -> memref<100000x64xf32, #tpu.memory_space<hbm>>
    tpu.enqueue_indirect_dma source(%dma_start3A_61 : memref<100000x64xf32, #tpu.memory_space<hbm>>) target(%dma_start3A_55 : memref<128x64xf32, #tpu.memory_space<vmem>>) offsets(%dma_start3A_58 : memref<128xi32, #tpu.memory_space<vmem>>) semaphore(%arg16 : memref<!tpu.dma_semaphore, #tpu.memory_space<semaphore_mem>>)
    %dma_start3A_62 = arith.constant 5 : i32
    %dma_start3A_63 = arith.constant 5 : i32
    %dma_start3A_64 = arith.constant 0 : i32
    %dma_start3A_65 = arith.constant 0 : i32
    %dma_start3A_66 = tpu.memref_slice %arg9[%dma_start3A_63, %dma_start3A_64, %dma_start3A_65] : memref<6x128x64xf32, #tpu.memory_space<vmem>> -> memref<1x128x64xf32, #tpu.memory_space<vmem>>
    %dma_start3A_67 = tpu.memref_squeeze %dma_start3A_66 : memref<1x128x64xf32, #tpu.memory_space<vmem>> -> memref<128x64xf32, #tpu.memory_space<vmem>>
    %dma_start3A_68 = arith.constant 0 : i32
    %dma_start3A_69 = tpu.memref_slice %arg7[%dma_start3A_62, %dma_start3A_68] : memref<42x128xi32, #tpu.memory_space<vmem>> -> memref<1x128xi32, #tpu.memory_space<vmem>>
    %dma_start3A_70 = tpu.memref_squeeze %dma_start3A_69 : memref<1x128xi32, #tpu.memory_space<vmem>> -> memref<128xi32, #tpu.memory_space<vmem>>
    %dma_start3A_71 = arith.constant 0 : i32
    %dma_start3A_72 = arith.constant 0 : i32
    %dma_start3A_73 = tpu.memref_slice %arg4[%dma_start3A_71, %dma_start3A_72] : memref<100000x64xf32, #tpu.memory_space<hbm>> -> memref<100000x64xf32, #tpu.memory_space<hbm>>
    tpu.enqueue_indirect_dma source(%dma_start3A_73 : memref<100000x64xf32, #tpu.memory_space<hbm>>) target(%dma_start3A_67 : memref<128x64xf32, #tpu.memory_space<vmem>>) offsets(%dma_start3A_70 : memref<128xi32, #tpu.memory_space<vmem>>) semaphore(%arg17 : memref<!tpu.dma_semaphore, #tpu.memory_space<semaphore_mem>>)
    %eq3A = arith.constant 0 : i32
    %eq3A_74 = arith.cmpi eq, %arg1, %eq3A : i32
    %convert_element_type3A = arith.extui %eq3A_74 : i1 to i32
    %cond3A = arith.constant 0 : i32
    %cond3A_75 = arith.cmpi ne, %convert_element_type3A, %cond3A : i32
    scf.if %cond3A_75 {
      "tpu.region"() ({
        %run_scoped3A = tpu.sem_alloc : memref<!tpu.dma_semaphore, #tpu.memory_space<semaphore_mem>>
        tpu.enqueue_dma source(%arg5 : memref<3000x64xf32, #tpu.memory_space<hbm>>) target(%arg11 : memref<3000x64xf32, #tpu.memory_space<vmem_shared>>) target_semaphore(%run_scoped3A : memref<!tpu.dma_semaphore, #tpu.memory_space<semaphore_mem>>)
        tpu.wait_dma2 semaphore(%run_scoped3A : memref<!tpu.dma_semaphore, #tpu.memory_space<semaphore_mem>>) src(%arg5 : memref<3000x64xf32, #tpu.memory_space<hbm>>) dst(%arg11 : memref<3000x64xf32, #tpu.memory_space<vmem_shared>>)
        tpu.yield
      }) : () -> ()
    } else {
    }
    %barrier3A = arith.constant 0 : index
    tpu.barrier barrier_id(%barrier3A)
    %dma_start3A_76 = arith.constant 6 : i32
    %dma_start3A_77 = arith.constant 0 : i32
    %dma_start3A_78 = arith.constant 0 : i32
    %dma_start3A_79 = arith.constant 0 : i32
    %dma_start3A_80 = tpu.memref_slice %arg10[%dma_start3A_77, %dma_start3A_78, %dma_start3A_79] : memref<4x128x64xf32, #tpu.memory_space<vmem>> -> memref<1x128x64xf32, #tpu.memory_space<vmem>>
    %dma_start3A_81 = tpu.memref_squeeze %dma_start3A_80 : memref<1x128x64xf32, #tpu.memory_space<vmem>> -> memref<128x64xf32, #tpu.memory_space<vmem>>
    %dma_start3A_82 = arith.constant 0 : i32
    %dma_start3A_83 = tpu.memref_slice %arg7[%dma_start3A_76, %dma_start3A_82] : memref<42x128xi32, #tpu.memory_space<vmem>> -> memref<1x128xi32, #tpu.memory_space<vmem>>
    %dma_start3A_84 = tpu.memref_squeeze %dma_start3A_83 : memref<1x128xi32, #tpu.memory_space<vmem>> -> memref<128xi32, #tpu.memory_space<vmem>>
    %dma_start3A_85 = arith.constant 0 : i32
    %dma_start3A_86 = arith.constant 0 : i32
    %dma_start3A_87 = tpu.memref_slice %arg11[%dma_start3A_85, %dma_start3A_86] : memref<3000x64xf32, #tpu.memory_space<vmem_shared>> -> memref<3000x64xf32, #tpu.memory_space<vmem_shared>>
    tpu.enqueue_indirect_dma source(%dma_start3A_87 : memref<3000x64xf32, #tpu.memory_space<vmem_shared>>) target(%dma_start3A_81 : memref<128x64xf32, #tpu.memory_space<vmem>>) offsets(%dma_start3A_84 : memref<128xi32, #tpu.memory_space<vmem>>) semaphore(%arg18 : memref<!tpu.dma_semaphore, #tpu.memory_space<semaphore_mem>>)
    %dma_start3A_88 = arith.constant 7 : i32
    %dma_start3A_89 = arith.constant 1 : i32
    %dma_start3A_90 = arith.constant 0 : i32
    %dma_start3A_91 = arith.constant 0 : i32
    %dma_start3A_92 = tpu.memref_slice %arg10[%dma_start3A_89, %dma_start3A_90, %dma_start3A_91] : memref<4x128x64xf32, #tpu.memory_space<vmem>> -> memref<1x128x64xf32, #tpu.memory_space<vmem>>
    %dma_start3A_93 = tpu.memref_squeeze %dma_start3A_92 : memref<1x128x64xf32, #tpu.memory_space<vmem>> -> memref<128x64xf32, #tpu.memory_space<vmem>>
    %dma_start3A_94 = arith.constant 0 : i32
    %dma_start3A_95 = tpu.memref_slice %arg7[%dma_start3A_88, %dma_start3A_94] : memref<42x128xi32, #tpu.memory_space<vmem>> -> memref<1x128xi32, #tpu.memory_space<vmem>>
    %dma_start3A_96 = tpu.memref_squeeze %dma_start3A_95 : memref<1x128xi32, #tpu.memory_space<vmem>> -> memref<128xi32, #tpu.memory_space<vmem>>
    %dma_start3A_97 = arith.constant 0 : i32
    %dma_start3A_98 = arith.constant 0 : i32
    %dma_start3A_99 = tpu.memref_slice %arg11[%dma_start3A_97, %dma_start3A_98] : memref<3000x64xf32, #tpu.memory_space<vmem_shared>> -> memref<3000x64xf32, #tpu.memory_space<vmem_shared>>
    tpu.enqueue_indirect_dma source(%dma_start3A_99 : memref<3000x64xf32, #tpu.memory_space<vmem_shared>>) target(%dma_start3A_93 : memref<128x64xf32, #tpu.memory_space<vmem>>) offsets(%dma_start3A_96 : memref<128xi32, #tpu.memory_space<vmem>>) semaphore(%arg19 : memref<!tpu.dma_semaphore, #tpu.memory_space<semaphore_mem>>)
    %dma_wait3A = arith.constant 6 : i32
    %dma_wait3A_100 = arith.constant 0 : i32
    %dma_wait3A_101 = arith.constant 0 : i32
    %dma_wait3A_102 = arith.constant 0 : i32
    %dma_wait3A_103 = tpu.memref_slice %arg10[%dma_wait3A_100, %dma_wait3A_101, %dma_wait3A_102] : memref<4x128x64xf32, #tpu.memory_space<vmem>> -> memref<1x128x64xf32, #tpu.memory_space<vmem>>
    %dma_wait3A_104 = tpu.memref_squeeze %dma_wait3A_103 : memref<1x128x64xf32, #tpu.memory_space<vmem>> -> memref<128x64xf32, #tpu.memory_space<vmem>>
    %dma_wait3A_105 = arith.constant 0 : i32
    %dma_wait3A_106 = tpu.memref_slice %arg7[%dma_wait3A, %dma_wait3A_105] : memref<42x128xi32, #tpu.memory_space<vmem>> -> memref<1x128xi32, #tpu.memory_space<vmem>>
    %dma_wait3A_107 = tpu.memref_squeeze %dma_wait3A_106 : memref<1x128xi32, #tpu.memory_space<vmem>> -> memref<128xi32, #tpu.memory_space<vmem>>
    %dma_wait3A_108 = arith.constant 0 : i32
    %dma_wait3A_109 = arith.constant 0 : i32
    %dma_wait3A_110 = tpu.memref_slice %arg11[%dma_wait3A_108, %dma_wait3A_109] : memref<3000x64xf32, #tpu.memory_space<vmem_shared>> -> memref<3000x64xf32, #tpu.memory_space<vmem_shared>>
    tpu.wait_indirect_dma semaphore(%arg18 : memref<!tpu.dma_semaphore, #tpu.memory_space<semaphore_mem>>) src(%dma_wait3A_110 : memref<3000x64xf32, #tpu.memory_space<vmem_shared>>) dst(%dma_wait3A_104 : memref<128x64xf32, #tpu.memory_space<vmem>>)
    %dma_start3A_111 = arith.constant 0 : i32
    %dma_start3A_112 = arith.constant 6 : i32
    %dma_start3A_113 = arith.constant 0 : i32
    %dma_start3A_114 = arith.constant 0 : i32
    %dma_start3A_115 = tpu.memref_slice %arg10[%dma_start3A_111, %dma_start3A_113, %dma_start3A_114] : memref<4x128x64xf32, #tpu.memory_space<vmem>> -> memref<1x128x64xf32, #tpu.memory_space<vmem>>
    %dma_start3A_116 = tpu.memref_squeeze %dma_start3A_115 : memref<1x128x64xf32, #tpu.memory_space<vmem>> -> memref<128x64xf32, #tpu.memory_space<vmem>>
    %dma_start3A_117 = arith.constant 0 : i32
    %dma_start3A_118 = tpu.memref_slice %arg8[%dma_start3A_112, %dma_start3A_117] : memref<42x128xi32, #tpu.memory_space<vmem>> -> memref<1x128xi32, #tpu.memory_space<vmem>>
    %dma_start3A_119 = tpu.memref_squeeze %dma_start3A_118 : memref<1x128xi32, #tpu.memory_space<vmem>> -> memref<128xi32, #tpu.memory_space<vmem>>
    %dma_start3A_120 = arith.constant 0 : i32
    %dma_start3A_121 = arith.constant 0 : i32
    %dma_start3A_122 = tpu.memref_slice %arg6[%dma_start3A_120, %dma_start3A_121] : memref<172032x64xf32, #tpu.memory_space<hbm>> -> memref<172032x64xf32, #tpu.memory_space<hbm>>
    tpu.enqueue_indirect_dma source(%dma_start3A_116 : memref<128x64xf32, #tpu.memory_space<vmem>>) target(%dma_start3A_122 : memref<172032x64xf32, #tpu.memory_space<hbm>>) offsets(%dma_start3A_119 : memref<128xi32, #tpu.memory_space<vmem>>) semaphore(%arg22 : memref<!tpu.dma_semaphore, #tpu.memory_space<semaphore_mem>>)
    %dma_start3A_123 = arith.constant 8 : i32
    %dma_start3A_124 = arith.constant 2 : i32
    %dma_start3A_125 = arith.constant 0 : i32
    %dma_start3A_126 = arith.constant 0 : i32
    %dma_start3A_127 = tpu.memref_slice %arg10[%dma_start3A_124, %dma_start3A_125, %dma_start3A_126] : memref<4x128x64xf32, #tpu.memory_space<vmem>> -> memref<1x128x64xf32, #tpu.memory_space<vmem>>
    %dma_start3A_128 = tpu.memref_squeeze %dma_start3A_127 : memref<1x128x64xf32, #tpu.memory_space<vmem>> -> memref<128x64xf32, #tpu.memory_space<vmem>>
    %dma_start3A_129 = arith.constant 0 : i32
    %dma_start3A_130 = tpu.memref_slice %arg7[%dma_start3A_123, %dma_start3A_129] : memref<42x128xi32, #tpu.memory_space<vmem>> -> memref<1x128xi32, #tpu.memory_space<vmem>>
    %dma_start3A_131 = tpu.memref_squeeze %dma_start3A_130 : memref<1x128xi32, #tpu.memory_space<vmem>> -> memref<128xi32, #tpu.memory_space<vmem>>
    %dma_start3A_132 = arith.constant 0 : i32
    %dma_start3A_133 = arith.constant 0 : i32
    %dma_start3A_134 = tpu.memref_slice %arg11[%dma_start3A_132, %dma_start3A_133] : memref<3000x64xf32, #tpu.memory_space<vmem_shared>> -> memref<3000x64xf32, #tpu.memory_space<vmem_shared>>
    tpu.enqueue_indirect_dma source(%dma_start3A_134 : memref<3000x64xf32, #tpu.memory_space<vmem_shared>>) target(%dma_start3A_128 : memref<128x64xf32, #tpu.memory_space<vmem>>) offsets(%dma_start3A_131 : memref<128xi32, #tpu.memory_space<vmem>>) semaphore(%arg20 : memref<!tpu.dma_semaphore, #tpu.memory_space<semaphore_mem>>)
    %dma_wait3A_135 = arith.constant 7 : i32
    %dma_wait3A_136 = arith.constant 1 : i32
    %dma_wait3A_137 = arith.constant 0 : i32
    %dma_wait3A_138 = arith.constant 0 : i32
    %dma_wait3A_139 = tpu.memref_slice %arg10[%dma_wait3A_136, %dma_wait3A_137, %dma_wait3A_138] : memref<4x128x64xf32, #tpu.memory_space<vmem>> -> memref<1x128x64xf32, #tpu.memory_space<vmem>>
    %dma_wait3A_140 = tpu.memref_squeeze %dma_wait3A_139 : memref<1x128x64xf32, #tpu.memory_space<vmem>> -> memref<128x64xf32, #tpu.memory_space<vmem>>
    %dma_wait3A_141 = arith.constant 0 : i32
    %dma_wait3A_142 = tpu.memref_slice %arg7[%dma_wait3A_135, %dma_wait3A_141] : memref<42x128xi32, #tpu.memory_space<vmem>> -> memref<1x128xi32, #tpu.memory_space<vmem>>
    %dma_wait3A_143 = tpu.memref_squeeze %dma_wait3A_142 : memref<1x128xi32, #tpu.memory_space<vmem>> -> memref<128xi32, #tpu.memory_space<vmem>>
    %dma_wait3A_144 = arith.constant 0 : i32
    %dma_wait3A_145 = arith.constant 0 : i32
    %dma_wait3A_146 = tpu.memref_slice %arg11[%dma_wait3A_144, %dma_wait3A_145] : memref<3000x64xf32, #tpu.memory_space<vmem_shared>> -> memref<3000x64xf32, #tpu.memory_space<vmem_shared>>
    tpu.wait_indirect_dma semaphore(%arg19 : memref<!tpu.dma_semaphore, #tpu.memory_space<semaphore_mem>>) src(%dma_wait3A_146 : memref<3000x64xf32, #tpu.memory_space<vmem_shared>>) dst(%dma_wait3A_140 : memref<128x64xf32, #tpu.memory_space<vmem>>)
    %dma_start3A_147 = arith.constant 1 : i32
    %dma_start3A_148 = arith.constant 7 : i32
    %dma_start3A_149 = arith.constant 0 : i32
    %dma_start3A_150 = arith.constant 0 : i32
    %dma_start3A_151 = tpu.memref_slice %arg10[%dma_start3A_147, %dma_start3A_149, %dma_start3A_150] : memref<4x128x64xf32, #tpu.memory_space<vmem>> -> memref<1x128x64xf32, #tpu.memory_space<vmem>>
    %dma_start3A_152 = tpu.memref_squeeze %dma_start3A_151 : memref<1x128x64xf32, #tpu.memory_space<vmem>> -> memref<128x64xf32, #tpu.memory_space<vmem>>
    %dma_start3A_153 = arith.constant 0 : i32
    %dma_start3A_154 = tpu.memref_slice %arg8[%dma_start3A_148, %dma_start3A_153] : memref<42x128xi32, #tpu.memory_space<vmem>> -> memref<1x128xi32, #tpu.memory_space<vmem>>
    %dma_start3A_155 = tpu.memref_squeeze %dma_start3A_154 : memref<1x128xi32, #tpu.memory_space<vmem>> -> memref<128xi32, #tpu.memory_space<vmem>>
    %dma_start3A_156 = arith.constant 0 : i32
    %dma_start3A_157 = arith.constant 0 : i32
    %dma_start3A_158 = tpu.memref_slice %arg6[%dma_start3A_156, %dma_start3A_157] : memref<172032x64xf32, #tpu.memory_space<hbm>> -> memref<172032x64xf32, #tpu.memory_space<hbm>>
    tpu.enqueue_indirect_dma source(%dma_start3A_152 : memref<128x64xf32, #tpu.memory_space<vmem>>) target(%dma_start3A_158 : memref<172032x64xf32, #tpu.memory_space<hbm>>) offsets(%dma_start3A_155 : memref<128xi32, #tpu.memory_space<vmem>>) semaphore(%arg23 : memref<!tpu.dma_semaphore, #tpu.memory_space<semaphore_mem>>)
    %dma_start3A_159 = arith.constant 9 : i32
    %dma_start3A_160 = arith.constant 3 : i32
    %dma_start3A_161 = arith.constant 0 : i32
    %dma_start3A_162 = arith.constant 0 : i32
    %dma_start3A_163 = tpu.memref_slice %arg10[%dma_start3A_160, %dma_start3A_161, %dma_start3A_162] : memref<4x128x64xf32, #tpu.memory_space<vmem>> -> memref<1x128x64xf32, #tpu.memory_space<vmem>>
    %dma_start3A_164 = tpu.memref_squeeze %dma_start3A_163 : memref<1x128x64xf32, #tpu.memory_space<vmem>> -> memref<128x64xf32, #tpu.memory_space<vmem>>
    %dma_start3A_165 = arith.constant 0 : i32
    %dma_start3A_166 = tpu.memref_slice %arg7[%dma_start3A_159, %dma_start3A_165] : memref<42x128xi32, #tpu.memory_space<vmem>> -> memref<1x128xi32, #tpu.memory_space<vmem>>
    %dma_start3A_167 = tpu.memref_squeeze %dma_start3A_166 : memref<1x128xi32, #tpu.memory_space<vmem>> -> memref<128xi32, #tpu.memory_space<vmem>>
    %dma_start3A_168 = arith.constant 0 : i32
    %dma_start3A_169 = arith.constant 0 : i32
    %dma_start3A_170 = tpu.memref_slice %arg11[%dma_start3A_168, %dma_start3A_169] : memref<3000x64xf32, #tpu.memory_space<vmem_shared>> -> memref<3000x64xf32, #tpu.memory_space<vmem_shared>>
    tpu.enqueue_indirect_dma source(%dma_start3A_170 : memref<3000x64xf32, #tpu.memory_space<vmem_shared>>) target(%dma_start3A_164 : memref<128x64xf32, #tpu.memory_space<vmem>>) offsets(%dma_start3A_167 : memref<128xi32, #tpu.memory_space<vmem>>) semaphore(%arg21 : memref<!tpu.dma_semaphore, #tpu.memory_space<semaphore_mem>>)
    %dma_wait3A_171 = arith.constant 8 : i32
    %dma_wait3A_172 = arith.constant 2 : i32
    %dma_wait3A_173 = arith.constant 0 : i32
    %dma_wait3A_174 = arith.constant 0 : i32
    %dma_wait3A_175 = tpu.memref_slice %arg10[%dma_wait3A_172, %dma_wait3A_173, %dma_wait3A_174] : memref<4x128x64xf32, #tpu.memory_space<vmem>> -> memref<1x128x64xf32, #tpu.memory_space<vmem>>
    %dma_wait3A_176 = tpu.memref_squeeze %dma_wait3A_175 : memref<1x128x64xf32, #tpu.memory_space<vmem>> -> memref<128x64xf32, #tpu.memory_space<vmem>>
    %dma_wait3A_177 = arith.constant 0 : i32
    %dma_wait3A_178 = tpu.memref_slice %arg7[%dma_wait3A_171, %dma_wait3A_177] : memref<42x128xi32, #tpu.memory_space<vmem>> -> memref<1x128xi32, #tpu.memory_space<vmem>>
    %dma_wait3A_179 = tpu.memref_squeeze %dma_wait3A_178 : memref<1x128xi32, #tpu.memory_space<vmem>> -> memref<128xi32, #tpu.memory_space<vmem>>
    %dma_wait3A_180 = arith.constant 0 : i32
    %dma_wait3A_181 = arith.constant 0 : i32
    %dma_wait3A_182 = tpu.memref_slice %arg11[%dma_wait3A_180, %dma_wait3A_181] : memref<3000x64xf32, #tpu.memory_space<vmem_shared>> -> memref<3000x64xf32, #tpu.memory_space<vmem_shared>>
    tpu.wait_indirect_dma semaphore(%arg20 : memref<!tpu.dma_semaphore, #tpu.memory_space<semaphore_mem>>) src(%dma_wait3A_182 : memref<3000x64xf32, #tpu.memory_space<vmem_shared>>) dst(%dma_wait3A_176 : memref<128x64xf32, #tpu.memory_space<vmem>>)
    %dma_start3A_183 = arith.constant 2 : i32
    %dma_start3A_184 = arith.constant 8 : i32
    %dma_start3A_185 = arith.constant 0 : i32
    %dma_start3A_186 = arith.constant 0 : i32
    %dma_start3A_187 = tpu.memref_slice %arg10[%dma_start3A_183, %dma_start3A_185, %dma_start3A_186] : memref<4x128x64xf32, #tpu.memory_space<vmem>> -> memref<1x128x64xf32, #tpu.memory_space<vmem>>
    %dma_start3A_188 = tpu.memref_squeeze %dma_start3A_187 : memref<1x128x64xf32, #tpu.memory_space<vmem>> -> memref<128x64xf32, #tpu.memory_space<vmem>>
    %dma_start3A_189 = arith.constant 0 : i32
    %dma_start3A_190 = tpu.memref_slice %arg8[%dma_start3A_184, %dma_start3A_189] : memref<42x128xi32, #tpu.memory_space<vmem>> -> memref<1x128xi32, #tpu.memory_space<vmem>>
    %dma_start3A_191 = tpu.memref_squeeze %dma_start3A_190 : memref<1x128xi32, #tpu.memory_space<vmem>> -> memref<128xi32, #tpu.memory_space<vmem>>
    %dma_start3A_192 = arith.constant 0 : i32
    %dma_start3A_193 = arith.constant 0 : i32
    %dma_start3A_194 = tpu.memref_slice %arg6[%dma_start3A_192, %dma_start3A_193] : memref<172032x64xf32, #tpu.memory_space<hbm>> -> memref<172032x64xf32, #tpu.memory_space<hbm>>
    tpu.enqueue_indirect_dma source(%dma_start3A_188 : memref<128x64xf32, #tpu.memory_space<vmem>>) target(%dma_start3A_194 : memref<172032x64xf32, #tpu.memory_space<hbm>>) offsets(%dma_start3A_191 : memref<128xi32, #tpu.memory_space<vmem>>) semaphore(%arg24 : memref<!tpu.dma_semaphore, #tpu.memory_space<semaphore_mem>>)
    %dma_wait3A_195 = arith.constant 0 : i32
    %dma_wait3A_196 = arith.constant 6 : i32
    %dma_wait3A_197 = arith.constant 0 : i32
    %dma_wait3A_198 = arith.constant 0 : i32
    %dma_wait3A_199 = tpu.memref_slice %arg10[%dma_wait3A_195, %dma_wait3A_197, %dma_wait3A_198] : memref<4x128x64xf32, #tpu.memory_space<vmem>> -> memref<1x128x64xf32, #tpu.memory_space<vmem>>
    %dma_wait3A_200 = tpu.memref_squeeze %dma_wait3A_199 : memref<1x128x64xf32, #tpu.memory_space<vmem>> -> memref<128x64xf32, #tpu.memory_space<vmem>>
    %dma_wait3A_201 = arith.constant 0 : i32
    %dma_wait3A_202 = tpu.memref_slice %arg8[%dma_wait3A_196, %dma_wait3A_201] : memref<42x128xi32, #tpu.memory_space<vmem>> -> memref<1x128xi32, #tpu.memory_space<vmem>>
    %dma_wait3A_203 = tpu.memref_squeeze %dma_wait3A_202 : memref<1x128xi32, #tpu.memory_space<vmem>> -> memref<128xi32, #tpu.memory_space<vmem>>
    %dma_wait3A_204 = arith.constant 0 : i32
    %dma_wait3A_205 = arith.constant 0 : i32
    %dma_wait3A_206 = tpu.memref_slice %arg6[%dma_wait3A_204, %dma_wait3A_205] : memref<172032x64xf32, #tpu.memory_space<hbm>> -> memref<172032x64xf32, #tpu.memory_space<hbm>>
    tpu.wait_indirect_dma semaphore(%arg22 : memref<!tpu.dma_semaphore, #tpu.memory_space<semaphore_mem>>) src(%dma_wait3A_200 : memref<128x64xf32, #tpu.memory_space<vmem>>) dst(%dma_wait3A_206 : memref<172032x64xf32, #tpu.memory_space<hbm>>)
    %dma_start3A_207 = arith.constant 10 : i32
    %dma_start3A_208 = arith.constant 0 : i32
    %dma_start3A_209 = arith.constant 0 : i32
    %dma_start3A_210 = arith.constant 0 : i32
    %dma_start3A_211 = tpu.memref_slice %arg10[%dma_start3A_208, %dma_start3A_209, %dma_start3A_210] : memref<4x128x64xf32, #tpu.memory_space<vmem>> -> memref<1x128x64xf32, #tpu.memory_space<vmem>>
    %dma_start3A_212 = tpu.memref_squeeze %dma_start3A_211 : memref<1x128x64xf32, #tpu.memory_space<vmem>> -> memref<128x64xf32, #tpu.memory_space<vmem>>
    %dma_start3A_213 = arith.constant 0 : i32
    %dma_start3A_214 = tpu.memref_slice %arg7[%dma_start3A_207, %dma_start3A_213] : memref<42x128xi32, #tpu.memory_space<vmem>> -> memref<1x128xi32, #tpu.memory_space<vmem>>
    %dma_start3A_215 = tpu.memref_squeeze %dma_start3A_214 : memref<1x128xi32, #tpu.memory_space<vmem>> -> memref<128xi32, #tpu.memory_space<vmem>>
    %dma_start3A_216 = arith.constant 0 : i32
    %dma_start3A_217 = arith.constant 0 : i32
    %dma_start3A_218 = tpu.memref_slice %arg11[%dma_start3A_216, %dma_start3A_217] : memref<3000x64xf32, #tpu.memory_space<vmem_shared>> -> memref<3000x64xf32, #tpu.memory_space<vmem_shared>>
    tpu.enqueue_indirect_dma source(%dma_start3A_218 : memref<3000x64xf32, #tpu.memory_space<vmem_shared>>) target(%dma_start3A_212 : memref<128x64xf32, #tpu.memory_space<vmem>>) offsets(%dma_start3A_215 : memref<128xi32, #tpu.memory_space<vmem>>) semaphore(%arg18 : memref<!tpu.dma_semaphore, #tpu.memory_space<semaphore_mem>>)
    %dma_wait3A_219 = arith.constant 9 : i32
    %dma_wait3A_220 = arith.constant 3 : i32
    %dma_wait3A_221 = arith.constant 0 : i32
    %dma_wait3A_222 = arith.constant 0 : i32
    %dma_wait3A_223 = tpu.memref_slice %arg10[%dma_wait3A_220, %dma_wait3A_221, %dma_wait3A_222] : memref<4x128x64xf32, #tpu.memory_space<vmem>> -> memref<1x128x64xf32, #tpu.memory_space<vmem>>
    %dma_wait3A_224 = tpu.memref_squeeze %dma_wait3A_223 : memref<1x128x64xf32, #tpu.memory_space<vmem>> -> memref<128x64xf32, #tpu.memory_space<vmem>>
    %dma_wait3A_225 = arith.constant 0 : i32
    %dma_wait3A_226 = tpu.memref_slice %arg7[%dma_wait3A_219, %dma_wait3A_225] : memref<42x128xi32, #tpu.memory_space<vmem>> -> memref<1x128xi32, #tpu.memory_space<vmem>>
    %dma_wait3A_227 = tpu.memref_squeeze %dma_wait3A_226 : memref<1x128xi32, #tpu.memory_space<vmem>> -> memref<128xi32, #tpu.memory_space<vmem>>
    %dma_wait3A_228 = arith.constant 0 : i32
    %dma_wait3A_229 = arith.constant 0 : i32
    %dma_wait3A_230 = tpu.memref_slice %arg11[%dma_wait3A_228, %dma_wait3A_229] : memref<3000x64xf32, #tpu.memory_space<vmem_shared>> -> memref<3000x64xf32, #tpu.memory_space<vmem_shared>>
    tpu.wait_indirect_dma semaphore(%arg21 : memref<!tpu.dma_semaphore, #tpu.memory_space<semaphore_mem>>) src(%dma_wait3A_230 : memref<3000x64xf32, #tpu.memory_space<vmem_shared>>) dst(%dma_wait3A_224 : memref<128x64xf32, #tpu.memory_space<vmem>>)
    %dma_start3A_231 = arith.constant 3 : i32
    %dma_start3A_232 = arith.constant 9 : i32
    %dma_start3A_233 = arith.constant 0 : i32
    %dma_start3A_234 = arith.constant 0 : i32
    %dma_start3A_235 = tpu.memref_slice %arg10[%dma_start3A_231, %dma_start3A_233, %dma_start3A_234] : memref<4x128x64xf32, #tpu.memory_space<vmem>> -> memref<1x128x64xf32, #tpu.memory_space<vmem>>
    %dma_start3A_236 = tpu.memref_squeeze %dma_start3A_235 : memref<1x128x64xf32, #tpu.memory_space<vmem>> -> memref<128x64xf32, #tpu.memory_space<vmem>>
    %dma_start3A_237 = arith.constant 0 : i32
    %dma_start3A_238 = tpu.memref_slice %arg8[%dma_start3A_232, %dma_start3A_237] : memref<42x128xi32, #tpu.memory_space<vmem>> -> memref<1x128xi32, #tpu.memory_space<vmem>>
    %dma_start3A_239 = tpu.memref_squeeze %dma_start3A_238 : memref<1x128xi32, #tpu.memory_space<vmem>> -> memref<128xi32, #tpu.memory_space<vmem>>
    %dma_start3A_240 = arith.constant 0 : i32
    %dma_start3A_241 = arith.constant 0 : i32
    %dma_start3A_242 = tpu.memref_slice %arg6[%dma_start3A_240, %dma_start3A_241] : memref<172032x64xf32, #tpu.memory_space<hbm>> -> memref<172032x64xf32, #tpu.memory_space<hbm>>
    tpu.enqueue_indirect_dma source(%dma_start3A_236 : memref<128x64xf32, #tpu.memory_space<vmem>>) target(%dma_start3A_242 : memref<172032x64xf32, #tpu.memory_space<hbm>>) offsets(%dma_start3A_239 : memref<128xi32, #tpu.memory_space<vmem>>) semaphore(%arg25 : memref<!tpu.dma_semaphore, #tpu.memory_space<semaphore_mem>>)
    %dma_wait3A_243 = arith.constant 1 : i32
    %dma_wait3A_244 = arith.constant 7 : i32
    %dma_wait3A_245 = arith.constant 0 : i32
    %dma_wait3A_246 = arith.constant 0 : i32
    %dma_wait3A_247 = tpu.memref_slice %arg10[%dma_wait3A_243, %dma_wait3A_245, %dma_wait3A_246] : memref<4x128x64xf32, #tpu.memory_space<vmem>> -> memref<1x128x64xf32, #tpu.memory_space<vmem>>
    %dma_wait3A_248 = tpu.memref_squeeze %dma_wait3A_247 : memref<1x128x64xf32, #tpu.memory_space<vmem>> -> memref<128x64xf32, #tpu.memory_space<vmem>>
    %dma_wait3A_249 = arith.constant 0 : i32
    %dma_wait3A_250 = tpu.memref_slice %arg8[%dma_wait3A_244, %dma_wait3A_249] : memref<42x128xi32, #tpu.memory_space<vmem>> -> memref<1x128xi32, #tpu.memory_space<vmem>>
    %dma_wait3A_251 = tpu.memref_squeeze %dma_wait3A_250 : memref<1x128xi32, #tpu.memory_space<vmem>> -> memref<128xi32, #tpu.memory_space<vmem>>
    %dma_wait3A_252 = arith.constant 0 : i32
    %dma_wait3A_253 = arith.constant 0 : i32
    %dma_wait3A_254 = tpu.memref_slice %arg6[%dma_wait3A_252, %dma_wait3A_253] : memref<172032x64xf32, #tpu.memory_space<hbm>> -> memref<172032x64xf32, #tpu.memory_space<hbm>>
    tpu.wait_indirect_dma semaphore(%arg23 : memref<!tpu.dma_semaphore, #tpu.memory_space<semaphore_mem>>) src(%dma_wait3A_248 : memref<128x64xf32, #tpu.memory_space<vmem>>) dst(%dma_wait3A_254 : memref<172032x64xf32, #tpu.memory_space<hbm>>)
    %dma_start3A_255 = arith.constant 11 : i32
    %dma_start3A_256 = arith.constant 1 : i32
    %dma_start3A_257 = arith.constant 0 : i32
    %dma_start3A_258 = arith.constant 0 : i32
    %dma_start3A_259 = tpu.memref_slice %arg10[%dma_start3A_256, %dma_start3A_257, %dma_start3A_258] : memref<4x128x64xf32, #tpu.memory_space<vmem>> -> memref<1x128x64xf32, #tpu.memory_space<vmem>>
    %dma_start3A_260 = tpu.memref_squeeze %dma_start3A_259 : memref<1x128x64xf32, #tpu.memory_space<vmem>> -> memref<128x64xf32, #tpu.memory_space<vmem>>
    %dma_start3A_261 = arith.constant 0 : i32
    %dma_start3A_262 = tpu.memref_slice %arg7[%dma_start3A_255, %dma_start3A_261] : memref<42x128xi32, #tpu.memory_space<vmem>> -> memref<1x128xi32, #tpu.memory_space<vmem>>
    %dma_start3A_263 = tpu.memref_squeeze %dma_start3A_262 : memref<1x128xi32, #tpu.memory_space<vmem>> -> memref<128xi32, #tpu.memory_space<vmem>>
    %dma_start3A_264 = arith.constant 0 : i32
    %dma_start3A_265 = arith.constant 0 : i32
    %dma_start3A_266 = tpu.memref_slice %arg11[%dma_start3A_264, %dma_start3A_265] : memref<3000x64xf32, #tpu.memory_space<vmem_shared>> -> memref<3000x64xf32, #tpu.memory_space<vmem_shared>>
    tpu.enqueue_indirect_dma source(%dma_start3A_266 : memref<3000x64xf32, #tpu.memory_space<vmem_shared>>) target(%dma_start3A_260 : memref<128x64xf32, #tpu.memory_space<vmem>>) offsets(%dma_start3A_263 : memref<128xi32, #tpu.memory_space<vmem>>) semaphore(%arg19 : memref<!tpu.dma_semaphore, #tpu.memory_space<semaphore_mem>>)
    %dma_wait3A_267 = arith.constant 10 : i32
    %dma_wait3A_268 = arith.constant 0 : i32
    %dma_wait3A_269 = arith.constant 0 : i32
    %dma_wait3A_270 = arith.constant 0 : i32
    %dma_wait3A_271 = tpu.memref_slice %arg10[%dma_wait3A_268, %dma_wait3A_269, %dma_wait3A_270] : memref<4x128x64xf32, #tpu.memory_space<vmem>> -> memref<1x128x64xf32, #tpu.memory_space<vmem>>
    %dma_wait3A_272 = tpu.memref_squeeze %dma_wait3A_271 : memref<1x128x64xf32, #tpu.memory_space<vmem>> -> memref<128x64xf32, #tpu.memory_space<vmem>>
    %dma_wait3A_273 = arith.constant 0 : i32
    %dma_wait3A_274 = tpu.memref_slice %arg7[%dma_wait3A_267, %dma_wait3A_273] : memref<42x128xi32, #tpu.memory_space<vmem>> -> memref<1x128xi32, #tpu.memory_space<vmem>>
    %dma_wait3A_275 = tpu.memref_squeeze %dma_wait3A_274 : memref<1x128xi32, #tpu.memory_space<vmem>> -> memref<128xi32, #tpu.memory_space<vmem>>
    %dma_wait3A_276 = arith.constant 0 : i32
    %dma_wait3A_277 = arith.constant 0 : i32
    %dma_wait3A_278 = tpu.memref_slice %arg11[%dma_wait3A_276, %dma_wait3A_277] : memref<3000x64xf32, #tpu.memory_space<vmem_shared>> -> memref<3000x64xf32, #tpu.memory_space<vmem_shared>>
    tpu.wait_indirect_dma semaphore(%arg18 : memref<!tpu.dma_semaphore, #tpu.memory_space<semaphore_mem>>) src(%dma_wait3A_278 : memref<3000x64xf32, #tpu.memory_space<vmem_shared>>) dst(%dma_wait3A_272 : memref<128x64xf32, #tpu.memory_space<vmem>>)
    %dma_start3A_279 = arith.constant 0 : i32
    %dma_start3A_280 = arith.constant 10 : i32
    %dma_start3A_281 = arith.constant 0 : i32
    %dma_start3A_282 = arith.constant 0 : i32
    %dma_start3A_283 = tpu.memref_slice %arg10[%dma_start3A_279, %dma_start3A_281, %dma_start3A_282] : memref<4x128x64xf32, #tpu.memory_space<vmem>> -> memref<1x128x64xf32, #tpu.memory_space<vmem>>
    %dma_start3A_284 = tpu.memref_squeeze %dma_start3A_283 : memref<1x128x64xf32, #tpu.memory_space<vmem>> -> memref<128x64xf32, #tpu.memory_space<vmem>>
    %dma_start3A_285 = arith.constant 0 : i32
    %dma_start3A_286 = tpu.memref_slice %arg8[%dma_start3A_280, %dma_start3A_285] : memref<42x128xi32, #tpu.memory_space<vmem>> -> memref<1x128xi32, #tpu.memory_space<vmem>>
    %dma_start3A_287 = tpu.memref_squeeze %dma_start3A_286 : memref<1x128xi32, #tpu.memory_space<vmem>> -> memref<128xi32, #tpu.memory_space<vmem>>
    %dma_start3A_288 = arith.constant 0 : i32
    %dma_start3A_289 = arith.constant 0 : i32
    %dma_start3A_290 = tpu.memref_slice %arg6[%dma_start3A_288, %dma_start3A_289] : memref<172032x64xf32, #tpu.memory_space<hbm>> -> memref<172032x64xf32, #tpu.memory_space<hbm>>
    tpu.enqueue_indirect_dma source(%dma_start3A_284 : memref<128x64xf32, #tpu.memory_space<vmem>>) target(%dma_start3A_290 : memref<172032x64xf32, #tpu.memory_space<hbm>>) offsets(%dma_start3A_287 : memref<128xi32, #tpu.memory_space<vmem>>) semaphore(%arg22 : memref<!tpu.dma_semaphore, #tpu.memory_space<semaphore_mem>>)
    %dma_wait3A_291 = arith.constant 2 : i32
    %dma_wait3A_292 = arith.constant 8 : i32
    %dma_wait3A_293 = arith.constant 0 : i32
    %dma_wait3A_294 = arith.constant 0 : i32
    %dma_wait3A_295 = tpu.memref_slice %arg10[%dma_wait3A_291, %dma_wait3A_293, %dma_wait3A_294] : memref<4x128x64xf32, #tpu.memory_space<vmem>> -> memref<1x128x64xf32, #tpu.memory_space<vmem>>
    %dma_wait3A_296 = tpu.memref_squeeze %dma_wait3A_295 : memref<1x128x64xf32, #tpu.memory_space<vmem>> -> memref<128x64xf32, #tpu.memory_space<vmem>>
    %dma_wait3A_297 = arith.constant 0 : i32
    %dma_wait3A_298 = tpu.memref_slice %arg8[%dma_wait3A_292, %dma_wait3A_297] : memref<42x128xi32, #tpu.memory_space<vmem>> -> memref<1x128xi32, #tpu.memory_space<vmem>>
    %dma_wait3A_299 = tpu.memref_squeeze %dma_wait3A_298 : memref<1x128xi32, #tpu.memory_space<vmem>> -> memref<128xi32, #tpu.memory_space<vmem>>
    %dma_wait3A_300 = arith.constant 0 : i32
    %dma_wait3A_301 = arith.constant 0 : i32
    %dma_wait3A_302 = tpu.memref_slice %arg6[%dma_wait3A_300, %dma_wait3A_301] : memref<172032x64xf32, #tpu.memory_space<hbm>> -> memref<172032x64xf32, #tpu.memory_space<hbm>>
    tpu.wait_indirect_dma semaphore(%arg24 : memref<!tpu.dma_semaphore, #tpu.memory_space<semaphore_mem>>) src(%dma_wait3A_296 : memref<128x64xf32, #tpu.memory_space<vmem>>) dst(%dma_wait3A_302 : memref<172032x64xf32, #tpu.memory_space<hbm>>)
    %dma_start3A_303 = arith.constant 12 : i32
    %dma_start3A_304 = arith.constant 2 : i32
    %dma_start3A_305 = arith.constant 0 : i32
    %dma_start3A_306 = arith.constant 0 : i32
    %dma_start3A_307 = tpu.memref_slice %arg10[%dma_start3A_304, %dma_start3A_305, %dma_start3A_306] : memref<4x128x64xf32, #tpu.memory_space<vmem>> -> memref<1x128x64xf32, #tpu.memory_space<vmem>>
    %dma_start3A_308 = tpu.memref_squeeze %dma_start3A_307 : memref<1x128x64xf32, #tpu.memory_space<vmem>> -> memref<128x64xf32, #tpu.memory_space<vmem>>
    %dma_start3A_309 = arith.constant 0 : i32
    %dma_start3A_310 = tpu.memref_slice %arg7[%dma_start3A_303, %dma_start3A_309] : memref<42x128xi32, #tpu.memory_space<vmem>> -> memref<1x128xi32, #tpu.memory_space<vmem>>
    %dma_start3A_311 = tpu.memref_squeeze %dma_start3A_310 : memref<1x128xi32, #tpu.memory_space<vmem>> -> memref<128xi32, #tpu.memory_space<vmem>>
    %dma_start3A_312 = arith.constant 0 : i32
    %dma_start3A_313 = arith.constant 0 : i32
    %dma_start3A_314 = tpu.memref_slice %arg11[%dma_start3A_312, %dma_start3A_313] : memref<3000x64xf32, #tpu.memory_space<vmem_shared>> -> memref<3000x64xf32, #tpu.memory_space<vmem_shared>>
    tpu.enqueue_indirect_dma source(%dma_start3A_314 : memref<3000x64xf32, #tpu.memory_space<vmem_shared>>) target(%dma_start3A_308 : memref<128x64xf32, #tpu.memory_space<vmem>>) offsets(%dma_start3A_311 : memref<128xi32, #tpu.memory_space<vmem>>) semaphore(%arg20 : memref<!tpu.dma_semaphore, #tpu.memory_space<semaphore_mem>>)
    %dma_wait3A_315 = arith.constant 11 : i32
    %dma_wait3A_316 = arith.constant 1 : i32
    %dma_wait3A_317 = arith.constant 0 : i32
    %dma_wait3A_318 = arith.constant 0 : i32
    %dma_wait3A_319 = tpu.memref_slice %arg10[%dma_wait3A_316, %dma_wait3A_317, %dma_wait3A_318] : memref<4x128x64xf32, #tpu.memory_space<vmem>> -> memref<1x128x64xf32, #tpu.memory_space<vmem>>
    %dma_wait3A_320 = tpu.memref_squeeze %dma_wait3A_319 : memref<1x128x64xf32, #tpu.memory_space<vmem>> -> memref<128x64xf32, #tpu.memory_space<vmem>>
    %dma_wait3A_321 = arith.constant 0 : i32
    %dma_wait3A_322 = tpu.memref_slice %arg7[%dma_wait3A_315, %dma_wait3A_321] : memref<42x128xi32, #tpu.memory_space<vmem>> -> memref<1x128xi32, #tpu.memory_space<vmem>>
    %dma_wait3A_323 = tpu.memref_squeeze %dma_wait3A_322 : memref<1x128xi32, #tpu.memory_space<vmem>> -> memref<128xi32, #tpu.memory_space<vmem>>
    %dma_wait3A_324 = arith.constant 0 : i32
    %dma_wait3A_325 = arith.constant 0 : i32
    %dma_wait3A_326 = tpu.memref_slice %arg11[%dma_wait3A_324, %dma_wait3A_325] : memref<3000x64xf32, #tpu.memory_space<vmem_shared>> -> memref<3000x64xf32, #tpu.memory_space<vmem_shared>>
    tpu.wait_indirect_dma semaphore(%arg19 : memref<!tpu.dma_semaphore, #tpu.memory_space<semaphore_mem>>) src(%dma_wait3A_326 : memref<3000x64xf32, #tpu.memory_space<vmem_shared>>) dst(%dma_wait3A_320 : memref<128x64xf32, #tpu.memory_space<vmem>>)
    %dma_start3A_327 = arith.constant 1 : i32
    %dma_start3A_328 = arith.constant 11 : i32
    %dma_start3A_329 = arith.constant 0 : i32
    %dma_start3A_330 = arith.constant 0 : i32
    %dma_start3A_331 = tpu.memref_slice %arg10[%dma_start3A_327, %dma_start3A_329, %dma_start3A_330] : memref<4x128x64xf32, #tpu.memory_space<vmem>> -> memref<1x128x64xf32, #tpu.memory_space<vmem>>
    %dma_start3A_332 = tpu.memref_squeeze %dma_start3A_331 : memref<1x128x64xf32, #tpu.memory_space<vmem>> -> memref<128x64xf32, #tpu.memory_space<vmem>>
    %dma_start3A_333 = arith.constant 0 : i32
    %dma_start3A_334 = tpu.memref_slice %arg8[%dma_start3A_328, %dma_start3A_333] : memref<42x128xi32, #tpu.memory_space<vmem>> -> memref<1x128xi32, #tpu.memory_space<vmem>>
    %dma_start3A_335 = tpu.memref_squeeze %dma_start3A_334 : memref<1x128xi32, #tpu.memory_space<vmem>> -> memref<128xi32, #tpu.memory_space<vmem>>
    %dma_start3A_336 = arith.constant 0 : i32
    %dma_start3A_337 = arith.constant 0 : i32
    %dma_start3A_338 = tpu.memref_slice %arg6[%dma_start3A_336, %dma_start3A_337] : memref<172032x64xf32, #tpu.memory_space<hbm>> -> memref<172032x64xf32, #tpu.memory_space<hbm>>
    tpu.enqueue_indirect_dma source(%dma_start3A_332 : memref<128x64xf32, #tpu.memory_space<vmem>>) target(%dma_start3A_338 : memref<172032x64xf32, #tpu.memory_space<hbm>>) offsets(%dma_start3A_335 : memref<128xi32, #tpu.memory_space<vmem>>) semaphore(%arg23 : memref<!tpu.dma_semaphore, #tpu.memory_space<semaphore_mem>>)
    %dma_wait3A_339 = arith.constant 3 : i32
    %dma_wait3A_340 = arith.constant 9 : i32
    %dma_wait3A_341 = arith.constant 0 : i32
    %dma_wait3A_342 = arith.constant 0 : i32
    %dma_wait3A_343 = tpu.memref_slice %arg10[%dma_wait3A_339, %dma_wait3A_341, %dma_wait3A_342] : memref<4x128x64xf32, #tpu.memory_space<vmem>> -> memref<1x128x64xf32, #tpu.memory_space<vmem>>
    %dma_wait3A_344 = tpu.memref_squeeze %dma_wait3A_343 : memref<1x128x64xf32, #tpu.memory_space<vmem>> -> memref<128x64xf32, #tpu.memory_space<vmem>>
    %dma_wait3A_345 = arith.constant 0 : i32
    %dma_wait3A_346 = tpu.memref_slice %arg8[%dma_wait3A_340, %dma_wait3A_345] : memref<42x128xi32, #tpu.memory_space<vmem>> -> memref<1x128xi32, #tpu.memory_space<vmem>>
    %dma_wait3A_347 = tpu.memref_squeeze %dma_wait3A_346 : memref<1x128xi32, #tpu.memory_space<vmem>> -> memref<128xi32, #tpu.memory_space<vmem>>
    %dma_wait3A_348 = arith.constant 0 : i32
    %dma_wait3A_349 = arith.constant 0 : i32
    %dma_wait3A_350 = tpu.memref_slice %arg6[%dma_wait3A_348, %dma_wait3A_349] : memref<172032x64xf32, #tpu.memory_space<hbm>> -> memref<172032x64xf32, #tpu.memory_space<hbm>>
    tpu.wait_indirect_dma semaphore(%arg25 : memref<!tpu.dma_semaphore, #tpu.memory_space<semaphore_mem>>) src(%dma_wait3A_344 : memref<128x64xf32, #tpu.memory_space<vmem>>) dst(%dma_wait3A_350 : memref<172032x64xf32, #tpu.memory_space<hbm>>)
    %dma_start3A_351 = arith.constant 13 : i32
    %dma_start3A_352 = arith.constant 3 : i32
    %dma_start3A_353 = arith.constant 0 : i32
    %dma_start3A_354 = arith.constant 0 : i32
    %dma_start3A_355 = tpu.memref_slice %arg10[%dma_start3A_352, %dma_start3A_353, %dma_start3A_354] : memref<4x128x64xf32, #tpu.memory_space<vmem>> -> memref<1x128x64xf32, #tpu.memory_space<vmem>>
    %dma_start3A_356 = tpu.memref_squeeze %dma_start3A_355 : memref<1x128x64xf32, #tpu.memory_space<vmem>> -> memref<128x64xf32, #tpu.memory_space<vmem>>
    %dma_start3A_357 = arith.constant 0 : i32
    %dma_start3A_358 = tpu.memref_slice %arg7[%dma_start3A_351, %dma_start3A_357] : memref<42x128xi32, #tpu.memory_space<vmem>> -> memref<1x128xi32, #tpu.memory_space<vmem>>
    %dma_start3A_359 = tpu.memref_squeeze %dma_start3A_358 : memref<1x128xi32, #tpu.memory_space<vmem>> -> memref<128xi32, #tpu.memory_space<vmem>>
    %dma_start3A_360 = arith.constant 0 : i32
    %dma_start3A_361 = arith.constant 0 : i32
    %dma_start3A_362 = tpu.memref_slice %arg11[%dma_start3A_360, %dma_start3A_361] : memref<3000x64xf32, #tpu.memory_space<vmem_shared>> -> memref<3000x64xf32, #tpu.memory_space<vmem_shared>>
    tpu.enqueue_indirect_dma source(%dma_start3A_362 : memref<3000x64xf32, #tpu.memory_space<vmem_shared>>) target(%dma_start3A_356 : memref<128x64xf32, #tpu.memory_space<vmem>>) offsets(%dma_start3A_359 : memref<128xi32, #tpu.memory_space<vmem>>) semaphore(%arg21 : memref<!tpu.dma_semaphore, #tpu.memory_space<semaphore_mem>>)
    %dma_wait3A_363 = arith.constant 12 : i32
    %dma_wait3A_364 = arith.constant 2 : i32
    %dma_wait3A_365 = arith.constant 0 : i32
    %dma_wait3A_366 = arith.constant 0 : i32
    %dma_wait3A_367 = tpu.memref_slice %arg10[%dma_wait3A_364, %dma_wait3A_365, %dma_wait3A_366] : memref<4x128x64xf32, #tpu.memory_space<vmem>> -> memref<1x128x64xf32, #tpu.memory_space<vmem>>
    %dma_wait3A_368 = tpu.memref_squeeze %dma_wait3A_367 : memref<1x128x64xf32, #tpu.memory_space<vmem>> -> memref<128x64xf32, #tpu.memory_space<vmem>>
    %dma_wait3A_369 = arith.constant 0 : i32
    %dma_wait3A_370 = tpu.memref_slice %arg7[%dma_wait3A_363, %dma_wait3A_369] : memref<42x128xi32, #tpu.memory_space<vmem>> -> memref<1x128xi32, #tpu.memory_space<vmem>>
    %dma_wait3A_371 = tpu.memref_squeeze %dma_wait3A_370 : memref<1x128xi32, #tpu.memory_space<vmem>> -> memref<128xi32, #tpu.memory_space<vmem>>
    %dma_wait3A_372 = arith.constant 0 : i32
    %dma_wait3A_373 = arith.constant 0 : i32
    %dma_wait3A_374 = tpu.memref_slice %arg11[%dma_wait3A_372, %dma_wait3A_373] : memref<3000x64xf32, #tpu.memory_space<vmem_shared>> -> memref<3000x64xf32, #tpu.memory_space<vmem_shared>>
    tpu.wait_indirect_dma semaphore(%arg20 : memref<!tpu.dma_semaphore, #tpu.memory_space<semaphore_mem>>) src(%dma_wait3A_374 : memref<3000x64xf32, #tpu.memory_space<vmem_shared>>) dst(%dma_wait3A_368 : memref<128x64xf32, #tpu.memory_space<vmem>>)
    %dma_start3A_375 = arith.constant 2 : i32
    %dma_start3A_376 = arith.constant 12 : i32
    %dma_start3A_377 = arith.constant 0 : i32
    %dma_start3A_378 = arith.constant 0 : i32
    %dma_start3A_379 = tpu.memref_slice %arg10[%dma_start3A_375, %dma_start3A_377, %dma_start3A_378] : memref<4x128x64xf32, #tpu.memory_space<vmem>> -> memref<1x128x64xf32, #tpu.memory_space<vmem>>
    %dma_start3A_380 = tpu.memref_squeeze %dma_start3A_379 : memref<1x128x64xf32, #tpu.memory_space<vmem>> -> memref<128x64xf32, #tpu.memory_space<vmem>>
    %dma_start3A_381 = arith.constant 0 : i32
    %dma_start3A_382 = tpu.memref_slice %arg8[%dma_start3A_376, %dma_start3A_381] : memref<42x128xi32, #tpu.memory_space<vmem>> -> memref<1x128xi32, #tpu.memory_space<vmem>>
    %dma_start3A_383 = tpu.memref_squeeze %dma_start3A_382 : memref<1x128xi32, #tpu.memory_space<vmem>> -> memref<128xi32, #tpu.memory_space<vmem>>
    %dma_start3A_384 = arith.constant 0 : i32
    %dma_start3A_385 = arith.constant 0 : i32
    %dma_start3A_386 = tpu.memref_slice %arg6[%dma_start3A_384, %dma_start3A_385] : memref<172032x64xf32, #tpu.memory_space<hbm>> -> memref<172032x64xf32, #tpu.memory_space<hbm>>
    tpu.enqueue_indirect_dma source(%dma_start3A_380 : memref<128x64xf32, #tpu.memory_space<vmem>>) target(%dma_start3A_386 : memref<172032x64xf32, #tpu.memory_space<hbm>>) offsets(%dma_start3A_383 : memref<128xi32, #tpu.memory_space<vmem>>) semaphore(%arg24 : memref<!tpu.dma_semaphore, #tpu.memory_space<semaphore_mem>>)
    %dma_wait3A_387 = arith.constant 0 : i32
    %dma_wait3A_388 = arith.constant 10 : i32
    %dma_wait3A_389 = arith.constant 0 : i32
    %dma_wait3A_390 = arith.constant 0 : i32
    %dma_wait3A_391 = tpu.memref_slice %arg10[%dma_wait3A_387, %dma_wait3A_389, %dma_wait3A_390] : memref<4x128x64xf32, #tpu.memory_space<vmem>> -> memref<1x128x64xf32, #tpu.memory_space<vmem>>
    %dma_wait3A_392 = tpu.memref_squeeze %dma_wait3A_391 : memref<1x128x64xf32, #tpu.memory_space<vmem>> -> memref<128x64xf32, #tpu.memory_space<vmem>>
    %dma_wait3A_393 = arith.constant 0 : i32
    %dma_wait3A_394 = tpu.memref_slice %arg8[%dma_wait3A_388, %dma_wait3A_393] : memref<42x128xi32, #tpu.memory_space<vmem>> -> memref<1x128xi32, #tpu.memory_space<vmem>>
    %dma_wait3A_395 = tpu.memref_squeeze %dma_wait3A_394 : memref<1x128xi32, #tpu.memory_space<vmem>> -> memref<128xi32, #tpu.memory_space<vmem>>
    %dma_wait3A_396 = arith.constant 0 : i32
    %dma_wait3A_397 = arith.constant 0 : i32
    %dma_wait3A_398 = tpu.memref_slice %arg6[%dma_wait3A_396, %dma_wait3A_397] : memref<172032x64xf32, #tpu.memory_space<hbm>> -> memref<172032x64xf32, #tpu.memory_space<hbm>>
    tpu.wait_indirect_dma semaphore(%arg22 : memref<!tpu.dma_semaphore, #tpu.memory_space<semaphore_mem>>) src(%dma_wait3A_392 : memref<128x64xf32, #tpu.memory_space<vmem>>) dst(%dma_wait3A_398 : memref<172032x64xf32, #tpu.memory_space<hbm>>)
    %dma_start3A_399 = arith.constant 14 : i32
    %dma_start3A_400 = arith.constant 0 : i32
    %dma_start3A_401 = arith.constant 0 : i32
    %dma_start3A_402 = arith.constant 0 : i32
    %dma_start3A_403 = tpu.memref_slice %arg10[%dma_start3A_400, %dma_start3A_401, %dma_start3A_402] : memref<4x128x64xf32, #tpu.memory_space<vmem>> -> memref<1x128x64xf32, #tpu.memory_space<vmem>>
    %dma_start3A_404 = tpu.memref_squeeze %dma_start3A_403 : memref<1x128x64xf32, #tpu.memory_space<vmem>> -> memref<128x64xf32, #tpu.memory_space<vmem>>
    %dma_start3A_405 = arith.constant 0 : i32
    %dma_start3A_406 = tpu.memref_slice %arg7[%dma_start3A_399, %dma_start3A_405] : memref<42x128xi32, #tpu.memory_space<vmem>> -> memref<1x128xi32, #tpu.memory_space<vmem>>
    %dma_start3A_407 = tpu.memref_squeeze %dma_start3A_406 : memref<1x128xi32, #tpu.memory_space<vmem>> -> memref<128xi32, #tpu.memory_space<vmem>>
    %dma_start3A_408 = arith.constant 0 : i32
    %dma_start3A_409 = arith.constant 0 : i32
    %dma_start3A_410 = tpu.memref_slice %arg11[%dma_start3A_408, %dma_start3A_409] : memref<3000x64xf32, #tpu.memory_space<vmem_shared>> -> memref<3000x64xf32, #tpu.memory_space<vmem_shared>>
    tpu.enqueue_indirect_dma source(%dma_start3A_410 : memref<3000x64xf32, #tpu.memory_space<vmem_shared>>) target(%dma_start3A_404 : memref<128x64xf32, #tpu.memory_space<vmem>>) offsets(%dma_start3A_407 : memref<128xi32, #tpu.memory_space<vmem>>) semaphore(%arg18 : memref<!tpu.dma_semaphore, #tpu.memory_space<semaphore_mem>>)
    %dma_wait3A_411 = arith.constant 13 : i32
    %dma_wait3A_412 = arith.constant 3 : i32
    %dma_wait3A_413 = arith.constant 0 : i32
    %dma_wait3A_414 = arith.constant 0 : i32
    %dma_wait3A_415 = tpu.memref_slice %arg10[%dma_wait3A_412, %dma_wait3A_413, %dma_wait3A_414] : memref<4x128x64xf32, #tpu.memory_space<vmem>> -> memref<1x128x64xf32, #tpu.memory_space<vmem>>
    %dma_wait3A_416 = tpu.memref_squeeze %dma_wait3A_415 : memref<1x128x64xf32, #tpu.memory_space<vmem>> -> memref<128x64xf32, #tpu.memory_space<vmem>>
    %dma_wait3A_417 = arith.constant 0 : i32
    %dma_wait3A_418 = tpu.memref_slice %arg7[%dma_wait3A_411, %dma_wait3A_417] : memref<42x128xi32, #tpu.memory_space<vmem>> -> memref<1x128xi32, #tpu.memory_space<vmem>>
    %dma_wait3A_419 = tpu.memref_squeeze %dma_wait3A_418 : memref<1x128xi32, #tpu.memory_space<vmem>> -> memref<128xi32, #tpu.memory_space<vmem>>
    %dma_wait3A_420 = arith.constant 0 : i32
    %dma_wait3A_421 = arith.constant 0 : i32
    %dma_wait3A_422 = tpu.memref_slice %arg11[%dma_wait3A_420, %dma_wait3A_421] : memref<3000x64xf32, #tpu.memory_space<vmem_shared>> -> memref<3000x64xf32, #tpu.memory_space<vmem_shared>>
    tpu.wait_indirect_dma semaphore(%arg21 : memref<!tpu.dma_semaphore, #tpu.memory_space<semaphore_mem>>) src(%dma_wait3A_422 : memref<3000x64xf32, #tpu.memory_space<vmem_shared>>) dst(%dma_wait3A_416 : memref<128x64xf32, #tpu.memory_space<vmem>>)
    %dma_start3A_423 = arith.constant 3 : i32
    %dma_start3A_424 = arith.constant 13 : i32
    %dma_start3A_425 = arith.constant 0 : i32
    %dma_start3A_426 = arith.constant 0 : i32
    %dma_start3A_427 = tpu.memref_slice %arg10[%dma_start3A_423, %dma_start3A_425, %dma_start3A_426] : memref<4x128x64xf32, #tpu.memory_space<vmem>> -> memref<1x128x64xf32, #tpu.memory_space<vmem>>
    %dma_start3A_428 = tpu.memref_squeeze %dma_start3A_427 : memref<1x128x64xf32, #tpu.memory_space<vmem>> -> memref<128x64xf32, #tpu.memory_space<vmem>>
    %dma_start3A_429 = arith.constant 0 : i32
    %dma_start3A_430 = tpu.memref_slice %arg8[%dma_start3A_424, %dma_start3A_429] : memref<42x128xi32, #tpu.memory_space<vmem>> -> memref<1x128xi32, #tpu.memory_space<vmem>>
    %dma_start3A_431 = tpu.memref_squeeze %dma_start3A_430 : memref<1x128xi32, #tpu.memory_space<vmem>> -> memref<128xi32, #tpu.memory_space<vmem>>
    %dma_start3A_432 = arith.constant 0 : i32
    %dma_start3A_433 = arith.constant 0 : i32
    %dma_start3A_434 = tpu.memref_slice %arg6[%dma_start3A_432, %dma_start3A_433] : memref<172032x64xf32, #tpu.memory_space<hbm>> -> memref<172032x64xf32, #tpu.memory_space<hbm>>
    tpu.enqueue_indirect_dma source(%dma_start3A_428 : memref<128x64xf32, #tpu.memory_space<vmem>>) target(%dma_start3A_434 : memref<172032x64xf32, #tpu.memory_space<hbm>>) offsets(%dma_start3A_431 : memref<128xi32, #tpu.memory_space<vmem>>) semaphore(%arg25 : memref<!tpu.dma_semaphore, #tpu.memory_space<semaphore_mem>>)
    %dma_wait3A_435 = arith.constant 1 : i32
    %dma_wait3A_436 = arith.constant 11 : i32
    %dma_wait3A_437 = arith.constant 0 : i32
    %dma_wait3A_438 = arith.constant 0 : i32
    %dma_wait3A_439 = tpu.memref_slice %arg10[%dma_wait3A_435, %dma_wait3A_437, %dma_wait3A_438] : memref<4x128x64xf32, #tpu.memory_space<vmem>> -> memref<1x128x64xf32, #tpu.memory_space<vmem>>
    %dma_wait3A_440 = tpu.memref_squeeze %dma_wait3A_439 : memref<1x128x64xf32, #tpu.memory_space<vmem>> -> memref<128x64xf32, #tpu.memory_space<vmem>>
    %dma_wait3A_441 = arith.constant 0 : i32
    %dma_wait3A_442 = tpu.memref_slice %arg8[%dma_wait3A_436, %dma_wait3A_441] : memref<42x128xi32, #tpu.memory_space<vmem>> -> memref<1x128xi32, #tpu.memory_space<vmem>>
    %dma_wait3A_443 = tpu.memref_squeeze %dma_wait3A_442 : memref<1x128xi32, #tpu.memory_space<vmem>> -> memref<128xi32, #tpu.memory_space<vmem>>
    %dma_wait3A_444 = arith.constant 0 : i32
    %dma_wait3A_445 = arith.constant 0 : i32
    %dma_wait3A_446 = tpu.memref_slice %arg6[%dma_wait3A_444, %dma_wait3A_445] : memref<172032x64xf32, #tpu.memory_space<hbm>> -> memref<172032x64xf32, #tpu.memory_space<hbm>>
    tpu.wait_indirect_dma semaphore(%arg23 : memref<!tpu.dma_semaphore, #tpu.memory_space<semaphore_mem>>) src(%dma_wait3A_440 : memref<128x64xf32, #tpu.memory_space<vmem>>) dst(%dma_wait3A_446 : memref<172032x64xf32, #tpu.memory_space<hbm>>)
    %dma_start3A_447 = arith.constant 15 : i32
    %dma_start3A_448 = arith.constant 1 : i32
    %dma_start3A_449 = arith.constant 0 : i32
    %dma_start3A_450 = arith.constant 0 : i32
    %dma_start3A_451 = tpu.memref_slice %arg10[%dma_start3A_448, %dma_start3A_449, %dma_start3A_450] : memref<4x128x64xf32, #tpu.memory_space<vmem>> -> memref<1x128x64xf32, #tpu.memory_space<vmem>>
    %dma_start3A_452 = tpu.memref_squeeze %dma_start3A_451 : memref<1x128x64xf32, #tpu.memory_space<vmem>> -> memref<128x64xf32, #tpu.memory_space<vmem>>
    %dma_start3A_453 = arith.constant 0 : i32
    %dma_start3A_454 = tpu.memref_slice %arg7[%dma_start3A_447, %dma_start3A_453] : memref<42x128xi32, #tpu.memory_space<vmem>> -> memref<1x128xi32, #tpu.memory_space<vmem>>
    %dma_start3A_455 = tpu.memref_squeeze %dma_start3A_454 : memref<1x128xi32, #tpu.memory_space<vmem>> -> memref<128xi32, #tpu.memory_space<vmem>>
    %dma_start3A_456 = arith.constant 0 : i32
    %dma_start3A_457 = arith.constant 0 : i32
    %dma_start3A_458 = tpu.memref_slice %arg11[%dma_start3A_456, %dma_start3A_457] : memref<3000x64xf32, #tpu.memory_space<vmem_shared>> -> memref<3000x64xf32, #tpu.memory_space<vmem_shared>>
    tpu.enqueue_indirect_dma source(%dma_start3A_458 : memref<3000x64xf32, #tpu.memory_space<vmem_shared>>) target(%dma_start3A_452 : memref<128x64xf32, #tpu.memory_space<vmem>>) offsets(%dma_start3A_455 : memref<128xi32, #tpu.memory_space<vmem>>) semaphore(%arg19 : memref<!tpu.dma_semaphore, #tpu.memory_space<semaphore_mem>>)
    %dma_wait3A_459 = arith.constant 14 : i32
    %dma_wait3A_460 = arith.constant 0 : i32
    %dma_wait3A_461 = arith.constant 0 : i32
    %dma_wait3A_462 = arith.constant 0 : i32
    %dma_wait3A_463 = tpu.memref_slice %arg10[%dma_wait3A_460, %dma_wait3A_461, %dma_wait3A_462] : memref<4x128x64xf32, #tpu.memory_space<vmem>> -> memref<1x128x64xf32, #tpu.memory_space<vmem>>
    %dma_wait3A_464 = tpu.memref_squeeze %dma_wait3A_463 : memref<1x128x64xf32, #tpu.memory_space<vmem>> -> memref<128x64xf32, #tpu.memory_space<vmem>>
    %dma_wait3A_465 = arith.constant 0 : i32
    %dma_wait3A_466 = tpu.memref_slice %arg7[%dma_wait3A_459, %dma_wait3A_465] : memref<42x128xi32, #tpu.memory_space<vmem>> -> memref<1x128xi32, #tpu.memory_space<vmem>>
    %dma_wait3A_467 = tpu.memref_squeeze %dma_wait3A_466 : memref<1x128xi32, #tpu.memory_space<vmem>> -> memref<128xi32, #tpu.memory_space<vmem>>
    %dma_wait3A_468 = arith.constant 0 : i32
    %dma_wait3A_469 = arith.constant 0 : i32
    %dma_wait3A_470 = tpu.memref_slice %arg11[%dma_wait3A_468, %dma_wait3A_469] : memref<3000x64xf32, #tpu.memory_space<vmem_shared>> -> memref<3000x64xf32, #tpu.memory_space<vmem_shared>>
    tpu.wait_indirect_dma semaphore(%arg18 : memref<!tpu.dma_semaphore, #tpu.memory_space<semaphore_mem>>) src(%dma_wait3A_470 : memref<3000x64xf32, #tpu.memory_space<vmem_shared>>) dst(%dma_wait3A_464 : memref<128x64xf32, #tpu.memory_space<vmem>>)
    %dma_start3A_471 = arith.constant 0 : i32
    %dma_start3A_472 = arith.constant 14 : i32
    %dma_start3A_473 = arith.constant 0 : i32
    %dma_start3A_474 = arith.constant 0 : i32
    %dma_start3A_475 = tpu.memref_slice %arg10[%dma_start3A_471, %dma_start3A_473, %dma_start3A_474] : memref<4x128x64xf32, #tpu.memory_space<vmem>> -> memref<1x128x64xf32, #tpu.memory_space<vmem>>
    %dma_start3A_476 = tpu.memref_squeeze %dma_start3A_475 : memref<1x128x64xf32, #tpu.memory_space<vmem>> -> memref<128x64xf32, #tpu.memory_space<vmem>>
    %dma_start3A_477 = arith.constant 0 : i32
    %dma_start3A_478 = tpu.memref_slice %arg8[%dma_start3A_472, %dma_start3A_477] : memref<42x128xi32, #tpu.memory_space<vmem>> -> memref<1x128xi32, #tpu.memory_space<vmem>>
    %dma_start3A_479 = tpu.memref_squeeze %dma_start3A_478 : memref<1x128xi32, #tpu.memory_space<vmem>> -> memref<128xi32, #tpu.memory_space<vmem>>
    %dma_start3A_480 = arith.constant 0 : i32
    %dma_start3A_481 = arith.constant 0 : i32
    %dma_start3A_482 = tpu.memref_slice %arg6[%dma_start3A_480, %dma_start3A_481] : memref<172032x64xf32, #tpu.memory_space<hbm>> -> memref<172032x64xf32, #tpu.memory_space<hbm>>
    tpu.enqueue_indirect_dma source(%dma_start3A_476 : memref<128x64xf32, #tpu.memory_space<vmem>>) target(%dma_start3A_482 : memref<172032x64xf32, #tpu.memory_space<hbm>>) offsets(%dma_start3A_479 : memref<128xi32, #tpu.memory_space<vmem>>) semaphore(%arg22 : memref<!tpu.dma_semaphore, #tpu.memory_space<semaphore_mem>>)
    %dma_wait3A_483 = arith.constant 2 : i32
    %dma_wait3A_484 = arith.constant 12 : i32
    %dma_wait3A_485 = arith.constant 0 : i32
    %dma_wait3A_486 = arith.constant 0 : i32
    %dma_wait3A_487 = tpu.memref_slice %arg10[%dma_wait3A_483, %dma_wait3A_485, %dma_wait3A_486] : memref<4x128x64xf32, #tpu.memory_space<vmem>> -> memref<1x128x64xf32, #tpu.memory_space<vmem>>
    %dma_wait3A_488 = tpu.memref_squeeze %dma_wait3A_487 : memref<1x128x64xf32, #tpu.memory_space<vmem>> -> memref<128x64xf32, #tpu.memory_space<vmem>>
    %dma_wait3A_489 = arith.constant 0 : i32
    %dma_wait3A_490 = tpu.memref_slice %arg8[%dma_wait3A_484, %dma_wait3A_489] : memref<42x128xi32, #tpu.memory_space<vmem>> -> memref<1x128xi32, #tpu.memory_space<vmem>>
    %dma_wait3A_491 = tpu.memref_squeeze %dma_wait3A_490 : memref<1x128xi32, #tpu.memory_space<vmem>> -> memref<128xi32, #tpu.memory_space<vmem>>
    %dma_wait3A_492 = arith.constant 0 : i32
    %dma_wait3A_493 = arith.constant 0 : i32
    %dma_wait3A_494 = tpu.memref_slice %arg6[%dma_wait3A_492, %dma_wait3A_493] : memref<172032x64xf32, #tpu.memory_space<hbm>> -> memref<172032x64xf32, #tpu.memory_space<hbm>>
    tpu.wait_indirect_dma semaphore(%arg24 : memref<!tpu.dma_semaphore, #tpu.memory_space<semaphore_mem>>) src(%dma_wait3A_488 : memref<128x64xf32, #tpu.memory_space<vmem>>) dst(%dma_wait3A_494 : memref<172032x64xf32, #tpu.memory_space<hbm>>)
    %dma_start3A_495 = arith.constant 16 : i32
    %dma_start3A_496 = arith.constant 2 : i32
    %dma_start3A_497 = arith.constant 0 : i32
    %dma_start3A_498 = arith.constant 0 : i32
    %dma_start3A_499 = tpu.memref_slice %arg10[%dma_start3A_496, %dma_start3A_497, %dma_start3A_498] : memref<4x128x64xf32, #tpu.memory_space<vmem>> -> memref<1x128x64xf32, #tpu.memory_space<vmem>>
    %dma_start3A_500 = tpu.memref_squeeze %dma_start3A_499 : memref<1x128x64xf32, #tpu.memory_space<vmem>> -> memref<128x64xf32, #tpu.memory_space<vmem>>
    %dma_start3A_501 = arith.constant 0 : i32
    %dma_start3A_502 = tpu.memref_slice %arg7[%dma_start3A_495, %dma_start3A_501] : memref<42x128xi32, #tpu.memory_space<vmem>> -> memref<1x128xi32, #tpu.memory_space<vmem>>
    %dma_start3A_503 = tpu.memref_squeeze %dma_start3A_502 : memref<1x128xi32, #tpu.memory_space<vmem>> -> memref<128xi32, #tpu.memory_space<vmem>>
    %dma_start3A_504 = arith.constant 0 : i32
    %dma_start3A_505 = arith.constant 0 : i32
    %dma_start3A_506 = tpu.memref_slice %arg11[%dma_start3A_504, %dma_start3A_505] : memref<3000x64xf32, #tpu.memory_space<vmem_shared>> -> memref<3000x64xf32, #tpu.memory_space<vmem_shared>>
    tpu.enqueue_indirect_dma source(%dma_start3A_506 : memref<3000x64xf32, #tpu.memory_space<vmem_shared>>) target(%dma_start3A_500 : memref<128x64xf32, #tpu.memory_space<vmem>>) offsets(%dma_start3A_503 : memref<128xi32, #tpu.memory_space<vmem>>) semaphore(%arg20 : memref<!tpu.dma_semaphore, #tpu.memory_space<semaphore_mem>>)
    %dma_wait3A_507 = arith.constant 15 : i32
    %dma_wait3A_508 = arith.constant 1 : i32
    %dma_wait3A_509 = arith.constant 0 : i32
    %dma_wait3A_510 = arith.constant 0 : i32
    %dma_wait3A_511 = tpu.memref_slice %arg10[%dma_wait3A_508, %dma_wait3A_509, %dma_wait3A_510] : memref<4x128x64xf32, #tpu.memory_space<vmem>> -> memref<1x128x64xf32, #tpu.memory_space<vmem>>
    %dma_wait3A_512 = tpu.memref_squeeze %dma_wait3A_511 : memref<1x128x64xf32, #tpu.memory_space<vmem>> -> memref<128x64xf32, #tpu.memory_space<vmem>>
    %dma_wait3A_513 = arith.constant 0 : i32
    %dma_wait3A_514 = tpu.memref_slice %arg7[%dma_wait3A_507, %dma_wait3A_513] : memref<42x128xi32, #tpu.memory_space<vmem>> -> memref<1x128xi32, #tpu.memory_space<vmem>>
    %dma_wait3A_515 = tpu.memref_squeeze %dma_wait3A_514 : memref<1x128xi32, #tpu.memory_space<vmem>> -> memref<128xi32, #tpu.memory_space<vmem>>
    %dma_wait3A_516 = arith.constant 0 : i32
    %dma_wait3A_517 = arith.constant 0 : i32
    %dma_wait3A_518 = tpu.memref_slice %arg11[%dma_wait3A_516, %dma_wait3A_517] : memref<3000x64xf32, #tpu.memory_space<vmem_shared>> -> memref<3000x64xf32, #tpu.memory_space<vmem_shared>>
    tpu.wait_indirect_dma semaphore(%arg19 : memref<!tpu.dma_semaphore, #tpu.memory_space<semaphore_mem>>) src(%dma_wait3A_518 : memref<3000x64xf32, #tpu.memory_space<vmem_shared>>) dst(%dma_wait3A_512 : memref<128x64xf32, #tpu.memory_space<vmem>>)
    %dma_start3A_519 = arith.constant 1 : i32
    %dma_start3A_520 = arith.constant 15 : i32
    %dma_start3A_521 = arith.constant 0 : i32
    %dma_start3A_522 = arith.constant 0 : i32
    %dma_start3A_523 = tpu.memref_slice %arg10[%dma_start3A_519, %dma_start3A_521, %dma_start3A_522] : memref<4x128x64xf32, #tpu.memory_space<vmem>> -> memref<1x128x64xf32, #tpu.memory_space<vmem>>
    %dma_start3A_524 = tpu.memref_squeeze %dma_start3A_523 : memref<1x128x64xf32, #tpu.memory_space<vmem>> -> memref<128x64xf32, #tpu.memory_space<vmem>>
    %dma_start3A_525 = arith.constant 0 : i32
    %dma_start3A_526 = tpu.memref_slice %arg8[%dma_start3A_520, %dma_start3A_525] : memref<42x128xi32, #tpu.memory_space<vmem>> -> memref<1x128xi32, #tpu.memory_space<vmem>>
    %dma_start3A_527 = tpu.memref_squeeze %dma_start3A_526 : memref<1x128xi32, #tpu.memory_space<vmem>> -> memref<128xi32, #tpu.memory_space<vmem>>
    %dma_start3A_528 = arith.constant 0 : i32
    %dma_start3A_529 = arith.constant 0 : i32
    %dma_start3A_530 = tpu.memref_slice %arg6[%dma_start3A_528, %dma_start3A_529] : memref<172032x64xf32, #tpu.memory_space<hbm>> -> memref<172032x64xf32, #tpu.memory_space<hbm>>
    tpu.enqueue_indirect_dma source(%dma_start3A_524 : memref<128x64xf32, #tpu.memory_space<vmem>>) target(%dma_start3A_530 : memref<172032x64xf32, #tpu.memory_space<hbm>>) offsets(%dma_start3A_527 : memref<128xi32, #tpu.memory_space<vmem>>) semaphore(%arg23 : memref<!tpu.dma_semaphore, #tpu.memory_space<semaphore_mem>>)
    %dma_wait3A_531 = arith.constant 3 : i32
    %dma_wait3A_532 = arith.constant 13 : i32
    %dma_wait3A_533 = arith.constant 0 : i32
    %dma_wait3A_534 = arith.constant 0 : i32
    %dma_wait3A_535 = tpu.memref_slice %arg10[%dma_wait3A_531, %dma_wait3A_533, %dma_wait3A_534] : memref<4x128x64xf32, #tpu.memory_space<vmem>> -> memref<1x128x64xf32, #tpu.memory_space<vmem>>
    %dma_wait3A_536 = tpu.memref_squeeze %dma_wait3A_535 : memref<1x128x64xf32, #tpu.memory_space<vmem>> -> memref<128x64xf32, #tpu.memory_space<vmem>>
    %dma_wait3A_537 = arith.constant 0 : i32
    %dma_wait3A_538 = tpu.memref_slice %arg8[%dma_wait3A_532, %dma_wait3A_537] : memref<42x128xi32, #tpu.memory_space<vmem>> -> memref<1x128xi32, #tpu.memory_space<vmem>>
    %dma_wait3A_539 = tpu.memref_squeeze %dma_wait3A_538 : memref<1x128xi32, #tpu.memory_space<vmem>> -> memref<128xi32, #tpu.memory_space<vmem>>
    %dma_wait3A_540 = arith.constant 0 : i32
    %dma_wait3A_541 = arith.constant 0 : i32
    %dma_wait3A_542 = tpu.memref_slice %arg6[%dma_wait3A_540, %dma_wait3A_541] : memref<172032x64xf32, #tpu.memory_space<hbm>> -> memref<172032x64xf32, #tpu.memory_space<hbm>>
    tpu.wait_indirect_dma semaphore(%arg25 : memref<!tpu.dma_semaphore, #tpu.memory_space<semaphore_mem>>) src(%dma_wait3A_536 : memref<128x64xf32, #tpu.memory_space<vmem>>) dst(%dma_wait3A_542 : memref<172032x64xf32, #tpu.memory_space<hbm>>)
    %dma_start3A_543 = arith.constant 17 : i32
    %dma_start3A_544 = arith.constant 3 : i32
    %dma_start3A_545 = arith.constant 0 : i32
    %dma_start3A_546 = arith.constant 0 : i32
    %dma_start3A_547 = tpu.memref_slice %arg10[%dma_start3A_544, %dma_start3A_545, %dma_start3A_546] : memref<4x128x64xf32, #tpu.memory_space<vmem>> -> memref<1x128x64xf32, #tpu.memory_space<vmem>>
    %dma_start3A_548 = tpu.memref_squeeze %dma_start3A_547 : memref<1x128x64xf32, #tpu.memory_space<vmem>> -> memref<128x64xf32, #tpu.memory_space<vmem>>
    %dma_start3A_549 = arith.constant 0 : i32
    %dma_start3A_550 = tpu.memref_slice %arg7[%dma_start3A_543, %dma_start3A_549] : memref<42x128xi32, #tpu.memory_space<vmem>> -> memref<1x128xi32, #tpu.memory_space<vmem>>
    %dma_start3A_551 = tpu.memref_squeeze %dma_start3A_550 : memref<1x128xi32, #tpu.memory_space<vmem>> -> memref<128xi32, #tpu.memory_space<vmem>>
    %dma_start3A_552 = arith.constant 0 : i32
    %dma_start3A_553 = arith.constant 0 : i32
    %dma_start3A_554 = tpu.memref_slice %arg11[%dma_start3A_552, %dma_start3A_553] : memref<3000x64xf32, #tpu.memory_space<vmem_shared>> -> memref<3000x64xf32, #tpu.memory_space<vmem_shared>>
    tpu.enqueue_indirect_dma source(%dma_start3A_554 : memref<3000x64xf32, #tpu.memory_space<vmem_shared>>) target(%dma_start3A_548 : memref<128x64xf32, #tpu.memory_space<vmem>>) offsets(%dma_start3A_551 : memref<128xi32, #tpu.memory_space<vmem>>) semaphore(%arg21 : memref<!tpu.dma_semaphore, #tpu.memory_space<semaphore_mem>>)
    %dma_wait3A_555 = arith.constant 16 : i32
    %dma_wait3A_556 = arith.constant 2 : i32
    %dma_wait3A_557 = arith.constant 0 : i32
    %dma_wait3A_558 = arith.constant 0 : i32
    %dma_wait3A_559 = tpu.memref_slice %arg10[%dma_wait3A_556, %dma_wait3A_557, %dma_wait3A_558] : memref<4x128x64xf32, #tpu.memory_space<vmem>> -> memref<1x128x64xf32, #tpu.memory_space<vmem>>
    %dma_wait3A_560 = tpu.memref_squeeze %dma_wait3A_559 : memref<1x128x64xf32, #tpu.memory_space<vmem>> -> memref<128x64xf32, #tpu.memory_space<vmem>>
    %dma_wait3A_561 = arith.constant 0 : i32
    %dma_wait3A_562 = tpu.memref_slice %arg7[%dma_wait3A_555, %dma_wait3A_561] : memref<42x128xi32, #tpu.memory_space<vmem>> -> memref<1x128xi32, #tpu.memory_space<vmem>>
    %dma_wait3A_563 = tpu.memref_squeeze %dma_wait3A_562 : memref<1x128xi32, #tpu.memory_space<vmem>> -> memref<128xi32, #tpu.memory_space<vmem>>
    %dma_wait3A_564 = arith.constant 0 : i32
    %dma_wait3A_565 = arith.constant 0 : i32
    %dma_wait3A_566 = tpu.memref_slice %arg11[%dma_wait3A_564, %dma_wait3A_565] : memref<3000x64xf32, #tpu.memory_space<vmem_shared>> -> memref<3000x64xf32, #tpu.memory_space<vmem_shared>>
    tpu.wait_indirect_dma semaphore(%arg20 : memref<!tpu.dma_semaphore, #tpu.memory_space<semaphore_mem>>) src(%dma_wait3A_566 : memref<3000x64xf32, #tpu.memory_space<vmem_shared>>) dst(%dma_wait3A_560 : memref<128x64xf32, #tpu.memory_space<vmem>>)
    %dma_start3A_567 = arith.constant 2 : i32
    %dma_start3A_568 = arith.constant 16 : i32
    %dma_start3A_569 = arith.constant 0 : i32
    %dma_start3A_570 = arith.constant 0 : i32
    %dma_start3A_571 = tpu.memref_slice %arg10[%dma_start3A_567, %dma_start3A_569, %dma_start3A_570] : memref<4x128x64xf32, #tpu.memory_space<vmem>> -> memref<1x128x64xf32, #tpu.memory_space<vmem>>
    %dma_start3A_572 = tpu.memref_squeeze %dma_start3A_571 : memref<1x128x64xf32, #tpu.memory_space<vmem>> -> memref<128x64xf32, #tpu.memory_space<vmem>>
    %dma_start3A_573 = arith.constant 0 : i32
    %dma_start3A_574 = tpu.memref_slice %arg8[%dma_start3A_568, %dma_start3A_573] : memref<42x128xi32, #tpu.memory_space<vmem>> -> memref<1x128xi32, #tpu.memory_space<vmem>>
    %dma_start3A_575 = tpu.memref_squeeze %dma_start3A_574 : memref<1x128xi32, #tpu.memory_space<vmem>> -> memref<128xi32, #tpu.memory_space<vmem>>
    %dma_start3A_576 = arith.constant 0 : i32
    %dma_start3A_577 = arith.constant 0 : i32
    %dma_start3A_578 = tpu.memref_slice %arg6[%dma_start3A_576, %dma_start3A_577] : memref<172032x64xf32, #tpu.memory_space<hbm>> -> memref<172032x64xf32, #tpu.memory_space<hbm>>
    tpu.enqueue_indirect_dma source(%dma_start3A_572 : memref<128x64xf32, #tpu.memory_space<vmem>>) target(%dma_start3A_578 : memref<172032x64xf32, #tpu.memory_space<hbm>>) offsets(%dma_start3A_575 : memref<128xi32, #tpu.memory_space<vmem>>) semaphore(%arg24 : memref<!tpu.dma_semaphore, #tpu.memory_space<semaphore_mem>>)
    %dma_wait3A_579 = arith.constant 0 : i32
    %dma_wait3A_580 = arith.constant 14 : i32
    %dma_wait3A_581 = arith.constant 0 : i32
    %dma_wait3A_582 = arith.constant 0 : i32
    %dma_wait3A_583 = tpu.memref_slice %arg10[%dma_wait3A_579, %dma_wait3A_581, %dma_wait3A_582] : memref<4x128x64xf32, #tpu.memory_space<vmem>> -> memref<1x128x64xf32, #tpu.memory_space<vmem>>
    %dma_wait3A_584 = tpu.memref_squeeze %dma_wait3A_583 : memref<1x128x64xf32, #tpu.memory_space<vmem>> -> memref<128x64xf32, #tpu.memory_space<vmem>>
    %dma_wait3A_585 = arith.constant 0 : i32
    %dma_wait3A_586 = tpu.memref_slice %arg8[%dma_wait3A_580, %dma_wait3A_585] : memref<42x128xi32, #tpu.memory_space<vmem>> -> memref<1x128xi32, #tpu.memory_space<vmem>>
    %dma_wait3A_587 = tpu.memref_squeeze %dma_wait3A_586 : memref<1x128xi32, #tpu.memory_space<vmem>> -> memref<128xi32, #tpu.memory_space<vmem>>
    %dma_wait3A_588 = arith.constant 0 : i32
    %dma_wait3A_589 = arith.constant 0 : i32
    %dma_wait3A_590 = tpu.memref_slice %arg6[%dma_wait3A_588, %dma_wait3A_589] : memref<172032x64xf32, #tpu.memory_space<hbm>> -> memref<172032x64xf32, #tpu.memory_space<hbm>>
    tpu.wait_indirect_dma semaphore(%arg22 : memref<!tpu.dma_semaphore, #tpu.memory_space<semaphore_mem>>) src(%dma_wait3A_584 : memref<128x64xf32, #tpu.memory_space<vmem>>) dst(%dma_wait3A_590 : memref<172032x64xf32, #tpu.memory_space<hbm>>)
    %dma_start3A_591 = arith.constant 18 : i32
    %dma_start3A_592 = arith.constant 0 : i32
    %dma_start3A_593 = arith.constant 0 : i32
    %dma_start3A_594 = arith.constant 0 : i32
    %dma_start3A_595 = tpu.memref_slice %arg10[%dma_start3A_592, %dma_start3A_593, %dma_start3A_594] : memref<4x128x64xf32, #tpu.memory_space<vmem>> -> memref<1x128x64xf32, #tpu.memory_space<vmem>>
    %dma_start3A_596 = tpu.memref_squeeze %dma_start3A_595 : memref<1x128x64xf32, #tpu.memory_space<vmem>> -> memref<128x64xf32, #tpu.memory_space<vmem>>
    %dma_start3A_597 = arith.constant 0 : i32
    %dma_start3A_598 = tpu.memref_slice %arg7[%dma_start3A_591, %dma_start3A_597] : memref<42x128xi32, #tpu.memory_space<vmem>> -> memref<1x128xi32, #tpu.memory_space<vmem>>
    %dma_start3A_599 = tpu.memref_squeeze %dma_start3A_598 : memref<1x128xi32, #tpu.memory_space<vmem>> -> memref<128xi32, #tpu.memory_space<vmem>>
    %dma_start3A_600 = arith.constant 0 : i32
    %dma_start3A_601 = arith.constant 0 : i32
    %dma_start3A_602 = tpu.memref_slice %arg11[%dma_start3A_600, %dma_start3A_601] : memref<3000x64xf32, #tpu.memory_space<vmem_shared>> -> memref<3000x64xf32, #tpu.memory_space<vmem_shared>>
    tpu.enqueue_indirect_dma source(%dma_start3A_602 : memref<3000x64xf32, #tpu.memory_space<vmem_shared>>) target(%dma_start3A_596 : memref<128x64xf32, #tpu.memory_space<vmem>>) offsets(%dma_start3A_599 : memref<128xi32, #tpu.memory_space<vmem>>) semaphore(%arg18 : memref<!tpu.dma_semaphore, #tpu.memory_space<semaphore_mem>>)
    %dma_wait3A_603 = arith.constant 17 : i32
    %dma_wait3A_604 = arith.constant 3 : i32
    %dma_wait3A_605 = arith.constant 0 : i32
    %dma_wait3A_606 = arith.constant 0 : i32
    %dma_wait3A_607 = tpu.memref_slice %arg10[%dma_wait3A_604, %dma_wait3A_605, %dma_wait3A_606] : memref<4x128x64xf32, #tpu.memory_space<vmem>> -> memref<1x128x64xf32, #tpu.memory_space<vmem>>
    %dma_wait3A_608 = tpu.memref_squeeze %dma_wait3A_607 : memref<1x128x64xf32, #tpu.memory_space<vmem>> -> memref<128x64xf32, #tpu.memory_space<vmem>>
    %dma_wait3A_609 = arith.constant 0 : i32
    %dma_wait3A_610 = tpu.memref_slice %arg7[%dma_wait3A_603, %dma_wait3A_609] : memref<42x128xi32, #tpu.memory_space<vmem>> -> memref<1x128xi32, #tpu.memory_space<vmem>>
    %dma_wait3A_611 = tpu.memref_squeeze %dma_wait3A_610 : memref<1x128xi32, #tpu.memory_space<vmem>> -> memref<128xi32, #tpu.memory_space<vmem>>
    %dma_wait3A_612 = arith.constant 0 : i32
    %dma_wait3A_613 = arith.constant 0 : i32
    %dma_wait3A_614 = tpu.memref_slice %arg11[%dma_wait3A_612, %dma_wait3A_613] : memref<3000x64xf32, #tpu.memory_space<vmem_shared>> -> memref<3000x64xf32, #tpu.memory_space<vmem_shared>>
    tpu.wait_indirect_dma semaphore(%arg21 : memref<!tpu.dma_semaphore, #tpu.memory_space<semaphore_mem>>) src(%dma_wait3A_614 : memref<3000x64xf32, #tpu.memory_space<vmem_shared>>) dst(%dma_wait3A_608 : memref<128x64xf32, #tpu.memory_space<vmem>>)
    %dma_start3A_615 = arith.constant 3 : i32
    %dma_start3A_616 = arith.constant 17 : i32
    %dma_start3A_617 = arith.constant 0 : i32
    %dma_start3A_618 = arith.constant 0 : i32
    %dma_start3A_619 = tpu.memref_slice %arg10[%dma_start3A_615, %dma_start3A_617, %dma_start3A_618] : memref<4x128x64xf32, #tpu.memory_space<vmem>> -> memref<1x128x64xf32, #tpu.memory_space<vmem>>
    %dma_start3A_620 = tpu.memref_squeeze %dma_start3A_619 : memref<1x128x64xf32, #tpu.memory_space<vmem>> -> memref<128x64xf32, #tpu.memory_space<vmem>>
    %dma_start3A_621 = arith.constant 0 : i32
    %dma_start3A_622 = tpu.memref_slice %arg8[%dma_start3A_616, %dma_start3A_621] : memref<42x128xi32, #tpu.memory_space<vmem>> -> memref<1x128xi32, #tpu.memory_space<vmem>>
    %dma_start3A_623 = tpu.memref_squeeze %dma_start3A_622 : memref<1x128xi32, #tpu.memory_space<vmem>> -> memref<128xi32, #tpu.memory_space<vmem>>
    %dma_start3A_624 = arith.constant 0 : i32
    %dma_start3A_625 = arith.constant 0 : i32
    %dma_start3A_626 = tpu.memref_slice %arg6[%dma_start3A_624, %dma_start3A_625] : memref<172032x64xf32, #tpu.memory_space<hbm>> -> memref<172032x64xf32, #tpu.memory_space<hbm>>
    tpu.enqueue_indirect_dma source(%dma_start3A_620 : memref<128x64xf32, #tpu.memory_space<vmem>>) target(%dma_start3A_626 : memref<172032x64xf32, #tpu.memory_space<hbm>>) offsets(%dma_start3A_623 : memref<128xi32, #tpu.memory_space<vmem>>) semaphore(%arg25 : memref<!tpu.dma_semaphore, #tpu.memory_space<semaphore_mem>>)
    %dma_wait3A_627 = arith.constant 1 : i32
    %dma_wait3A_628 = arith.constant 15 : i32
    %dma_wait3A_629 = arith.constant 0 : i32
    %dma_wait3A_630 = arith.constant 0 : i32
    %dma_wait3A_631 = tpu.memref_slice %arg10[%dma_wait3A_627, %dma_wait3A_629, %dma_wait3A_630] : memref<4x128x64xf32, #tpu.memory_space<vmem>> -> memref<1x128x64xf32, #tpu.memory_space<vmem>>
    %dma_wait3A_632 = tpu.memref_squeeze %dma_wait3A_631 : memref<1x128x64xf32, #tpu.memory_space<vmem>> -> memref<128x64xf32, #tpu.memory_space<vmem>>
    %dma_wait3A_633 = arith.constant 0 : i32
    %dma_wait3A_634 = tpu.memref_slice %arg8[%dma_wait3A_628, %dma_wait3A_633] : memref<42x128xi32, #tpu.memory_space<vmem>> -> memref<1x128xi32, #tpu.memory_space<vmem>>
    %dma_wait3A_635 = tpu.memref_squeeze %dma_wait3A_634 : memref<1x128xi32, #tpu.memory_space<vmem>> -> memref<128xi32, #tpu.memory_space<vmem>>
    %dma_wait3A_636 = arith.constant 0 : i32
    %dma_wait3A_637 = arith.constant 0 : i32
    %dma_wait3A_638 = tpu.memref_slice %arg6[%dma_wait3A_636, %dma_wait3A_637] : memref<172032x64xf32, #tpu.memory_space<hbm>> -> memref<172032x64xf32, #tpu.memory_space<hbm>>
    tpu.wait_indirect_dma semaphore(%arg23 : memref<!tpu.dma_semaphore, #tpu.memory_space<semaphore_mem>>) src(%dma_wait3A_632 : memref<128x64xf32, #tpu.memory_space<vmem>>) dst(%dma_wait3A_638 : memref<172032x64xf32, #tpu.memory_space<hbm>>)
    %dma_start3A_639 = arith.constant 19 : i32
    %dma_start3A_640 = arith.constant 1 : i32
    %dma_start3A_641 = arith.constant 0 : i32
    %dma_start3A_642 = arith.constant 0 : i32
    %dma_start3A_643 = tpu.memref_slice %arg10[%dma_start3A_640, %dma_start3A_641, %dma_start3A_642] : memref<4x128x64xf32, #tpu.memory_space<vmem>> -> memref<1x128x64xf32, #tpu.memory_space<vmem>>
    %dma_start3A_644 = tpu.memref_squeeze %dma_start3A_643 : memref<1x128x64xf32, #tpu.memory_space<vmem>> -> memref<128x64xf32, #tpu.memory_space<vmem>>
    %dma_start3A_645 = arith.constant 0 : i32
    %dma_start3A_646 = tpu.memref_slice %arg7[%dma_start3A_639, %dma_start3A_645] : memref<42x128xi32, #tpu.memory_space<vmem>> -> memref<1x128xi32, #tpu.memory_space<vmem>>
    %dma_start3A_647 = tpu.memref_squeeze %dma_start3A_646 : memref<1x128xi32, #tpu.memory_space<vmem>> -> memref<128xi32, #tpu.memory_space<vmem>>
    %dma_start3A_648 = arith.constant 0 : i32
    %dma_start3A_649 = arith.constant 0 : i32
    %dma_start3A_650 = tpu.memref_slice %arg11[%dma_start3A_648, %dma_start3A_649] : memref<3000x64xf32, #tpu.memory_space<vmem_shared>> -> memref<3000x64xf32, #tpu.memory_space<vmem_shared>>
    tpu.enqueue_indirect_dma source(%dma_start3A_650 : memref<3000x64xf32, #tpu.memory_space<vmem_shared>>) target(%dma_start3A_644 : memref<128x64xf32, #tpu.memory_space<vmem>>) offsets(%dma_start3A_647 : memref<128xi32, #tpu.memory_space<vmem>>) semaphore(%arg19 : memref<!tpu.dma_semaphore, #tpu.memory_space<semaphore_mem>>)
    %dma_wait3A_651 = arith.constant 18 : i32
    %dma_wait3A_652 = arith.constant 0 : i32
    %dma_wait3A_653 = arith.constant 0 : i32
    %dma_wait3A_654 = arith.constant 0 : i32
    %dma_wait3A_655 = tpu.memref_slice %arg10[%dma_wait3A_652, %dma_wait3A_653, %dma_wait3A_654] : memref<4x128x64xf32, #tpu.memory_space<vmem>> -> memref<1x128x64xf32, #tpu.memory_space<vmem>>
    %dma_wait3A_656 = tpu.memref_squeeze %dma_wait3A_655 : memref<1x128x64xf32, #tpu.memory_space<vmem>> -> memref<128x64xf32, #tpu.memory_space<vmem>>
    %dma_wait3A_657 = arith.constant 0 : i32
    %dma_wait3A_658 = tpu.memref_slice %arg7[%dma_wait3A_651, %dma_wait3A_657] : memref<42x128xi32, #tpu.memory_space<vmem>> -> memref<1x128xi32, #tpu.memory_space<vmem>>
    %dma_wait3A_659 = tpu.memref_squeeze %dma_wait3A_658 : memref<1x128xi32, #tpu.memory_space<vmem>> -> memref<128xi32, #tpu.memory_space<vmem>>
    %dma_wait3A_660 = arith.constant 0 : i32
    %dma_wait3A_661 = arith.constant 0 : i32
    %dma_wait3A_662 = tpu.memref_slice %arg11[%dma_wait3A_660, %dma_wait3A_661] : memref<3000x64xf32, #tpu.memory_space<vmem_shared>> -> memref<3000x64xf32, #tpu.memory_space<vmem_shared>>
    tpu.wait_indirect_dma semaphore(%arg18 : memref<!tpu.dma_semaphore, #tpu.memory_space<semaphore_mem>>) src(%dma_wait3A_662 : memref<3000x64xf32, #tpu.memory_space<vmem_shared>>) dst(%dma_wait3A_656 : memref<128x64xf32, #tpu.memory_space<vmem>>)
    %dma_start3A_663 = arith.constant 0 : i32
    %dma_start3A_664 = arith.constant 18 : i32
    %dma_start3A_665 = arith.constant 0 : i32
    %dma_start3A_666 = arith.constant 0 : i32
    %dma_start3A_667 = tpu.memref_slice %arg10[%dma_start3A_663, %dma_start3A_665, %dma_start3A_666] : memref<4x128x64xf32, #tpu.memory_space<vmem>> -> memref<1x128x64xf32, #tpu.memory_space<vmem>>
    %dma_start3A_668 = tpu.memref_squeeze %dma_start3A_667 : memref<1x128x64xf32, #tpu.memory_space<vmem>> -> memref<128x64xf32, #tpu.memory_space<vmem>>
    %dma_start3A_669 = arith.constant 0 : i32
    %dma_start3A_670 = tpu.memref_slice %arg8[%dma_start3A_664, %dma_start3A_669] : memref<42x128xi32, #tpu.memory_space<vmem>> -> memref<1x128xi32, #tpu.memory_space<vmem>>
    %dma_start3A_671 = tpu.memref_squeeze %dma_start3A_670 : memref<1x128xi32, #tpu.memory_space<vmem>> -> memref<128xi32, #tpu.memory_space<vmem>>
    %dma_start3A_672 = arith.constant 0 : i32
    %dma_start3A_673 = arith.constant 0 : i32
    %dma_start3A_674 = tpu.memref_slice %arg6[%dma_start3A_672, %dma_start3A_673] : memref<172032x64xf32, #tpu.memory_space<hbm>> -> memref<172032x64xf32, #tpu.memory_space<hbm>>
    tpu.enqueue_indirect_dma source(%dma_start3A_668 : memref<128x64xf32, #tpu.memory_space<vmem>>) target(%dma_start3A_674 : memref<172032x64xf32, #tpu.memory_space<hbm>>) offsets(%dma_start3A_671 : memref<128xi32, #tpu.memory_space<vmem>>) semaphore(%arg22 : memref<!tpu.dma_semaphore, #tpu.memory_space<semaphore_mem>>)
    %dma_wait3A_675 = arith.constant 2 : i32
    %dma_wait3A_676 = arith.constant 16 : i32
    %dma_wait3A_677 = arith.constant 0 : i32
    %dma_wait3A_678 = arith.constant 0 : i32
    %dma_wait3A_679 = tpu.memref_slice %arg10[%dma_wait3A_675, %dma_wait3A_677, %dma_wait3A_678] : memref<4x128x64xf32, #tpu.memory_space<vmem>> -> memref<1x128x64xf32, #tpu.memory_space<vmem>>
    %dma_wait3A_680 = tpu.memref_squeeze %dma_wait3A_679 : memref<1x128x64xf32, #tpu.memory_space<vmem>> -> memref<128x64xf32, #tpu.memory_space<vmem>>
    %dma_wait3A_681 = arith.constant 0 : i32
    %dma_wait3A_682 = tpu.memref_slice %arg8[%dma_wait3A_676, %dma_wait3A_681] : memref<42x128xi32, #tpu.memory_space<vmem>> -> memref<1x128xi32, #tpu.memory_space<vmem>>
    %dma_wait3A_683 = tpu.memref_squeeze %dma_wait3A_682 : memref<1x128xi32, #tpu.memory_space<vmem>> -> memref<128xi32, #tpu.memory_space<vmem>>
    %dma_wait3A_684 = arith.constant 0 : i32
    %dma_wait3A_685 = arith.constant 0 : i32
    %dma_wait3A_686 = tpu.memref_slice %arg6[%dma_wait3A_684, %dma_wait3A_685] : memref<172032x64xf32, #tpu.memory_space<hbm>> -> memref<172032x64xf32, #tpu.memory_space<hbm>>
    tpu.wait_indirect_dma semaphore(%arg24 : memref<!tpu.dma_semaphore, #tpu.memory_space<semaphore_mem>>) src(%dma_wait3A_680 : memref<128x64xf32, #tpu.memory_space<vmem>>) dst(%dma_wait3A_686 : memref<172032x64xf32, #tpu.memory_space<hbm>>)
    %dma_start3A_687 = arith.constant 20 : i32
    %dma_start3A_688 = arith.constant 2 : i32
    %dma_start3A_689 = arith.constant 0 : i32
    %dma_start3A_690 = arith.constant 0 : i32
    %dma_start3A_691 = tpu.memref_slice %arg10[%dma_start3A_688, %dma_start3A_689, %dma_start3A_690] : memref<4x128x64xf32, #tpu.memory_space<vmem>> -> memref<1x128x64xf32, #tpu.memory_space<vmem>>
    %dma_start3A_692 = tpu.memref_squeeze %dma_start3A_691 : memref<1x128x64xf32, #tpu.memory_space<vmem>> -> memref<128x64xf32, #tpu.memory_space<vmem>>
    %dma_start3A_693 = arith.constant 0 : i32
    %dma_start3A_694 = tpu.memref_slice %arg7[%dma_start3A_687, %dma_start3A_693] : memref<42x128xi32, #tpu.memory_space<vmem>> -> memref<1x128xi32, #tpu.memory_space<vmem>>
    %dma_start3A_695 = tpu.memref_squeeze %dma_start3A_694 : memref<1x128xi32, #tpu.memory_space<vmem>> -> memref<128xi32, #tpu.memory_space<vmem>>
    %dma_start3A_696 = arith.constant 0 : i32
    %dma_start3A_697 = arith.constant 0 : i32
    %dma_start3A_698 = tpu.memref_slice %arg11[%dma_start3A_696, %dma_start3A_697] : memref<3000x64xf32, #tpu.memory_space<vmem_shared>> -> memref<3000x64xf32, #tpu.memory_space<vmem_shared>>
    tpu.enqueue_indirect_dma source(%dma_start3A_698 : memref<3000x64xf32, #tpu.memory_space<vmem_shared>>) target(%dma_start3A_692 : memref<128x64xf32, #tpu.memory_space<vmem>>) offsets(%dma_start3A_695 : memref<128xi32, #tpu.memory_space<vmem>>) semaphore(%arg20 : memref<!tpu.dma_semaphore, #tpu.memory_space<semaphore_mem>>)
    %dma_wait3A_699 = arith.constant 19 : i32
    %dma_wait3A_700 = arith.constant 1 : i32
    %dma_wait3A_701 = arith.constant 0 : i32
    %dma_wait3A_702 = arith.constant 0 : i32
    %dma_wait3A_703 = tpu.memref_slice %arg10[%dma_wait3A_700, %dma_wait3A_701, %dma_wait3A_702] : memref<4x128x64xf32, #tpu.memory_space<vmem>> -> memref<1x128x64xf32, #tpu.memory_space<vmem>>
    %dma_wait3A_704 = tpu.memref_squeeze %dma_wait3A_703 : memref<1x128x64xf32, #tpu.memory_space<vmem>> -> memref<128x64xf32, #tpu.memory_space<vmem>>
    %dma_wait3A_705 = arith.constant 0 : i32
    %dma_wait3A_706 = tpu.memref_slice %arg7[%dma_wait3A_699, %dma_wait3A_705] : memref<42x128xi32, #tpu.memory_space<vmem>> -> memref<1x128xi32, #tpu.memory_space<vmem>>
    %dma_wait3A_707 = tpu.memref_squeeze %dma_wait3A_706 : memref<1x128xi32, #tpu.memory_space<vmem>> -> memref<128xi32, #tpu.memory_space<vmem>>
    %dma_wait3A_708 = arith.constant 0 : i32
    %dma_wait3A_709 = arith.constant 0 : i32
    %dma_wait3A_710 = tpu.memref_slice %arg11[%dma_wait3A_708, %dma_wait3A_709] : memref<3000x64xf32, #tpu.memory_space<vmem_shared>> -> memref<3000x64xf32, #tpu.memory_space<vmem_shared>>
    tpu.wait_indirect_dma semaphore(%arg19 : memref<!tpu.dma_semaphore, #tpu.memory_space<semaphore_mem>>) src(%dma_wait3A_710 : memref<3000x64xf32, #tpu.memory_space<vmem_shared>>) dst(%dma_wait3A_704 : memref<128x64xf32, #tpu.memory_space<vmem>>)
    %dma_start3A_711 = arith.constant 1 : i32
    %dma_start3A_712 = arith.constant 19 : i32
    %dma_start3A_713 = arith.constant 0 : i32
    %dma_start3A_714 = arith.constant 0 : i32
    %dma_start3A_715 = tpu.memref_slice %arg10[%dma_start3A_711, %dma_start3A_713, %dma_start3A_714] : memref<4x128x64xf32, #tpu.memory_space<vmem>> -> memref<1x128x64xf32, #tpu.memory_space<vmem>>
    %dma_start3A_716 = tpu.memref_squeeze %dma_start3A_715 : memref<1x128x64xf32, #tpu.memory_space<vmem>> -> memref<128x64xf32, #tpu.memory_space<vmem>>
    %dma_start3A_717 = arith.constant 0 : i32
    %dma_start3A_718 = tpu.memref_slice %arg8[%dma_start3A_712, %dma_start3A_717] : memref<42x128xi32, #tpu.memory_space<vmem>> -> memref<1x128xi32, #tpu.memory_space<vmem>>
    %dma_start3A_719 = tpu.memref_squeeze %dma_start3A_718 : memref<1x128xi32, #tpu.memory_space<vmem>> -> memref<128xi32, #tpu.memory_space<vmem>>
    %dma_start3A_720 = arith.constant 0 : i32
    %dma_start3A_721 = arith.constant 0 : i32
    %dma_start3A_722 = tpu.memref_slice %arg6[%dma_start3A_720, %dma_start3A_721] : memref<172032x64xf32, #tpu.memory_space<hbm>> -> memref<172032x64xf32, #tpu.memory_space<hbm>>
    tpu.enqueue_indirect_dma source(%dma_start3A_716 : memref<128x64xf32, #tpu.memory_space<vmem>>) target(%dma_start3A_722 : memref<172032x64xf32, #tpu.memory_space<hbm>>) offsets(%dma_start3A_719 : memref<128xi32, #tpu.memory_space<vmem>>) semaphore(%arg23 : memref<!tpu.dma_semaphore, #tpu.memory_space<semaphore_mem>>)
    %dma_wait3A_723 = arith.constant 3 : i32
    %dma_wait3A_724 = arith.constant 17 : i32
    %dma_wait3A_725 = arith.constant 0 : i32
    %dma_wait3A_726 = arith.constant 0 : i32
    %dma_wait3A_727 = tpu.memref_slice %arg10[%dma_wait3A_723, %dma_wait3A_725, %dma_wait3A_726] : memref<4x128x64xf32, #tpu.memory_space<vmem>> -> memref<1x128x64xf32, #tpu.memory_space<vmem>>
    %dma_wait3A_728 = tpu.memref_squeeze %dma_wait3A_727 : memref<1x128x64xf32, #tpu.memory_space<vmem>> -> memref<128x64xf32, #tpu.memory_space<vmem>>
    %dma_wait3A_729 = arith.constant 0 : i32
    %dma_wait3A_730 = tpu.memref_slice %arg8[%dma_wait3A_724, %dma_wait3A_729] : memref<42x128xi32, #tpu.memory_space<vmem>> -> memref<1x128xi32, #tpu.memory_space<vmem>>
    %dma_wait3A_731 = tpu.memref_squeeze %dma_wait3A_730 : memref<1x128xi32, #tpu.memory_space<vmem>> -> memref<128xi32, #tpu.memory_space<vmem>>
    %dma_wait3A_732 = arith.constant 0 : i32
    %dma_wait3A_733 = arith.constant 0 : i32
    %dma_wait3A_734 = tpu.memref_slice %arg6[%dma_wait3A_732, %dma_wait3A_733] : memref<172032x64xf32, #tpu.memory_space<hbm>> -> memref<172032x64xf32, #tpu.memory_space<hbm>>
    tpu.wait_indirect_dma semaphore(%arg25 : memref<!tpu.dma_semaphore, #tpu.memory_space<semaphore_mem>>) src(%dma_wait3A_728 : memref<128x64xf32, #tpu.memory_space<vmem>>) dst(%dma_wait3A_734 : memref<172032x64xf32, #tpu.memory_space<hbm>>)
    %dma_start3A_735 = arith.constant 21 : i32
    %dma_start3A_736 = arith.constant 3 : i32
    %dma_start3A_737 = arith.constant 0 : i32
    %dma_start3A_738 = arith.constant 0 : i32
    %dma_start3A_739 = tpu.memref_slice %arg10[%dma_start3A_736, %dma_start3A_737, %dma_start3A_738] : memref<4x128x64xf32, #tpu.memory_space<vmem>> -> memref<1x128x64xf32, #tpu.memory_space<vmem>>
    %dma_start3A_740 = tpu.memref_squeeze %dma_start3A_739 : memref<1x128x64xf32, #tpu.memory_space<vmem>> -> memref<128x64xf32, #tpu.memory_space<vmem>>
    %dma_start3A_741 = arith.constant 0 : i32
    %dma_start3A_742 = tpu.memref_slice %arg7[%dma_start3A_735, %dma_start3A_741] : memref<42x128xi32, #tpu.memory_space<vmem>> -> memref<1x128xi32, #tpu.memory_space<vmem>>
    %dma_start3A_743 = tpu.memref_squeeze %dma_start3A_742 : memref<1x128xi32, #tpu.memory_space<vmem>> -> memref<128xi32, #tpu.memory_space<vmem>>
    %dma_start3A_744 = arith.constant 0 : i32
    %dma_start3A_745 = arith.constant 0 : i32
    %dma_start3A_746 = tpu.memref_slice %arg11[%dma_start3A_744, %dma_start3A_745] : memref<3000x64xf32, #tpu.memory_space<vmem_shared>> -> memref<3000x64xf32, #tpu.memory_space<vmem_shared>>
    tpu.enqueue_indirect_dma source(%dma_start3A_746 : memref<3000x64xf32, #tpu.memory_space<vmem_shared>>) target(%dma_start3A_740 : memref<128x64xf32, #tpu.memory_space<vmem>>) offsets(%dma_start3A_743 : memref<128xi32, #tpu.memory_space<vmem>>) semaphore(%arg21 : memref<!tpu.dma_semaphore, #tpu.memory_space<semaphore_mem>>)
    %dma_wait3A_747 = arith.constant 20 : i32
    %dma_wait3A_748 = arith.constant 2 : i32
    %dma_wait3A_749 = arith.constant 0 : i32
    %dma_wait3A_750 = arith.constant 0 : i32
    %dma_wait3A_751 = tpu.memref_slice %arg10[%dma_wait3A_748, %dma_wait3A_749, %dma_wait3A_750] : memref<4x128x64xf32, #tpu.memory_space<vmem>> -> memref<1x128x64xf32, #tpu.memory_space<vmem>>
    %dma_wait3A_752 = tpu.memref_squeeze %dma_wait3A_751 : memref<1x128x64xf32, #tpu.memory_space<vmem>> -> memref<128x64xf32, #tpu.memory_space<vmem>>
    %dma_wait3A_753 = arith.constant 0 : i32
    %dma_wait3A_754 = tpu.memref_slice %arg7[%dma_wait3A_747, %dma_wait3A_753] : memref<42x128xi32, #tpu.memory_space<vmem>> -> memref<1x128xi32, #tpu.memory_space<vmem>>
    %dma_wait3A_755 = tpu.memref_squeeze %dma_wait3A_754 : memref<1x128xi32, #tpu.memory_space<vmem>> -> memref<128xi32, #tpu.memory_space<vmem>>
    %dma_wait3A_756 = arith.constant 0 : i32
    %dma_wait3A_757 = arith.constant 0 : i32
    %dma_wait3A_758 = tpu.memref_slice %arg11[%dma_wait3A_756, %dma_wait3A_757] : memref<3000x64xf32, #tpu.memory_space<vmem_shared>> -> memref<3000x64xf32, #tpu.memory_space<vmem_shared>>
    tpu.wait_indirect_dma semaphore(%arg20 : memref<!tpu.dma_semaphore, #tpu.memory_space<semaphore_mem>>) src(%dma_wait3A_758 : memref<3000x64xf32, #tpu.memory_space<vmem_shared>>) dst(%dma_wait3A_752 : memref<128x64xf32, #tpu.memory_space<vmem>>)
    %dma_start3A_759 = arith.constant 2 : i32
    %dma_start3A_760 = arith.constant 20 : i32
    %dma_start3A_761 = arith.constant 0 : i32
    %dma_start3A_762 = arith.constant 0 : i32
    %dma_start3A_763 = tpu.memref_slice %arg10[%dma_start3A_759, %dma_start3A_761, %dma_start3A_762] : memref<4x128x64xf32, #tpu.memory_space<vmem>> -> memref<1x128x64xf32, #tpu.memory_space<vmem>>
    %dma_start3A_764 = tpu.memref_squeeze %dma_start3A_763 : memref<1x128x64xf32, #tpu.memory_space<vmem>> -> memref<128x64xf32, #tpu.memory_space<vmem>>
    %dma_start3A_765 = arith.constant 0 : i32
    %dma_start3A_766 = tpu.memref_slice %arg8[%dma_start3A_760, %dma_start3A_765] : memref<42x128xi32, #tpu.memory_space<vmem>> -> memref<1x128xi32, #tpu.memory_space<vmem>>
    %dma_start3A_767 = tpu.memref_squeeze %dma_start3A_766 : memref<1x128xi32, #tpu.memory_space<vmem>> -> memref<128xi32, #tpu.memory_space<vmem>>
    %dma_start3A_768 = arith.constant 0 : i32
    %dma_start3A_769 = arith.constant 0 : i32
    %dma_start3A_770 = tpu.memref_slice %arg6[%dma_start3A_768, %dma_start3A_769] : memref<172032x64xf32, #tpu.memory_space<hbm>> -> memref<172032x64xf32, #tpu.memory_space<hbm>>
    tpu.enqueue_indirect_dma source(%dma_start3A_764 : memref<128x64xf32, #tpu.memory_space<vmem>>) target(%dma_start3A_770 : memref<172032x64xf32, #tpu.memory_space<hbm>>) offsets(%dma_start3A_767 : memref<128xi32, #tpu.memory_space<vmem>>) semaphore(%arg24 : memref<!tpu.dma_semaphore, #tpu.memory_space<semaphore_mem>>)
    %dma_wait3A_771 = arith.constant 0 : i32
    %dma_wait3A_772 = arith.constant 18 : i32
    %dma_wait3A_773 = arith.constant 0 : i32
    %dma_wait3A_774 = arith.constant 0 : i32
    %dma_wait3A_775 = tpu.memref_slice %arg10[%dma_wait3A_771, %dma_wait3A_773, %dma_wait3A_774] : memref<4x128x64xf32, #tpu.memory_space<vmem>> -> memref<1x128x64xf32, #tpu.memory_space<vmem>>
    %dma_wait3A_776 = tpu.memref_squeeze %dma_wait3A_775 : memref<1x128x64xf32, #tpu.memory_space<vmem>> -> memref<128x64xf32, #tpu.memory_space<vmem>>
    %dma_wait3A_777 = arith.constant 0 : i32
    %dma_wait3A_778 = tpu.memref_slice %arg8[%dma_wait3A_772, %dma_wait3A_777] : memref<42x128xi32, #tpu.memory_space<vmem>> -> memref<1x128xi32, #tpu.memory_space<vmem>>
    %dma_wait3A_779 = tpu.memref_squeeze %dma_wait3A_778 : memref<1x128xi32, #tpu.memory_space<vmem>> -> memref<128xi32, #tpu.memory_space<vmem>>
    %dma_wait3A_780 = arith.constant 0 : i32
    %dma_wait3A_781 = arith.constant 0 : i32
    %dma_wait3A_782 = tpu.memref_slice %arg6[%dma_wait3A_780, %dma_wait3A_781] : memref<172032x64xf32, #tpu.memory_space<hbm>> -> memref<172032x64xf32, #tpu.memory_space<hbm>>
    tpu.wait_indirect_dma semaphore(%arg22 : memref<!tpu.dma_semaphore, #tpu.memory_space<semaphore_mem>>) src(%dma_wait3A_776 : memref<128x64xf32, #tpu.memory_space<vmem>>) dst(%dma_wait3A_782 : memref<172032x64xf32, #tpu.memory_space<hbm>>)
    %dma_start3A_783 = arith.constant 22 : i32
    %dma_start3A_784 = arith.constant 0 : i32
    %dma_start3A_785 = arith.constant 0 : i32
    %dma_start3A_786 = arith.constant 0 : i32
    %dma_start3A_787 = tpu.memref_slice %arg10[%dma_start3A_784, %dma_start3A_785, %dma_start3A_786] : memref<4x128x64xf32, #tpu.memory_space<vmem>> -> memref<1x128x64xf32, #tpu.memory_space<vmem>>
    %dma_start3A_788 = tpu.memref_squeeze %dma_start3A_787 : memref<1x128x64xf32, #tpu.memory_space<vmem>> -> memref<128x64xf32, #tpu.memory_space<vmem>>
    %dma_start3A_789 = arith.constant 0 : i32
    %dma_start3A_790 = tpu.memref_slice %arg7[%dma_start3A_783, %dma_start3A_789] : memref<42x128xi32, #tpu.memory_space<vmem>> -> memref<1x128xi32, #tpu.memory_space<vmem>>
    %dma_start3A_791 = tpu.memref_squeeze %dma_start3A_790 : memref<1x128xi32, #tpu.memory_space<vmem>> -> memref<128xi32, #tpu.memory_space<vmem>>
    %dma_start3A_792 = arith.constant 0 : i32
    %dma_start3A_793 = arith.constant 0 : i32
    %dma_start3A_794 = tpu.memref_slice %arg11[%dma_start3A_792, %dma_start3A_793] : memref<3000x64xf32, #tpu.memory_space<vmem_shared>> -> memref<3000x64xf32, #tpu.memory_space<vmem_shared>>
    tpu.enqueue_indirect_dma source(%dma_start3A_794 : memref<3000x64xf32, #tpu.memory_space<vmem_shared>>) target(%dma_start3A_788 : memref<128x64xf32, #tpu.memory_space<vmem>>) offsets(%dma_start3A_791 : memref<128xi32, #tpu.memory_space<vmem>>) semaphore(%arg18 : memref<!tpu.dma_semaphore, #tpu.memory_space<semaphore_mem>>)
    %dma_wait3A_795 = arith.constant 21 : i32
    %dma_wait3A_796 = arith.constant 3 : i32
    %dma_wait3A_797 = arith.constant 0 : i32
    %dma_wait3A_798 = arith.constant 0 : i32
    %dma_wait3A_799 = tpu.memref_slice %arg10[%dma_wait3A_796, %dma_wait3A_797, %dma_wait3A_798] : memref<4x128x64xf32, #tpu.memory_space<vmem>> -> memref<1x128x64xf32, #tpu.memory_space<vmem>>
    %dma_wait3A_800 = tpu.memref_squeeze %dma_wait3A_799 : memref<1x128x64xf32, #tpu.memory_space<vmem>> -> memref<128x64xf32, #tpu.memory_space<vmem>>
    %dma_wait3A_801 = arith.constant 0 : i32
    %dma_wait3A_802 = tpu.memref_slice %arg7[%dma_wait3A_795, %dma_wait3A_801] : memref<42x128xi32, #tpu.memory_space<vmem>> -> memref<1x128xi32, #tpu.memory_space<vmem>>
    %dma_wait3A_803 = tpu.memref_squeeze %dma_wait3A_802 : memref<1x128xi32, #tpu.memory_space<vmem>> -> memref<128xi32, #tpu.memory_space<vmem>>
    %dma_wait3A_804 = arith.constant 0 : i32
    %dma_wait3A_805 = arith.constant 0 : i32
    %dma_wait3A_806 = tpu.memref_slice %arg11[%dma_wait3A_804, %dma_wait3A_805] : memref<3000x64xf32, #tpu.memory_space<vmem_shared>> -> memref<3000x64xf32, #tpu.memory_space<vmem_shared>>
    tpu.wait_indirect_dma semaphore(%arg21 : memref<!tpu.dma_semaphore, #tpu.memory_space<semaphore_mem>>) src(%dma_wait3A_806 : memref<3000x64xf32, #tpu.memory_space<vmem_shared>>) dst(%dma_wait3A_800 : memref<128x64xf32, #tpu.memory_space<vmem>>)
    %dma_start3A_807 = arith.constant 3 : i32
    %dma_start3A_808 = arith.constant 21 : i32
    %dma_start3A_809 = arith.constant 0 : i32
    %dma_start3A_810 = arith.constant 0 : i32
    %dma_start3A_811 = tpu.memref_slice %arg10[%dma_start3A_807, %dma_start3A_809, %dma_start3A_810] : memref<4x128x64xf32, #tpu.memory_space<vmem>> -> memref<1x128x64xf32, #tpu.memory_space<vmem>>
    %dma_start3A_812 = tpu.memref_squeeze %dma_start3A_811 : memref<1x128x64xf32, #tpu.memory_space<vmem>> -> memref<128x64xf32, #tpu.memory_space<vmem>>
    %dma_start3A_813 = arith.constant 0 : i32
    %dma_start3A_814 = tpu.memref_slice %arg8[%dma_start3A_808, %dma_start3A_813] : memref<42x128xi32, #tpu.memory_space<vmem>> -> memref<1x128xi32, #tpu.memory_space<vmem>>
    %dma_start3A_815 = tpu.memref_squeeze %dma_start3A_814 : memref<1x128xi32, #tpu.memory_space<vmem>> -> memref<128xi32, #tpu.memory_space<vmem>>
    %dma_start3A_816 = arith.constant 0 : i32
    %dma_start3A_817 = arith.constant 0 : i32
    %dma_start3A_818 = tpu.memref_slice %arg6[%dma_start3A_816, %dma_start3A_817] : memref<172032x64xf32, #tpu.memory_space<hbm>> -> memref<172032x64xf32, #tpu.memory_space<hbm>>
    tpu.enqueue_indirect_dma source(%dma_start3A_812 : memref<128x64xf32, #tpu.memory_space<vmem>>) target(%dma_start3A_818 : memref<172032x64xf32, #tpu.memory_space<hbm>>) offsets(%dma_start3A_815 : memref<128xi32, #tpu.memory_space<vmem>>) semaphore(%arg25 : memref<!tpu.dma_semaphore, #tpu.memory_space<semaphore_mem>>)
    %dma_wait3A_819 = arith.constant 1 : i32
    %dma_wait3A_820 = arith.constant 19 : i32
    %dma_wait3A_821 = arith.constant 0 : i32
    %dma_wait3A_822 = arith.constant 0 : i32
    %dma_wait3A_823 = tpu.memref_slice %arg10[%dma_wait3A_819, %dma_wait3A_821, %dma_wait3A_822] : memref<4x128x64xf32, #tpu.memory_space<vmem>> -> memref<1x128x64xf32, #tpu.memory_space<vmem>>
    %dma_wait3A_824 = tpu.memref_squeeze %dma_wait3A_823 : memref<1x128x64xf32, #tpu.memory_space<vmem>> -> memref<128x64xf32, #tpu.memory_space<vmem>>
    %dma_wait3A_825 = arith.constant 0 : i32
    %dma_wait3A_826 = tpu.memref_slice %arg8[%dma_wait3A_820, %dma_wait3A_825] : memref<42x128xi32, #tpu.memory_space<vmem>> -> memref<1x128xi32, #tpu.memory_space<vmem>>
    %dma_wait3A_827 = tpu.memref_squeeze %dma_wait3A_826 : memref<1x128xi32, #tpu.memory_space<vmem>> -> memref<128xi32, #tpu.memory_space<vmem>>
    %dma_wait3A_828 = arith.constant 0 : i32
    %dma_wait3A_829 = arith.constant 0 : i32
    %dma_wait3A_830 = tpu.memref_slice %arg6[%dma_wait3A_828, %dma_wait3A_829] : memref<172032x64xf32, #tpu.memory_space<hbm>> -> memref<172032x64xf32, #tpu.memory_space<hbm>>
    tpu.wait_indirect_dma semaphore(%arg23 : memref<!tpu.dma_semaphore, #tpu.memory_space<semaphore_mem>>) src(%dma_wait3A_824 : memref<128x64xf32, #tpu.memory_space<vmem>>) dst(%dma_wait3A_830 : memref<172032x64xf32, #tpu.memory_space<hbm>>)
    %dma_start3A_831 = arith.constant 23 : i32
    %dma_start3A_832 = arith.constant 1 : i32
    %dma_start3A_833 = arith.constant 0 : i32
    %dma_start3A_834 = arith.constant 0 : i32
    %dma_start3A_835 = tpu.memref_slice %arg10[%dma_start3A_832, %dma_start3A_833, %dma_start3A_834] : memref<4x128x64xf32, #tpu.memory_space<vmem>> -> memref<1x128x64xf32, #tpu.memory_space<vmem>>
    %dma_start3A_836 = tpu.memref_squeeze %dma_start3A_835 : memref<1x128x64xf32, #tpu.memory_space<vmem>> -> memref<128x64xf32, #tpu.memory_space<vmem>>
    %dma_start3A_837 = arith.constant 0 : i32
    %dma_start3A_838 = tpu.memref_slice %arg7[%dma_start3A_831, %dma_start3A_837] : memref<42x128xi32, #tpu.memory_space<vmem>> -> memref<1x128xi32, #tpu.memory_space<vmem>>
    %dma_start3A_839 = tpu.memref_squeeze %dma_start3A_838 : memref<1x128xi32, #tpu.memory_space<vmem>> -> memref<128xi32, #tpu.memory_space<vmem>>
    %dma_start3A_840 = arith.constant 0 : i32
    %dma_start3A_841 = arith.constant 0 : i32
    %dma_start3A_842 = tpu.memref_slice %arg11[%dma_start3A_840, %dma_start3A_841] : memref<3000x64xf32, #tpu.memory_space<vmem_shared>> -> memref<3000x64xf32, #tpu.memory_space<vmem_shared>>
    tpu.enqueue_indirect_dma source(%dma_start3A_842 : memref<3000x64xf32, #tpu.memory_space<vmem_shared>>) target(%dma_start3A_836 : memref<128x64xf32, #tpu.memory_space<vmem>>) offsets(%dma_start3A_839 : memref<128xi32, #tpu.memory_space<vmem>>) semaphore(%arg19 : memref<!tpu.dma_semaphore, #tpu.memory_space<semaphore_mem>>)
    %dma_wait3A_843 = arith.constant 22 : i32
    %dma_wait3A_844 = arith.constant 0 : i32
    %dma_wait3A_845 = arith.constant 0 : i32
    %dma_wait3A_846 = arith.constant 0 : i32
    %dma_wait3A_847 = tpu.memref_slice %arg10[%dma_wait3A_844, %dma_wait3A_845, %dma_wait3A_846] : memref<4x128x64xf32, #tpu.memory_space<vmem>> -> memref<1x128x64xf32, #tpu.memory_space<vmem>>
    %dma_wait3A_848 = tpu.memref_squeeze %dma_wait3A_847 : memref<1x128x64xf32, #tpu.memory_space<vmem>> -> memref<128x64xf32, #tpu.memory_space<vmem>>
    %dma_wait3A_849 = arith.constant 0 : i32
    %dma_wait3A_850 = tpu.memref_slice %arg7[%dma_wait3A_843, %dma_wait3A_849] : memref<42x128xi32, #tpu.memory_space<vmem>> -> memref<1x128xi32, #tpu.memory_space<vmem>>
    %dma_wait3A_851 = tpu.memref_squeeze %dma_wait3A_850 : memref<1x128xi32, #tpu.memory_space<vmem>> -> memref<128xi32, #tpu.memory_space<vmem>>
    %dma_wait3A_852 = arith.constant 0 : i32
    %dma_wait3A_853 = arith.constant 0 : i32
    %dma_wait3A_854 = tpu.memref_slice %arg11[%dma_wait3A_852, %dma_wait3A_853] : memref<3000x64xf32, #tpu.memory_space<vmem_shared>> -> memref<3000x64xf32, #tpu.memory_space<vmem_shared>>
    tpu.wait_indirect_dma semaphore(%arg18 : memref<!tpu.dma_semaphore, #tpu.memory_space<semaphore_mem>>) src(%dma_wait3A_854 : memref<3000x64xf32, #tpu.memory_space<vmem_shared>>) dst(%dma_wait3A_848 : memref<128x64xf32, #tpu.memory_space<vmem>>)
    %dma_start3A_855 = arith.constant 0 : i32
    %dma_start3A_856 = arith.constant 22 : i32
    %dma_start3A_857 = arith.constant 0 : i32
    %dma_start3A_858 = arith.constant 0 : i32
    %dma_start3A_859 = tpu.memref_slice %arg10[%dma_start3A_855, %dma_start3A_857, %dma_start3A_858] : memref<4x128x64xf32, #tpu.memory_space<vmem>> -> memref<1x128x64xf32, #tpu.memory_space<vmem>>
    %dma_start3A_860 = tpu.memref_squeeze %dma_start3A_859 : memref<1x128x64xf32, #tpu.memory_space<vmem>> -> memref<128x64xf32, #tpu.memory_space<vmem>>
    %dma_start3A_861 = arith.constant 0 : i32
    %dma_start3A_862 = tpu.memref_slice %arg8[%dma_start3A_856, %dma_start3A_861] : memref<42x128xi32, #tpu.memory_space<vmem>> -> memref<1x128xi32, #tpu.memory_space<vmem>>
    %dma_start3A_863 = tpu.memref_squeeze %dma_start3A_862 : memref<1x128xi32, #tpu.memory_space<vmem>> -> memref<128xi32, #tpu.memory_space<vmem>>
    %dma_start3A_864 = arith.constant 0 : i32
    %dma_start3A_865 = arith.constant 0 : i32
    %dma_start3A_866 = tpu.memref_slice %arg6[%dma_start3A_864, %dma_start3A_865] : memref<172032x64xf32, #tpu.memory_space<hbm>> -> memref<172032x64xf32, #tpu.memory_space<hbm>>
    tpu.enqueue_indirect_dma source(%dma_start3A_860 : memref<128x64xf32, #tpu.memory_space<vmem>>) target(%dma_start3A_866 : memref<172032x64xf32, #tpu.memory_space<hbm>>) offsets(%dma_start3A_863 : memref<128xi32, #tpu.memory_space<vmem>>) semaphore(%arg22 : memref<!tpu.dma_semaphore, #tpu.memory_space<semaphore_mem>>)
    %dma_wait3A_867 = arith.constant 2 : i32
    %dma_wait3A_868 = arith.constant 20 : i32
    %dma_wait3A_869 = arith.constant 0 : i32
    %dma_wait3A_870 = arith.constant 0 : i32
    %dma_wait3A_871 = tpu.memref_slice %arg10[%dma_wait3A_867, %dma_wait3A_869, %dma_wait3A_870] : memref<4x128x64xf32, #tpu.memory_space<vmem>> -> memref<1x128x64xf32, #tpu.memory_space<vmem>>
    %dma_wait3A_872 = tpu.memref_squeeze %dma_wait3A_871 : memref<1x128x64xf32, #tpu.memory_space<vmem>> -> memref<128x64xf32, #tpu.memory_space<vmem>>
    %dma_wait3A_873 = arith.constant 0 : i32
    %dma_wait3A_874 = tpu.memref_slice %arg8[%dma_wait3A_868, %dma_wait3A_873] : memref<42x128xi32, #tpu.memory_space<vmem>> -> memref<1x128xi32, #tpu.memory_space<vmem>>
    %dma_wait3A_875 = tpu.memref_squeeze %dma_wait3A_874 : memref<1x128xi32, #tpu.memory_space<vmem>> -> memref<128xi32, #tpu.memory_space<vmem>>
    %dma_wait3A_876 = arith.constant 0 : i32
    %dma_wait3A_877 = arith.constant 0 : i32
    %dma_wait3A_878 = tpu.memref_slice %arg6[%dma_wait3A_876, %dma_wait3A_877] : memref<172032x64xf32, #tpu.memory_space<hbm>> -> memref<172032x64xf32, #tpu.memory_space<hbm>>
    tpu.wait_indirect_dma semaphore(%arg24 : memref<!tpu.dma_semaphore, #tpu.memory_space<semaphore_mem>>) src(%dma_wait3A_872 : memref<128x64xf32, #tpu.memory_space<vmem>>) dst(%dma_wait3A_878 : memref<172032x64xf32, #tpu.memory_space<hbm>>)
    %dma_start3A_879 = arith.constant 24 : i32
    %dma_start3A_880 = arith.constant 2 : i32
    %dma_start3A_881 = arith.constant 0 : i32
    %dma_start3A_882 = arith.constant 0 : i32
    %dma_start3A_883 = tpu.memref_slice %arg10[%dma_start3A_880, %dma_start3A_881, %dma_start3A_882] : memref<4x128x64xf32, #tpu.memory_space<vmem>> -> memref<1x128x64xf32, #tpu.memory_space<vmem>>
    %dma_start3A_884 = tpu.memref_squeeze %dma_start3A_883 : memref<1x128x64xf32, #tpu.memory_space<vmem>> -> memref<128x64xf32, #tpu.memory_space<vmem>>
    %dma_start3A_885 = arith.constant 0 : i32
    %dma_start3A_886 = tpu.memref_slice %arg7[%dma_start3A_879, %dma_start3A_885] : memref<42x128xi32, #tpu.memory_space<vmem>> -> memref<1x128xi32, #tpu.memory_space<vmem>>
    %dma_start3A_887 = tpu.memref_squeeze %dma_start3A_886 : memref<1x128xi32, #tpu.memory_space<vmem>> -> memref<128xi32, #tpu.memory_space<vmem>>
    %dma_start3A_888 = arith.constant 0 : i32
    %dma_start3A_889 = arith.constant 0 : i32
    %dma_start3A_890 = tpu.memref_slice %arg11[%dma_start3A_888, %dma_start3A_889] : memref<3000x64xf32, #tpu.memory_space<vmem_shared>> -> memref<3000x64xf32, #tpu.memory_space<vmem_shared>>
    tpu.enqueue_indirect_dma source(%dma_start3A_890 : memref<3000x64xf32, #tpu.memory_space<vmem_shared>>) target(%dma_start3A_884 : memref<128x64xf32, #tpu.memory_space<vmem>>) offsets(%dma_start3A_887 : memref<128xi32, #tpu.memory_space<vmem>>) semaphore(%arg20 : memref<!tpu.dma_semaphore, #tpu.memory_space<semaphore_mem>>)
    %dma_wait3A_891 = arith.constant 23 : i32
    %dma_wait3A_892 = arith.constant 1 : i32
    %dma_wait3A_893 = arith.constant 0 : i32
    %dma_wait3A_894 = arith.constant 0 : i32
    %dma_wait3A_895 = tpu.memref_slice %arg10[%dma_wait3A_892, %dma_wait3A_893, %dma_wait3A_894] : memref<4x128x64xf32, #tpu.memory_space<vmem>> -> memref<1x128x64xf32, #tpu.memory_space<vmem>>
    %dma_wait3A_896 = tpu.memref_squeeze %dma_wait3A_895 : memref<1x128x64xf32, #tpu.memory_space<vmem>> -> memref<128x64xf32, #tpu.memory_space<vmem>>
    %dma_wait3A_897 = arith.constant 0 : i32
    %dma_wait3A_898 = tpu.memref_slice %arg7[%dma_wait3A_891, %dma_wait3A_897] : memref<42x128xi32, #tpu.memory_space<vmem>> -> memref<1x128xi32, #tpu.memory_space<vmem>>
    %dma_wait3A_899 = tpu.memref_squeeze %dma_wait3A_898 : memref<1x128xi32, #tpu.memory_space<vmem>> -> memref<128xi32, #tpu.memory_space<vmem>>
    %dma_wait3A_900 = arith.constant 0 : i32
    %dma_wait3A_901 = arith.constant 0 : i32
    %dma_wait3A_902 = tpu.memref_slice %arg11[%dma_wait3A_900, %dma_wait3A_901] : memref<3000x64xf32, #tpu.memory_space<vmem_shared>> -> memref<3000x64xf32, #tpu.memory_space<vmem_shared>>
    tpu.wait_indirect_dma semaphore(%arg19 : memref<!tpu.dma_semaphore, #tpu.memory_space<semaphore_mem>>) src(%dma_wait3A_902 : memref<3000x64xf32, #tpu.memory_space<vmem_shared>>) dst(%dma_wait3A_896 : memref<128x64xf32, #tpu.memory_space<vmem>>)
    %dma_start3A_903 = arith.constant 1 : i32
    %dma_start3A_904 = arith.constant 23 : i32
    %dma_start3A_905 = arith.constant 0 : i32
    %dma_start3A_906 = arith.constant 0 : i32
    %dma_start3A_907 = tpu.memref_slice %arg10[%dma_start3A_903, %dma_start3A_905, %dma_start3A_906] : memref<4x128x64xf32, #tpu.memory_space<vmem>> -> memref<1x128x64xf32, #tpu.memory_space<vmem>>
    %dma_start3A_908 = tpu.memref_squeeze %dma_start3A_907 : memref<1x128x64xf32, #tpu.memory_space<vmem>> -> memref<128x64xf32, #tpu.memory_space<vmem>>
    %dma_start3A_909 = arith.constant 0 : i32
    %dma_start3A_910 = tpu.memref_slice %arg8[%dma_start3A_904, %dma_start3A_909] : memref<42x128xi32, #tpu.memory_space<vmem>> -> memref<1x128xi32, #tpu.memory_space<vmem>>
    %dma_start3A_911 = tpu.memref_squeeze %dma_start3A_910 : memref<1x128xi32, #tpu.memory_space<vmem>> -> memref<128xi32, #tpu.memory_space<vmem>>
    %dma_start3A_912 = arith.constant 0 : i32
    %dma_start3A_913 = arith.constant 0 : i32
    %dma_start3A_914 = tpu.memref_slice %arg6[%dma_start3A_912, %dma_start3A_913] : memref<172032x64xf32, #tpu.memory_space<hbm>> -> memref<172032x64xf32, #tpu.memory_space<hbm>>
    tpu.enqueue_indirect_dma source(%dma_start3A_908 : memref<128x64xf32, #tpu.memory_space<vmem>>) target(%dma_start3A_914 : memref<172032x64xf32, #tpu.memory_space<hbm>>) offsets(%dma_start3A_911 : memref<128xi32, #tpu.memory_space<vmem>>) semaphore(%arg23 : memref<!tpu.dma_semaphore, #tpu.memory_space<semaphore_mem>>)
    %dma_wait3A_915 = arith.constant 3 : i32
    %dma_wait3A_916 = arith.constant 21 : i32
    %dma_wait3A_917 = arith.constant 0 : i32
    %dma_wait3A_918 = arith.constant 0 : i32
    %dma_wait3A_919 = tpu.memref_slice %arg10[%dma_wait3A_915, %dma_wait3A_917, %dma_wait3A_918] : memref<4x128x64xf32, #tpu.memory_space<vmem>> -> memref<1x128x64xf32, #tpu.memory_space<vmem>>
    %dma_wait3A_920 = tpu.memref_squeeze %dma_wait3A_919 : memref<1x128x64xf32, #tpu.memory_space<vmem>> -> memref<128x64xf32, #tpu.memory_space<vmem>>
    %dma_wait3A_921 = arith.constant 0 : i32
    %dma_wait3A_922 = tpu.memref_slice %arg8[%dma_wait3A_916, %dma_wait3A_921] : memref<42x128xi32, #tpu.memory_space<vmem>> -> memref<1x128xi32, #tpu.memory_space<vmem>>
    %dma_wait3A_923 = tpu.memref_squeeze %dma_wait3A_922 : memref<1x128xi32, #tpu.memory_space<vmem>> -> memref<128xi32, #tpu.memory_space<vmem>>
    %dma_wait3A_924 = arith.constant 0 : i32
    %dma_wait3A_925 = arith.constant 0 : i32
    %dma_wait3A_926 = tpu.memref_slice %arg6[%dma_wait3A_924, %dma_wait3A_925] : memref<172032x64xf32, #tpu.memory_space<hbm>> -> memref<172032x64xf32, #tpu.memory_space<hbm>>
    tpu.wait_indirect_dma semaphore(%arg25 : memref<!tpu.dma_semaphore, #tpu.memory_space<semaphore_mem>>) src(%dma_wait3A_920 : memref<128x64xf32, #tpu.memory_space<vmem>>) dst(%dma_wait3A_926 : memref<172032x64xf32, #tpu.memory_space<hbm>>)
    %dma_start3A_927 = arith.constant 25 : i32
    %dma_start3A_928 = arith.constant 3 : i32
    %dma_start3A_929 = arith.constant 0 : i32
    %dma_start3A_930 = arith.constant 0 : i32
    %dma_start3A_931 = tpu.memref_slice %arg10[%dma_start3A_928, %dma_start3A_929, %dma_start3A_930] : memref<4x128x64xf32, #tpu.memory_space<vmem>> -> memref<1x128x64xf32, #tpu.memory_space<vmem>>
    %dma_start3A_932 = tpu.memref_squeeze %dma_start3A_931 : memref<1x128x64xf32, #tpu.memory_space<vmem>> -> memref<128x64xf32, #tpu.memory_space<vmem>>
    %dma_start3A_933 = arith.constant 0 : i32
    %dma_start3A_934 = tpu.memref_slice %arg7[%dma_start3A_927, %dma_start3A_933] : memref<42x128xi32, #tpu.memory_space<vmem>> -> memref<1x128xi32, #tpu.memory_space<vmem>>
    %dma_start3A_935 = tpu.memref_squeeze %dma_start3A_934 : memref<1x128xi32, #tpu.memory_space<vmem>> -> memref<128xi32, #tpu.memory_space<vmem>>
    %dma_start3A_936 = arith.constant 0 : i32
    %dma_start3A_937 = arith.constant 0 : i32
    %dma_start3A_938 = tpu.memref_slice %arg11[%dma_start3A_936, %dma_start3A_937] : memref<3000x64xf32, #tpu.memory_space<vmem_shared>> -> memref<3000x64xf32, #tpu.memory_space<vmem_shared>>
    tpu.enqueue_indirect_dma source(%dma_start3A_938 : memref<3000x64xf32, #tpu.memory_space<vmem_shared>>) target(%dma_start3A_932 : memref<128x64xf32, #tpu.memory_space<vmem>>) offsets(%dma_start3A_935 : memref<128xi32, #tpu.memory_space<vmem>>) semaphore(%arg21 : memref<!tpu.dma_semaphore, #tpu.memory_space<semaphore_mem>>)
    %dma_wait3A_939 = arith.constant 24 : i32
    %dma_wait3A_940 = arith.constant 2 : i32
    %dma_wait3A_941 = arith.constant 0 : i32
    %dma_wait3A_942 = arith.constant 0 : i32
    %dma_wait3A_943 = tpu.memref_slice %arg10[%dma_wait3A_940, %dma_wait3A_941, %dma_wait3A_942] : memref<4x128x64xf32, #tpu.memory_space<vmem>> -> memref<1x128x64xf32, #tpu.memory_space<vmem>>
    %dma_wait3A_944 = tpu.memref_squeeze %dma_wait3A_943 : memref<1x128x64xf32, #tpu.memory_space<vmem>> -> memref<128x64xf32, #tpu.memory_space<vmem>>
    %dma_wait3A_945 = arith.constant 0 : i32
    %dma_wait3A_946 = tpu.memref_slice %arg7[%dma_wait3A_939, %dma_wait3A_945] : memref<42x128xi32, #tpu.memory_space<vmem>> -> memref<1x128xi32, #tpu.memory_space<vmem>>
    %dma_wait3A_947 = tpu.memref_squeeze %dma_wait3A_946 : memref<1x128xi32, #tpu.memory_space<vmem>> -> memref<128xi32, #tpu.memory_space<vmem>>
    %dma_wait3A_948 = arith.constant 0 : i32
    %dma_wait3A_949 = arith.constant 0 : i32
    %dma_wait3A_950 = tpu.memref_slice %arg11[%dma_wait3A_948, %dma_wait3A_949] : memref<3000x64xf32, #tpu.memory_space<vmem_shared>> -> memref<3000x64xf32, #tpu.memory_space<vmem_shared>>
    tpu.wait_indirect_dma semaphore(%arg20 : memref<!tpu.dma_semaphore, #tpu.memory_space<semaphore_mem>>) src(%dma_wait3A_950 : memref<3000x64xf32, #tpu.memory_space<vmem_shared>>) dst(%dma_wait3A_944 : memref<128x64xf32, #tpu.memory_space<vmem>>)
    %dma_start3A_951 = arith.constant 2 : i32
    %dma_start3A_952 = arith.constant 24 : i32
    %dma_start3A_953 = arith.constant 0 : i32
    %dma_start3A_954 = arith.constant 0 : i32
    %dma_start3A_955 = tpu.memref_slice %arg10[%dma_start3A_951, %dma_start3A_953, %dma_start3A_954] : memref<4x128x64xf32, #tpu.memory_space<vmem>> -> memref<1x128x64xf32, #tpu.memory_space<vmem>>
    %dma_start3A_956 = tpu.memref_squeeze %dma_start3A_955 : memref<1x128x64xf32, #tpu.memory_space<vmem>> -> memref<128x64xf32, #tpu.memory_space<vmem>>
    %dma_start3A_957 = arith.constant 0 : i32
    %dma_start3A_958 = tpu.memref_slice %arg8[%dma_start3A_952, %dma_start3A_957] : memref<42x128xi32, #tpu.memory_space<vmem>> -> memref<1x128xi32, #tpu.memory_space<vmem>>
    %dma_start3A_959 = tpu.memref_squeeze %dma_start3A_958 : memref<1x128xi32, #tpu.memory_space<vmem>> -> memref<128xi32, #tpu.memory_space<vmem>>
    %dma_start3A_960 = arith.constant 0 : i32
    %dma_start3A_961 = arith.constant 0 : i32
    %dma_start3A_962 = tpu.memref_slice %arg6[%dma_start3A_960, %dma_start3A_961] : memref<172032x64xf32, #tpu.memory_space<hbm>> -> memref<172032x64xf32, #tpu.memory_space<hbm>>
    tpu.enqueue_indirect_dma source(%dma_start3A_956 : memref<128x64xf32, #tpu.memory_space<vmem>>) target(%dma_start3A_962 : memref<172032x64xf32, #tpu.memory_space<hbm>>) offsets(%dma_start3A_959 : memref<128xi32, #tpu.memory_space<vmem>>) semaphore(%arg24 : memref<!tpu.dma_semaphore, #tpu.memory_space<semaphore_mem>>)
    %dma_wait3A_963 = arith.constant 0 : i32
    %dma_wait3A_964 = arith.constant 22 : i32
    %dma_wait3A_965 = arith.constant 0 : i32
    %dma_wait3A_966 = arith.constant 0 : i32
    %dma_wait3A_967 = tpu.memref_slice %arg10[%dma_wait3A_963, %dma_wait3A_965, %dma_wait3A_966] : memref<4x128x64xf32, #tpu.memory_space<vmem>> -> memref<1x128x64xf32, #tpu.memory_space<vmem>>
    %dma_wait3A_968 = tpu.memref_squeeze %dma_wait3A_967 : memref<1x128x64xf32, #tpu.memory_space<vmem>> -> memref<128x64xf32, #tpu.memory_space<vmem>>
    %dma_wait3A_969 = arith.constant 0 : i32
    %dma_wait3A_970 = tpu.memref_slice %arg8[%dma_wait3A_964, %dma_wait3A_969] : memref<42x128xi32, #tpu.memory_space<vmem>> -> memref<1x128xi32, #tpu.memory_space<vmem>>
    %dma_wait3A_971 = tpu.memref_squeeze %dma_wait3A_970 : memref<1x128xi32, #tpu.memory_space<vmem>> -> memref<128xi32, #tpu.memory_space<vmem>>
    %dma_wait3A_972 = arith.constant 0 : i32
    %dma_wait3A_973 = arith.constant 0 : i32
    %dma_wait3A_974 = tpu.memref_slice %arg6[%dma_wait3A_972, %dma_wait3A_973] : memref<172032x64xf32, #tpu.memory_space<hbm>> -> memref<172032x64xf32, #tpu.memory_space<hbm>>
    tpu.wait_indirect_dma semaphore(%arg22 : memref<!tpu.dma_semaphore, #tpu.memory_space<semaphore_mem>>) src(%dma_wait3A_968 : memref<128x64xf32, #tpu.memory_space<vmem>>) dst(%dma_wait3A_974 : memref<172032x64xf32, #tpu.memory_space<hbm>>)
    %dma_start3A_975 = arith.constant 26 : i32
    %dma_start3A_976 = arith.constant 0 : i32
    %dma_start3A_977 = arith.constant 0 : i32
    %dma_start3A_978 = arith.constant 0 : i32
    %dma_start3A_979 = tpu.memref_slice %arg10[%dma_start3A_976, %dma_start3A_977, %dma_start3A_978] : memref<4x128x64xf32, #tpu.memory_space<vmem>> -> memref<1x128x64xf32, #tpu.memory_space<vmem>>
    %dma_start3A_980 = tpu.memref_squeeze %dma_start3A_979 : memref<1x128x64xf32, #tpu.memory_space<vmem>> -> memref<128x64xf32, #tpu.memory_space<vmem>>
    %dma_start3A_981 = arith.constant 0 : i32
    %dma_start3A_982 = tpu.memref_slice %arg7[%dma_start3A_975, %dma_start3A_981] : memref<42x128xi32, #tpu.memory_space<vmem>> -> memref<1x128xi32, #tpu.memory_space<vmem>>
    %dma_start3A_983 = tpu.memref_squeeze %dma_start3A_982 : memref<1x128xi32, #tpu.memory_space<vmem>> -> memref<128xi32, #tpu.memory_space<vmem>>
    %dma_start3A_984 = arith.constant 0 : i32
    %dma_start3A_985 = arith.constant 0 : i32
    %dma_start3A_986 = tpu.memref_slice %arg11[%dma_start3A_984, %dma_start3A_985] : memref<3000x64xf32, #tpu.memory_space<vmem_shared>> -> memref<3000x64xf32, #tpu.memory_space<vmem_shared>>
    tpu.enqueue_indirect_dma source(%dma_start3A_986 : memref<3000x64xf32, #tpu.memory_space<vmem_shared>>) target(%dma_start3A_980 : memref<128x64xf32, #tpu.memory_space<vmem>>) offsets(%dma_start3A_983 : memref<128xi32, #tpu.memory_space<vmem>>) semaphore(%arg18 : memref<!tpu.dma_semaphore, #tpu.memory_space<semaphore_mem>>)
    %dma_wait3A_987 = arith.constant 25 : i32
    %dma_wait3A_988 = arith.constant 3 : i32
    %dma_wait3A_989 = arith.constant 0 : i32
    %dma_wait3A_990 = arith.constant 0 : i32
    %dma_wait3A_991 = tpu.memref_slice %arg10[%dma_wait3A_988, %dma_wait3A_989, %dma_wait3A_990] : memref<4x128x64xf32, #tpu.memory_space<vmem>> -> memref<1x128x64xf32, #tpu.memory_space<vmem>>
    %dma_wait3A_992 = tpu.memref_squeeze %dma_wait3A_991 : memref<1x128x64xf32, #tpu.memory_space<vmem>> -> memref<128x64xf32, #tpu.memory_space<vmem>>
    %dma_wait3A_993 = arith.constant 0 : i32
    %dma_wait3A_994 = tpu.memref_slice %arg7[%dma_wait3A_987, %dma_wait3A_993] : memref<42x128xi32, #tpu.memory_space<vmem>> -> memref<1x128xi32, #tpu.memory_space<vmem>>
    %dma_wait3A_995 = tpu.memref_squeeze %dma_wait3A_994 : memref<1x128xi32, #tpu.memory_space<vmem>> -> memref<128xi32, #tpu.memory_space<vmem>>
    %dma_wait3A_996 = arith.constant 0 : i32
    %dma_wait3A_997 = arith.constant 0 : i32
    %dma_wait3A_998 = tpu.memref_slice %arg11[%dma_wait3A_996, %dma_wait3A_997] : memref<3000x64xf32, #tpu.memory_space<vmem_shared>> -> memref<3000x64xf32, #tpu.memory_space<vmem_shared>>
    tpu.wait_indirect_dma semaphore(%arg21 : memref<!tpu.dma_semaphore, #tpu.memory_space<semaphore_mem>>) src(%dma_wait3A_998 : memref<3000x64xf32, #tpu.memory_space<vmem_shared>>) dst(%dma_wait3A_992 : memref<128x64xf32, #tpu.memory_space<vmem>>)
    %dma_start3A_999 = arith.constant 3 : i32
    %dma_start3A_1000 = arith.constant 25 : i32
    %dma_start3A_1001 = arith.constant 0 : i32
    %dma_start3A_1002 = arith.constant 0 : i32
    %dma_start3A_1003 = tpu.memref_slice %arg10[%dma_start3A_999, %dma_start3A_1001, %dma_start3A_1002] : memref<4x128x64xf32, #tpu.memory_space<vmem>> -> memref<1x128x64xf32, #tpu.memory_space<vmem>>
    %dma_start3A_1004 = tpu.memref_squeeze %dma_start3A_1003 : memref<1x128x64xf32, #tpu.memory_space<vmem>> -> memref<128x64xf32, #tpu.memory_space<vmem>>
    %dma_start3A_1005 = arith.constant 0 : i32
    %dma_start3A_1006 = tpu.memref_slice %arg8[%dma_start3A_1000, %dma_start3A_1005] : memref<42x128xi32, #tpu.memory_space<vmem>> -> memref<1x128xi32, #tpu.memory_space<vmem>>
    %dma_start3A_1007 = tpu.memref_squeeze %dma_start3A_1006 : memref<1x128xi32, #tpu.memory_space<vmem>> -> memref<128xi32, #tpu.memory_space<vmem>>
    %dma_start3A_1008 = arith.constant 0 : i32
    %dma_start3A_1009 = arith.constant 0 : i32
    %dma_start3A_1010 = tpu.memref_slice %arg6[%dma_start3A_1008, %dma_start3A_1009] : memref<172032x64xf32, #tpu.memory_space<hbm>> -> memref<172032x64xf32, #tpu.memory_space<hbm>>
    tpu.enqueue_indirect_dma source(%dma_start3A_1004 : memref<128x64xf32, #tpu.memory_space<vmem>>) target(%dma_start3A_1010 : memref<172032x64xf32, #tpu.memory_space<hbm>>) offsets(%dma_start3A_1007 : memref<128xi32, #tpu.memory_space<vmem>>) semaphore(%arg25 : memref<!tpu.dma_semaphore, #tpu.memory_space<semaphore_mem>>)
    %dma_wait3A_1011 = arith.constant 1 : i32
    %dma_wait3A_1012 = arith.constant 23 : i32
    %dma_wait3A_1013 = arith.constant 0 : i32
    %dma_wait3A_1014 = arith.constant 0 : i32
    %dma_wait3A_1015 = tpu.memref_slice %arg10[%dma_wait3A_1011, %dma_wait3A_1013, %dma_wait3A_1014] : memref<4x128x64xf32, #tpu.memory_space<vmem>> -> memref<1x128x64xf32, #tpu.memory_space<vmem>>
    %dma_wait3A_1016 = tpu.memref_squeeze %dma_wait3A_1015 : memref<1x128x64xf32, #tpu.memory_space<vmem>> -> memref<128x64xf32, #tpu.memory_space<vmem>>
    %dma_wait3A_1017 = arith.constant 0 : i32
    %dma_wait3A_1018 = tpu.memref_slice %arg8[%dma_wait3A_1012, %dma_wait3A_1017] : memref<42x128xi32, #tpu.memory_space<vmem>> -> memref<1x128xi32, #tpu.memory_space<vmem>>
    %dma_wait3A_1019 = tpu.memref_squeeze %dma_wait3A_1018 : memref<1x128xi32, #tpu.memory_space<vmem>> -> memref<128xi32, #tpu.memory_space<vmem>>
    %dma_wait3A_1020 = arith.constant 0 : i32
    %dma_wait3A_1021 = arith.constant 0 : i32
    %dma_wait3A_1022 = tpu.memref_slice %arg6[%dma_wait3A_1020, %dma_wait3A_1021] : memref<172032x64xf32, #tpu.memory_space<hbm>> -> memref<172032x64xf32, #tpu.memory_space<hbm>>
    tpu.wait_indirect_dma semaphore(%arg23 : memref<!tpu.dma_semaphore, #tpu.memory_space<semaphore_mem>>) src(%dma_wait3A_1016 : memref<128x64xf32, #tpu.memory_space<vmem>>) dst(%dma_wait3A_1022 : memref<172032x64xf32, #tpu.memory_space<hbm>>)
    %dma_start3A_1023 = arith.constant 27 : i32
    %dma_start3A_1024 = arith.constant 1 : i32
    %dma_start3A_1025 = arith.constant 0 : i32
    %dma_start3A_1026 = arith.constant 0 : i32
    %dma_start3A_1027 = tpu.memref_slice %arg10[%dma_start3A_1024, %dma_start3A_1025, %dma_start3A_1026] : memref<4x128x64xf32, #tpu.memory_space<vmem>> -> memref<1x128x64xf32, #tpu.memory_space<vmem>>
    %dma_start3A_1028 = tpu.memref_squeeze %dma_start3A_1027 : memref<1x128x64xf32, #tpu.memory_space<vmem>> -> memref<128x64xf32, #tpu.memory_space<vmem>>
    %dma_start3A_1029 = arith.constant 0 : i32
    %dma_start3A_1030 = tpu.memref_slice %arg7[%dma_start3A_1023, %dma_start3A_1029] : memref<42x128xi32, #tpu.memory_space<vmem>> -> memref<1x128xi32, #tpu.memory_space<vmem>>
    %dma_start3A_1031 = tpu.memref_squeeze %dma_start3A_1030 : memref<1x128xi32, #tpu.memory_space<vmem>> -> memref<128xi32, #tpu.memory_space<vmem>>
    %dma_start3A_1032 = arith.constant 0 : i32
    %dma_start3A_1033 = arith.constant 0 : i32
    %dma_start3A_1034 = tpu.memref_slice %arg11[%dma_start3A_1032, %dma_start3A_1033] : memref<3000x64xf32, #tpu.memory_space<vmem_shared>> -> memref<3000x64xf32, #tpu.memory_space<vmem_shared>>
    tpu.enqueue_indirect_dma source(%dma_start3A_1034 : memref<3000x64xf32, #tpu.memory_space<vmem_shared>>) target(%dma_start3A_1028 : memref<128x64xf32, #tpu.memory_space<vmem>>) offsets(%dma_start3A_1031 : memref<128xi32, #tpu.memory_space<vmem>>) semaphore(%arg19 : memref<!tpu.dma_semaphore, #tpu.memory_space<semaphore_mem>>)
    %dma_wait3A_1035 = arith.constant 26 : i32
    %dma_wait3A_1036 = arith.constant 0 : i32
    %dma_wait3A_1037 = arith.constant 0 : i32
    %dma_wait3A_1038 = arith.constant 0 : i32
    %dma_wait3A_1039 = tpu.memref_slice %arg10[%dma_wait3A_1036, %dma_wait3A_1037, %dma_wait3A_1038] : memref<4x128x64xf32, #tpu.memory_space<vmem>> -> memref<1x128x64xf32, #tpu.memory_space<vmem>>
    %dma_wait3A_1040 = tpu.memref_squeeze %dma_wait3A_1039 : memref<1x128x64xf32, #tpu.memory_space<vmem>> -> memref<128x64xf32, #tpu.memory_space<vmem>>
    %dma_wait3A_1041 = arith.constant 0 : i32
    %dma_wait3A_1042 = tpu.memref_slice %arg7[%dma_wait3A_1035, %dma_wait3A_1041] : memref<42x128xi32, #tpu.memory_space<vmem>> -> memref<1x128xi32, #tpu.memory_space<vmem>>
    %dma_wait3A_1043 = tpu.memref_squeeze %dma_wait3A_1042 : memref<1x128xi32, #tpu.memory_space<vmem>> -> memref<128xi32, #tpu.memory_space<vmem>>
    %dma_wait3A_1044 = arith.constant 0 : i32
    %dma_wait3A_1045 = arith.constant 0 : i32
    %dma_wait3A_1046 = tpu.memref_slice %arg11[%dma_wait3A_1044, %dma_wait3A_1045] : memref<3000x64xf32, #tpu.memory_space<vmem_shared>> -> memref<3000x64xf32, #tpu.memory_space<vmem_shared>>
    tpu.wait_indirect_dma semaphore(%arg18 : memref<!tpu.dma_semaphore, #tpu.memory_space<semaphore_mem>>) src(%dma_wait3A_1046 : memref<3000x64xf32, #tpu.memory_space<vmem_shared>>) dst(%dma_wait3A_1040 : memref<128x64xf32, #tpu.memory_space<vmem>>)
    %dma_start3A_1047 = arith.constant 0 : i32
    %dma_start3A_1048 = arith.constant 26 : i32
    %dma_start3A_1049 = arith.constant 0 : i32
    %dma_start3A_1050 = arith.constant 0 : i32
    %dma_start3A_1051 = tpu.memref_slice %arg10[%dma_start3A_1047, %dma_start3A_1049, %dma_start3A_1050] : memref<4x128x64xf32, #tpu.memory_space<vmem>> -> memref<1x128x64xf32, #tpu.memory_space<vmem>>
    %dma_start3A_1052 = tpu.memref_squeeze %dma_start3A_1051 : memref<1x128x64xf32, #tpu.memory_space<vmem>> -> memref<128x64xf32, #tpu.memory_space<vmem>>
    %dma_start3A_1053 = arith.constant 0 : i32
    %dma_start3A_1054 = tpu.memref_slice %arg8[%dma_start3A_1048, %dma_start3A_1053] : memref<42x128xi32, #tpu.memory_space<vmem>> -> memref<1x128xi32, #tpu.memory_space<vmem>>
    %dma_start3A_1055 = tpu.memref_squeeze %dma_start3A_1054 : memref<1x128xi32, #tpu.memory_space<vmem>> -> memref<128xi32, #tpu.memory_space<vmem>>
    %dma_start3A_1056 = arith.constant 0 : i32
    %dma_start3A_1057 = arith.constant 0 : i32
    %dma_start3A_1058 = tpu.memref_slice %arg6[%dma_start3A_1056, %dma_start3A_1057] : memref<172032x64xf32, #tpu.memory_space<hbm>> -> memref<172032x64xf32, #tpu.memory_space<hbm>>
    tpu.enqueue_indirect_dma source(%dma_start3A_1052 : memref<128x64xf32, #tpu.memory_space<vmem>>) target(%dma_start3A_1058 : memref<172032x64xf32, #tpu.memory_space<hbm>>) offsets(%dma_start3A_1055 : memref<128xi32, #tpu.memory_space<vmem>>) semaphore(%arg22 : memref<!tpu.dma_semaphore, #tpu.memory_space<semaphore_mem>>)
    %dma_wait3A_1059 = arith.constant 2 : i32
    %dma_wait3A_1060 = arith.constant 24 : i32
    %dma_wait3A_1061 = arith.constant 0 : i32
    %dma_wait3A_1062 = arith.constant 0 : i32
    %dma_wait3A_1063 = tpu.memref_slice %arg10[%dma_wait3A_1059, %dma_wait3A_1061, %dma_wait3A_1062] : memref<4x128x64xf32, #tpu.memory_space<vmem>> -> memref<1x128x64xf32, #tpu.memory_space<vmem>>
    %dma_wait3A_1064 = tpu.memref_squeeze %dma_wait3A_1063 : memref<1x128x64xf32, #tpu.memory_space<vmem>> -> memref<128x64xf32, #tpu.memory_space<vmem>>
    %dma_wait3A_1065 = arith.constant 0 : i32
    %dma_wait3A_1066 = tpu.memref_slice %arg8[%dma_wait3A_1060, %dma_wait3A_1065] : memref<42x128xi32, #tpu.memory_space<vmem>> -> memref<1x128xi32, #tpu.memory_space<vmem>>
    %dma_wait3A_1067 = tpu.memref_squeeze %dma_wait3A_1066 : memref<1x128xi32, #tpu.memory_space<vmem>> -> memref<128xi32, #tpu.memory_space<vmem>>
    %dma_wait3A_1068 = arith.constant 0 : i32
    %dma_wait3A_1069 = arith.constant 0 : i32
    %dma_wait3A_1070 = tpu.memref_slice %arg6[%dma_wait3A_1068, %dma_wait3A_1069] : memref<172032x64xf32, #tpu.memory_space<hbm>> -> memref<172032x64xf32, #tpu.memory_space<hbm>>
    tpu.wait_indirect_dma semaphore(%arg24 : memref<!tpu.dma_semaphore, #tpu.memory_space<semaphore_mem>>) src(%dma_wait3A_1064 : memref<128x64xf32, #tpu.memory_space<vmem>>) dst(%dma_wait3A_1070 : memref<172032x64xf32, #tpu.memory_space<hbm>>)
    %dma_start3A_1071 = arith.constant 28 : i32
    %dma_start3A_1072 = arith.constant 2 : i32
    %dma_start3A_1073 = arith.constant 0 : i32
    %dma_start3A_1074 = arith.constant 0 : i32
    %dma_start3A_1075 = tpu.memref_slice %arg10[%dma_start3A_1072, %dma_start3A_1073, %dma_start3A_1074] : memref<4x128x64xf32, #tpu.memory_space<vmem>> -> memref<1x128x64xf32, #tpu.memory_space<vmem>>
    %dma_start3A_1076 = tpu.memref_squeeze %dma_start3A_1075 : memref<1x128x64xf32, #tpu.memory_space<vmem>> -> memref<128x64xf32, #tpu.memory_space<vmem>>
    %dma_start3A_1077 = arith.constant 0 : i32
    %dma_start3A_1078 = tpu.memref_slice %arg7[%dma_start3A_1071, %dma_start3A_1077] : memref<42x128xi32, #tpu.memory_space<vmem>> -> memref<1x128xi32, #tpu.memory_space<vmem>>
    %dma_start3A_1079 = tpu.memref_squeeze %dma_start3A_1078 : memref<1x128xi32, #tpu.memory_space<vmem>> -> memref<128xi32, #tpu.memory_space<vmem>>
    %dma_start3A_1080 = arith.constant 0 : i32
    %dma_start3A_1081 = arith.constant 0 : i32
    %dma_start3A_1082 = tpu.memref_slice %arg11[%dma_start3A_1080, %dma_start3A_1081] : memref<3000x64xf32, #tpu.memory_space<vmem_shared>> -> memref<3000x64xf32, #tpu.memory_space<vmem_shared>>
    tpu.enqueue_indirect_dma source(%dma_start3A_1082 : memref<3000x64xf32, #tpu.memory_space<vmem_shared>>) target(%dma_start3A_1076 : memref<128x64xf32, #tpu.memory_space<vmem>>) offsets(%dma_start3A_1079 : memref<128xi32, #tpu.memory_space<vmem>>) semaphore(%arg20 : memref<!tpu.dma_semaphore, #tpu.memory_space<semaphore_mem>>)
    %dma_wait3A_1083 = arith.constant 27 : i32
    %dma_wait3A_1084 = arith.constant 1 : i32
    %dma_wait3A_1085 = arith.constant 0 : i32
    %dma_wait3A_1086 = arith.constant 0 : i32
    %dma_wait3A_1087 = tpu.memref_slice %arg10[%dma_wait3A_1084, %dma_wait3A_1085, %dma_wait3A_1086] : memref<4x128x64xf32, #tpu.memory_space<vmem>> -> memref<1x128x64xf32, #tpu.memory_space<vmem>>
    %dma_wait3A_1088 = tpu.memref_squeeze %dma_wait3A_1087 : memref<1x128x64xf32, #tpu.memory_space<vmem>> -> memref<128x64xf32, #tpu.memory_space<vmem>>
    %dma_wait3A_1089 = arith.constant 0 : i32
    %dma_wait3A_1090 = tpu.memref_slice %arg7[%dma_wait3A_1083, %dma_wait3A_1089] : memref<42x128xi32, #tpu.memory_space<vmem>> -> memref<1x128xi32, #tpu.memory_space<vmem>>
    %dma_wait3A_1091 = tpu.memref_squeeze %dma_wait3A_1090 : memref<1x128xi32, #tpu.memory_space<vmem>> -> memref<128xi32, #tpu.memory_space<vmem>>
    %dma_wait3A_1092 = arith.constant 0 : i32
    %dma_wait3A_1093 = arith.constant 0 : i32
    %dma_wait3A_1094 = tpu.memref_slice %arg11[%dma_wait3A_1092, %dma_wait3A_1093] : memref<3000x64xf32, #tpu.memory_space<vmem_shared>> -> memref<3000x64xf32, #tpu.memory_space<vmem_shared>>
    tpu.wait_indirect_dma semaphore(%arg19 : memref<!tpu.dma_semaphore, #tpu.memory_space<semaphore_mem>>) src(%dma_wait3A_1094 : memref<3000x64xf32, #tpu.memory_space<vmem_shared>>) dst(%dma_wait3A_1088 : memref<128x64xf32, #tpu.memory_space<vmem>>)
    %dma_start3A_1095 = arith.constant 1 : i32
    %dma_start3A_1096 = arith.constant 27 : i32
    %dma_start3A_1097 = arith.constant 0 : i32
    %dma_start3A_1098 = arith.constant 0 : i32
    %dma_start3A_1099 = tpu.memref_slice %arg10[%dma_start3A_1095, %dma_start3A_1097, %dma_start3A_1098] : memref<4x128x64xf32, #tpu.memory_space<vmem>> -> memref<1x128x64xf32, #tpu.memory_space<vmem>>
    %dma_start3A_1100 = tpu.memref_squeeze %dma_start3A_1099 : memref<1x128x64xf32, #tpu.memory_space<vmem>> -> memref<128x64xf32, #tpu.memory_space<vmem>>
    %dma_start3A_1101 = arith.constant 0 : i32
    %dma_start3A_1102 = tpu.memref_slice %arg8[%dma_start3A_1096, %dma_start3A_1101] : memref<42x128xi32, #tpu.memory_space<vmem>> -> memref<1x128xi32, #tpu.memory_space<vmem>>
    %dma_start3A_1103 = tpu.memref_squeeze %dma_start3A_1102 : memref<1x128xi32, #tpu.memory_space<vmem>> -> memref<128xi32, #tpu.memory_space<vmem>>
    %dma_start3A_1104 = arith.constant 0 : i32
    %dma_start3A_1105 = arith.constant 0 : i32
    %dma_start3A_1106 = tpu.memref_slice %arg6[%dma_start3A_1104, %dma_start3A_1105] : memref<172032x64xf32, #tpu.memory_space<hbm>> -> memref<172032x64xf32, #tpu.memory_space<hbm>>
    tpu.enqueue_indirect_dma source(%dma_start3A_1100 : memref<128x64xf32, #tpu.memory_space<vmem>>) target(%dma_start3A_1106 : memref<172032x64xf32, #tpu.memory_space<hbm>>) offsets(%dma_start3A_1103 : memref<128xi32, #tpu.memory_space<vmem>>) semaphore(%arg23 : memref<!tpu.dma_semaphore, #tpu.memory_space<semaphore_mem>>)
    %dma_wait3A_1107 = arith.constant 3 : i32
    %dma_wait3A_1108 = arith.constant 25 : i32
    %dma_wait3A_1109 = arith.constant 0 : i32
    %dma_wait3A_1110 = arith.constant 0 : i32
    %dma_wait3A_1111 = tpu.memref_slice %arg10[%dma_wait3A_1107, %dma_wait3A_1109, %dma_wait3A_1110] : memref<4x128x64xf32, #tpu.memory_space<vmem>> -> memref<1x128x64xf32, #tpu.memory_space<vmem>>
    %dma_wait3A_1112 = tpu.memref_squeeze %dma_wait3A_1111 : memref<1x128x64xf32, #tpu.memory_space<vmem>> -> memref<128x64xf32, #tpu.memory_space<vmem>>
    %dma_wait3A_1113 = arith.constant 0 : i32
    %dma_wait3A_1114 = tpu.memref_slice %arg8[%dma_wait3A_1108, %dma_wait3A_1113] : memref<42x128xi32, #tpu.memory_space<vmem>> -> memref<1x128xi32, #tpu.memory_space<vmem>>
    %dma_wait3A_1115 = tpu.memref_squeeze %dma_wait3A_1114 : memref<1x128xi32, #tpu.memory_space<vmem>> -> memref<128xi32, #tpu.memory_space<vmem>>
    %dma_wait3A_1116 = arith.constant 0 : i32
    %dma_wait3A_1117 = arith.constant 0 : i32
    %dma_wait3A_1118 = tpu.memref_slice %arg6[%dma_wait3A_1116, %dma_wait3A_1117] : memref<172032x64xf32, #tpu.memory_space<hbm>> -> memref<172032x64xf32, #tpu.memory_space<hbm>>
    tpu.wait_indirect_dma semaphore(%arg25 : memref<!tpu.dma_semaphore, #tpu.memory_space<semaphore_mem>>) src(%dma_wait3A_1112 : memref<128x64xf32, #tpu.memory_space<vmem>>) dst(%dma_wait3A_1118 : memref<172032x64xf32, #tpu.memory_space<hbm>>)
    %dma_start3A_1119 = arith.constant 29 : i32
    %dma_start3A_1120 = arith.constant 3 : i32
    %dma_start3A_1121 = arith.constant 0 : i32
    %dma_start3A_1122 = arith.constant 0 : i32
    %dma_start3A_1123 = tpu.memref_slice %arg10[%dma_start3A_1120, %dma_start3A_1121, %dma_start3A_1122] : memref<4x128x64xf32, #tpu.memory_space<vmem>> -> memref<1x128x64xf32, #tpu.memory_space<vmem>>
    %dma_start3A_1124 = tpu.memref_squeeze %dma_start3A_1123 : memref<1x128x64xf32, #tpu.memory_space<vmem>> -> memref<128x64xf32, #tpu.memory_space<vmem>>
    %dma_start3A_1125 = arith.constant 0 : i32
    %dma_start3A_1126 = tpu.memref_slice %arg7[%dma_start3A_1119, %dma_start3A_1125] : memref<42x128xi32, #tpu.memory_space<vmem>> -> memref<1x128xi32, #tpu.memory_space<vmem>>
    %dma_start3A_1127 = tpu.memref_squeeze %dma_start3A_1126 : memref<1x128xi32, #tpu.memory_space<vmem>> -> memref<128xi32, #tpu.memory_space<vmem>>
    %dma_start3A_1128 = arith.constant 0 : i32
    %dma_start3A_1129 = arith.constant 0 : i32
    %dma_start3A_1130 = tpu.memref_slice %arg11[%dma_start3A_1128, %dma_start3A_1129] : memref<3000x64xf32, #tpu.memory_space<vmem_shared>> -> memref<3000x64xf32, #tpu.memory_space<vmem_shared>>
    tpu.enqueue_indirect_dma source(%dma_start3A_1130 : memref<3000x64xf32, #tpu.memory_space<vmem_shared>>) target(%dma_start3A_1124 : memref<128x64xf32, #tpu.memory_space<vmem>>) offsets(%dma_start3A_1127 : memref<128xi32, #tpu.memory_space<vmem>>) semaphore(%arg21 : memref<!tpu.dma_semaphore, #tpu.memory_space<semaphore_mem>>)
    %dma_wait3A_1131 = arith.constant 28 : i32
    %dma_wait3A_1132 = arith.constant 2 : i32
    %dma_wait3A_1133 = arith.constant 0 : i32
    %dma_wait3A_1134 = arith.constant 0 : i32
    %dma_wait3A_1135 = tpu.memref_slice %arg10[%dma_wait3A_1132, %dma_wait3A_1133, %dma_wait3A_1134] : memref<4x128x64xf32, #tpu.memory_space<vmem>> -> memref<1x128x64xf32, #tpu.memory_space<vmem>>
    %dma_wait3A_1136 = tpu.memref_squeeze %dma_wait3A_1135 : memref<1x128x64xf32, #tpu.memory_space<vmem>> -> memref<128x64xf32, #tpu.memory_space<vmem>>
    %dma_wait3A_1137 = arith.constant 0 : i32
    %dma_wait3A_1138 = tpu.memref_slice %arg7[%dma_wait3A_1131, %dma_wait3A_1137] : memref<42x128xi32, #tpu.memory_space<vmem>> -> memref<1x128xi32, #tpu.memory_space<vmem>>
    %dma_wait3A_1139 = tpu.memref_squeeze %dma_wait3A_1138 : memref<1x128xi32, #tpu.memory_space<vmem>> -> memref<128xi32, #tpu.memory_space<vmem>>
    %dma_wait3A_1140 = arith.constant 0 : i32
    %dma_wait3A_1141 = arith.constant 0 : i32
    %dma_wait3A_1142 = tpu.memref_slice %arg11[%dma_wait3A_1140, %dma_wait3A_1141] : memref<3000x64xf32, #tpu.memory_space<vmem_shared>> -> memref<3000x64xf32, #tpu.memory_space<vmem_shared>>
    tpu.wait_indirect_dma semaphore(%arg20 : memref<!tpu.dma_semaphore, #tpu.memory_space<semaphore_mem>>) src(%dma_wait3A_1142 : memref<3000x64xf32, #tpu.memory_space<vmem_shared>>) dst(%dma_wait3A_1136 : memref<128x64xf32, #tpu.memory_space<vmem>>)
    %dma_start3A_1143 = arith.constant 2 : i32
    %dma_start3A_1144 = arith.constant 28 : i32
    %dma_start3A_1145 = arith.constant 0 : i32
    %dma_start3A_1146 = arith.constant 0 : i32
    %dma_start3A_1147 = tpu.memref_slice %arg10[%dma_start3A_1143, %dma_start3A_1145, %dma_start3A_1146] : memref<4x128x64xf32, #tpu.memory_space<vmem>> -> memref<1x128x64xf32, #tpu.memory_space<vmem>>
    %dma_start3A_1148 = tpu.memref_squeeze %dma_start3A_1147 : memref<1x128x64xf32, #tpu.memory_space<vmem>> -> memref<128x64xf32, #tpu.memory_space<vmem>>
    %dma_start3A_1149 = arith.constant 0 : i32
    %dma_start3A_1150 = tpu.memref_slice %arg8[%dma_start3A_1144, %dma_start3A_1149] : memref<42x128xi32, #tpu.memory_space<vmem>> -> memref<1x128xi32, #tpu.memory_space<vmem>>
    %dma_start3A_1151 = tpu.memref_squeeze %dma_start3A_1150 : memref<1x128xi32, #tpu.memory_space<vmem>> -> memref<128xi32, #tpu.memory_space<vmem>>
    %dma_start3A_1152 = arith.constant 0 : i32
    %dma_start3A_1153 = arith.constant 0 : i32
    %dma_start3A_1154 = tpu.memref_slice %arg6[%dma_start3A_1152, %dma_start3A_1153] : memref<172032x64xf32, #tpu.memory_space<hbm>> -> memref<172032x64xf32, #tpu.memory_space<hbm>>
    tpu.enqueue_indirect_dma source(%dma_start3A_1148 : memref<128x64xf32, #tpu.memory_space<vmem>>) target(%dma_start3A_1154 : memref<172032x64xf32, #tpu.memory_space<hbm>>) offsets(%dma_start3A_1151 : memref<128xi32, #tpu.memory_space<vmem>>) semaphore(%arg24 : memref<!tpu.dma_semaphore, #tpu.memory_space<semaphore_mem>>)
    %dma_wait3A_1155 = arith.constant 0 : i32
    %dma_wait3A_1156 = arith.constant 26 : i32
    %dma_wait3A_1157 = arith.constant 0 : i32
    %dma_wait3A_1158 = arith.constant 0 : i32
    %dma_wait3A_1159 = tpu.memref_slice %arg10[%dma_wait3A_1155, %dma_wait3A_1157, %dma_wait3A_1158] : memref<4x128x64xf32, #tpu.memory_space<vmem>> -> memref<1x128x64xf32, #tpu.memory_space<vmem>>
    %dma_wait3A_1160 = tpu.memref_squeeze %dma_wait3A_1159 : memref<1x128x64xf32, #tpu.memory_space<vmem>> -> memref<128x64xf32, #tpu.memory_space<vmem>>
    %dma_wait3A_1161 = arith.constant 0 : i32
    %dma_wait3A_1162 = tpu.memref_slice %arg8[%dma_wait3A_1156, %dma_wait3A_1161] : memref<42x128xi32, #tpu.memory_space<vmem>> -> memref<1x128xi32, #tpu.memory_space<vmem>>
    %dma_wait3A_1163 = tpu.memref_squeeze %dma_wait3A_1162 : memref<1x128xi32, #tpu.memory_space<vmem>> -> memref<128xi32, #tpu.memory_space<vmem>>
    %dma_wait3A_1164 = arith.constant 0 : i32
    %dma_wait3A_1165 = arith.constant 0 : i32
    %dma_wait3A_1166 = tpu.memref_slice %arg6[%dma_wait3A_1164, %dma_wait3A_1165] : memref<172032x64xf32, #tpu.memory_space<hbm>> -> memref<172032x64xf32, #tpu.memory_space<hbm>>
    tpu.wait_indirect_dma semaphore(%arg22 : memref<!tpu.dma_semaphore, #tpu.memory_space<semaphore_mem>>) src(%dma_wait3A_1160 : memref<128x64xf32, #tpu.memory_space<vmem>>) dst(%dma_wait3A_1166 : memref<172032x64xf32, #tpu.memory_space<hbm>>)
    %dma_start3A_1167 = arith.constant 30 : i32
    %dma_start3A_1168 = arith.constant 0 : i32
    %dma_start3A_1169 = arith.constant 0 : i32
    %dma_start3A_1170 = arith.constant 0 : i32
    %dma_start3A_1171 = tpu.memref_slice %arg10[%dma_start3A_1168, %dma_start3A_1169, %dma_start3A_1170] : memref<4x128x64xf32, #tpu.memory_space<vmem>> -> memref<1x128x64xf32, #tpu.memory_space<vmem>>
    %dma_start3A_1172 = tpu.memref_squeeze %dma_start3A_1171 : memref<1x128x64xf32, #tpu.memory_space<vmem>> -> memref<128x64xf32, #tpu.memory_space<vmem>>
    %dma_start3A_1173 = arith.constant 0 : i32
    %dma_start3A_1174 = tpu.memref_slice %arg7[%dma_start3A_1167, %dma_start3A_1173] : memref<42x128xi32, #tpu.memory_space<vmem>> -> memref<1x128xi32, #tpu.memory_space<vmem>>
    %dma_start3A_1175 = tpu.memref_squeeze %dma_start3A_1174 : memref<1x128xi32, #tpu.memory_space<vmem>> -> memref<128xi32, #tpu.memory_space<vmem>>
    %dma_start3A_1176 = arith.constant 0 : i32
    %dma_start3A_1177 = arith.constant 0 : i32
    %dma_start3A_1178 = tpu.memref_slice %arg11[%dma_start3A_1176, %dma_start3A_1177] : memref<3000x64xf32, #tpu.memory_space<vmem_shared>> -> memref<3000x64xf32, #tpu.memory_space<vmem_shared>>
    tpu.enqueue_indirect_dma source(%dma_start3A_1178 : memref<3000x64xf32, #tpu.memory_space<vmem_shared>>) target(%dma_start3A_1172 : memref<128x64xf32, #tpu.memory_space<vmem>>) offsets(%dma_start3A_1175 : memref<128xi32, #tpu.memory_space<vmem>>) semaphore(%arg18 : memref<!tpu.dma_semaphore, #tpu.memory_space<semaphore_mem>>)
    %dma_wait3A_1179 = arith.constant 29 : i32
    %dma_wait3A_1180 = arith.constant 3 : i32
    %dma_wait3A_1181 = arith.constant 0 : i32
    %dma_wait3A_1182 = arith.constant 0 : i32
    %dma_wait3A_1183 = tpu.memref_slice %arg10[%dma_wait3A_1180, %dma_wait3A_1181, %dma_wait3A_1182] : memref<4x128x64xf32, #tpu.memory_space<vmem>> -> memref<1x128x64xf32, #tpu.memory_space<vmem>>
    %dma_wait3A_1184 = tpu.memref_squeeze %dma_wait3A_1183 : memref<1x128x64xf32, #tpu.memory_space<vmem>> -> memref<128x64xf32, #tpu.memory_space<vmem>>
    %dma_wait3A_1185 = arith.constant 0 : i32
    %dma_wait3A_1186 = tpu.memref_slice %arg7[%dma_wait3A_1179, %dma_wait3A_1185] : memref<42x128xi32, #tpu.memory_space<vmem>> -> memref<1x128xi32, #tpu.memory_space<vmem>>
    %dma_wait3A_1187 = tpu.memref_squeeze %dma_wait3A_1186 : memref<1x128xi32, #tpu.memory_space<vmem>> -> memref<128xi32, #tpu.memory_space<vmem>>
    %dma_wait3A_1188 = arith.constant 0 : i32
    %dma_wait3A_1189 = arith.constant 0 : i32
    %dma_wait3A_1190 = tpu.memref_slice %arg11[%dma_wait3A_1188, %dma_wait3A_1189] : memref<3000x64xf32, #tpu.memory_space<vmem_shared>> -> memref<3000x64xf32, #tpu.memory_space<vmem_shared>>
    tpu.wait_indirect_dma semaphore(%arg21 : memref<!tpu.dma_semaphore, #tpu.memory_space<semaphore_mem>>) src(%dma_wait3A_1190 : memref<3000x64xf32, #tpu.memory_space<vmem_shared>>) dst(%dma_wait3A_1184 : memref<128x64xf32, #tpu.memory_space<vmem>>)
    %dma_start3A_1191 = arith.constant 3 : i32
    %dma_start3A_1192 = arith.constant 29 : i32
    %dma_start3A_1193 = arith.constant 0 : i32
    %dma_start3A_1194 = arith.constant 0 : i32
    %dma_start3A_1195 = tpu.memref_slice %arg10[%dma_start3A_1191, %dma_start3A_1193, %dma_start3A_1194] : memref<4x128x64xf32, #tpu.memory_space<vmem>> -> memref<1x128x64xf32, #tpu.memory_space<vmem>>
    %dma_start3A_1196 = tpu.memref_squeeze %dma_start3A_1195 : memref<1x128x64xf32, #tpu.memory_space<vmem>> -> memref<128x64xf32, #tpu.memory_space<vmem>>
    %dma_start3A_1197 = arith.constant 0 : i32
    %dma_start3A_1198 = tpu.memref_slice %arg8[%dma_start3A_1192, %dma_start3A_1197] : memref<42x128xi32, #tpu.memory_space<vmem>> -> memref<1x128xi32, #tpu.memory_space<vmem>>
    %dma_start3A_1199 = tpu.memref_squeeze %dma_start3A_1198 : memref<1x128xi32, #tpu.memory_space<vmem>> -> memref<128xi32, #tpu.memory_space<vmem>>
    %dma_start3A_1200 = arith.constant 0 : i32
    %dma_start3A_1201 = arith.constant 0 : i32
    %dma_start3A_1202 = tpu.memref_slice %arg6[%dma_start3A_1200, %dma_start3A_1201] : memref<172032x64xf32, #tpu.memory_space<hbm>> -> memref<172032x64xf32, #tpu.memory_space<hbm>>
    tpu.enqueue_indirect_dma source(%dma_start3A_1196 : memref<128x64xf32, #tpu.memory_space<vmem>>) target(%dma_start3A_1202 : memref<172032x64xf32, #tpu.memory_space<hbm>>) offsets(%dma_start3A_1199 : memref<128xi32, #tpu.memory_space<vmem>>) semaphore(%arg25 : memref<!tpu.dma_semaphore, #tpu.memory_space<semaphore_mem>>)
    %dma_wait3A_1203 = arith.constant 1 : i32
    %dma_wait3A_1204 = arith.constant 27 : i32
    %dma_wait3A_1205 = arith.constant 0 : i32
    %dma_wait3A_1206 = arith.constant 0 : i32
    %dma_wait3A_1207 = tpu.memref_slice %arg10[%dma_wait3A_1203, %dma_wait3A_1205, %dma_wait3A_1206] : memref<4x128x64xf32, #tpu.memory_space<vmem>> -> memref<1x128x64xf32, #tpu.memory_space<vmem>>
    %dma_wait3A_1208 = tpu.memref_squeeze %dma_wait3A_1207 : memref<1x128x64xf32, #tpu.memory_space<vmem>> -> memref<128x64xf32, #tpu.memory_space<vmem>>
    %dma_wait3A_1209 = arith.constant 0 : i32
    %dma_wait3A_1210 = tpu.memref_slice %arg8[%dma_wait3A_1204, %dma_wait3A_1209] : memref<42x128xi32, #tpu.memory_space<vmem>> -> memref<1x128xi32, #tpu.memory_space<vmem>>
    %dma_wait3A_1211 = tpu.memref_squeeze %dma_wait3A_1210 : memref<1x128xi32, #tpu.memory_space<vmem>> -> memref<128xi32, #tpu.memory_space<vmem>>
    %dma_wait3A_1212 = arith.constant 0 : i32
    %dma_wait3A_1213 = arith.constant 0 : i32
    %dma_wait3A_1214 = tpu.memref_slice %arg6[%dma_wait3A_1212, %dma_wait3A_1213] : memref<172032x64xf32, #tpu.memory_space<hbm>> -> memref<172032x64xf32, #tpu.memory_space<hbm>>
    tpu.wait_indirect_dma semaphore(%arg23 : memref<!tpu.dma_semaphore, #tpu.memory_space<semaphore_mem>>) src(%dma_wait3A_1208 : memref<128x64xf32, #tpu.memory_space<vmem>>) dst(%dma_wait3A_1214 : memref<172032x64xf32, #tpu.memory_space<hbm>>)
    %dma_start3A_1215 = arith.constant 31 : i32
    %dma_start3A_1216 = arith.constant 1 : i32
    %dma_start3A_1217 = arith.constant 0 : i32
    %dma_start3A_1218 = arith.constant 0 : i32
    %dma_start3A_1219 = tpu.memref_slice %arg10[%dma_start3A_1216, %dma_start3A_1217, %dma_start3A_1218] : memref<4x128x64xf32, #tpu.memory_space<vmem>> -> memref<1x128x64xf32, #tpu.memory_space<vmem>>
    %dma_start3A_1220 = tpu.memref_squeeze %dma_start3A_1219 : memref<1x128x64xf32, #tpu.memory_space<vmem>> -> memref<128x64xf32, #tpu.memory_space<vmem>>
    %dma_start3A_1221 = arith.constant 0 : i32
    %dma_start3A_1222 = tpu.memref_slice %arg7[%dma_start3A_1215, %dma_start3A_1221] : memref<42x128xi32, #tpu.memory_space<vmem>> -> memref<1x128xi32, #tpu.memory_space<vmem>>
    %dma_start3A_1223 = tpu.memref_squeeze %dma_start3A_1222 : memref<1x128xi32, #tpu.memory_space<vmem>> -> memref<128xi32, #tpu.memory_space<vmem>>
    %dma_start3A_1224 = arith.constant 0 : i32
    %dma_start3A_1225 = arith.constant 0 : i32
    %dma_start3A_1226 = tpu.memref_slice %arg11[%dma_start3A_1224, %dma_start3A_1225] : memref<3000x64xf32, #tpu.memory_space<vmem_shared>> -> memref<3000x64xf32, #tpu.memory_space<vmem_shared>>
    tpu.enqueue_indirect_dma source(%dma_start3A_1226 : memref<3000x64xf32, #tpu.memory_space<vmem_shared>>) target(%dma_start3A_1220 : memref<128x64xf32, #tpu.memory_space<vmem>>) offsets(%dma_start3A_1223 : memref<128xi32, #tpu.memory_space<vmem>>) semaphore(%arg19 : memref<!tpu.dma_semaphore, #tpu.memory_space<semaphore_mem>>)
    %dma_wait3A_1227 = arith.constant 30 : i32
    %dma_wait3A_1228 = arith.constant 0 : i32
    %dma_wait3A_1229 = arith.constant 0 : i32
    %dma_wait3A_1230 = arith.constant 0 : i32
    %dma_wait3A_1231 = tpu.memref_slice %arg10[%dma_wait3A_1228, %dma_wait3A_1229, %dma_wait3A_1230] : memref<4x128x64xf32, #tpu.memory_space<vmem>> -> memref<1x128x64xf32, #tpu.memory_space<vmem>>
    %dma_wait3A_1232 = tpu.memref_squeeze %dma_wait3A_1231 : memref<1x128x64xf32, #tpu.memory_space<vmem>> -> memref<128x64xf32, #tpu.memory_space<vmem>>
    %dma_wait3A_1233 = arith.constant 0 : i32
    %dma_wait3A_1234 = tpu.memref_slice %arg7[%dma_wait3A_1227, %dma_wait3A_1233] : memref<42x128xi32, #tpu.memory_space<vmem>> -> memref<1x128xi32, #tpu.memory_space<vmem>>
    %dma_wait3A_1235 = tpu.memref_squeeze %dma_wait3A_1234 : memref<1x128xi32, #tpu.memory_space<vmem>> -> memref<128xi32, #tpu.memory_space<vmem>>
    %dma_wait3A_1236 = arith.constant 0 : i32
    %dma_wait3A_1237 = arith.constant 0 : i32
    %dma_wait3A_1238 = tpu.memref_slice %arg11[%dma_wait3A_1236, %dma_wait3A_1237] : memref<3000x64xf32, #tpu.memory_space<vmem_shared>> -> memref<3000x64xf32, #tpu.memory_space<vmem_shared>>
    tpu.wait_indirect_dma semaphore(%arg18 : memref<!tpu.dma_semaphore, #tpu.memory_space<semaphore_mem>>) src(%dma_wait3A_1238 : memref<3000x64xf32, #tpu.memory_space<vmem_shared>>) dst(%dma_wait3A_1232 : memref<128x64xf32, #tpu.memory_space<vmem>>)
    %dma_start3A_1239 = arith.constant 0 : i32
    %dma_start3A_1240 = arith.constant 30 : i32
    %dma_start3A_1241 = arith.constant 0 : i32
    %dma_start3A_1242 = arith.constant 0 : i32
    %dma_start3A_1243 = tpu.memref_slice %arg10[%dma_start3A_1239, %dma_start3A_1241, %dma_start3A_1242] : memref<4x128x64xf32, #tpu.memory_space<vmem>> -> memref<1x128x64xf32, #tpu.memory_space<vmem>>
    %dma_start3A_1244 = tpu.memref_squeeze %dma_start3A_1243 : memref<1x128x64xf32, #tpu.memory_space<vmem>> -> memref<128x64xf32, #tpu.memory_space<vmem>>
    %dma_start3A_1245 = arith.constant 0 : i32
    %dma_start3A_1246 = tpu.memref_slice %arg8[%dma_start3A_1240, %dma_start3A_1245] : memref<42x128xi32, #tpu.memory_space<vmem>> -> memref<1x128xi32, #tpu.memory_space<vmem>>
    %dma_start3A_1247 = tpu.memref_squeeze %dma_start3A_1246 : memref<1x128xi32, #tpu.memory_space<vmem>> -> memref<128xi32, #tpu.memory_space<vmem>>
    %dma_start3A_1248 = arith.constant 0 : i32
    %dma_start3A_1249 = arith.constant 0 : i32
    %dma_start3A_1250 = tpu.memref_slice %arg6[%dma_start3A_1248, %dma_start3A_1249] : memref<172032x64xf32, #tpu.memory_space<hbm>> -> memref<172032x64xf32, #tpu.memory_space<hbm>>
    tpu.enqueue_indirect_dma source(%dma_start3A_1244 : memref<128x64xf32, #tpu.memory_space<vmem>>) target(%dma_start3A_1250 : memref<172032x64xf32, #tpu.memory_space<hbm>>) offsets(%dma_start3A_1247 : memref<128xi32, #tpu.memory_space<vmem>>) semaphore(%arg22 : memref<!tpu.dma_semaphore, #tpu.memory_space<semaphore_mem>>)
    %dma_wait3A_1251 = arith.constant 2 : i32
    %dma_wait3A_1252 = arith.constant 28 : i32
    %dma_wait3A_1253 = arith.constant 0 : i32
    %dma_wait3A_1254 = arith.constant 0 : i32
    %dma_wait3A_1255 = tpu.memref_slice %arg10[%dma_wait3A_1251, %dma_wait3A_1253, %dma_wait3A_1254] : memref<4x128x64xf32, #tpu.memory_space<vmem>> -> memref<1x128x64xf32, #tpu.memory_space<vmem>>
    %dma_wait3A_1256 = tpu.memref_squeeze %dma_wait3A_1255 : memref<1x128x64xf32, #tpu.memory_space<vmem>> -> memref<128x64xf32, #tpu.memory_space<vmem>>
    %dma_wait3A_1257 = arith.constant 0 : i32
    %dma_wait3A_1258 = tpu.memref_slice %arg8[%dma_wait3A_1252, %dma_wait3A_1257] : memref<42x128xi32, #tpu.memory_space<vmem>> -> memref<1x128xi32, #tpu.memory_space<vmem>>
    %dma_wait3A_1259 = tpu.memref_squeeze %dma_wait3A_1258 : memref<1x128xi32, #tpu.memory_space<vmem>> -> memref<128xi32, #tpu.memory_space<vmem>>
    %dma_wait3A_1260 = arith.constant 0 : i32
    %dma_wait3A_1261 = arith.constant 0 : i32
    %dma_wait3A_1262 = tpu.memref_slice %arg6[%dma_wait3A_1260, %dma_wait3A_1261] : memref<172032x64xf32, #tpu.memory_space<hbm>> -> memref<172032x64xf32, #tpu.memory_space<hbm>>
    tpu.wait_indirect_dma semaphore(%arg24 : memref<!tpu.dma_semaphore, #tpu.memory_space<semaphore_mem>>) src(%dma_wait3A_1256 : memref<128x64xf32, #tpu.memory_space<vmem>>) dst(%dma_wait3A_1262 : memref<172032x64xf32, #tpu.memory_space<hbm>>)
    %dma_start3A_1263 = arith.constant 32 : i32
    %dma_start3A_1264 = arith.constant 2 : i32
    %dma_start3A_1265 = arith.constant 0 : i32
    %dma_start3A_1266 = arith.constant 0 : i32
    %dma_start3A_1267 = tpu.memref_slice %arg10[%dma_start3A_1264, %dma_start3A_1265, %dma_start3A_1266] : memref<4x128x64xf32, #tpu.memory_space<vmem>> -> memref<1x128x64xf32, #tpu.memory_space<vmem>>
    %dma_start3A_1268 = tpu.memref_squeeze %dma_start3A_1267 : memref<1x128x64xf32, #tpu.memory_space<vmem>> -> memref<128x64xf32, #tpu.memory_space<vmem>>
    %dma_start3A_1269 = arith.constant 0 : i32
    %dma_start3A_1270 = tpu.memref_slice %arg7[%dma_start3A_1263, %dma_start3A_1269] : memref<42x128xi32, #tpu.memory_space<vmem>> -> memref<1x128xi32, #tpu.memory_space<vmem>>
    %dma_start3A_1271 = tpu.memref_squeeze %dma_start3A_1270 : memref<1x128xi32, #tpu.memory_space<vmem>> -> memref<128xi32, #tpu.memory_space<vmem>>
    %dma_start3A_1272 = arith.constant 0 : i32
    %dma_start3A_1273 = arith.constant 0 : i32
    %dma_start3A_1274 = tpu.memref_slice %arg11[%dma_start3A_1272, %dma_start3A_1273] : memref<3000x64xf32, #tpu.memory_space<vmem_shared>> -> memref<3000x64xf32, #tpu.memory_space<vmem_shared>>
    tpu.enqueue_indirect_dma source(%dma_start3A_1274 : memref<3000x64xf32, #tpu.memory_space<vmem_shared>>) target(%dma_start3A_1268 : memref<128x64xf32, #tpu.memory_space<vmem>>) offsets(%dma_start3A_1271 : memref<128xi32, #tpu.memory_space<vmem>>) semaphore(%arg20 : memref<!tpu.dma_semaphore, #tpu.memory_space<semaphore_mem>>)
    %dma_wait3A_1275 = arith.constant 31 : i32
    %dma_wait3A_1276 = arith.constant 1 : i32
    %dma_wait3A_1277 = arith.constant 0 : i32
    %dma_wait3A_1278 = arith.constant 0 : i32
    %dma_wait3A_1279 = tpu.memref_slice %arg10[%dma_wait3A_1276, %dma_wait3A_1277, %dma_wait3A_1278] : memref<4x128x64xf32, #tpu.memory_space<vmem>> -> memref<1x128x64xf32, #tpu.memory_space<vmem>>
    %dma_wait3A_1280 = tpu.memref_squeeze %dma_wait3A_1279 : memref<1x128x64xf32, #tpu.memory_space<vmem>> -> memref<128x64xf32, #tpu.memory_space<vmem>>
    %dma_wait3A_1281 = arith.constant 0 : i32
    %dma_wait3A_1282 = tpu.memref_slice %arg7[%dma_wait3A_1275, %dma_wait3A_1281] : memref<42x128xi32, #tpu.memory_space<vmem>> -> memref<1x128xi32, #tpu.memory_space<vmem>>
    %dma_wait3A_1283 = tpu.memref_squeeze %dma_wait3A_1282 : memref<1x128xi32, #tpu.memory_space<vmem>> -> memref<128xi32, #tpu.memory_space<vmem>>
    %dma_wait3A_1284 = arith.constant 0 : i32
    %dma_wait3A_1285 = arith.constant 0 : i32
    %dma_wait3A_1286 = tpu.memref_slice %arg11[%dma_wait3A_1284, %dma_wait3A_1285] : memref<3000x64xf32, #tpu.memory_space<vmem_shared>> -> memref<3000x64xf32, #tpu.memory_space<vmem_shared>>
    tpu.wait_indirect_dma semaphore(%arg19 : memref<!tpu.dma_semaphore, #tpu.memory_space<semaphore_mem>>) src(%dma_wait3A_1286 : memref<3000x64xf32, #tpu.memory_space<vmem_shared>>) dst(%dma_wait3A_1280 : memref<128x64xf32, #tpu.memory_space<vmem>>)
    %dma_start3A_1287 = arith.constant 1 : i32
    %dma_start3A_1288 = arith.constant 31 : i32
    %dma_start3A_1289 = arith.constant 0 : i32
    %dma_start3A_1290 = arith.constant 0 : i32
    %dma_start3A_1291 = tpu.memref_slice %arg10[%dma_start3A_1287, %dma_start3A_1289, %dma_start3A_1290] : memref<4x128x64xf32, #tpu.memory_space<vmem>> -> memref<1x128x64xf32, #tpu.memory_space<vmem>>
    %dma_start3A_1292 = tpu.memref_squeeze %dma_start3A_1291 : memref<1x128x64xf32, #tpu.memory_space<vmem>> -> memref<128x64xf32, #tpu.memory_space<vmem>>
    %dma_start3A_1293 = arith.constant 0 : i32
    %dma_start3A_1294 = tpu.memref_slice %arg8[%dma_start3A_1288, %dma_start3A_1293] : memref<42x128xi32, #tpu.memory_space<vmem>> -> memref<1x128xi32, #tpu.memory_space<vmem>>
    %dma_start3A_1295 = tpu.memref_squeeze %dma_start3A_1294 : memref<1x128xi32, #tpu.memory_space<vmem>> -> memref<128xi32, #tpu.memory_space<vmem>>
    %dma_start3A_1296 = arith.constant 0 : i32
    %dma_start3A_1297 = arith.constant 0 : i32
    %dma_start3A_1298 = tpu.memref_slice %arg6[%dma_start3A_1296, %dma_start3A_1297] : memref<172032x64xf32, #tpu.memory_space<hbm>> -> memref<172032x64xf32, #tpu.memory_space<hbm>>
    tpu.enqueue_indirect_dma source(%dma_start3A_1292 : memref<128x64xf32, #tpu.memory_space<vmem>>) target(%dma_start3A_1298 : memref<172032x64xf32, #tpu.memory_space<hbm>>) offsets(%dma_start3A_1295 : memref<128xi32, #tpu.memory_space<vmem>>) semaphore(%arg23 : memref<!tpu.dma_semaphore, #tpu.memory_space<semaphore_mem>>)
    %dma_wait3A_1299 = arith.constant 3 : i32
    %dma_wait3A_1300 = arith.constant 29 : i32
    %dma_wait3A_1301 = arith.constant 0 : i32
    %dma_wait3A_1302 = arith.constant 0 : i32
    %dma_wait3A_1303 = tpu.memref_slice %arg10[%dma_wait3A_1299, %dma_wait3A_1301, %dma_wait3A_1302] : memref<4x128x64xf32, #tpu.memory_space<vmem>> -> memref<1x128x64xf32, #tpu.memory_space<vmem>>
    %dma_wait3A_1304 = tpu.memref_squeeze %dma_wait3A_1303 : memref<1x128x64xf32, #tpu.memory_space<vmem>> -> memref<128x64xf32, #tpu.memory_space<vmem>>
    %dma_wait3A_1305 = arith.constant 0 : i32
    %dma_wait3A_1306 = tpu.memref_slice %arg8[%dma_wait3A_1300, %dma_wait3A_1305] : memref<42x128xi32, #tpu.memory_space<vmem>> -> memref<1x128xi32, #tpu.memory_space<vmem>>
    %dma_wait3A_1307 = tpu.memref_squeeze %dma_wait3A_1306 : memref<1x128xi32, #tpu.memory_space<vmem>> -> memref<128xi32, #tpu.memory_space<vmem>>
    %dma_wait3A_1308 = arith.constant 0 : i32
    %dma_wait3A_1309 = arith.constant 0 : i32
    %dma_wait3A_1310 = tpu.memref_slice %arg6[%dma_wait3A_1308, %dma_wait3A_1309] : memref<172032x64xf32, #tpu.memory_space<hbm>> -> memref<172032x64xf32, #tpu.memory_space<hbm>>
    tpu.wait_indirect_dma semaphore(%arg25 : memref<!tpu.dma_semaphore, #tpu.memory_space<semaphore_mem>>) src(%dma_wait3A_1304 : memref<128x64xf32, #tpu.memory_space<vmem>>) dst(%dma_wait3A_1310 : memref<172032x64xf32, #tpu.memory_space<hbm>>)
    %dma_start3A_1311 = arith.constant 33 : i32
    %dma_start3A_1312 = arith.constant 3 : i32
    %dma_start3A_1313 = arith.constant 0 : i32
    %dma_start3A_1314 = arith.constant 0 : i32
    %dma_start3A_1315 = tpu.memref_slice %arg10[%dma_start3A_1312, %dma_start3A_1313, %dma_start3A_1314] : memref<4x128x64xf32, #tpu.memory_space<vmem>> -> memref<1x128x64xf32, #tpu.memory_space<vmem>>
    %dma_start3A_1316 = tpu.memref_squeeze %dma_start3A_1315 : memref<1x128x64xf32, #tpu.memory_space<vmem>> -> memref<128x64xf32, #tpu.memory_space<vmem>>
    %dma_start3A_1317 = arith.constant 0 : i32
    %dma_start3A_1318 = tpu.memref_slice %arg7[%dma_start3A_1311, %dma_start3A_1317] : memref<42x128xi32, #tpu.memory_space<vmem>> -> memref<1x128xi32, #tpu.memory_space<vmem>>
    %dma_start3A_1319 = tpu.memref_squeeze %dma_start3A_1318 : memref<1x128xi32, #tpu.memory_space<vmem>> -> memref<128xi32, #tpu.memory_space<vmem>>
    %dma_start3A_1320 = arith.constant 0 : i32
    %dma_start3A_1321 = arith.constant 0 : i32
    %dma_start3A_1322 = tpu.memref_slice %arg11[%dma_start3A_1320, %dma_start3A_1321] : memref<3000x64xf32, #tpu.memory_space<vmem_shared>> -> memref<3000x64xf32, #tpu.memory_space<vmem_shared>>
    tpu.enqueue_indirect_dma source(%dma_start3A_1322 : memref<3000x64xf32, #tpu.memory_space<vmem_shared>>) target(%dma_start3A_1316 : memref<128x64xf32, #tpu.memory_space<vmem>>) offsets(%dma_start3A_1319 : memref<128xi32, #tpu.memory_space<vmem>>) semaphore(%arg21 : memref<!tpu.dma_semaphore, #tpu.memory_space<semaphore_mem>>)
    %dma_wait3A_1323 = arith.constant 32 : i32
    %dma_wait3A_1324 = arith.constant 2 : i32
    %dma_wait3A_1325 = arith.constant 0 : i32
    %dma_wait3A_1326 = arith.constant 0 : i32
    %dma_wait3A_1327 = tpu.memref_slice %arg10[%dma_wait3A_1324, %dma_wait3A_1325, %dma_wait3A_1326] : memref<4x128x64xf32, #tpu.memory_space<vmem>> -> memref<1x128x64xf32, #tpu.memory_space<vmem>>
    %dma_wait3A_1328 = tpu.memref_squeeze %dma_wait3A_1327 : memref<1x128x64xf32, #tpu.memory_space<vmem>> -> memref<128x64xf32, #tpu.memory_space<vmem>>
    %dma_wait3A_1329 = arith.constant 0 : i32
    %dma_wait3A_1330 = tpu.memref_slice %arg7[%dma_wait3A_1323, %dma_wait3A_1329] : memref<42x128xi32, #tpu.memory_space<vmem>> -> memref<1x128xi32, #tpu.memory_space<vmem>>
    %dma_wait3A_1331 = tpu.memref_squeeze %dma_wait3A_1330 : memref<1x128xi32, #tpu.memory_space<vmem>> -> memref<128xi32, #tpu.memory_space<vmem>>
    %dma_wait3A_1332 = arith.constant 0 : i32
    %dma_wait3A_1333 = arith.constant 0 : i32
    %dma_wait3A_1334 = tpu.memref_slice %arg11[%dma_wait3A_1332, %dma_wait3A_1333] : memref<3000x64xf32, #tpu.memory_space<vmem_shared>> -> memref<3000x64xf32, #tpu.memory_space<vmem_shared>>
    tpu.wait_indirect_dma semaphore(%arg20 : memref<!tpu.dma_semaphore, #tpu.memory_space<semaphore_mem>>) src(%dma_wait3A_1334 : memref<3000x64xf32, #tpu.memory_space<vmem_shared>>) dst(%dma_wait3A_1328 : memref<128x64xf32, #tpu.memory_space<vmem>>)
    %dma_start3A_1335 = arith.constant 2 : i32
    %dma_start3A_1336 = arith.constant 32 : i32
    %dma_start3A_1337 = arith.constant 0 : i32
    %dma_start3A_1338 = arith.constant 0 : i32
    %dma_start3A_1339 = tpu.memref_slice %arg10[%dma_start3A_1335, %dma_start3A_1337, %dma_start3A_1338] : memref<4x128x64xf32, #tpu.memory_space<vmem>> -> memref<1x128x64xf32, #tpu.memory_space<vmem>>
    %dma_start3A_1340 = tpu.memref_squeeze %dma_start3A_1339 : memref<1x128x64xf32, #tpu.memory_space<vmem>> -> memref<128x64xf32, #tpu.memory_space<vmem>>
    %dma_start3A_1341 = arith.constant 0 : i32
    %dma_start3A_1342 = tpu.memref_slice %arg8[%dma_start3A_1336, %dma_start3A_1341] : memref<42x128xi32, #tpu.memory_space<vmem>> -> memref<1x128xi32, #tpu.memory_space<vmem>>
    %dma_start3A_1343 = tpu.memref_squeeze %dma_start3A_1342 : memref<1x128xi32, #tpu.memory_space<vmem>> -> memref<128xi32, #tpu.memory_space<vmem>>
    %dma_start3A_1344 = arith.constant 0 : i32
    %dma_start3A_1345 = arith.constant 0 : i32
    %dma_start3A_1346 = tpu.memref_slice %arg6[%dma_start3A_1344, %dma_start3A_1345] : memref<172032x64xf32, #tpu.memory_space<hbm>> -> memref<172032x64xf32, #tpu.memory_space<hbm>>
    tpu.enqueue_indirect_dma source(%dma_start3A_1340 : memref<128x64xf32, #tpu.memory_space<vmem>>) target(%dma_start3A_1346 : memref<172032x64xf32, #tpu.memory_space<hbm>>) offsets(%dma_start3A_1343 : memref<128xi32, #tpu.memory_space<vmem>>) semaphore(%arg24 : memref<!tpu.dma_semaphore, #tpu.memory_space<semaphore_mem>>)
    %dma_wait3A_1347 = arith.constant 0 : i32
    %dma_wait3A_1348 = arith.constant 30 : i32
    %dma_wait3A_1349 = arith.constant 0 : i32
    %dma_wait3A_1350 = arith.constant 0 : i32
    %dma_wait3A_1351 = tpu.memref_slice %arg10[%dma_wait3A_1347, %dma_wait3A_1349, %dma_wait3A_1350] : memref<4x128x64xf32, #tpu.memory_space<vmem>> -> memref<1x128x64xf32, #tpu.memory_space<vmem>>
    %dma_wait3A_1352 = tpu.memref_squeeze %dma_wait3A_1351 : memref<1x128x64xf32, #tpu.memory_space<vmem>> -> memref<128x64xf32, #tpu.memory_space<vmem>>
    %dma_wait3A_1353 = arith.constant 0 : i32
    %dma_wait3A_1354 = tpu.memref_slice %arg8[%dma_wait3A_1348, %dma_wait3A_1353] : memref<42x128xi32, #tpu.memory_space<vmem>> -> memref<1x128xi32, #tpu.memory_space<vmem>>
    %dma_wait3A_1355 = tpu.memref_squeeze %dma_wait3A_1354 : memref<1x128xi32, #tpu.memory_space<vmem>> -> memref<128xi32, #tpu.memory_space<vmem>>
    %dma_wait3A_1356 = arith.constant 0 : i32
    %dma_wait3A_1357 = arith.constant 0 : i32
    %dma_wait3A_1358 = tpu.memref_slice %arg6[%dma_wait3A_1356, %dma_wait3A_1357] : memref<172032x64xf32, #tpu.memory_space<hbm>> -> memref<172032x64xf32, #tpu.memory_space<hbm>>
    tpu.wait_indirect_dma semaphore(%arg22 : memref<!tpu.dma_semaphore, #tpu.memory_space<semaphore_mem>>) src(%dma_wait3A_1352 : memref<128x64xf32, #tpu.memory_space<vmem>>) dst(%dma_wait3A_1358 : memref<172032x64xf32, #tpu.memory_space<hbm>>)
    %dma_start3A_1359 = arith.constant 34 : i32
    %dma_start3A_1360 = arith.constant 0 : i32
    %dma_start3A_1361 = arith.constant 0 : i32
    %dma_start3A_1362 = arith.constant 0 : i32
    %dma_start3A_1363 = tpu.memref_slice %arg10[%dma_start3A_1360, %dma_start3A_1361, %dma_start3A_1362] : memref<4x128x64xf32, #tpu.memory_space<vmem>> -> memref<1x128x64xf32, #tpu.memory_space<vmem>>
    %dma_start3A_1364 = tpu.memref_squeeze %dma_start3A_1363 : memref<1x128x64xf32, #tpu.memory_space<vmem>> -> memref<128x64xf32, #tpu.memory_space<vmem>>
    %dma_start3A_1365 = arith.constant 0 : i32
    %dma_start3A_1366 = tpu.memref_slice %arg7[%dma_start3A_1359, %dma_start3A_1365] : memref<42x128xi32, #tpu.memory_space<vmem>> -> memref<1x128xi32, #tpu.memory_space<vmem>>
    %dma_start3A_1367 = tpu.memref_squeeze %dma_start3A_1366 : memref<1x128xi32, #tpu.memory_space<vmem>> -> memref<128xi32, #tpu.memory_space<vmem>>
    %dma_start3A_1368 = arith.constant 0 : i32
    %dma_start3A_1369 = arith.constant 0 : i32
    %dma_start3A_1370 = tpu.memref_slice %arg11[%dma_start3A_1368, %dma_start3A_1369] : memref<3000x64xf32, #tpu.memory_space<vmem_shared>> -> memref<3000x64xf32, #tpu.memory_space<vmem_shared>>
    tpu.enqueue_indirect_dma source(%dma_start3A_1370 : memref<3000x64xf32, #tpu.memory_space<vmem_shared>>) target(%dma_start3A_1364 : memref<128x64xf32, #tpu.memory_space<vmem>>) offsets(%dma_start3A_1367 : memref<128xi32, #tpu.memory_space<vmem>>) semaphore(%arg18 : memref<!tpu.dma_semaphore, #tpu.memory_space<semaphore_mem>>)
    %dma_wait3A_1371 = arith.constant 33 : i32
    %dma_wait3A_1372 = arith.constant 3 : i32
    %dma_wait3A_1373 = arith.constant 0 : i32
    %dma_wait3A_1374 = arith.constant 0 : i32
    %dma_wait3A_1375 = tpu.memref_slice %arg10[%dma_wait3A_1372, %dma_wait3A_1373, %dma_wait3A_1374] : memref<4x128x64xf32, #tpu.memory_space<vmem>> -> memref<1x128x64xf32, #tpu.memory_space<vmem>>
    %dma_wait3A_1376 = tpu.memref_squeeze %dma_wait3A_1375 : memref<1x128x64xf32, #tpu.memory_space<vmem>> -> memref<128x64xf32, #tpu.memory_space<vmem>>
    %dma_wait3A_1377 = arith.constant 0 : i32
    %dma_wait3A_1378 = tpu.memref_slice %arg7[%dma_wait3A_1371, %dma_wait3A_1377] : memref<42x128xi32, #tpu.memory_space<vmem>> -> memref<1x128xi32, #tpu.memory_space<vmem>>
    %dma_wait3A_1379 = tpu.memref_squeeze %dma_wait3A_1378 : memref<1x128xi32, #tpu.memory_space<vmem>> -> memref<128xi32, #tpu.memory_space<vmem>>
    %dma_wait3A_1380 = arith.constant 0 : i32
    %dma_wait3A_1381 = arith.constant 0 : i32
    %dma_wait3A_1382 = tpu.memref_slice %arg11[%dma_wait3A_1380, %dma_wait3A_1381] : memref<3000x64xf32, #tpu.memory_space<vmem_shared>> -> memref<3000x64xf32, #tpu.memory_space<vmem_shared>>
    tpu.wait_indirect_dma semaphore(%arg21 : memref<!tpu.dma_semaphore, #tpu.memory_space<semaphore_mem>>) src(%dma_wait3A_1382 : memref<3000x64xf32, #tpu.memory_space<vmem_shared>>) dst(%dma_wait3A_1376 : memref<128x64xf32, #tpu.memory_space<vmem>>)
    %dma_start3A_1383 = arith.constant 3 : i32
    %dma_start3A_1384 = arith.constant 33 : i32
    %dma_start3A_1385 = arith.constant 0 : i32
    %dma_start3A_1386 = arith.constant 0 : i32
    %dma_start3A_1387 = tpu.memref_slice %arg10[%dma_start3A_1383, %dma_start3A_1385, %dma_start3A_1386] : memref<4x128x64xf32, #tpu.memory_space<vmem>> -> memref<1x128x64xf32, #tpu.memory_space<vmem>>
    %dma_start3A_1388 = tpu.memref_squeeze %dma_start3A_1387 : memref<1x128x64xf32, #tpu.memory_space<vmem>> -> memref<128x64xf32, #tpu.memory_space<vmem>>
    %dma_start3A_1389 = arith.constant 0 : i32
    %dma_start3A_1390 = tpu.memref_slice %arg8[%dma_start3A_1384, %dma_start3A_1389] : memref<42x128xi32, #tpu.memory_space<vmem>> -> memref<1x128xi32, #tpu.memory_space<vmem>>
    %dma_start3A_1391 = tpu.memref_squeeze %dma_start3A_1390 : memref<1x128xi32, #tpu.memory_space<vmem>> -> memref<128xi32, #tpu.memory_space<vmem>>
    %dma_start3A_1392 = arith.constant 0 : i32
    %dma_start3A_1393 = arith.constant 0 : i32
    %dma_start3A_1394 = tpu.memref_slice %arg6[%dma_start3A_1392, %dma_start3A_1393] : memref<172032x64xf32, #tpu.memory_space<hbm>> -> memref<172032x64xf32, #tpu.memory_space<hbm>>
    tpu.enqueue_indirect_dma source(%dma_start3A_1388 : memref<128x64xf32, #tpu.memory_space<vmem>>) target(%dma_start3A_1394 : memref<172032x64xf32, #tpu.memory_space<hbm>>) offsets(%dma_start3A_1391 : memref<128xi32, #tpu.memory_space<vmem>>) semaphore(%arg25 : memref<!tpu.dma_semaphore, #tpu.memory_space<semaphore_mem>>)
    %dma_wait3A_1395 = arith.constant 1 : i32
    %dma_wait3A_1396 = arith.constant 31 : i32
    %dma_wait3A_1397 = arith.constant 0 : i32
    %dma_wait3A_1398 = arith.constant 0 : i32
    %dma_wait3A_1399 = tpu.memref_slice %arg10[%dma_wait3A_1395, %dma_wait3A_1397, %dma_wait3A_1398] : memref<4x128x64xf32, #tpu.memory_space<vmem>> -> memref<1x128x64xf32, #tpu.memory_space<vmem>>
    %dma_wait3A_1400 = tpu.memref_squeeze %dma_wait3A_1399 : memref<1x128x64xf32, #tpu.memory_space<vmem>> -> memref<128x64xf32, #tpu.memory_space<vmem>>
    %dma_wait3A_1401 = arith.constant 0 : i32
    %dma_wait3A_1402 = tpu.memref_slice %arg8[%dma_wait3A_1396, %dma_wait3A_1401] : memref<42x128xi32, #tpu.memory_space<vmem>> -> memref<1x128xi32, #tpu.memory_space<vmem>>
    %dma_wait3A_1403 = tpu.memref_squeeze %dma_wait3A_1402 : memref<1x128xi32, #tpu.memory_space<vmem>> -> memref<128xi32, #tpu.memory_space<vmem>>
    %dma_wait3A_1404 = arith.constant 0 : i32
    %dma_wait3A_1405 = arith.constant 0 : i32
    %dma_wait3A_1406 = tpu.memref_slice %arg6[%dma_wait3A_1404, %dma_wait3A_1405] : memref<172032x64xf32, #tpu.memory_space<hbm>> -> memref<172032x64xf32, #tpu.memory_space<hbm>>
    tpu.wait_indirect_dma semaphore(%arg23 : memref<!tpu.dma_semaphore, #tpu.memory_space<semaphore_mem>>) src(%dma_wait3A_1400 : memref<128x64xf32, #tpu.memory_space<vmem>>) dst(%dma_wait3A_1406 : memref<172032x64xf32, #tpu.memory_space<hbm>>)
    %dma_start3A_1407 = arith.constant 35 : i32
    %dma_start3A_1408 = arith.constant 1 : i32
    %dma_start3A_1409 = arith.constant 0 : i32
    %dma_start3A_1410 = arith.constant 0 : i32
    %dma_start3A_1411 = tpu.memref_slice %arg10[%dma_start3A_1408, %dma_start3A_1409, %dma_start3A_1410] : memref<4x128x64xf32, #tpu.memory_space<vmem>> -> memref<1x128x64xf32, #tpu.memory_space<vmem>>
    %dma_start3A_1412 = tpu.memref_squeeze %dma_start3A_1411 : memref<1x128x64xf32, #tpu.memory_space<vmem>> -> memref<128x64xf32, #tpu.memory_space<vmem>>
    %dma_start3A_1413 = arith.constant 0 : i32
    %dma_start3A_1414 = tpu.memref_slice %arg7[%dma_start3A_1407, %dma_start3A_1413] : memref<42x128xi32, #tpu.memory_space<vmem>> -> memref<1x128xi32, #tpu.memory_space<vmem>>
    %dma_start3A_1415 = tpu.memref_squeeze %dma_start3A_1414 : memref<1x128xi32, #tpu.memory_space<vmem>> -> memref<128xi32, #tpu.memory_space<vmem>>
    %dma_start3A_1416 = arith.constant 0 : i32
    %dma_start3A_1417 = arith.constant 0 : i32
    %dma_start3A_1418 = tpu.memref_slice %arg11[%dma_start3A_1416, %dma_start3A_1417] : memref<3000x64xf32, #tpu.memory_space<vmem_shared>> -> memref<3000x64xf32, #tpu.memory_space<vmem_shared>>
    tpu.enqueue_indirect_dma source(%dma_start3A_1418 : memref<3000x64xf32, #tpu.memory_space<vmem_shared>>) target(%dma_start3A_1412 : memref<128x64xf32, #tpu.memory_space<vmem>>) offsets(%dma_start3A_1415 : memref<128xi32, #tpu.memory_space<vmem>>) semaphore(%arg19 : memref<!tpu.dma_semaphore, #tpu.memory_space<semaphore_mem>>)
    %dma_wait3A_1419 = arith.constant 34 : i32
    %dma_wait3A_1420 = arith.constant 0 : i32
    %dma_wait3A_1421 = arith.constant 0 : i32
    %dma_wait3A_1422 = arith.constant 0 : i32
    %dma_wait3A_1423 = tpu.memref_slice %arg10[%dma_wait3A_1420, %dma_wait3A_1421, %dma_wait3A_1422] : memref<4x128x64xf32, #tpu.memory_space<vmem>> -> memref<1x128x64xf32, #tpu.memory_space<vmem>>
    %dma_wait3A_1424 = tpu.memref_squeeze %dma_wait3A_1423 : memref<1x128x64xf32, #tpu.memory_space<vmem>> -> memref<128x64xf32, #tpu.memory_space<vmem>>
    %dma_wait3A_1425 = arith.constant 0 : i32
    %dma_wait3A_1426 = tpu.memref_slice %arg7[%dma_wait3A_1419, %dma_wait3A_1425] : memref<42x128xi32, #tpu.memory_space<vmem>> -> memref<1x128xi32, #tpu.memory_space<vmem>>
    %dma_wait3A_1427 = tpu.memref_squeeze %dma_wait3A_1426 : memref<1x128xi32, #tpu.memory_space<vmem>> -> memref<128xi32, #tpu.memory_space<vmem>>
    %dma_wait3A_1428 = arith.constant 0 : i32
    %dma_wait3A_1429 = arith.constant 0 : i32
    %dma_wait3A_1430 = tpu.memref_slice %arg11[%dma_wait3A_1428, %dma_wait3A_1429] : memref<3000x64xf32, #tpu.memory_space<vmem_shared>> -> memref<3000x64xf32, #tpu.memory_space<vmem_shared>>
    tpu.wait_indirect_dma semaphore(%arg18 : memref<!tpu.dma_semaphore, #tpu.memory_space<semaphore_mem>>) src(%dma_wait3A_1430 : memref<3000x64xf32, #tpu.memory_space<vmem_shared>>) dst(%dma_wait3A_1424 : memref<128x64xf32, #tpu.memory_space<vmem>>)
    %dma_start3A_1431 = arith.constant 0 : i32
    %dma_start3A_1432 = arith.constant 34 : i32
    %dma_start3A_1433 = arith.constant 0 : i32
    %dma_start3A_1434 = arith.constant 0 : i32
    %dma_start3A_1435 = tpu.memref_slice %arg10[%dma_start3A_1431, %dma_start3A_1433, %dma_start3A_1434] : memref<4x128x64xf32, #tpu.memory_space<vmem>> -> memref<1x128x64xf32, #tpu.memory_space<vmem>>
    %dma_start3A_1436 = tpu.memref_squeeze %dma_start3A_1435 : memref<1x128x64xf32, #tpu.memory_space<vmem>> -> memref<128x64xf32, #tpu.memory_space<vmem>>
    %dma_start3A_1437 = arith.constant 0 : i32
    %dma_start3A_1438 = tpu.memref_slice %arg8[%dma_start3A_1432, %dma_start3A_1437] : memref<42x128xi32, #tpu.memory_space<vmem>> -> memref<1x128xi32, #tpu.memory_space<vmem>>
    %dma_start3A_1439 = tpu.memref_squeeze %dma_start3A_1438 : memref<1x128xi32, #tpu.memory_space<vmem>> -> memref<128xi32, #tpu.memory_space<vmem>>
    %dma_start3A_1440 = arith.constant 0 : i32
    %dma_start3A_1441 = arith.constant 0 : i32
    %dma_start3A_1442 = tpu.memref_slice %arg6[%dma_start3A_1440, %dma_start3A_1441] : memref<172032x64xf32, #tpu.memory_space<hbm>> -> memref<172032x64xf32, #tpu.memory_space<hbm>>
    tpu.enqueue_indirect_dma source(%dma_start3A_1436 : memref<128x64xf32, #tpu.memory_space<vmem>>) target(%dma_start3A_1442 : memref<172032x64xf32, #tpu.memory_space<hbm>>) offsets(%dma_start3A_1439 : memref<128xi32, #tpu.memory_space<vmem>>) semaphore(%arg22 : memref<!tpu.dma_semaphore, #tpu.memory_space<semaphore_mem>>)
    %dma_wait3A_1443 = arith.constant 2 : i32
    %dma_wait3A_1444 = arith.constant 32 : i32
    %dma_wait3A_1445 = arith.constant 0 : i32
    %dma_wait3A_1446 = arith.constant 0 : i32
    %dma_wait3A_1447 = tpu.memref_slice %arg10[%dma_wait3A_1443, %dma_wait3A_1445, %dma_wait3A_1446] : memref<4x128x64xf32, #tpu.memory_space<vmem>> -> memref<1x128x64xf32, #tpu.memory_space<vmem>>
    %dma_wait3A_1448 = tpu.memref_squeeze %dma_wait3A_1447 : memref<1x128x64xf32, #tpu.memory_space<vmem>> -> memref<128x64xf32, #tpu.memory_space<vmem>>
    %dma_wait3A_1449 = arith.constant 0 : i32
    %dma_wait3A_1450 = tpu.memref_slice %arg8[%dma_wait3A_1444, %dma_wait3A_1449] : memref<42x128xi32, #tpu.memory_space<vmem>> -> memref<1x128xi32, #tpu.memory_space<vmem>>
    %dma_wait3A_1451 = tpu.memref_squeeze %dma_wait3A_1450 : memref<1x128xi32, #tpu.memory_space<vmem>> -> memref<128xi32, #tpu.memory_space<vmem>>
    %dma_wait3A_1452 = arith.constant 0 : i32
    %dma_wait3A_1453 = arith.constant 0 : i32
    %dma_wait3A_1454 = tpu.memref_slice %arg6[%dma_wait3A_1452, %dma_wait3A_1453] : memref<172032x64xf32, #tpu.memory_space<hbm>> -> memref<172032x64xf32, #tpu.memory_space<hbm>>
    tpu.wait_indirect_dma semaphore(%arg24 : memref<!tpu.dma_semaphore, #tpu.memory_space<semaphore_mem>>) src(%dma_wait3A_1448 : memref<128x64xf32, #tpu.memory_space<vmem>>) dst(%dma_wait3A_1454 : memref<172032x64xf32, #tpu.memory_space<hbm>>)
    %dma_start3A_1455 = arith.constant 36 : i32
    %dma_start3A_1456 = arith.constant 2 : i32
    %dma_start3A_1457 = arith.constant 0 : i32
    %dma_start3A_1458 = arith.constant 0 : i32
    %dma_start3A_1459 = tpu.memref_slice %arg10[%dma_start3A_1456, %dma_start3A_1457, %dma_start3A_1458] : memref<4x128x64xf32, #tpu.memory_space<vmem>> -> memref<1x128x64xf32, #tpu.memory_space<vmem>>
    %dma_start3A_1460 = tpu.memref_squeeze %dma_start3A_1459 : memref<1x128x64xf32, #tpu.memory_space<vmem>> -> memref<128x64xf32, #tpu.memory_space<vmem>>
    %dma_start3A_1461 = arith.constant 0 : i32
    %dma_start3A_1462 = tpu.memref_slice %arg7[%dma_start3A_1455, %dma_start3A_1461] : memref<42x128xi32, #tpu.memory_space<vmem>> -> memref<1x128xi32, #tpu.memory_space<vmem>>
    %dma_start3A_1463 = tpu.memref_squeeze %dma_start3A_1462 : memref<1x128xi32, #tpu.memory_space<vmem>> -> memref<128xi32, #tpu.memory_space<vmem>>
    %dma_start3A_1464 = arith.constant 0 : i32
    %dma_start3A_1465 = arith.constant 0 : i32
    %dma_start3A_1466 = tpu.memref_slice %arg11[%dma_start3A_1464, %dma_start3A_1465] : memref<3000x64xf32, #tpu.memory_space<vmem_shared>> -> memref<3000x64xf32, #tpu.memory_space<vmem_shared>>
    tpu.enqueue_indirect_dma source(%dma_start3A_1466 : memref<3000x64xf32, #tpu.memory_space<vmem_shared>>) target(%dma_start3A_1460 : memref<128x64xf32, #tpu.memory_space<vmem>>) offsets(%dma_start3A_1463 : memref<128xi32, #tpu.memory_space<vmem>>) semaphore(%arg20 : memref<!tpu.dma_semaphore, #tpu.memory_space<semaphore_mem>>)
    %dma_wait3A_1467 = arith.constant 35 : i32
    %dma_wait3A_1468 = arith.constant 1 : i32
    %dma_wait3A_1469 = arith.constant 0 : i32
    %dma_wait3A_1470 = arith.constant 0 : i32
    %dma_wait3A_1471 = tpu.memref_slice %arg10[%dma_wait3A_1468, %dma_wait3A_1469, %dma_wait3A_1470] : memref<4x128x64xf32, #tpu.memory_space<vmem>> -> memref<1x128x64xf32, #tpu.memory_space<vmem>>
    %dma_wait3A_1472 = tpu.memref_squeeze %dma_wait3A_1471 : memref<1x128x64xf32, #tpu.memory_space<vmem>> -> memref<128x64xf32, #tpu.memory_space<vmem>>
    %dma_wait3A_1473 = arith.constant 0 : i32
    %dma_wait3A_1474 = tpu.memref_slice %arg7[%dma_wait3A_1467, %dma_wait3A_1473] : memref<42x128xi32, #tpu.memory_space<vmem>> -> memref<1x128xi32, #tpu.memory_space<vmem>>
    %dma_wait3A_1475 = tpu.memref_squeeze %dma_wait3A_1474 : memref<1x128xi32, #tpu.memory_space<vmem>> -> memref<128xi32, #tpu.memory_space<vmem>>
    %dma_wait3A_1476 = arith.constant 0 : i32
    %dma_wait3A_1477 = arith.constant 0 : i32
    %dma_wait3A_1478 = tpu.memref_slice %arg11[%dma_wait3A_1476, %dma_wait3A_1477] : memref<3000x64xf32, #tpu.memory_space<vmem_shared>> -> memref<3000x64xf32, #tpu.memory_space<vmem_shared>>
    tpu.wait_indirect_dma semaphore(%arg19 : memref<!tpu.dma_semaphore, #tpu.memory_space<semaphore_mem>>) src(%dma_wait3A_1478 : memref<3000x64xf32, #tpu.memory_space<vmem_shared>>) dst(%dma_wait3A_1472 : memref<128x64xf32, #tpu.memory_space<vmem>>)
    %dma_start3A_1479 = arith.constant 1 : i32
    %dma_start3A_1480 = arith.constant 35 : i32
    %dma_start3A_1481 = arith.constant 0 : i32
    %dma_start3A_1482 = arith.constant 0 : i32
    %dma_start3A_1483 = tpu.memref_slice %arg10[%dma_start3A_1479, %dma_start3A_1481, %dma_start3A_1482] : memref<4x128x64xf32, #tpu.memory_space<vmem>> -> memref<1x128x64xf32, #tpu.memory_space<vmem>>
    %dma_start3A_1484 = tpu.memref_squeeze %dma_start3A_1483 : memref<1x128x64xf32, #tpu.memory_space<vmem>> -> memref<128x64xf32, #tpu.memory_space<vmem>>
    %dma_start3A_1485 = arith.constant 0 : i32
    %dma_start3A_1486 = tpu.memref_slice %arg8[%dma_start3A_1480, %dma_start3A_1485] : memref<42x128xi32, #tpu.memory_space<vmem>> -> memref<1x128xi32, #tpu.memory_space<vmem>>
    %dma_start3A_1487 = tpu.memref_squeeze %dma_start3A_1486 : memref<1x128xi32, #tpu.memory_space<vmem>> -> memref<128xi32, #tpu.memory_space<vmem>>
    %dma_start3A_1488 = arith.constant 0 : i32
    %dma_start3A_1489 = arith.constant 0 : i32
    %dma_start3A_1490 = tpu.memref_slice %arg6[%dma_start3A_1488, %dma_start3A_1489] : memref<172032x64xf32, #tpu.memory_space<hbm>> -> memref<172032x64xf32, #tpu.memory_space<hbm>>
    tpu.enqueue_indirect_dma source(%dma_start3A_1484 : memref<128x64xf32, #tpu.memory_space<vmem>>) target(%dma_start3A_1490 : memref<172032x64xf32, #tpu.memory_space<hbm>>) offsets(%dma_start3A_1487 : memref<128xi32, #tpu.memory_space<vmem>>) semaphore(%arg23 : memref<!tpu.dma_semaphore, #tpu.memory_space<semaphore_mem>>)
    %dma_wait3A_1491 = arith.constant 3 : i32
    %dma_wait3A_1492 = arith.constant 33 : i32
    %dma_wait3A_1493 = arith.constant 0 : i32
    %dma_wait3A_1494 = arith.constant 0 : i32
    %dma_wait3A_1495 = tpu.memref_slice %arg10[%dma_wait3A_1491, %dma_wait3A_1493, %dma_wait3A_1494] : memref<4x128x64xf32, #tpu.memory_space<vmem>> -> memref<1x128x64xf32, #tpu.memory_space<vmem>>
    %dma_wait3A_1496 = tpu.memref_squeeze %dma_wait3A_1495 : memref<1x128x64xf32, #tpu.memory_space<vmem>> -> memref<128x64xf32, #tpu.memory_space<vmem>>
    %dma_wait3A_1497 = arith.constant 0 : i32
    %dma_wait3A_1498 = tpu.memref_slice %arg8[%dma_wait3A_1492, %dma_wait3A_1497] : memref<42x128xi32, #tpu.memory_space<vmem>> -> memref<1x128xi32, #tpu.memory_space<vmem>>
    %dma_wait3A_1499 = tpu.memref_squeeze %dma_wait3A_1498 : memref<1x128xi32, #tpu.memory_space<vmem>> -> memref<128xi32, #tpu.memory_space<vmem>>
    %dma_wait3A_1500 = arith.constant 0 : i32
    %dma_wait3A_1501 = arith.constant 0 : i32
    %dma_wait3A_1502 = tpu.memref_slice %arg6[%dma_wait3A_1500, %dma_wait3A_1501] : memref<172032x64xf32, #tpu.memory_space<hbm>> -> memref<172032x64xf32, #tpu.memory_space<hbm>>
    tpu.wait_indirect_dma semaphore(%arg25 : memref<!tpu.dma_semaphore, #tpu.memory_space<semaphore_mem>>) src(%dma_wait3A_1496 : memref<128x64xf32, #tpu.memory_space<vmem>>) dst(%dma_wait3A_1502 : memref<172032x64xf32, #tpu.memory_space<hbm>>)
    %dma_start3A_1503 = arith.constant 37 : i32
    %dma_start3A_1504 = arith.constant 3 : i32
    %dma_start3A_1505 = arith.constant 0 : i32
    %dma_start3A_1506 = arith.constant 0 : i32
    %dma_start3A_1507 = tpu.memref_slice %arg10[%dma_start3A_1504, %dma_start3A_1505, %dma_start3A_1506] : memref<4x128x64xf32, #tpu.memory_space<vmem>> -> memref<1x128x64xf32, #tpu.memory_space<vmem>>
    %dma_start3A_1508 = tpu.memref_squeeze %dma_start3A_1507 : memref<1x128x64xf32, #tpu.memory_space<vmem>> -> memref<128x64xf32, #tpu.memory_space<vmem>>
    %dma_start3A_1509 = arith.constant 0 : i32
    %dma_start3A_1510 = tpu.memref_slice %arg7[%dma_start3A_1503, %dma_start3A_1509] : memref<42x128xi32, #tpu.memory_space<vmem>> -> memref<1x128xi32, #tpu.memory_space<vmem>>
    %dma_start3A_1511 = tpu.memref_squeeze %dma_start3A_1510 : memref<1x128xi32, #tpu.memory_space<vmem>> -> memref<128xi32, #tpu.memory_space<vmem>>
    %dma_start3A_1512 = arith.constant 0 : i32
    %dma_start3A_1513 = arith.constant 0 : i32
    %dma_start3A_1514 = tpu.memref_slice %arg11[%dma_start3A_1512, %dma_start3A_1513] : memref<3000x64xf32, #tpu.memory_space<vmem_shared>> -> memref<3000x64xf32, #tpu.memory_space<vmem_shared>>
    tpu.enqueue_indirect_dma source(%dma_start3A_1514 : memref<3000x64xf32, #tpu.memory_space<vmem_shared>>) target(%dma_start3A_1508 : memref<128x64xf32, #tpu.memory_space<vmem>>) offsets(%dma_start3A_1511 : memref<128xi32, #tpu.memory_space<vmem>>) semaphore(%arg21 : memref<!tpu.dma_semaphore, #tpu.memory_space<semaphore_mem>>)
    %dma_wait3A_1515 = arith.constant 36 : i32
    %dma_wait3A_1516 = arith.constant 2 : i32
    %dma_wait3A_1517 = arith.constant 0 : i32
    %dma_wait3A_1518 = arith.constant 0 : i32
    %dma_wait3A_1519 = tpu.memref_slice %arg10[%dma_wait3A_1516, %dma_wait3A_1517, %dma_wait3A_1518] : memref<4x128x64xf32, #tpu.memory_space<vmem>> -> memref<1x128x64xf32, #tpu.memory_space<vmem>>
    %dma_wait3A_1520 = tpu.memref_squeeze %dma_wait3A_1519 : memref<1x128x64xf32, #tpu.memory_space<vmem>> -> memref<128x64xf32, #tpu.memory_space<vmem>>
    %dma_wait3A_1521 = arith.constant 0 : i32
    %dma_wait3A_1522 = tpu.memref_slice %arg7[%dma_wait3A_1515, %dma_wait3A_1521] : memref<42x128xi32, #tpu.memory_space<vmem>> -> memref<1x128xi32, #tpu.memory_space<vmem>>
    %dma_wait3A_1523 = tpu.memref_squeeze %dma_wait3A_1522 : memref<1x128xi32, #tpu.memory_space<vmem>> -> memref<128xi32, #tpu.memory_space<vmem>>
    %dma_wait3A_1524 = arith.constant 0 : i32
    %dma_wait3A_1525 = arith.constant 0 : i32
    %dma_wait3A_1526 = tpu.memref_slice %arg11[%dma_wait3A_1524, %dma_wait3A_1525] : memref<3000x64xf32, #tpu.memory_space<vmem_shared>> -> memref<3000x64xf32, #tpu.memory_space<vmem_shared>>
    tpu.wait_indirect_dma semaphore(%arg20 : memref<!tpu.dma_semaphore, #tpu.memory_space<semaphore_mem>>) src(%dma_wait3A_1526 : memref<3000x64xf32, #tpu.memory_space<vmem_shared>>) dst(%dma_wait3A_1520 : memref<128x64xf32, #tpu.memory_space<vmem>>)
    %dma_start3A_1527 = arith.constant 2 : i32
    %dma_start3A_1528 = arith.constant 36 : i32
    %dma_start3A_1529 = arith.constant 0 : i32
    %dma_start3A_1530 = arith.constant 0 : i32
    %dma_start3A_1531 = tpu.memref_slice %arg10[%dma_start3A_1527, %dma_start3A_1529, %dma_start3A_1530] : memref<4x128x64xf32, #tpu.memory_space<vmem>> -> memref<1x128x64xf32, #tpu.memory_space<vmem>>
    %dma_start3A_1532 = tpu.memref_squeeze %dma_start3A_1531 : memref<1x128x64xf32, #tpu.memory_space<vmem>> -> memref<128x64xf32, #tpu.memory_space<vmem>>
    %dma_start3A_1533 = arith.constant 0 : i32
    %dma_start3A_1534 = tpu.memref_slice %arg8[%dma_start3A_1528, %dma_start3A_1533] : memref<42x128xi32, #tpu.memory_space<vmem>> -> memref<1x128xi32, #tpu.memory_space<vmem>>
    %dma_start3A_1535 = tpu.memref_squeeze %dma_start3A_1534 : memref<1x128xi32, #tpu.memory_space<vmem>> -> memref<128xi32, #tpu.memory_space<vmem>>
    %dma_start3A_1536 = arith.constant 0 : i32
    %dma_start3A_1537 = arith.constant 0 : i32
    %dma_start3A_1538 = tpu.memref_slice %arg6[%dma_start3A_1536, %dma_start3A_1537] : memref<172032x64xf32, #tpu.memory_space<hbm>> -> memref<172032x64xf32, #tpu.memory_space<hbm>>
    tpu.enqueue_indirect_dma source(%dma_start3A_1532 : memref<128x64xf32, #tpu.memory_space<vmem>>) target(%dma_start3A_1538 : memref<172032x64xf32, #tpu.memory_space<hbm>>) offsets(%dma_start3A_1535 : memref<128xi32, #tpu.memory_space<vmem>>) semaphore(%arg24 : memref<!tpu.dma_semaphore, #tpu.memory_space<semaphore_mem>>)
    %dma_wait3A_1539 = arith.constant 0 : i32
    %dma_wait3A_1540 = arith.constant 34 : i32
    %dma_wait3A_1541 = arith.constant 0 : i32
    %dma_wait3A_1542 = arith.constant 0 : i32
    %dma_wait3A_1543 = tpu.memref_slice %arg10[%dma_wait3A_1539, %dma_wait3A_1541, %dma_wait3A_1542] : memref<4x128x64xf32, #tpu.memory_space<vmem>> -> memref<1x128x64xf32, #tpu.memory_space<vmem>>
    %dma_wait3A_1544 = tpu.memref_squeeze %dma_wait3A_1543 : memref<1x128x64xf32, #tpu.memory_space<vmem>> -> memref<128x64xf32, #tpu.memory_space<vmem>>
    %dma_wait3A_1545 = arith.constant 0 : i32
    %dma_wait3A_1546 = tpu.memref_slice %arg8[%dma_wait3A_1540, %dma_wait3A_1545] : memref<42x128xi32, #tpu.memory_space<vmem>> -> memref<1x128xi32, #tpu.memory_space<vmem>>
    %dma_wait3A_1547 = tpu.memref_squeeze %dma_wait3A_1546 : memref<1x128xi32, #tpu.memory_space<vmem>> -> memref<128xi32, #tpu.memory_space<vmem>>
    %dma_wait3A_1548 = arith.constant 0 : i32
    %dma_wait3A_1549 = arith.constant 0 : i32
    %dma_wait3A_1550 = tpu.memref_slice %arg6[%dma_wait3A_1548, %dma_wait3A_1549] : memref<172032x64xf32, #tpu.memory_space<hbm>> -> memref<172032x64xf32, #tpu.memory_space<hbm>>
    tpu.wait_indirect_dma semaphore(%arg22 : memref<!tpu.dma_semaphore, #tpu.memory_space<semaphore_mem>>) src(%dma_wait3A_1544 : memref<128x64xf32, #tpu.memory_space<vmem>>) dst(%dma_wait3A_1550 : memref<172032x64xf32, #tpu.memory_space<hbm>>)
    %dma_start3A_1551 = arith.constant 38 : i32
    %dma_start3A_1552 = arith.constant 0 : i32
    %dma_start3A_1553 = arith.constant 0 : i32
    %dma_start3A_1554 = arith.constant 0 : i32
    %dma_start3A_1555 = tpu.memref_slice %arg10[%dma_start3A_1552, %dma_start3A_1553, %dma_start3A_1554] : memref<4x128x64xf32, #tpu.memory_space<vmem>> -> memref<1x128x64xf32, #tpu.memory_space<vmem>>
    %dma_start3A_1556 = tpu.memref_squeeze %dma_start3A_1555 : memref<1x128x64xf32, #tpu.memory_space<vmem>> -> memref<128x64xf32, #tpu.memory_space<vmem>>
    %dma_start3A_1557 = arith.constant 0 : i32
    %dma_start3A_1558 = tpu.memref_slice %arg7[%dma_start3A_1551, %dma_start3A_1557] : memref<42x128xi32, #tpu.memory_space<vmem>> -> memref<1x128xi32, #tpu.memory_space<vmem>>
    %dma_start3A_1559 = tpu.memref_squeeze %dma_start3A_1558 : memref<1x128xi32, #tpu.memory_space<vmem>> -> memref<128xi32, #tpu.memory_space<vmem>>
    %dma_start3A_1560 = arith.constant 0 : i32
    %dma_start3A_1561 = arith.constant 0 : i32
    %dma_start3A_1562 = tpu.memref_slice %arg11[%dma_start3A_1560, %dma_start3A_1561] : memref<3000x64xf32, #tpu.memory_space<vmem_shared>> -> memref<3000x64xf32, #tpu.memory_space<vmem_shared>>
    tpu.enqueue_indirect_dma source(%dma_start3A_1562 : memref<3000x64xf32, #tpu.memory_space<vmem_shared>>) target(%dma_start3A_1556 : memref<128x64xf32, #tpu.memory_space<vmem>>) offsets(%dma_start3A_1559 : memref<128xi32, #tpu.memory_space<vmem>>) semaphore(%arg18 : memref<!tpu.dma_semaphore, #tpu.memory_space<semaphore_mem>>)
    %dma_wait3A_1563 = arith.constant 37 : i32
    %dma_wait3A_1564 = arith.constant 3 : i32
    %dma_wait3A_1565 = arith.constant 0 : i32
    %dma_wait3A_1566 = arith.constant 0 : i32
    %dma_wait3A_1567 = tpu.memref_slice %arg10[%dma_wait3A_1564, %dma_wait3A_1565, %dma_wait3A_1566] : memref<4x128x64xf32, #tpu.memory_space<vmem>> -> memref<1x128x64xf32, #tpu.memory_space<vmem>>
    %dma_wait3A_1568 = tpu.memref_squeeze %dma_wait3A_1567 : memref<1x128x64xf32, #tpu.memory_space<vmem>> -> memref<128x64xf32, #tpu.memory_space<vmem>>
    %dma_wait3A_1569 = arith.constant 0 : i32
    %dma_wait3A_1570 = tpu.memref_slice %arg7[%dma_wait3A_1563, %dma_wait3A_1569] : memref<42x128xi32, #tpu.memory_space<vmem>> -> memref<1x128xi32, #tpu.memory_space<vmem>>
    %dma_wait3A_1571 = tpu.memref_squeeze %dma_wait3A_1570 : memref<1x128xi32, #tpu.memory_space<vmem>> -> memref<128xi32, #tpu.memory_space<vmem>>
    %dma_wait3A_1572 = arith.constant 0 : i32
    %dma_wait3A_1573 = arith.constant 0 : i32
    %dma_wait3A_1574 = tpu.memref_slice %arg11[%dma_wait3A_1572, %dma_wait3A_1573] : memref<3000x64xf32, #tpu.memory_space<vmem_shared>> -> memref<3000x64xf32, #tpu.memory_space<vmem_shared>>
    tpu.wait_indirect_dma semaphore(%arg21 : memref<!tpu.dma_semaphore, #tpu.memory_space<semaphore_mem>>) src(%dma_wait3A_1574 : memref<3000x64xf32, #tpu.memory_space<vmem_shared>>) dst(%dma_wait3A_1568 : memref<128x64xf32, #tpu.memory_space<vmem>>)
    %dma_start3A_1575 = arith.constant 3 : i32
    %dma_start3A_1576 = arith.constant 37 : i32
    %dma_start3A_1577 = arith.constant 0 : i32
    %dma_start3A_1578 = arith.constant 0 : i32
    %dma_start3A_1579 = tpu.memref_slice %arg10[%dma_start3A_1575, %dma_start3A_1577, %dma_start3A_1578] : memref<4x128x64xf32, #tpu.memory_space<vmem>> -> memref<1x128x64xf32, #tpu.memory_space<vmem>>
    %dma_start3A_1580 = tpu.memref_squeeze %dma_start3A_1579 : memref<1x128x64xf32, #tpu.memory_space<vmem>> -> memref<128x64xf32, #tpu.memory_space<vmem>>
    %dma_start3A_1581 = arith.constant 0 : i32
    %dma_start3A_1582 = tpu.memref_slice %arg8[%dma_start3A_1576, %dma_start3A_1581] : memref<42x128xi32, #tpu.memory_space<vmem>> -> memref<1x128xi32, #tpu.memory_space<vmem>>
    %dma_start3A_1583 = tpu.memref_squeeze %dma_start3A_1582 : memref<1x128xi32, #tpu.memory_space<vmem>> -> memref<128xi32, #tpu.memory_space<vmem>>
    %dma_start3A_1584 = arith.constant 0 : i32
    %dma_start3A_1585 = arith.constant 0 : i32
    %dma_start3A_1586 = tpu.memref_slice %arg6[%dma_start3A_1584, %dma_start3A_1585] : memref<172032x64xf32, #tpu.memory_space<hbm>> -> memref<172032x64xf32, #tpu.memory_space<hbm>>
    tpu.enqueue_indirect_dma source(%dma_start3A_1580 : memref<128x64xf32, #tpu.memory_space<vmem>>) target(%dma_start3A_1586 : memref<172032x64xf32, #tpu.memory_space<hbm>>) offsets(%dma_start3A_1583 : memref<128xi32, #tpu.memory_space<vmem>>) semaphore(%arg25 : memref<!tpu.dma_semaphore, #tpu.memory_space<semaphore_mem>>)
    %dma_wait3A_1587 = arith.constant 1 : i32
    %dma_wait3A_1588 = arith.constant 35 : i32
    %dma_wait3A_1589 = arith.constant 0 : i32
    %dma_wait3A_1590 = arith.constant 0 : i32
    %dma_wait3A_1591 = tpu.memref_slice %arg10[%dma_wait3A_1587, %dma_wait3A_1589, %dma_wait3A_1590] : memref<4x128x64xf32, #tpu.memory_space<vmem>> -> memref<1x128x64xf32, #tpu.memory_space<vmem>>
    %dma_wait3A_1592 = tpu.memref_squeeze %dma_wait3A_1591 : memref<1x128x64xf32, #tpu.memory_space<vmem>> -> memref<128x64xf32, #tpu.memory_space<vmem>>
    %dma_wait3A_1593 = arith.constant 0 : i32
    %dma_wait3A_1594 = tpu.memref_slice %arg8[%dma_wait3A_1588, %dma_wait3A_1593] : memref<42x128xi32, #tpu.memory_space<vmem>> -> memref<1x128xi32, #tpu.memory_space<vmem>>
    %dma_wait3A_1595 = tpu.memref_squeeze %dma_wait3A_1594 : memref<1x128xi32, #tpu.memory_space<vmem>> -> memref<128xi32, #tpu.memory_space<vmem>>
    %dma_wait3A_1596 = arith.constant 0 : i32
    %dma_wait3A_1597 = arith.constant 0 : i32
    %dma_wait3A_1598 = tpu.memref_slice %arg6[%dma_wait3A_1596, %dma_wait3A_1597] : memref<172032x64xf32, #tpu.memory_space<hbm>> -> memref<172032x64xf32, #tpu.memory_space<hbm>>
    tpu.wait_indirect_dma semaphore(%arg23 : memref<!tpu.dma_semaphore, #tpu.memory_space<semaphore_mem>>) src(%dma_wait3A_1592 : memref<128x64xf32, #tpu.memory_space<vmem>>) dst(%dma_wait3A_1598 : memref<172032x64xf32, #tpu.memory_space<hbm>>)
    %dma_start3A_1599 = arith.constant 39 : i32
    %dma_start3A_1600 = arith.constant 1 : i32
    %dma_start3A_1601 = arith.constant 0 : i32
    %dma_start3A_1602 = arith.constant 0 : i32
    %dma_start3A_1603 = tpu.memref_slice %arg10[%dma_start3A_1600, %dma_start3A_1601, %dma_start3A_1602] : memref<4x128x64xf32, #tpu.memory_space<vmem>> -> memref<1x128x64xf32, #tpu.memory_space<vmem>>
    %dma_start3A_1604 = tpu.memref_squeeze %dma_start3A_1603 : memref<1x128x64xf32, #tpu.memory_space<vmem>> -> memref<128x64xf32, #tpu.memory_space<vmem>>
    %dma_start3A_1605 = arith.constant 0 : i32
    %dma_start3A_1606 = tpu.memref_slice %arg7[%dma_start3A_1599, %dma_start3A_1605] : memref<42x128xi32, #tpu.memory_space<vmem>> -> memref<1x128xi32, #tpu.memory_space<vmem>>
    %dma_start3A_1607 = tpu.memref_squeeze %dma_start3A_1606 : memref<1x128xi32, #tpu.memory_space<vmem>> -> memref<128xi32, #tpu.memory_space<vmem>>
    %dma_start3A_1608 = arith.constant 0 : i32
    %dma_start3A_1609 = arith.constant 0 : i32
    %dma_start3A_1610 = tpu.memref_slice %arg11[%dma_start3A_1608, %dma_start3A_1609] : memref<3000x64xf32, #tpu.memory_space<vmem_shared>> -> memref<3000x64xf32, #tpu.memory_space<vmem_shared>>
    tpu.enqueue_indirect_dma source(%dma_start3A_1610 : memref<3000x64xf32, #tpu.memory_space<vmem_shared>>) target(%dma_start3A_1604 : memref<128x64xf32, #tpu.memory_space<vmem>>) offsets(%dma_start3A_1607 : memref<128xi32, #tpu.memory_space<vmem>>) semaphore(%arg19 : memref<!tpu.dma_semaphore, #tpu.memory_space<semaphore_mem>>)
    %dma_wait3A_1611 = arith.constant 38 : i32
    %dma_wait3A_1612 = arith.constant 0 : i32
    %dma_wait3A_1613 = arith.constant 0 : i32
    %dma_wait3A_1614 = arith.constant 0 : i32
    %dma_wait3A_1615 = tpu.memref_slice %arg10[%dma_wait3A_1612, %dma_wait3A_1613, %dma_wait3A_1614] : memref<4x128x64xf32, #tpu.memory_space<vmem>> -> memref<1x128x64xf32, #tpu.memory_space<vmem>>
    %dma_wait3A_1616 = tpu.memref_squeeze %dma_wait3A_1615 : memref<1x128x64xf32, #tpu.memory_space<vmem>> -> memref<128x64xf32, #tpu.memory_space<vmem>>
    %dma_wait3A_1617 = arith.constant 0 : i32
    %dma_wait3A_1618 = tpu.memref_slice %arg7[%dma_wait3A_1611, %dma_wait3A_1617] : memref<42x128xi32, #tpu.memory_space<vmem>> -> memref<1x128xi32, #tpu.memory_space<vmem>>
    %dma_wait3A_1619 = tpu.memref_squeeze %dma_wait3A_1618 : memref<1x128xi32, #tpu.memory_space<vmem>> -> memref<128xi32, #tpu.memory_space<vmem>>
    %dma_wait3A_1620 = arith.constant 0 : i32
    %dma_wait3A_1621 = arith.constant 0 : i32
    %dma_wait3A_1622 = tpu.memref_slice %arg11[%dma_wait3A_1620, %dma_wait3A_1621] : memref<3000x64xf32, #tpu.memory_space<vmem_shared>> -> memref<3000x64xf32, #tpu.memory_space<vmem_shared>>
    tpu.wait_indirect_dma semaphore(%arg18 : memref<!tpu.dma_semaphore, #tpu.memory_space<semaphore_mem>>) src(%dma_wait3A_1622 : memref<3000x64xf32, #tpu.memory_space<vmem_shared>>) dst(%dma_wait3A_1616 : memref<128x64xf32, #tpu.memory_space<vmem>>)
    %dma_start3A_1623 = arith.constant 0 : i32
    %dma_start3A_1624 = arith.constant 38 : i32
    %dma_start3A_1625 = arith.constant 0 : i32
    %dma_start3A_1626 = arith.constant 0 : i32
    %dma_start3A_1627 = tpu.memref_slice %arg10[%dma_start3A_1623, %dma_start3A_1625, %dma_start3A_1626] : memref<4x128x64xf32, #tpu.memory_space<vmem>> -> memref<1x128x64xf32, #tpu.memory_space<vmem>>
    %dma_start3A_1628 = tpu.memref_squeeze %dma_start3A_1627 : memref<1x128x64xf32, #tpu.memory_space<vmem>> -> memref<128x64xf32, #tpu.memory_space<vmem>>
    %dma_start3A_1629 = arith.constant 0 : i32
    %dma_start3A_1630 = tpu.memref_slice %arg8[%dma_start3A_1624, %dma_start3A_1629] : memref<42x128xi32, #tpu.memory_space<vmem>> -> memref<1x128xi32, #tpu.memory_space<vmem>>
    %dma_start3A_1631 = tpu.memref_squeeze %dma_start3A_1630 : memref<1x128xi32, #tpu.memory_space<vmem>> -> memref<128xi32, #tpu.memory_space<vmem>>
    %dma_start3A_1632 = arith.constant 0 : i32
    %dma_start3A_1633 = arith.constant 0 : i32
    %dma_start3A_1634 = tpu.memref_slice %arg6[%dma_start3A_1632, %dma_start3A_1633] : memref<172032x64xf32, #tpu.memory_space<hbm>> -> memref<172032x64xf32, #tpu.memory_space<hbm>>
    tpu.enqueue_indirect_dma source(%dma_start3A_1628 : memref<128x64xf32, #tpu.memory_space<vmem>>) target(%dma_start3A_1634 : memref<172032x64xf32, #tpu.memory_space<hbm>>) offsets(%dma_start3A_1631 : memref<128xi32, #tpu.memory_space<vmem>>) semaphore(%arg22 : memref<!tpu.dma_semaphore, #tpu.memory_space<semaphore_mem>>)
    %dma_wait3A_1635 = arith.constant 2 : i32
    %dma_wait3A_1636 = arith.constant 36 : i32
    %dma_wait3A_1637 = arith.constant 0 : i32
    %dma_wait3A_1638 = arith.constant 0 : i32
    %dma_wait3A_1639 = tpu.memref_slice %arg10[%dma_wait3A_1635, %dma_wait3A_1637, %dma_wait3A_1638] : memref<4x128x64xf32, #tpu.memory_space<vmem>> -> memref<1x128x64xf32, #tpu.memory_space<vmem>>
    %dma_wait3A_1640 = tpu.memref_squeeze %dma_wait3A_1639 : memref<1x128x64xf32, #tpu.memory_space<vmem>> -> memref<128x64xf32, #tpu.memory_space<vmem>>
    %dma_wait3A_1641 = arith.constant 0 : i32
    %dma_wait3A_1642 = tpu.memref_slice %arg8[%dma_wait3A_1636, %dma_wait3A_1641] : memref<42x128xi32, #tpu.memory_space<vmem>> -> memref<1x128xi32, #tpu.memory_space<vmem>>
    %dma_wait3A_1643 = tpu.memref_squeeze %dma_wait3A_1642 : memref<1x128xi32, #tpu.memory_space<vmem>> -> memref<128xi32, #tpu.memory_space<vmem>>
    %dma_wait3A_1644 = arith.constant 0 : i32
    %dma_wait3A_1645 = arith.constant 0 : i32
    %dma_wait3A_1646 = tpu.memref_slice %arg6[%dma_wait3A_1644, %dma_wait3A_1645] : memref<172032x64xf32, #tpu.memory_space<hbm>> -> memref<172032x64xf32, #tpu.memory_space<hbm>>
    tpu.wait_indirect_dma semaphore(%arg24 : memref<!tpu.dma_semaphore, #tpu.memory_space<semaphore_mem>>) src(%dma_wait3A_1640 : memref<128x64xf32, #tpu.memory_space<vmem>>) dst(%dma_wait3A_1646 : memref<172032x64xf32, #tpu.memory_space<hbm>>)
    %dma_start3A_1647 = arith.constant 40 : i32
    %dma_start3A_1648 = arith.constant 2 : i32
    %dma_start3A_1649 = arith.constant 0 : i32
    %dma_start3A_1650 = arith.constant 0 : i32
    %dma_start3A_1651 = tpu.memref_slice %arg10[%dma_start3A_1648, %dma_start3A_1649, %dma_start3A_1650] : memref<4x128x64xf32, #tpu.memory_space<vmem>> -> memref<1x128x64xf32, #tpu.memory_space<vmem>>
    %dma_start3A_1652 = tpu.memref_squeeze %dma_start3A_1651 : memref<1x128x64xf32, #tpu.memory_space<vmem>> -> memref<128x64xf32, #tpu.memory_space<vmem>>
    %dma_start3A_1653 = arith.constant 0 : i32
    %dma_start3A_1654 = tpu.memref_slice %arg7[%dma_start3A_1647, %dma_start3A_1653] : memref<42x128xi32, #tpu.memory_space<vmem>> -> memref<1x128xi32, #tpu.memory_space<vmem>>
    %dma_start3A_1655 = tpu.memref_squeeze %dma_start3A_1654 : memref<1x128xi32, #tpu.memory_space<vmem>> -> memref<128xi32, #tpu.memory_space<vmem>>
    %dma_start3A_1656 = arith.constant 0 : i32
    %dma_start3A_1657 = arith.constant 0 : i32
    %dma_start3A_1658 = tpu.memref_slice %arg11[%dma_start3A_1656, %dma_start3A_1657] : memref<3000x64xf32, #tpu.memory_space<vmem_shared>> -> memref<3000x64xf32, #tpu.memory_space<vmem_shared>>
    tpu.enqueue_indirect_dma source(%dma_start3A_1658 : memref<3000x64xf32, #tpu.memory_space<vmem_shared>>) target(%dma_start3A_1652 : memref<128x64xf32, #tpu.memory_space<vmem>>) offsets(%dma_start3A_1655 : memref<128xi32, #tpu.memory_space<vmem>>) semaphore(%arg20 : memref<!tpu.dma_semaphore, #tpu.memory_space<semaphore_mem>>)
    %dma_wait3A_1659 = arith.constant 39 : i32
    %dma_wait3A_1660 = arith.constant 1 : i32
    %dma_wait3A_1661 = arith.constant 0 : i32
    %dma_wait3A_1662 = arith.constant 0 : i32
    %dma_wait3A_1663 = tpu.memref_slice %arg10[%dma_wait3A_1660, %dma_wait3A_1661, %dma_wait3A_1662] : memref<4x128x64xf32, #tpu.memory_space<vmem>> -> memref<1x128x64xf32, #tpu.memory_space<vmem>>
    %dma_wait3A_1664 = tpu.memref_squeeze %dma_wait3A_1663 : memref<1x128x64xf32, #tpu.memory_space<vmem>> -> memref<128x64xf32, #tpu.memory_space<vmem>>
    %dma_wait3A_1665 = arith.constant 0 : i32
    %dma_wait3A_1666 = tpu.memref_slice %arg7[%dma_wait3A_1659, %dma_wait3A_1665] : memref<42x128xi32, #tpu.memory_space<vmem>> -> memref<1x128xi32, #tpu.memory_space<vmem>>
    %dma_wait3A_1667 = tpu.memref_squeeze %dma_wait3A_1666 : memref<1x128xi32, #tpu.memory_space<vmem>> -> memref<128xi32, #tpu.memory_space<vmem>>
    %dma_wait3A_1668 = arith.constant 0 : i32
    %dma_wait3A_1669 = arith.constant 0 : i32
    %dma_wait3A_1670 = tpu.memref_slice %arg11[%dma_wait3A_1668, %dma_wait3A_1669] : memref<3000x64xf32, #tpu.memory_space<vmem_shared>> -> memref<3000x64xf32, #tpu.memory_space<vmem_shared>>
    tpu.wait_indirect_dma semaphore(%arg19 : memref<!tpu.dma_semaphore, #tpu.memory_space<semaphore_mem>>) src(%dma_wait3A_1670 : memref<3000x64xf32, #tpu.memory_space<vmem_shared>>) dst(%dma_wait3A_1664 : memref<128x64xf32, #tpu.memory_space<vmem>>)
    %dma_start3A_1671 = arith.constant 1 : i32
    %dma_start3A_1672 = arith.constant 39 : i32
    %dma_start3A_1673 = arith.constant 0 : i32
    %dma_start3A_1674 = arith.constant 0 : i32
    %dma_start3A_1675 = tpu.memref_slice %arg10[%dma_start3A_1671, %dma_start3A_1673, %dma_start3A_1674] : memref<4x128x64xf32, #tpu.memory_space<vmem>> -> memref<1x128x64xf32, #tpu.memory_space<vmem>>
    %dma_start3A_1676 = tpu.memref_squeeze %dma_start3A_1675 : memref<1x128x64xf32, #tpu.memory_space<vmem>> -> memref<128x64xf32, #tpu.memory_space<vmem>>
    %dma_start3A_1677 = arith.constant 0 : i32
    %dma_start3A_1678 = tpu.memref_slice %arg8[%dma_start3A_1672, %dma_start3A_1677] : memref<42x128xi32, #tpu.memory_space<vmem>> -> memref<1x128xi32, #tpu.memory_space<vmem>>
    %dma_start3A_1679 = tpu.memref_squeeze %dma_start3A_1678 : memref<1x128xi32, #tpu.memory_space<vmem>> -> memref<128xi32, #tpu.memory_space<vmem>>
    %dma_start3A_1680 = arith.constant 0 : i32
    %dma_start3A_1681 = arith.constant 0 : i32
    %dma_start3A_1682 = tpu.memref_slice %arg6[%dma_start3A_1680, %dma_start3A_1681] : memref<172032x64xf32, #tpu.memory_space<hbm>> -> memref<172032x64xf32, #tpu.memory_space<hbm>>
    tpu.enqueue_indirect_dma source(%dma_start3A_1676 : memref<128x64xf32, #tpu.memory_space<vmem>>) target(%dma_start3A_1682 : memref<172032x64xf32, #tpu.memory_space<hbm>>) offsets(%dma_start3A_1679 : memref<128xi32, #tpu.memory_space<vmem>>) semaphore(%arg23 : memref<!tpu.dma_semaphore, #tpu.memory_space<semaphore_mem>>)
    %dma_wait3A_1683 = arith.constant 3 : i32
    %dma_wait3A_1684 = arith.constant 37 : i32
    %dma_wait3A_1685 = arith.constant 0 : i32
    %dma_wait3A_1686 = arith.constant 0 : i32
    %dma_wait3A_1687 = tpu.memref_slice %arg10[%dma_wait3A_1683, %dma_wait3A_1685, %dma_wait3A_1686] : memref<4x128x64xf32, #tpu.memory_space<vmem>> -> memref<1x128x64xf32, #tpu.memory_space<vmem>>
    %dma_wait3A_1688 = tpu.memref_squeeze %dma_wait3A_1687 : memref<1x128x64xf32, #tpu.memory_space<vmem>> -> memref<128x64xf32, #tpu.memory_space<vmem>>
    %dma_wait3A_1689 = arith.constant 0 : i32
    %dma_wait3A_1690 = tpu.memref_slice %arg8[%dma_wait3A_1684, %dma_wait3A_1689] : memref<42x128xi32, #tpu.memory_space<vmem>> -> memref<1x128xi32, #tpu.memory_space<vmem>>
    %dma_wait3A_1691 = tpu.memref_squeeze %dma_wait3A_1690 : memref<1x128xi32, #tpu.memory_space<vmem>> -> memref<128xi32, #tpu.memory_space<vmem>>
    %dma_wait3A_1692 = arith.constant 0 : i32
    %dma_wait3A_1693 = arith.constant 0 : i32
    %dma_wait3A_1694 = tpu.memref_slice %arg6[%dma_wait3A_1692, %dma_wait3A_1693] : memref<172032x64xf32, #tpu.memory_space<hbm>> -> memref<172032x64xf32, #tpu.memory_space<hbm>>
    tpu.wait_indirect_dma semaphore(%arg25 : memref<!tpu.dma_semaphore, #tpu.memory_space<semaphore_mem>>) src(%dma_wait3A_1688 : memref<128x64xf32, #tpu.memory_space<vmem>>) dst(%dma_wait3A_1694 : memref<172032x64xf32, #tpu.memory_space<hbm>>)
    %dma_start3A_1695 = arith.constant 41 : i32
    %dma_start3A_1696 = arith.constant 3 : i32
    %dma_start3A_1697 = arith.constant 0 : i32
    %dma_start3A_1698 = arith.constant 0 : i32
    %dma_start3A_1699 = tpu.memref_slice %arg10[%dma_start3A_1696, %dma_start3A_1697, %dma_start3A_1698] : memref<4x128x64xf32, #tpu.memory_space<vmem>> -> memref<1x128x64xf32, #tpu.memory_space<vmem>>
    %dma_start3A_1700 = tpu.memref_squeeze %dma_start3A_1699 : memref<1x128x64xf32, #tpu.memory_space<vmem>> -> memref<128x64xf32, #tpu.memory_space<vmem>>
    %dma_start3A_1701 = arith.constant 0 : i32
    %dma_start3A_1702 = tpu.memref_slice %arg7[%dma_start3A_1695, %dma_start3A_1701] : memref<42x128xi32, #tpu.memory_space<vmem>> -> memref<1x128xi32, #tpu.memory_space<vmem>>
    %dma_start3A_1703 = tpu.memref_squeeze %dma_start3A_1702 : memref<1x128xi32, #tpu.memory_space<vmem>> -> memref<128xi32, #tpu.memory_space<vmem>>
    %dma_start3A_1704 = arith.constant 0 : i32
    %dma_start3A_1705 = arith.constant 0 : i32
    %dma_start3A_1706 = tpu.memref_slice %arg11[%dma_start3A_1704, %dma_start3A_1705] : memref<3000x64xf32, #tpu.memory_space<vmem_shared>> -> memref<3000x64xf32, #tpu.memory_space<vmem_shared>>
    tpu.enqueue_indirect_dma source(%dma_start3A_1706 : memref<3000x64xf32, #tpu.memory_space<vmem_shared>>) target(%dma_start3A_1700 : memref<128x64xf32, #tpu.memory_space<vmem>>) offsets(%dma_start3A_1703 : memref<128xi32, #tpu.memory_space<vmem>>) semaphore(%arg21 : memref<!tpu.dma_semaphore, #tpu.memory_space<semaphore_mem>>)
    %dma_wait3A_1707 = arith.constant 40 : i32
    %dma_wait3A_1708 = arith.constant 2 : i32
    %dma_wait3A_1709 = arith.constant 0 : i32
    %dma_wait3A_1710 = arith.constant 0 : i32
    %dma_wait3A_1711 = tpu.memref_slice %arg10[%dma_wait3A_1708, %dma_wait3A_1709, %dma_wait3A_1710] : memref<4x128x64xf32, #tpu.memory_space<vmem>> -> memref<1x128x64xf32, #tpu.memory_space<vmem>>
    %dma_wait3A_1712 = tpu.memref_squeeze %dma_wait3A_1711 : memref<1x128x64xf32, #tpu.memory_space<vmem>> -> memref<128x64xf32, #tpu.memory_space<vmem>>
    %dma_wait3A_1713 = arith.constant 0 : i32
    %dma_wait3A_1714 = tpu.memref_slice %arg7[%dma_wait3A_1707, %dma_wait3A_1713] : memref<42x128xi32, #tpu.memory_space<vmem>> -> memref<1x128xi32, #tpu.memory_space<vmem>>
    %dma_wait3A_1715 = tpu.memref_squeeze %dma_wait3A_1714 : memref<1x128xi32, #tpu.memory_space<vmem>> -> memref<128xi32, #tpu.memory_space<vmem>>
    %dma_wait3A_1716 = arith.constant 0 : i32
    %dma_wait3A_1717 = arith.constant 0 : i32
    %dma_wait3A_1718 = tpu.memref_slice %arg11[%dma_wait3A_1716, %dma_wait3A_1717] : memref<3000x64xf32, #tpu.memory_space<vmem_shared>> -> memref<3000x64xf32, #tpu.memory_space<vmem_shared>>
    tpu.wait_indirect_dma semaphore(%arg20 : memref<!tpu.dma_semaphore, #tpu.memory_space<semaphore_mem>>) src(%dma_wait3A_1718 : memref<3000x64xf32, #tpu.memory_space<vmem_shared>>) dst(%dma_wait3A_1712 : memref<128x64xf32, #tpu.memory_space<vmem>>)
    %dma_start3A_1719 = arith.constant 2 : i32
    %dma_start3A_1720 = arith.constant 40 : i32
    %dma_start3A_1721 = arith.constant 0 : i32
    %dma_start3A_1722 = arith.constant 0 : i32
    %dma_start3A_1723 = tpu.memref_slice %arg10[%dma_start3A_1719, %dma_start3A_1721, %dma_start3A_1722] : memref<4x128x64xf32, #tpu.memory_space<vmem>> -> memref<1x128x64xf32, #tpu.memory_space<vmem>>
    %dma_start3A_1724 = tpu.memref_squeeze %dma_start3A_1723 : memref<1x128x64xf32, #tpu.memory_space<vmem>> -> memref<128x64xf32, #tpu.memory_space<vmem>>
    %dma_start3A_1725 = arith.constant 0 : i32
    %dma_start3A_1726 = tpu.memref_slice %arg8[%dma_start3A_1720, %dma_start3A_1725] : memref<42x128xi32, #tpu.memory_space<vmem>> -> memref<1x128xi32, #tpu.memory_space<vmem>>
    %dma_start3A_1727 = tpu.memref_squeeze %dma_start3A_1726 : memref<1x128xi32, #tpu.memory_space<vmem>> -> memref<128xi32, #tpu.memory_space<vmem>>
    %dma_start3A_1728 = arith.constant 0 : i32
    %dma_start3A_1729 = arith.constant 0 : i32
    %dma_start3A_1730 = tpu.memref_slice %arg6[%dma_start3A_1728, %dma_start3A_1729] : memref<172032x64xf32, #tpu.memory_space<hbm>> -> memref<172032x64xf32, #tpu.memory_space<hbm>>
    tpu.enqueue_indirect_dma source(%dma_start3A_1724 : memref<128x64xf32, #tpu.memory_space<vmem>>) target(%dma_start3A_1730 : memref<172032x64xf32, #tpu.memory_space<hbm>>) offsets(%dma_start3A_1727 : memref<128xi32, #tpu.memory_space<vmem>>) semaphore(%arg24 : memref<!tpu.dma_semaphore, #tpu.memory_space<semaphore_mem>>)
    %dma_wait3A_1731 = arith.constant 41 : i32
    %dma_wait3A_1732 = arith.constant 3 : i32
    %dma_wait3A_1733 = arith.constant 0 : i32
    %dma_wait3A_1734 = arith.constant 0 : i32
    %dma_wait3A_1735 = tpu.memref_slice %arg10[%dma_wait3A_1732, %dma_wait3A_1733, %dma_wait3A_1734] : memref<4x128x64xf32, #tpu.memory_space<vmem>> -> memref<1x128x64xf32, #tpu.memory_space<vmem>>
    %dma_wait3A_1736 = tpu.memref_squeeze %dma_wait3A_1735 : memref<1x128x64xf32, #tpu.memory_space<vmem>> -> memref<128x64xf32, #tpu.memory_space<vmem>>
    %dma_wait3A_1737 = arith.constant 0 : i32
    %dma_wait3A_1738 = tpu.memref_slice %arg7[%dma_wait3A_1731, %dma_wait3A_1737] : memref<42x128xi32, #tpu.memory_space<vmem>> -> memref<1x128xi32, #tpu.memory_space<vmem>>
    %dma_wait3A_1739 = tpu.memref_squeeze %dma_wait3A_1738 : memref<1x128xi32, #tpu.memory_space<vmem>> -> memref<128xi32, #tpu.memory_space<vmem>>
    %dma_wait3A_1740 = arith.constant 0 : i32
    %dma_wait3A_1741 = arith.constant 0 : i32
    %dma_wait3A_1742 = tpu.memref_slice %arg11[%dma_wait3A_1740, %dma_wait3A_1741] : memref<3000x64xf32, #tpu.memory_space<vmem_shared>> -> memref<3000x64xf32, #tpu.memory_space<vmem_shared>>
    tpu.wait_indirect_dma semaphore(%arg21 : memref<!tpu.dma_semaphore, #tpu.memory_space<semaphore_mem>>) src(%dma_wait3A_1742 : memref<3000x64xf32, #tpu.memory_space<vmem_shared>>) dst(%dma_wait3A_1736 : memref<128x64xf32, #tpu.memory_space<vmem>>)
    %dma_start3A_1743 = arith.constant 3 : i32
    %dma_start3A_1744 = arith.constant 41 : i32
    %dma_start3A_1745 = arith.constant 0 : i32
    %dma_start3A_1746 = arith.constant 0 : i32
    %dma_start3A_1747 = tpu.memref_slice %arg10[%dma_start3A_1743, %dma_start3A_1745, %dma_start3A_1746] : memref<4x128x64xf32, #tpu.memory_space<vmem>> -> memref<1x128x64xf32, #tpu.memory_space<vmem>>
    %dma_start3A_1748 = tpu.memref_squeeze %dma_start3A_1747 : memref<1x128x64xf32, #tpu.memory_space<vmem>> -> memref<128x64xf32, #tpu.memory_space<vmem>>
    %dma_start3A_1749 = arith.constant 0 : i32
    %dma_start3A_1750 = tpu.memref_slice %arg8[%dma_start3A_1744, %dma_start3A_1749] : memref<42x128xi32, #tpu.memory_space<vmem>> -> memref<1x128xi32, #tpu.memory_space<vmem>>
    %dma_start3A_1751 = tpu.memref_squeeze %dma_start3A_1750 : memref<1x128xi32, #tpu.memory_space<vmem>> -> memref<128xi32, #tpu.memory_space<vmem>>
    %dma_start3A_1752 = arith.constant 0 : i32
    %dma_start3A_1753 = arith.constant 0 : i32
    %dma_start3A_1754 = tpu.memref_slice %arg6[%dma_start3A_1752, %dma_start3A_1753] : memref<172032x64xf32, #tpu.memory_space<hbm>> -> memref<172032x64xf32, #tpu.memory_space<hbm>>
    tpu.enqueue_indirect_dma source(%dma_start3A_1748 : memref<128x64xf32, #tpu.memory_space<vmem>>) target(%dma_start3A_1754 : memref<172032x64xf32, #tpu.memory_space<hbm>>) offsets(%dma_start3A_1751 : memref<128xi32, #tpu.memory_space<vmem>>) semaphore(%arg25 : memref<!tpu.dma_semaphore, #tpu.memory_space<semaphore_mem>>)
    %dma_wait3A_1755 = arith.constant 0 : i32
    %dma_wait3A_1756 = arith.constant 0 : i32
    %dma_wait3A_1757 = arith.constant 0 : i32
    %dma_wait3A_1758 = arith.constant 0 : i32
    %dma_wait3A_1759 = tpu.memref_slice %arg9[%dma_wait3A_1756, %dma_wait3A_1757, %dma_wait3A_1758] : memref<6x128x64xf32, #tpu.memory_space<vmem>> -> memref<1x128x64xf32, #tpu.memory_space<vmem>>
    %dma_wait3A_1760 = tpu.memref_squeeze %dma_wait3A_1759 : memref<1x128x64xf32, #tpu.memory_space<vmem>> -> memref<128x64xf32, #tpu.memory_space<vmem>>
    %dma_wait3A_1761 = arith.constant 0 : i32
    %dma_wait3A_1762 = tpu.memref_slice %arg7[%dma_wait3A_1755, %dma_wait3A_1761] : memref<42x128xi32, #tpu.memory_space<vmem>> -> memref<1x128xi32, #tpu.memory_space<vmem>>
    %dma_wait3A_1763 = tpu.memref_squeeze %dma_wait3A_1762 : memref<1x128xi32, #tpu.memory_space<vmem>> -> memref<128xi32, #tpu.memory_space<vmem>>
    %dma_wait3A_1764 = arith.constant 0 : i32
    %dma_wait3A_1765 = arith.constant 0 : i32
    %dma_wait3A_1766 = tpu.memref_slice %arg4[%dma_wait3A_1764, %dma_wait3A_1765] : memref<100000x64xf32, #tpu.memory_space<hbm>> -> memref<100000x64xf32, #tpu.memory_space<hbm>>
    tpu.wait_indirect_dma semaphore(%arg12 : memref<!tpu.dma_semaphore, #tpu.memory_space<semaphore_mem>>) src(%dma_wait3A_1766 : memref<100000x64xf32, #tpu.memory_space<hbm>>) dst(%dma_wait3A_1760 : memref<128x64xf32, #tpu.memory_space<vmem>>)
    %dma_start3A_1767 = arith.constant 0 : i32
    %dma_start3A_1768 = arith.constant 0 : i32
    %dma_start3A_1769 = arith.constant 0 : i32
    %dma_start3A_1770 = arith.constant 0 : i32
    %dma_start3A_1771 = tpu.memref_slice %arg9[%dma_start3A_1767, %dma_start3A_1769, %dma_start3A_1770] : memref<6x128x64xf32, #tpu.memory_space<vmem>> -> memref<1x128x64xf32, #tpu.memory_space<vmem>>
    %dma_start3A_1772 = tpu.memref_squeeze %dma_start3A_1771 : memref<1x128x64xf32, #tpu.memory_space<vmem>> -> memref<128x64xf32, #tpu.memory_space<vmem>>
    %dma_start3A_1773 = arith.constant 0 : i32
    %dma_start3A_1774 = tpu.memref_slice %arg8[%dma_start3A_1768, %dma_start3A_1773] : memref<42x128xi32, #tpu.memory_space<vmem>> -> memref<1x128xi32, #tpu.memory_space<vmem>>
    %dma_start3A_1775 = tpu.memref_squeeze %dma_start3A_1774 : memref<1x128xi32, #tpu.memory_space<vmem>> -> memref<128xi32, #tpu.memory_space<vmem>>
    %dma_start3A_1776 = arith.constant 0 : i32
    %dma_start3A_1777 = arith.constant 0 : i32
    %dma_start3A_1778 = tpu.memref_slice %arg6[%dma_start3A_1776, %dma_start3A_1777] : memref<172032x64xf32, #tpu.memory_space<hbm>> -> memref<172032x64xf32, #tpu.memory_space<hbm>>
    tpu.enqueue_indirect_dma source(%dma_start3A_1772 : memref<128x64xf32, #tpu.memory_space<vmem>>) target(%dma_start3A_1778 : memref<172032x64xf32, #tpu.memory_space<hbm>>) offsets(%dma_start3A_1775 : memref<128xi32, #tpu.memory_space<vmem>>) semaphore(%arg12 : memref<!tpu.dma_semaphore, #tpu.memory_space<semaphore_mem>>)
    %dma_wait3A_1779 = arith.constant 1 : i32
    %dma_wait3A_1780 = arith.constant 1 : i32
    %dma_wait3A_1781 = arith.constant 0 : i32
    %dma_wait3A_1782 = arith.constant 0 : i32
    %dma_wait3A_1783 = tpu.memref_slice %arg9[%dma_wait3A_1780, %dma_wait3A_1781, %dma_wait3A_1782] : memref<6x128x64xf32, #tpu.memory_space<vmem>> -> memref<1x128x64xf32, #tpu.memory_space<vmem>>
    %dma_wait3A_1784 = tpu.memref_squeeze %dma_wait3A_1783 : memref<1x128x64xf32, #tpu.memory_space<vmem>> -> memref<128x64xf32, #tpu.memory_space<vmem>>
    %dma_wait3A_1785 = arith.constant 0 : i32
    %dma_wait3A_1786 = tpu.memref_slice %arg7[%dma_wait3A_1779, %dma_wait3A_1785] : memref<42x128xi32, #tpu.memory_space<vmem>> -> memref<1x128xi32, #tpu.memory_space<vmem>>
    %dma_wait3A_1787 = tpu.memref_squeeze %dma_wait3A_1786 : memref<1x128xi32, #tpu.memory_space<vmem>> -> memref<128xi32, #tpu.memory_space<vmem>>
    %dma_wait3A_1788 = arith.constant 0 : i32
    %dma_wait3A_1789 = arith.constant 0 : i32
    %dma_wait3A_1790 = tpu.memref_slice %arg4[%dma_wait3A_1788, %dma_wait3A_1789] : memref<100000x64xf32, #tpu.memory_space<hbm>> -> memref<100000x64xf32, #tpu.memory_space<hbm>>
    tpu.wait_indirect_dma semaphore(%arg13 : memref<!tpu.dma_semaphore, #tpu.memory_space<semaphore_mem>>) src(%dma_wait3A_1790 : memref<100000x64xf32, #tpu.memory_space<hbm>>) dst(%dma_wait3A_1784 : memref<128x64xf32, #tpu.memory_space<vmem>>)
    %dma_start3A_1791 = arith.constant 1 : i32
    %dma_start3A_1792 = arith.constant 1 : i32
    %dma_start3A_1793 = arith.constant 0 : i32
    %dma_start3A_1794 = arith.constant 0 : i32
    %dma_start3A_1795 = tpu.memref_slice %arg9[%dma_start3A_1791, %dma_start3A_1793, %dma_start3A_1794] : memref<6x128x64xf32, #tpu.memory_space<vmem>> -> memref<1x128x64xf32, #tpu.memory_space<vmem>>
    %dma_start3A_1796 = tpu.memref_squeeze %dma_start3A_1795 : memref<1x128x64xf32, #tpu.memory_space<vmem>> -> memref<128x64xf32, #tpu.memory_space<vmem>>
    %dma_start3A_1797 = arith.constant 0 : i32
    %dma_start3A_1798 = tpu.memref_slice %arg8[%dma_start3A_1792, %dma_start3A_1797] : memref<42x128xi32, #tpu.memory_space<vmem>> -> memref<1x128xi32, #tpu.memory_space<vmem>>
    %dma_start3A_1799 = tpu.memref_squeeze %dma_start3A_1798 : memref<1x128xi32, #tpu.memory_space<vmem>> -> memref<128xi32, #tpu.memory_space<vmem>>
    %dma_start3A_1800 = arith.constant 0 : i32
    %dma_start3A_1801 = arith.constant 0 : i32
    %dma_start3A_1802 = tpu.memref_slice %arg6[%dma_start3A_1800, %dma_start3A_1801] : memref<172032x64xf32, #tpu.memory_space<hbm>> -> memref<172032x64xf32, #tpu.memory_space<hbm>>
    tpu.enqueue_indirect_dma source(%dma_start3A_1796 : memref<128x64xf32, #tpu.memory_space<vmem>>) target(%dma_start3A_1802 : memref<172032x64xf32, #tpu.memory_space<hbm>>) offsets(%dma_start3A_1799 : memref<128xi32, #tpu.memory_space<vmem>>) semaphore(%arg13 : memref<!tpu.dma_semaphore, #tpu.memory_space<semaphore_mem>>)
    %dma_wait3A_1803 = arith.constant 2 : i32
    %dma_wait3A_1804 = arith.constant 2 : i32
    %dma_wait3A_1805 = arith.constant 0 : i32
    %dma_wait3A_1806 = arith.constant 0 : i32
    %dma_wait3A_1807 = tpu.memref_slice %arg9[%dma_wait3A_1804, %dma_wait3A_1805, %dma_wait3A_1806] : memref<6x128x64xf32, #tpu.memory_space<vmem>> -> memref<1x128x64xf32, #tpu.memory_space<vmem>>
    %dma_wait3A_1808 = tpu.memref_squeeze %dma_wait3A_1807 : memref<1x128x64xf32, #tpu.memory_space<vmem>> -> memref<128x64xf32, #tpu.memory_space<vmem>>
    %dma_wait3A_1809 = arith.constant 0 : i32
    %dma_wait3A_1810 = tpu.memref_slice %arg7[%dma_wait3A_1803, %dma_wait3A_1809] : memref<42x128xi32, #tpu.memory_space<vmem>> -> memref<1x128xi32, #tpu.memory_space<vmem>>
    %dma_wait3A_1811 = tpu.memref_squeeze %dma_wait3A_1810 : memref<1x128xi32, #tpu.memory_space<vmem>> -> memref<128xi32, #tpu.memory_space<vmem>>
    %dma_wait3A_1812 = arith.constant 0 : i32
    %dma_wait3A_1813 = arith.constant 0 : i32
    %dma_wait3A_1814 = tpu.memref_slice %arg4[%dma_wait3A_1812, %dma_wait3A_1813] : memref<100000x64xf32, #tpu.memory_space<hbm>> -> memref<100000x64xf32, #tpu.memory_space<hbm>>
    tpu.wait_indirect_dma semaphore(%arg14 : memref<!tpu.dma_semaphore, #tpu.memory_space<semaphore_mem>>) src(%dma_wait3A_1814 : memref<100000x64xf32, #tpu.memory_space<hbm>>) dst(%dma_wait3A_1808 : memref<128x64xf32, #tpu.memory_space<vmem>>)
    %dma_start3A_1815 = arith.constant 2 : i32
    %dma_start3A_1816 = arith.constant 2 : i32
    %dma_start3A_1817 = arith.constant 0 : i32
    %dma_start3A_1818 = arith.constant 0 : i32
    %dma_start3A_1819 = tpu.memref_slice %arg9[%dma_start3A_1815, %dma_start3A_1817, %dma_start3A_1818] : memref<6x128x64xf32, #tpu.memory_space<vmem>> -> memref<1x128x64xf32, #tpu.memory_space<vmem>>
    %dma_start3A_1820 = tpu.memref_squeeze %dma_start3A_1819 : memref<1x128x64xf32, #tpu.memory_space<vmem>> -> memref<128x64xf32, #tpu.memory_space<vmem>>
    %dma_start3A_1821 = arith.constant 0 : i32
    %dma_start3A_1822 = tpu.memref_slice %arg8[%dma_start3A_1816, %dma_start3A_1821] : memref<42x128xi32, #tpu.memory_space<vmem>> -> memref<1x128xi32, #tpu.memory_space<vmem>>
    %dma_start3A_1823 = tpu.memref_squeeze %dma_start3A_1822 : memref<1x128xi32, #tpu.memory_space<vmem>> -> memref<128xi32, #tpu.memory_space<vmem>>
    %dma_start3A_1824 = arith.constant 0 : i32
    %dma_start3A_1825 = arith.constant 0 : i32
    %dma_start3A_1826 = tpu.memref_slice %arg6[%dma_start3A_1824, %dma_start3A_1825] : memref<172032x64xf32, #tpu.memory_space<hbm>> -> memref<172032x64xf32, #tpu.memory_space<hbm>>
    tpu.enqueue_indirect_dma source(%dma_start3A_1820 : memref<128x64xf32, #tpu.memory_space<vmem>>) target(%dma_start3A_1826 : memref<172032x64xf32, #tpu.memory_space<hbm>>) offsets(%dma_start3A_1823 : memref<128xi32, #tpu.memory_space<vmem>>) semaphore(%arg14 : memref<!tpu.dma_semaphore, #tpu.memory_space<semaphore_mem>>)
    %dma_wait3A_1827 = arith.constant 3 : i32
    %dma_wait3A_1828 = arith.constant 3 : i32
    %dma_wait3A_1829 = arith.constant 0 : i32
    %dma_wait3A_1830 = arith.constant 0 : i32
    %dma_wait3A_1831 = tpu.memref_slice %arg9[%dma_wait3A_1828, %dma_wait3A_1829, %dma_wait3A_1830] : memref<6x128x64xf32, #tpu.memory_space<vmem>> -> memref<1x128x64xf32, #tpu.memory_space<vmem>>
    %dma_wait3A_1832 = tpu.memref_squeeze %dma_wait3A_1831 : memref<1x128x64xf32, #tpu.memory_space<vmem>> -> memref<128x64xf32, #tpu.memory_space<vmem>>
    %dma_wait3A_1833 = arith.constant 0 : i32
    %dma_wait3A_1834 = tpu.memref_slice %arg7[%dma_wait3A_1827, %dma_wait3A_1833] : memref<42x128xi32, #tpu.memory_space<vmem>> -> memref<1x128xi32, #tpu.memory_space<vmem>>
    %dma_wait3A_1835 = tpu.memref_squeeze %dma_wait3A_1834 : memref<1x128xi32, #tpu.memory_space<vmem>> -> memref<128xi32, #tpu.memory_space<vmem>>
    %dma_wait3A_1836 = arith.constant 0 : i32
    %dma_wait3A_1837 = arith.constant 0 : i32
    %dma_wait3A_1838 = tpu.memref_slice %arg4[%dma_wait3A_1836, %dma_wait3A_1837] : memref<100000x64xf32, #tpu.memory_space<hbm>> -> memref<100000x64xf32, #tpu.memory_space<hbm>>
    tpu.wait_indirect_dma semaphore(%arg15 : memref<!tpu.dma_semaphore, #tpu.memory_space<semaphore_mem>>) src(%dma_wait3A_1838 : memref<100000x64xf32, #tpu.memory_space<hbm>>) dst(%dma_wait3A_1832 : memref<128x64xf32, #tpu.memory_space<vmem>>)
    %dma_start3A_1839 = arith.constant 3 : i32
    %dma_start3A_1840 = arith.constant 3 : i32
    %dma_start3A_1841 = arith.constant 0 : i32
    %dma_start3A_1842 = arith.constant 0 : i32
    %dma_start3A_1843 = tpu.memref_slice %arg9[%dma_start3A_1839, %dma_start3A_1841, %dma_start3A_1842] : memref<6x128x64xf32, #tpu.memory_space<vmem>> -> memref<1x128x64xf32, #tpu.memory_space<vmem>>
    %dma_start3A_1844 = tpu.memref_squeeze %dma_start3A_1843 : memref<1x128x64xf32, #tpu.memory_space<vmem>> -> memref<128x64xf32, #tpu.memory_space<vmem>>
    %dma_start3A_1845 = arith.constant 0 : i32
    %dma_start3A_1846 = tpu.memref_slice %arg8[%dma_start3A_1840, %dma_start3A_1845] : memref<42x128xi32, #tpu.memory_space<vmem>> -> memref<1x128xi32, #tpu.memory_space<vmem>>
    %dma_start3A_1847 = tpu.memref_squeeze %dma_start3A_1846 : memref<1x128xi32, #tpu.memory_space<vmem>> -> memref<128xi32, #tpu.memory_space<vmem>>
    %dma_start3A_1848 = arith.constant 0 : i32
    %dma_start3A_1849 = arith.constant 0 : i32
    %dma_start3A_1850 = tpu.memref_slice %arg6[%dma_start3A_1848, %dma_start3A_1849] : memref<172032x64xf32, #tpu.memory_space<hbm>> -> memref<172032x64xf32, #tpu.memory_space<hbm>>
    tpu.enqueue_indirect_dma source(%dma_start3A_1844 : memref<128x64xf32, #tpu.memory_space<vmem>>) target(%dma_start3A_1850 : memref<172032x64xf32, #tpu.memory_space<hbm>>) offsets(%dma_start3A_1847 : memref<128xi32, #tpu.memory_space<vmem>>) semaphore(%arg15 : memref<!tpu.dma_semaphore, #tpu.memory_space<semaphore_mem>>)
    %dma_wait3A_1851 = arith.constant 4 : i32
    %dma_wait3A_1852 = arith.constant 4 : i32
    %dma_wait3A_1853 = arith.constant 0 : i32
    %dma_wait3A_1854 = arith.constant 0 : i32
    %dma_wait3A_1855 = tpu.memref_slice %arg9[%dma_wait3A_1852, %dma_wait3A_1853, %dma_wait3A_1854] : memref<6x128x64xf32, #tpu.memory_space<vmem>> -> memref<1x128x64xf32, #tpu.memory_space<vmem>>
    %dma_wait3A_1856 = tpu.memref_squeeze %dma_wait3A_1855 : memref<1x128x64xf32, #tpu.memory_space<vmem>> -> memref<128x64xf32, #tpu.memory_space<vmem>>
    %dma_wait3A_1857 = arith.constant 0 : i32
    %dma_wait3A_1858 = tpu.memref_slice %arg7[%dma_wait3A_1851, %dma_wait3A_1857] : memref<42x128xi32, #tpu.memory_space<vmem>> -> memref<1x128xi32, #tpu.memory_space<vmem>>
    %dma_wait3A_1859 = tpu.memref_squeeze %dma_wait3A_1858 : memref<1x128xi32, #tpu.memory_space<vmem>> -> memref<128xi32, #tpu.memory_space<vmem>>
    %dma_wait3A_1860 = arith.constant 0 : i32
    %dma_wait3A_1861 = arith.constant 0 : i32
    %dma_wait3A_1862 = tpu.memref_slice %arg4[%dma_wait3A_1860, %dma_wait3A_1861] : memref<100000x64xf32, #tpu.memory_space<hbm>> -> memref<100000x64xf32, #tpu.memory_space<hbm>>
    tpu.wait_indirect_dma semaphore(%arg16 : memref<!tpu.dma_semaphore, #tpu.memory_space<semaphore_mem>>) src(%dma_wait3A_1862 : memref<100000x64xf32, #tpu.memory_space<hbm>>) dst(%dma_wait3A_1856 : memref<128x64xf32, #tpu.memory_space<vmem>>)
    %dma_start3A_1863 = arith.constant 4 : i32
    %dma_start3A_1864 = arith.constant 4 : i32
    %dma_start3A_1865 = arith.constant 0 : i32
    %dma_start3A_1866 = arith.constant 0 : i32
    %dma_start3A_1867 = tpu.memref_slice %arg9[%dma_start3A_1863, %dma_start3A_1865, %dma_start3A_1866] : memref<6x128x64xf32, #tpu.memory_space<vmem>> -> memref<1x128x64xf32, #tpu.memory_space<vmem>>
    %dma_start3A_1868 = tpu.memref_squeeze %dma_start3A_1867 : memref<1x128x64xf32, #tpu.memory_space<vmem>> -> memref<128x64xf32, #tpu.memory_space<vmem>>
    %dma_start3A_1869 = arith.constant 0 : i32
    %dma_start3A_1870 = tpu.memref_slice %arg8[%dma_start3A_1864, %dma_start3A_1869] : memref<42x128xi32, #tpu.memory_space<vmem>> -> memref<1x128xi32, #tpu.memory_space<vmem>>
    %dma_start3A_1871 = tpu.memref_squeeze %dma_start3A_1870 : memref<1x128xi32, #tpu.memory_space<vmem>> -> memref<128xi32, #tpu.memory_space<vmem>>
    %dma_start3A_1872 = arith.constant 0 : i32
    %dma_start3A_1873 = arith.constant 0 : i32
    %dma_start3A_1874 = tpu.memref_slice %arg6[%dma_start3A_1872, %dma_start3A_1873] : memref<172032x64xf32, #tpu.memory_space<hbm>> -> memref<172032x64xf32, #tpu.memory_space<hbm>>
    tpu.enqueue_indirect_dma source(%dma_start3A_1868 : memref<128x64xf32, #tpu.memory_space<vmem>>) target(%dma_start3A_1874 : memref<172032x64xf32, #tpu.memory_space<hbm>>) offsets(%dma_start3A_1871 : memref<128xi32, #tpu.memory_space<vmem>>) semaphore(%arg16 : memref<!tpu.dma_semaphore, #tpu.memory_space<semaphore_mem>>)
    %dma_wait3A_1875 = arith.constant 5 : i32
    %dma_wait3A_1876 = arith.constant 5 : i32
    %dma_wait3A_1877 = arith.constant 0 : i32
    %dma_wait3A_1878 = arith.constant 0 : i32
    %dma_wait3A_1879 = tpu.memref_slice %arg9[%dma_wait3A_1876, %dma_wait3A_1877, %dma_wait3A_1878] : memref<6x128x64xf32, #tpu.memory_space<vmem>> -> memref<1x128x64xf32, #tpu.memory_space<vmem>>
    %dma_wait3A_1880 = tpu.memref_squeeze %dma_wait3A_1879 : memref<1x128x64xf32, #tpu.memory_space<vmem>> -> memref<128x64xf32, #tpu.memory_space<vmem>>
    %dma_wait3A_1881 = arith.constant 0 : i32
    %dma_wait3A_1882 = tpu.memref_slice %arg7[%dma_wait3A_1875, %dma_wait3A_1881] : memref<42x128xi32, #tpu.memory_space<vmem>> -> memref<1x128xi32, #tpu.memory_space<vmem>>
    %dma_wait3A_1883 = tpu.memref_squeeze %dma_wait3A_1882 : memref<1x128xi32, #tpu.memory_space<vmem>> -> memref<128xi32, #tpu.memory_space<vmem>>
    %dma_wait3A_1884 = arith.constant 0 : i32
    %dma_wait3A_1885 = arith.constant 0 : i32
    %dma_wait3A_1886 = tpu.memref_slice %arg4[%dma_wait3A_1884, %dma_wait3A_1885] : memref<100000x64xf32, #tpu.memory_space<hbm>> -> memref<100000x64xf32, #tpu.memory_space<hbm>>
    tpu.wait_indirect_dma semaphore(%arg17 : memref<!tpu.dma_semaphore, #tpu.memory_space<semaphore_mem>>) src(%dma_wait3A_1886 : memref<100000x64xf32, #tpu.memory_space<hbm>>) dst(%dma_wait3A_1880 : memref<128x64xf32, #tpu.memory_space<vmem>>)
    %dma_start3A_1887 = arith.constant 5 : i32
    %dma_start3A_1888 = arith.constant 5 : i32
    %dma_start3A_1889 = arith.constant 0 : i32
    %dma_start3A_1890 = arith.constant 0 : i32
    %dma_start3A_1891 = tpu.memref_slice %arg9[%dma_start3A_1887, %dma_start3A_1889, %dma_start3A_1890] : memref<6x128x64xf32, #tpu.memory_space<vmem>> -> memref<1x128x64xf32, #tpu.memory_space<vmem>>
    %dma_start3A_1892 = tpu.memref_squeeze %dma_start3A_1891 : memref<1x128x64xf32, #tpu.memory_space<vmem>> -> memref<128x64xf32, #tpu.memory_space<vmem>>
    %dma_start3A_1893 = arith.constant 0 : i32
    %dma_start3A_1894 = tpu.memref_slice %arg8[%dma_start3A_1888, %dma_start3A_1893] : memref<42x128xi32, #tpu.memory_space<vmem>> -> memref<1x128xi32, #tpu.memory_space<vmem>>
    %dma_start3A_1895 = tpu.memref_squeeze %dma_start3A_1894 : memref<1x128xi32, #tpu.memory_space<vmem>> -> memref<128xi32, #tpu.memory_space<vmem>>
    %dma_start3A_1896 = arith.constant 0 : i32
    %dma_start3A_1897 = arith.constant 0 : i32
    %dma_start3A_1898 = tpu.memref_slice %arg6[%dma_start3A_1896, %dma_start3A_1897] : memref<172032x64xf32, #tpu.memory_space<hbm>> -> memref<172032x64xf32, #tpu.memory_space<hbm>>
    tpu.enqueue_indirect_dma source(%dma_start3A_1892 : memref<128x64xf32, #tpu.memory_space<vmem>>) target(%dma_start3A_1898 : memref<172032x64xf32, #tpu.memory_space<hbm>>) offsets(%dma_start3A_1895 : memref<128xi32, #tpu.memory_space<vmem>>) semaphore(%arg17 : memref<!tpu.dma_semaphore, #tpu.memory_space<semaphore_mem>>)
    %dma_wait3A_1899 = arith.constant 0 : i32
    %dma_wait3A_1900 = arith.constant 38 : i32
    %dma_wait3A_1901 = arith.constant 0 : i32
    %dma_wait3A_1902 = arith.constant 0 : i32
    %dma_wait3A_1903 = tpu.memref_slice %arg10[%dma_wait3A_1899, %dma_wait3A_1901, %dma_wait3A_1902] : memref<4x128x64xf32, #tpu.memory_space<vmem>> -> memref<1x128x64xf32, #tpu.memory_space<vmem>>
    %dma_wait3A_1904 = tpu.memref_squeeze %dma_wait3A_1903 : memref<1x128x64xf32, #tpu.memory_space<vmem>> -> memref<128x64xf32, #tpu.memory_space<vmem>>
    %dma_wait3A_1905 = arith.constant 0 : i32
    %dma_wait3A_1906 = tpu.memref_slice %arg8[%dma_wait3A_1900, %dma_wait3A_1905] : memref<42x128xi32, #tpu.memory_space<vmem>> -> memref<1x128xi32, #tpu.memory_space<vmem>>
    %dma_wait3A_1907 = tpu.memref_squeeze %dma_wait3A_1906 : memref<1x128xi32, #tpu.memory_space<vmem>> -> memref<128xi32, #tpu.memory_space<vmem>>
    %dma_wait3A_1908 = arith.constant 0 : i32
    %dma_wait3A_1909 = arith.constant 0 : i32
    %dma_wait3A_1910 = tpu.memref_slice %arg6[%dma_wait3A_1908, %dma_wait3A_1909] : memref<172032x64xf32, #tpu.memory_space<hbm>> -> memref<172032x64xf32, #tpu.memory_space<hbm>>
    tpu.wait_indirect_dma semaphore(%arg22 : memref<!tpu.dma_semaphore, #tpu.memory_space<semaphore_mem>>) src(%dma_wait3A_1904 : memref<128x64xf32, #tpu.memory_space<vmem>>) dst(%dma_wait3A_1910 : memref<172032x64xf32, #tpu.memory_space<hbm>>)
    %dma_wait3A_1911 = arith.constant 1 : i32
    %dma_wait3A_1912 = arith.constant 39 : i32
    %dma_wait3A_1913 = arith.constant 0 : i32
    %dma_wait3A_1914 = arith.constant 0 : i32
    %dma_wait3A_1915 = tpu.memref_slice %arg10[%dma_wait3A_1911, %dma_wait3A_1913, %dma_wait3A_1914] : memref<4x128x64xf32, #tpu.memory_space<vmem>> -> memref<1x128x64xf32, #tpu.memory_space<vmem>>
    %dma_wait3A_1916 = tpu.memref_squeeze %dma_wait3A_1915 : memref<1x128x64xf32, #tpu.memory_space<vmem>> -> memref<128x64xf32, #tpu.memory_space<vmem>>
    %dma_wait3A_1917 = arith.constant 0 : i32
    %dma_wait3A_1918 = tpu.memref_slice %arg8[%dma_wait3A_1912, %dma_wait3A_1917] : memref<42x128xi32, #tpu.memory_space<vmem>> -> memref<1x128xi32, #tpu.memory_space<vmem>>
    %dma_wait3A_1919 = tpu.memref_squeeze %dma_wait3A_1918 : memref<1x128xi32, #tpu.memory_space<vmem>> -> memref<128xi32, #tpu.memory_space<vmem>>
    %dma_wait3A_1920 = arith.constant 0 : i32
    %dma_wait3A_1921 = arith.constant 0 : i32
    %dma_wait3A_1922 = tpu.memref_slice %arg6[%dma_wait3A_1920, %dma_wait3A_1921] : memref<172032x64xf32, #tpu.memory_space<hbm>> -> memref<172032x64xf32, #tpu.memory_space<hbm>>
    tpu.wait_indirect_dma semaphore(%arg23 : memref<!tpu.dma_semaphore, #tpu.memory_space<semaphore_mem>>) src(%dma_wait3A_1916 : memref<128x64xf32, #tpu.memory_space<vmem>>) dst(%dma_wait3A_1922 : memref<172032x64xf32, #tpu.memory_space<hbm>>)
    %dma_wait3A_1923 = arith.constant 2 : i32
    %dma_wait3A_1924 = arith.constant 40 : i32
    %dma_wait3A_1925 = arith.constant 0 : i32
    %dma_wait3A_1926 = arith.constant 0 : i32
    %dma_wait3A_1927 = tpu.memref_slice %arg10[%dma_wait3A_1923, %dma_wait3A_1925, %dma_wait3A_1926] : memref<4x128x64xf32, #tpu.memory_space<vmem>> -> memref<1x128x64xf32, #tpu.memory_space<vmem>>
    %dma_wait3A_1928 = tpu.memref_squeeze %dma_wait3A_1927 : memref<1x128x64xf32, #tpu.memory_space<vmem>> -> memref<128x64xf32, #tpu.memory_space<vmem>>
    %dma_wait3A_1929 = arith.constant 0 : i32
    %dma_wait3A_1930 = tpu.memref_slice %arg8[%dma_wait3A_1924, %dma_wait3A_1929] : memref<42x128xi32, #tpu.memory_space<vmem>> -> memref<1x128xi32, #tpu.memory_space<vmem>>
    %dma_wait3A_1931 = tpu.memref_squeeze %dma_wait3A_1930 : memref<1x128xi32, #tpu.memory_space<vmem>> -> memref<128xi32, #tpu.memory_space<vmem>>
    %dma_wait3A_1932 = arith.constant 0 : i32
    %dma_wait3A_1933 = arith.constant 0 : i32
    %dma_wait3A_1934 = tpu.memref_slice %arg6[%dma_wait3A_1932, %dma_wait3A_1933] : memref<172032x64xf32, #tpu.memory_space<hbm>> -> memref<172032x64xf32, #tpu.memory_space<hbm>>
    tpu.wait_indirect_dma semaphore(%arg24 : memref<!tpu.dma_semaphore, #tpu.memory_space<semaphore_mem>>) src(%dma_wait3A_1928 : memref<128x64xf32, #tpu.memory_space<vmem>>) dst(%dma_wait3A_1934 : memref<172032x64xf32, #tpu.memory_space<hbm>>)
    %dma_wait3A_1935 = arith.constant 3 : i32
    %dma_wait3A_1936 = arith.constant 41 : i32
    %dma_wait3A_1937 = arith.constant 0 : i32
    %dma_wait3A_1938 = arith.constant 0 : i32
    %dma_wait3A_1939 = tpu.memref_slice %arg10[%dma_wait3A_1935, %dma_wait3A_1937, %dma_wait3A_1938] : memref<4x128x64xf32, #tpu.memory_space<vmem>> -> memref<1x128x64xf32, #tpu.memory_space<vmem>>
    %dma_wait3A_1940 = tpu.memref_squeeze %dma_wait3A_1939 : memref<1x128x64xf32, #tpu.memory_space<vmem>> -> memref<128x64xf32, #tpu.memory_space<vmem>>
    %dma_wait3A_1941 = arith.constant 0 : i32
    %dma_wait3A_1942 = tpu.memref_slice %arg8[%dma_wait3A_1936, %dma_wait3A_1941] : memref<42x128xi32, #tpu.memory_space<vmem>> -> memref<1x128xi32, #tpu.memory_space<vmem>>
    %dma_wait3A_1943 = tpu.memref_squeeze %dma_wait3A_1942 : memref<1x128xi32, #tpu.memory_space<vmem>> -> memref<128xi32, #tpu.memory_space<vmem>>
    %dma_wait3A_1944 = arith.constant 0 : i32
    %dma_wait3A_1945 = arith.constant 0 : i32
    %dma_wait3A_1946 = tpu.memref_slice %arg6[%dma_wait3A_1944, %dma_wait3A_1945] : memref<172032x64xf32, #tpu.memory_space<hbm>> -> memref<172032x64xf32, #tpu.memory_space<hbm>>
    tpu.wait_indirect_dma semaphore(%arg25 : memref<!tpu.dma_semaphore, #tpu.memory_space<semaphore_mem>>) src(%dma_wait3A_1940 : memref<128x64xf32, #tpu.memory_space<vmem>>) dst(%dma_wait3A_1946 : memref<172032x64xf32, #tpu.memory_space<hbm>>)
    %dma_wait3A_1947 = arith.constant 0 : i32
    %dma_wait3A_1948 = arith.constant 0 : i32
    %dma_wait3A_1949 = arith.constant 0 : i32
    %dma_wait3A_1950 = arith.constant 0 : i32
    %dma_wait3A_1951 = tpu.memref_slice %arg9[%dma_wait3A_1947, %dma_wait3A_1949, %dma_wait3A_1950] : memref<6x128x64xf32, #tpu.memory_space<vmem>> -> memref<1x128x64xf32, #tpu.memory_space<vmem>>
    %dma_wait3A_1952 = tpu.memref_squeeze %dma_wait3A_1951 : memref<1x128x64xf32, #tpu.memory_space<vmem>> -> memref<128x64xf32, #tpu.memory_space<vmem>>
    %dma_wait3A_1953 = arith.constant 0 : i32
    %dma_wait3A_1954 = tpu.memref_slice %arg8[%dma_wait3A_1948, %dma_wait3A_1953] : memref<42x128xi32, #tpu.memory_space<vmem>> -> memref<1x128xi32, #tpu.memory_space<vmem>>
    %dma_wait3A_1955 = tpu.memref_squeeze %dma_wait3A_1954 : memref<1x128xi32, #tpu.memory_space<vmem>> -> memref<128xi32, #tpu.memory_space<vmem>>
    %dma_wait3A_1956 = arith.constant 0 : i32
    %dma_wait3A_1957 = arith.constant 0 : i32
    %dma_wait3A_1958 = tpu.memref_slice %arg6[%dma_wait3A_1956, %dma_wait3A_1957] : memref<172032x64xf32, #tpu.memory_space<hbm>> -> memref<172032x64xf32, #tpu.memory_space<hbm>>
    tpu.wait_indirect_dma semaphore(%arg12 : memref<!tpu.dma_semaphore, #tpu.memory_space<semaphore_mem>>) src(%dma_wait3A_1952 : memref<128x64xf32, #tpu.memory_space<vmem>>) dst(%dma_wait3A_1958 : memref<172032x64xf32, #tpu.memory_space<hbm>>)
    %dma_wait3A_1959 = arith.constant 1 : i32
    %dma_wait3A_1960 = arith.constant 1 : i32
    %dma_wait3A_1961 = arith.constant 0 : i32
    %dma_wait3A_1962 = arith.constant 0 : i32
    %dma_wait3A_1963 = tpu.memref_slice %arg9[%dma_wait3A_1959, %dma_wait3A_1961, %dma_wait3A_1962] : memref<6x128x64xf32, #tpu.memory_space<vmem>> -> memref<1x128x64xf32, #tpu.memory_space<vmem>>
    %dma_wait3A_1964 = tpu.memref_squeeze %dma_wait3A_1963 : memref<1x128x64xf32, #tpu.memory_space<vmem>> -> memref<128x64xf32, #tpu.memory_space<vmem>>
    %dma_wait3A_1965 = arith.constant 0 : i32
    %dma_wait3A_1966 = tpu.memref_slice %arg8[%dma_wait3A_1960, %dma_wait3A_1965] : memref<42x128xi32, #tpu.memory_space<vmem>> -> memref<1x128xi32, #tpu.memory_space<vmem>>
    %dma_wait3A_1967 = tpu.memref_squeeze %dma_wait3A_1966 : memref<1x128xi32, #tpu.memory_space<vmem>> -> memref<128xi32, #tpu.memory_space<vmem>>
    %dma_wait3A_1968 = arith.constant 0 : i32
    %dma_wait3A_1969 = arith.constant 0 : i32
    %dma_wait3A_1970 = tpu.memref_slice %arg6[%dma_wait3A_1968, %dma_wait3A_1969] : memref<172032x64xf32, #tpu.memory_space<hbm>> -> memref<172032x64xf32, #tpu.memory_space<hbm>>
    tpu.wait_indirect_dma semaphore(%arg13 : memref<!tpu.dma_semaphore, #tpu.memory_space<semaphore_mem>>) src(%dma_wait3A_1964 : memref<128x64xf32, #tpu.memory_space<vmem>>) dst(%dma_wait3A_1970 : memref<172032x64xf32, #tpu.memory_space<hbm>>)
    %dma_wait3A_1971 = arith.constant 2 : i32
    %dma_wait3A_1972 = arith.constant 2 : i32
    %dma_wait3A_1973 = arith.constant 0 : i32
    %dma_wait3A_1974 = arith.constant 0 : i32
    %dma_wait3A_1975 = tpu.memref_slice %arg9[%dma_wait3A_1971, %dma_wait3A_1973, %dma_wait3A_1974] : memref<6x128x64xf32, #tpu.memory_space<vmem>> -> memref<1x128x64xf32, #tpu.memory_space<vmem>>
    %dma_wait3A_1976 = tpu.memref_squeeze %dma_wait3A_1975 : memref<1x128x64xf32, #tpu.memory_space<vmem>> -> memref<128x64xf32, #tpu.memory_space<vmem>>
    %dma_wait3A_1977 = arith.constant 0 : i32
    %dma_wait3A_1978 = tpu.memref_slice %arg8[%dma_wait3A_1972, %dma_wait3A_1977] : memref<42x128xi32, #tpu.memory_space<vmem>> -> memref<1x128xi32, #tpu.memory_space<vmem>>
    %dma_wait3A_1979 = tpu.memref_squeeze %dma_wait3A_1978 : memref<1x128xi32, #tpu.memory_space<vmem>> -> memref<128xi32, #tpu.memory_space<vmem>>
    %dma_wait3A_1980 = arith.constant 0 : i32
    %dma_wait3A_1981 = arith.constant 0 : i32
    %dma_wait3A_1982 = tpu.memref_slice %arg6[%dma_wait3A_1980, %dma_wait3A_1981] : memref<172032x64xf32, #tpu.memory_space<hbm>> -> memref<172032x64xf32, #tpu.memory_space<hbm>>
    tpu.wait_indirect_dma semaphore(%arg14 : memref<!tpu.dma_semaphore, #tpu.memory_space<semaphore_mem>>) src(%dma_wait3A_1976 : memref<128x64xf32, #tpu.memory_space<vmem>>) dst(%dma_wait3A_1982 : memref<172032x64xf32, #tpu.memory_space<hbm>>)
    %dma_wait3A_1983 = arith.constant 3 : i32
    %dma_wait3A_1984 = arith.constant 3 : i32
    %dma_wait3A_1985 = arith.constant 0 : i32
    %dma_wait3A_1986 = arith.constant 0 : i32
    %dma_wait3A_1987 = tpu.memref_slice %arg9[%dma_wait3A_1983, %dma_wait3A_1985, %dma_wait3A_1986] : memref<6x128x64xf32, #tpu.memory_space<vmem>> -> memref<1x128x64xf32, #tpu.memory_space<vmem>>
    %dma_wait3A_1988 = tpu.memref_squeeze %dma_wait3A_1987 : memref<1x128x64xf32, #tpu.memory_space<vmem>> -> memref<128x64xf32, #tpu.memory_space<vmem>>
    %dma_wait3A_1989 = arith.constant 0 : i32
    %dma_wait3A_1990 = tpu.memref_slice %arg8[%dma_wait3A_1984, %dma_wait3A_1989] : memref<42x128xi32, #tpu.memory_space<vmem>> -> memref<1x128xi32, #tpu.memory_space<vmem>>
    %dma_wait3A_1991 = tpu.memref_squeeze %dma_wait3A_1990 : memref<1x128xi32, #tpu.memory_space<vmem>> -> memref<128xi32, #tpu.memory_space<vmem>>
    %dma_wait3A_1992 = arith.constant 0 : i32
    %dma_wait3A_1993 = arith.constant 0 : i32
    %dma_wait3A_1994 = tpu.memref_slice %arg6[%dma_wait3A_1992, %dma_wait3A_1993] : memref<172032x64xf32, #tpu.memory_space<hbm>> -> memref<172032x64xf32, #tpu.memory_space<hbm>>
    tpu.wait_indirect_dma semaphore(%arg15 : memref<!tpu.dma_semaphore, #tpu.memory_space<semaphore_mem>>) src(%dma_wait3A_1988 : memref<128x64xf32, #tpu.memory_space<vmem>>) dst(%dma_wait3A_1994 : memref<172032x64xf32, #tpu.memory_space<hbm>>)
    %dma_wait3A_1995 = arith.constant 4 : i32
    %dma_wait3A_1996 = arith.constant 4 : i32
    %dma_wait3A_1997 = arith.constant 0 : i32
    %dma_wait3A_1998 = arith.constant 0 : i32
    %dma_wait3A_1999 = tpu.memref_slice %arg9[%dma_wait3A_1995, %dma_wait3A_1997, %dma_wait3A_1998] : memref<6x128x64xf32, #tpu.memory_space<vmem>> -> memref<1x128x64xf32, #tpu.memory_space<vmem>>
    %dma_wait3A_2000 = tpu.memref_squeeze %dma_wait3A_1999 : memref<1x128x64xf32, #tpu.memory_space<vmem>> -> memref<128x64xf32, #tpu.memory_space<vmem>>
    %dma_wait3A_2001 = arith.constant 0 : i32
    %dma_wait3A_2002 = tpu.memref_slice %arg8[%dma_wait3A_1996, %dma_wait3A_2001] : memref<42x128xi32, #tpu.memory_space<vmem>> -> memref<1x128xi32, #tpu.memory_space<vmem>>
    %dma_wait3A_2003 = tpu.memref_squeeze %dma_wait3A_2002 : memref<1x128xi32, #tpu.memory_space<vmem>> -> memref<128xi32, #tpu.memory_space<vmem>>
    %dma_wait3A_2004 = arith.constant 0 : i32
    %dma_wait3A_2005 = arith.constant 0 : i32
    %dma_wait3A_2006 = tpu.memref_slice %arg6[%dma_wait3A_2004, %dma_wait3A_2005] : memref<172032x64xf32, #tpu.memory_space<hbm>> -> memref<172032x64xf32, #tpu.memory_space<hbm>>
    tpu.wait_indirect_dma semaphore(%arg16 : memref<!tpu.dma_semaphore, #tpu.memory_space<semaphore_mem>>) src(%dma_wait3A_2000 : memref<128x64xf32, #tpu.memory_space<vmem>>) dst(%dma_wait3A_2006 : memref<172032x64xf32, #tpu.memory_space<hbm>>)
    %dma_wait3A_2007 = arith.constant 5 : i32
    %dma_wait3A_2008 = arith.constant 5 : i32
    %dma_wait3A_2009 = arith.constant 0 : i32
    %dma_wait3A_2010 = arith.constant 0 : i32
    %dma_wait3A_2011 = tpu.memref_slice %arg9[%dma_wait3A_2007, %dma_wait3A_2009, %dma_wait3A_2010] : memref<6x128x64xf32, #tpu.memory_space<vmem>> -> memref<1x128x64xf32, #tpu.memory_space<vmem>>
    %dma_wait3A_2012 = tpu.memref_squeeze %dma_wait3A_2011 : memref<1x128x64xf32, #tpu.memory_space<vmem>> -> memref<128x64xf32, #tpu.memory_space<vmem>>
    %dma_wait3A_2013 = arith.constant 0 : i32
    %dma_wait3A_2014 = tpu.memref_slice %arg8[%dma_wait3A_2008, %dma_wait3A_2013] : memref<42x128xi32, #tpu.memory_space<vmem>> -> memref<1x128xi32, #tpu.memory_space<vmem>>
    %dma_wait3A_2015 = tpu.memref_squeeze %dma_wait3A_2014 : memref<1x128xi32, #tpu.memory_space<vmem>> -> memref<128xi32, #tpu.memory_space<vmem>>
    %dma_wait3A_2016 = arith.constant 0 : i32
    %dma_wait3A_2017 = arith.constant 0 : i32
    %dma_wait3A_2018 = tpu.memref_slice %arg6[%dma_wait3A_2016, %dma_wait3A_2017] : memref<172032x64xf32, #tpu.memory_space<hbm>> -> memref<172032x64xf32, #tpu.memory_space<hbm>>
    tpu.wait_indirect_dma semaphore(%arg17 : memref<!tpu.dma_semaphore, #tpu.memory_space<semaphore_mem>>) src(%dma_wait3A_2012 : memref<128x64xf32, #tpu.memory_space<vmem>>) dst(%dma_wait3A_2018 : memref<172032x64xf32, #tpu.memory_space<hbm>>)
    return
  }
}

</mosaic_0001>

<sc_bundles>
// kernel: _encode.3.cloned.1.call-start
scs
__scs_entry_jumppad:
0x0: {  	(pc) =	sbr.rel $0x88, $3  }
0x1: {  	(tag) =	ssettag $0x0;
	lr =	simm.s32 $0x1  }
0x2: {  	[smem:$0x3F9D] =	sst lr;
	_ =	strace $0xD0000000  }
0x3: {  	_ = 	snop  }
0x4: {  	_ = 	snop  }
0x5: {  	_ = 	snop  }
0x6: {  	_ = 	snop  }
0x7: {  	_ = 	snop  }
__scs_overlays_trampoline_lowered:
0x8: {  	[smem:$0x3FAC] =	sst s0  }
0x9: {  	[smem:$0x3FAD] =	sst s1  }
0xa: {  	[smem:$0x3FAE] =	sst s2  }
0xb: {  	[smem:$0x3FAF] =	sst s3  }
0xc: {  	[smem:$0x3FB0] =	sst s4  }
0xd: {  	[smem:$0x3FB1] =	sst s5  }
0xe: {  	[smem:$0x3FB2] =	sst s6  }
0xf: {  	[smem:$0x3FB3] =	sst s7  }
0x10: {  	[smem:$0x3FB4] =	sst s8  }
0x11: {  	[smem:$0x3FB5] =	sst s9;
	s0 =	simm.s32 @!p0 $0x0  }
0x12: {  	s1 =	sld [smem:$0x3F9B];
	s0 =	simm.s32 @p0 $0x1  }
0x13: {  	[smem:$0x3FB6] =	sst s0;
	s0 =	simm.s32 @!p1 $0x0  }
0x14: {  	s2 =	sld [smem:$0x3F9A];
	s0 =	simm.s32 @p1 $0x1  }
0x15: {  	[smem:$0x3FB7] =	sst s0;
	s0 =	simm.s32 @!p2 $0x0  }
0x16: {  	s3 =	sld [smem:$0x3FDB];
	s0 =	simm.s32 @p2 $0x1  }
0x17: {  	s4 =	simm.s32 $0x1BF5;
	[smem:$0x3FB9] =	sst s0  }
0x18: {  	s0 =	sld [smem:$0x3F9C];
	_ =	swait.ge [sflag:s4], $0x0  }
0x19: {  	s7 =	sld [smem:$0x3F9D]  }
0x1a: {  	s8 =	sadd.s32 $0xFFFFE003, lr  }
0x1b: {  	s9 =	sadd.s32 $0xFFFFFEF7, lr;
	s5 =	simm.s32 $0xFFFFFFFF;
	p2 =	slt.u32 s8, $0xFFFFF086  }
0x1c: {  	p1 =	slt.u32 s9, $0xF7A;
	s5 =	simm.s32 @!p2 $0x0  }
0x1d: {  	s5 =	simm.s32 @p1 $0x1;
	p0 =	seq.s32 s7, s2  }
0x1e: {  	s7 =	smul.u32 @!p0 $0xF7A, s2;
	p2 =	seq.s32 @!p0 s5, $0x0  }
0x1f: {  	s9 =	smul.u32 $0xF7A, s1;
	s8 =	simm.s32 @!p0 $0x1BF5;
	p2 =	por !p2, p0  }
0x20: {  	[sflag:s8] =	ssyncset.s32 @!p0 $0xFFFFF086;
	s6 =	sadd.s32 @!p0 s3, s7;
	s7 =	simm.s32 @!p0 $0x108  }
0x21: {  	s3 =	sadd.s32 s3, s9;
	s6 =	sadd.s32 @!p0 $0x88, s6;
	s7 =	simm.s32 @p2 $0x1082  }
0x22: {  	[simem:s7], [sflag:s8] =	dma.local @!p0 [hbm:s6], $0xF7A  }
0x23: {  	s9 =	sor.u32 $0xD0000000, s2;
	s6 =	simm.s32 $0x108;
	_ =	swait.ge @!p0 [sflag:s8], $0x0  }
0x24: {  	s3 =	sadd.s32 $0x88, s3;
	s6 =	simm.s32 @!p1 $0x1082;
	[sflag:s4] =	ssyncset.s32 $0xFFFFF086  }
0x25: {  	[simem:s6], [sflag:s4] =	dma.local [hbm:s3], $0xF7A  }
0x26: {  	[smem:$0x3F9D] =	sst s1;
	(tag) =	ssettag s2;
	_ =	strace s9  }
0x27: {  	s1 =	sld [smem:$0x3FAD]  }
0x28: {  	s2 =	sld [smem:$0x3FAE]  }
0x29: {  	s4 =	sld [smem:$0x3FB0]  }
0x2a: {  	p0 =	seq.s32 s5, $0x0;
	s5 =	sld [smem:$0x3FB1]  }
0x2b: {  	s6 =	sld [smem:$0x3FB2]  }
0x2c: {  	s7 =	sld [smem:$0x3FB3]  }
0x2d: {  	s3 =	simm.s32 $0x108;
	s8 =	sld [smem:$0x3FB4]  }
0x2e: {  	s3 =	simm.s32 @!p0 $0x1082;
	s9 =	sld [smem:$0x3FB5]  }
0x2f: {  	lr =	sadd.s32 s0, s3;
	s0 =	sld [smem:$0x3FAC]  }
0x30: {  	s3 =	sld [smem:$0x3FAF]  }
0x31: {  	[smem:$0x3FB8] =	sst s10  }
0x32: {  	s10 =	sld [smem:$0x3FB6];
	_ =	sdelay $0x3  }
0x33: {  	p0 =	seq.s32 s10, $0x1;
	s10 =	sld [smem:$0x3FB8];
	_ =	sdelay $0x3  }
0x34: {  	[smem:$0x3FB8] =	sst s10  }
0x35: {  	s10 =	sld [smem:$0x3FB7];
	_ =	sdelay $0x3  }
0x36: {  	p1 =	seq.s32 s10, $0x1;
	s10 =	sld [smem:$0x3FB8];
	_ =	sdelay $0x3  }
0x37: {  	[smem:$0x3FB8] =	sst s10  }
0x38: {  	s10 =	sld [smem:$0x3FB9]  }
0x39: {  	_ = 	snop;
	(pc) =	sbr.ind lr, $3  }
0x3a: {  	_ = 	snop  }
0x3b: {  	_ = 	snop  }
0x3c: {  	p2 =	seq.s32 s10, $0x1;
	s10 =	sld [smem:$0x3FB8]  }
0x3d: {  	_ =	shalt  }
0x3e: {  	_ =	shalt  }
0x3f: {  	_ =	shalt  }
0x40: {  	_ =	shalt  }
0x41: {  	_ =	shalt  }
0x42: {  	_ =	shalt  }
0x43: {  	_ =	shalt  }
0x44: {  	_ =	shalt  }
0x45: {  	_ =	shalt  }
0x46: {  	_ =	shalt  }
0x47: {  	_ =	shalt  }
0x48: {  	_ =	shalt  }
0x49: {  	_ =	shalt  }
0x4a: {  	_ =	shalt  }
0x4b: {  	_ =	shalt  }
0x4c: {  	_ =	shalt  }
0x4d: {  	_ =	shalt  }
0x4e: {  	_ =	shalt  }
0x4f: {  	_ =	shalt  }
0x50: {  	_ =	shalt  }
0x51: {  	_ =	shalt  }
0x52: {  	_ =	shalt  }
0x53: {  	_ =	shalt  }
0x54: {  	_ =	shalt  }
0x55: {  	_ =	shalt  }
0x56: {  	_ =	shalt  }
0x57: {  	_ =	shalt  }
0x58: {  	_ =	shalt  }
0x59: {  	_ =	shalt  }
0x5a: {  	_ =	shalt  }
0x5b: {  	_ =	shalt  }
0x5c: {  	_ =	shalt  }
0x5d: {  	_ =	shalt  }
0x5e: {  	_ =	shalt  }
0x5f: {  	_ =	shalt  }
0x60: {  	_ =	shalt  }
0x61: {  	_ =	shalt  }
0x62: {  	_ =	shalt  }
0x63: {  	_ =	shalt  }
0x64: {  	_ =	shalt  }
0x65: {  	_ =	shalt  }
0x66: {  	_ =	shalt  }
0x67: {  	_ =	shalt  }
0x68: {  	_ =	shalt  }
0x69: {  	_ =	shalt  }
0x6a: {  	_ =	shalt  }
0x6b: {  	_ =	shalt  }
0x6c: {  	_ =	shalt  }
0x6d: {  	_ =	shalt  }
0x6e: {  	_ =	shalt  }
0x6f: {  	_ =	shalt  }
0x70: {  	_ =	shalt  }
0x71: {  	_ =	shalt  }
0x72: {  	_ =	shalt  }
0x73: {  	_ =	shalt  }
0x74: {  	_ =	shalt  }
0x75: {  	_ =	shalt  }
0x76: {  	_ =	shalt  }
0x77: {  	_ =	shalt  }
0x78: {  	_ =	shalt  }
0x79: {  	_ =	shalt  }
0x7a: {  	_ =	shalt  }
0x7b: {  	_ =	shalt  }
0x7c: {  	_ =	shalt  }
0x7d: {  	_ =	shalt  }
0x7e: {  	_ =	shalt  }
0x7f: {  	_ =	shalt  }
0x80: {  	_ =	shalt  }
0x81: {  	_ =	shalt  }
0x82: {  	_ =	shalt  }
0x83: {  	_ =	shalt  }
0x84: {  	_ =	shalt  }
0x85: {  	_ =	shalt  }
0x86: {  	_ =	shalt  }
0x87: {  	_ =	shalt  }
.Lfunc_end0:
.L_simem_size_0:
called_computation_lowered:
.L_overlay_start_0:
0x88: {  	s2 =	sld [smem:$0x3FD9]  }
0x89: {  	s3 =	sld [smem:$0x3FFE];
	_ =	sdelay $0x1  }
0x8a: {  	s1 =	srdreg.scid  }
0x8b: {  	s0 =	sand.u32 $0x1, s1  }
0x8c: {  	s17 =	sshll.u32 s0, $0xA;
	s2 =	sadd.s32 s3, s2  }
0x8d: {  	s2 =	sadd.s32 s2, s17  }
0x8e: {  	[smem:$0x3FC4] =	sst s2  }
0x8f: {  	_ = 	snop  }
0x90: {  	s2 =	sld [smem:$0x3FD0];
	(tm) =	ssettm $0x1  }
0x91: {  	s18 =	sld [smem:$0x3FFB];
	_ =	sdelay $0x3  }
0x92: {  	_ =	strace s18  }
0x93: {  	s3 =	sld [smem:$0x3FFC];
	_ =	sdelay $0x3  }
0x94: {  	_ =	strace s3  }
0x95: {  	s3 =	sld [smem:$0x3FFD];
	_ =	sdelay $0x3  }
0x96: {  	_ =	strace s3  }
0x97: {  	_ =	strace $0x8FFFFFFF  }
0x98: {  	s19 =	sld [smem:$0x3FDB];
	_ =	sdelay $0x1  }
0x99: {  	s4 =	simm.s32 $_scs_section_size  }
0x9a: {  	s5 =	simm.s32 $_size__tile_overlayer_lowered;
	s6 =	simm.s32 $_tile_overlayer_lowered  }
0x9b: {  	s22 =	simm.s32 $0x1BFF;
	s21 =	sshll.u32 s6, $0x1;
	s3 =	sadd.s32 s4, s19  }
0x9c: {  	s7 =	simm.s32 $0x0;
	s20 =	sshll.u32 s5, $0x1;
	s5 =	sadd.s32 s21, s3  }
0x9d: {  	[timem:s7], [sflag:s22] =	dma.local [hbm:s5], s20  }
0x9e: {  	_ =	swait.ge [sflag:s22], s20  }
0x9f: {  	s4 =	ssub.s32 $0x0, s20;
	[sflag:s22] =	ssyncset.done $0x0  }
0xa0: {  	[sflag:s22] =	ssyncadd.s32 s4;
	_ =	sdelay $0x1  }
0xa1: {  	s23 =	simm.s32 $0x1B8B  }
0xa2: {  	_ =	swait.ge [sflag:s23], $0x1  }
0xa3: {  	[sflag:s23] =	ssyncset.done $0x0  }
0xa4: {  	s25 =	simm.s32 $0x1B8E;
	s24 =	sld [smem:$0x3FFE];
	[sflag:s23] =	ssyncadd.s32 $0xFFFFFFFF  }
0xa5: {  	s26 =	simm.s32 $execute0_lowered;
	[smem:$0x3FD2] =	sst s25  }
0xa6: {  	s5 =	sshll.u32 s26, $0x1;
	_ =	strace $0x80000046;
	[dreg:$0x1] =	wrdreg $0xFFFFFFFF  }
0xa7: {  	s28 =	simm.s32 $_size_execute0_lowered;
	s3 =	sadd.s32 s3, s5;
	[dreg:$0x0] =	wrdreg $0x0  }
0xa8: {  	s5 =	sshll.u32 s28, $0x1;
	[dreg:$0x2] =	wrdreg s3  }
0xa9: {  	[dreg:$0x3] =	wrdreg s5  }
0xaa: {  	[dreg:$0x4] =	wrdreg $0xC0  }
0xab: {  	_ =	task [dreg:s7], $0x5FFFF  }
0xac: {  	[dreg:$0x1] =	wrdreg $0xFFFFFFFF  }
0xad: {  	[dreg:$0x0] =	wrdreg $0x60  }
0xae: {  	[dreg:$0x2] =	wrdreg s24  }
0xaf: {  	[dreg:$0x3] =	wrdreg s2  }
0xb0: {  	[dreg:$0x4] =	wrdreg $0x16A000  }
0xb1: {  	[dreg:$0x5] =	wrdreg $0x9  }
0xb2: {  	_ =	task.clear_ibuf [dreg:s7], $0x6FFFF;
	_ =	strace $0x90000046  }
0xb3: {  	s29 =	simm.s32 $0x9;
	_ =	strace $0x80000048  }
0xb4: {  	_ =	swait.ge [sflag:s29], $0x1  }
0xb5: {  	[sflag:s29] =	ssyncadd.s32 $0xFFFFFFFF  }
0xb6: {  	_ =	strace $0x90000048  }
0xb7: {  	_ =	sfence  }
0xb8: {  	s30 =	sld [smem:$0x0];
	_ =	sdelay $0x2  }
0xb9: {  	s31 =	sshll.u32 s1, $0xD;
	s1 =	sshrl.u32 s1, $0x2  }
0xba: {  	s3 =	sand.u32 $0x4000, s31;
	s1 =	sadd.s32 s1, s30  }
0xbb: {  	s0 =	sor.u32 s3, s0;
	s1 =	sshll.u32 s1, $0x11  }
0xbc: {  	s0 =	sor.u32 s1, s0  }
0xbd: {  	s0 =	sadd.s32 $0x8F2B, s0  }
0xbe: {  	[sflag:s0] =	ssyncadd.remote.s32 $0x1  }
0xbf: {  	_ =	sfence.sel $0xFFFF  }
0xc0: {  	[dreg:$0x0] =	wrdreg $0xFFFFFFFF;
	(pc) =	sbr.abs _section_cstart, $3  }
0xc1: {  	[dreg:$0x1] =	wrdreg $0xFFFFFFFF  }
0xc2: {  	_ =	task.clear_ibuf [dreg:s7], $0x2FFFF;
	_ =	strace $0x9FFFFFFF  }
0xc3: {  	(tm) =	ssettm $0x7FFFFFFF  }
tec
execute0_lowered:
.L_overlay_start_1:
0x0: {  	(tag) =	ssettag $0x1  }
0x1: {  	s0 =	rddreg [dreg:$0x0]  }
0x2: {  	s1 =	rddreg [dreg:$0x1]  }
0x3: {  	s2 =	rddreg [dreg:$0x2];
	s8 =	simm.s32 $0x0  }
0x4: {  	[smem:$0x7FF] =	sst s8;
	s19 =	sadd.s32 $0xA00, s0  }
0x5: {  	s21 =	simm.s32 $0x100;
	_ =	strace $0x80000047;
	[dreg:$0x4] =	wrdreg s19  }
0x6: {  	s22 =	simm.s32 $0x180;
	[dreg:$0x7] =	wrdreg s21  }
0x7: {  	s23 =	simm.s32 $0x200;
	[dreg:$0x8] =	wrdreg s22  }
0x8: {  	s24 =	simm.s32 $0x280;
	[dreg:$0x9] =	wrdreg s23  }
0x9: {  	s25 =	simm.s32 $0x300;
	[dreg:$0xa] =	wrdreg s24  }
0xa: {  	s26 =	simm.s32 $0x380;
	[dreg:$0xc] =	wrdreg s25  }
0xb: {  	s7 =	simm.s32 $0x1880;
	[dreg:$0xd] =	wrdreg s26  }
0xc: {  	s9 =	simm.s32 $0x480;
	[dreg:$0x10] =	wrdreg s7  }
0xd: {  	s10 =	simm.s32 $0x1900;
	[dreg:$0x11] =	wrdreg s9  }
0xe: {  	s11 =	simm.s32 $0x500;
	[dreg:$0x12] =	wrdreg s10  }
0xf: {  	s12 =	simm.s32 $0x1980;
	[dreg:$0x13] =	wrdreg s11  }
0x10: {  	s13 =	simm.s32 $0x580;
	[dreg:$0x14] =	wrdreg s12  }
0x11: {  	s14 =	simm.s32 $0x1A00;
	[dreg:$0x15] =	wrdreg s13  }
0x12: {  	s15 =	simm.s32 $0x600;
	[dreg:$0x16] =	wrdreg s14  }
0x13: {  	s16 =	simm.s32 $0x1A80;
	[dreg:$0x17] =	wrdreg s15  }
0x14: {  	s4 =	stileid.u32;
	s17 =	simm.s32 $0x680;
	[dreg:$0x18] =	wrdreg s16  }
0x15: {  	s18 =	simm.s32 $0x1B00;
	p0 =	sne.s32 s4, $0x0;
	[dreg:$0x19] =	wrdreg s17  }
0x16: {  	s5 =	sshll.u32 s4, $0x5;
	s4 =	sshrl.u32 @!p0 s2, $0x3;
	[dreg:$0x1a] =	wrdreg s18  }
0x17: {  	s19 =	simm.s32 $0x700;
	[dreg:$0xb] =	wrdreg s4  }
0x18: {  	s21 =	simm.s32 $0x780;
	[dreg:$0x1b] =	wrdreg s19  }
0x19: {  	s22 =	simm.s32 $0x1C00;
	[dreg:$0x1d] =	wrdreg s21  }
0x1a: {  	s23 =	simm.s32 $0x800;
	[dreg:$0x1e] =	wrdreg s22  }
0x1b: {  	s24 =	simm.s32 $0x1C80;
	[dreg:$0x1f] =	wrdreg s23  }
0x1c: {  	s25 =	simm.s32 $0x880;
	[smem:$0x7C6] =	sst s24  }
0x1d: {  	s26 =	simm.s32 $0x1D00;
	[smem:$0x7C7] =	sst s25  }
0x1e: {  	s7 =	simm.s32 $0x980;
	[smem:$0x7C8] =	sst s26  }
0x1f: {  	s9 =	simm.s32 $0x1E00;
	[smem:$0x7CB] =	sst s7  }
0x20: {  	s10 =	simm.s32 $0xA00;
	[smem:$0x7CC] =	sst s9  }
0x21: {  	s11 =	simm.s32 $0x1E80;
	[smem:$0x7CD] =	sst s10  }
0x22: {  	s12 =	simm.s32 $0xA80;
	[smem:$0x7CE] =	sst s11  }
0x23: {  	s13 =	simm.s32 $0x1F00;
	[smem:$0x7CF] =	sst s12  }
0x24: {  	s14 =	simm.s32 $0xB00;
	[smem:$0x7D0] =	sst s13  }
0x25: {  	s15 =	simm.s32 $0x1F80;
	[smem:$0x7D1] =	sst s14  }
0x26: {  	s3 =	srdreg.scid;
	s16 =	simm.s32 $0xB80;
	[smem:$0x7D2] =	sst s15  }
0x27: {  	s3 =	sand.u32 $0x1, s3;
	s17 =	simm.s32 $0x2000;
	[smem:$0x7D3] =	sst s16  }
0x28: {  	s6 =	sshll.u32 s3, $0x4;
	s18 =	simm.s32 $0xC00;
	[smem:$0x7D4] =	sst s17  }
0x29: {  	s5 =	sor.u32 s6, s5;
	s6 =	simm.s32 $0x400;
	[smem:$0x7D5] =	sst s18  }
0x2a: {  	s19 =	simm.s32 $0x2080;
	[dreg:$0xf] =	wrdreg s6  }
0x2b: {  	s21 =	simm.s32 $0x2100;
	[smem:$0x7D6] =	sst s19  }
0x2c: {  	s22 =	simm.s32 $0xD00;
	[smem:$0x7D8] =	sst s21  }
0x2d: {  	s23 =	simm.s32 $0x2180;
	[smem:$0x7D9] =	sst s22  }
0x2e: {  	s24 =	simm.s32 $0xD80;
	[smem:$0x7DA] =	sst s23  }
0x2f: {  	s25 =	simm.s32 $0x2200;
	[smem:$0x7DB] =	sst s24  }
0x30: {  	s26 =	simm.s32 $0xE00;
	[smem:$0x7DC] =	sst s25  }
0x31: {  	s7 =	simm.s32 $0x2300;
	[smem:$0x7DD] =	sst s26  }
0x32: {  	s9 =	simm.s32 $0xF00;
	[smem:$0x7E0] =	sst s7  }
0x33: {  	s10 =	simm.s32 $0x2380;
	[smem:$0x7E1] =	sst s9  }
0x34: {  	s11 =	simm.s32 $0xF80;
	[smem:$0x7E2] =	sst s10  }
0x35: {  	s12 =	simm.s32 $0x2400;
	[smem:$0x7E3] =	sst s11  }
0x36: {  	s13 =	simm.s32 $0x2480;
	[smem:$0x7E4] =	sst s12  }
0x37: {  	s14 =	simm.s32 $0x1080;
	[smem:$0x7E5] =	sst s13  }
0x38: {  	s15 =	simm.s32 $0x2500;
	[smem:$0x7E6] =	sst s14  }
0x39: {  	s16 =	simm.s32 $0x1100;
	[smem:$0x7E7] =	sst s15  }
0x3a: {  	s30 =	simm.s32 $0x6A00;
	s18 =	simm.s32 $0x2580;
	[smem:$0x7E8] =	sst s16  }
0x3b: {  	s31 =	simm.s32 $0x8A00;
	s6 =	simm.s32 $0x1D80;
	[smem:$0x7E9] =	sst s18  }
0x3c: {  	s29 =	simm.s32 $0x7;
	s19 =	simm.s32 $0x1180;
	[smem:$0x7CA] =	sst s6  }
0x3d: {  	s28 =	simm.s32 $0x8;
	s21 =	simm.s32 $0x1200;
	[smem:$0x7EA] =	sst s19  }
0x3e: {  	p1 =	por $0x0, $0x0;
	s22 =	simm.s32 $0x2680;
	[smem:$0x7EC] =	sst s21  }
0x3f: {  	s3 =	ssub.s32 $0x2, s3;
	s23 =	simm.s32 $0x1280;
	[smem:$0x7ED] =	sst s22  }
0x40: {  	s17 =	sshrl.u32 s3, $0x1;
	s24 =	simm.s32 $0x2700;
	[smem:$0x7EE] =	sst s23  }
0x41: {  	s4 =	simm.s32 $0xF;
	s25 =	simm.s32 $0x1300;
	[smem:$0x7EF] =	sst s24  }
0x42: {  	s5 =	sadd.s32 s5, s0;
	s26 =	simm.s32 $0x2780;
	[smem:$0x7F0] =	sst s25  }
0x43: {  	s0 =	sadd.s32 $0x187400, s0;
	s7 =	simm.s32 $0x1380;
	[smem:$0x7F1] =	sst s26  }
0x44: {  	s3 =	ssub.s32 s3, s17;
	s9 =	simm.s32 $0x2800;
	[smem:$0x7F2] =	sst s7  }
0x45: {  	s10 =	simm.s32 $0xAA00;
	s11 =	simm.s32 $0x1400;
	[smem:$0x7F3] =	sst s9  }
0x46: {  	s12 =	simm.s32 $0x2880;
	s13 =	simm.s32 $0x1480;
	[smem:$0x7F4] =	sst s11  }
0x47: {  	s14 =	simm.s32 $0x2900;
	s15 =	simm.s32 $0x2980;
	[smem:$0x7F5] =	sst s12  }
0x48: {  	s16 =	simm.s32 $0x1580;
	s17 =	simm.s32 $0x1600;
	[smem:$0x7F6] =	sst s13  }
0x49: {  	s18 =	simm.s32 $0x1680;
	s20 =	sadd.s32 $0xBC00, s5;
	[smem:$0x7F7] =	sst s14  }
0x4a: {  	s5 =	sadd.s32 $0x6800, s5;
	s6 =	simm.s32 $0xE80;
	[smem:$0x7F8] =	sst s15  }
0x4b: {  	s9 =	simm.s32 $0xCA00;
	s25 =	simm.s32 $0xEA00;
	[smem:$0x7F9] =	sst s16  }
0x4c: {  	s23 =	simm.s32 $0x10A00;
	s21 =	simm.s32 $0x12A00;
	[smem:$0x7FA] =	sst s17  }
0x4d: {  	s22 =	simm.s32 $0x14A00;
	s24 =	simm.s32 $0x9;
	[smem:$0x7FB] =	sst s18  }
0x4e: {  	s19 =	simm.s32 $0x1700;
	s17 =	simm.s32 $0xB;
	[dreg:$0x5] =	wrdreg s20  }
0x4f: {  	s26 =	simm.s32 $0xA;
	[dreg:$0x6] =	wrdreg s5;
	s5 =	simm.s32 $0x1800  }
0x50: {  	s18 =	simm.s32 $0xE;
	[dreg:$0xe] =	wrdreg s5;
	s5 =	simm.s32 $0x900  }
0x51: {  	s16 =	simm.s32 $0x1;
	[smem:$0x7C9] =	sst s5;
	s5 =	simm.s32 $0x2280  }
0x52: {  	s15 =	simm.s32 $0x2;
	[smem:$0x7DE] =	sst s5;
	s5 =	smax.u32 s3, $0x1  }
0x53: {  	s14 =	simm.s32 $0x3;
	[smem:$0x7DF] =	sst s6;
	s5 =	sadd.s32 $0xFFFFFFFF, s5  }
0x54: {  	s20 =	simm.s32 $0x1B80;
	[smem:$0x7FC] =	sst s19;
	p2 =	sne.s32 s5, $0x0  }
.Ltmp0:
0x55: {  	s13 =	simm.s32 $0x4;
	[dreg:$0x1c] =	wrdreg s20;
	(pc) =	sbr.rel @!p2 .LBB2_3-.Ltmp0, $4  }
0x56: {  	s12 =	simm.s32 $0x5;
	s20 =	simm.s32 $0xC80;
	s7 =	rddreg [dreg:$0x5]  }
0x57: {  	s11 =	simm.s32 $0x6;
	[smem:$0x7D7] =	sst s20;
	s20 =	simm.s32 $0x2600  }
0x58: {  	s19 =	simm.s32 $0xC;
	[smem:$0x7EB] =	sst s20;
	s20 =	simm.s32 $0x1780  }
0x59: {  	s3 =	simm.s32 $0x80;
	[smem:$0x7FD] =	sst s20;
	s20 =	simm.s32 $0xD  }
0x5a: {  	s11 =	simm.s32 $0x1000  }
0x5b: {  	[tilespmem:s8], [sflag:$0xF] =	stream.strided.gather [hbm4b:s7+s3], $0x1500, s11, s3, $0x38;
	[tilespmem:$0x198E0] =	vst v63  }
0x5c: {  	_ =	swait.ge [sflag:s4], $0x1500  }
0x5d: {  	[smem:$0x7C5] =	sst s5;
	[sflag:s4] =	ssyncset.done $0x0  }
0x5e: {  	s6 =	simm.s32 $0x1500;
	s7 =	rddreg [dreg:$0x6];
	[sflag:s4] =	ssyncadd.s32 $0xFFFFEB00  }
0x5f: {  	[tilespmem:s6], [sflag:$0xF] =	stream.strided.gather [hbm4b:s7+s3], $0x1500, s11, s3, $0x38;
	[tilespmem:$0x198E0] =	vst v63  }
0x60: {  	_ =	swait.ge [sflag:s4], $0x1500  }
0x61: {  	[sflag:s4] =	ssyncset.done $0x0  }
0x62: {  	s6 =	simm.s32 $0x2A00;
	s7 =	rddreg [dreg:$0xb];
	[sflag:s4] =	ssyncadd.s32 $0xFFFFEB00  }
0x63: {  	[tilespmem:s6], [sflag:$0x1] =	stream.indirect.gather [hbm4b:s0+s3], $0x40, s8, s3, $0xb8;
	[tilespmem:$0x198E0] =	vst v63  }
0x64: {  	[smem:$0x7C4] =	sst s7;
	s7 =	simm.s32 $0x4A00  }
0x65: {  	[tilespmem:s7], [sflag:$0x2] =	stream.indirect.gather [hbm4b:s0+s3], $0x40, s3, s3, $0xb8;
	[tilespmem:$0x198E0] =	vst v63  }
0x66: {  	s5 =	rddreg [dreg:$0x7]  }
0x67: {  	[tilespmem:s30], [sflag:$0x3] =	stream.indirect.gather [hbm4b:s0+s3], $0x40, s5, s3, $0xb8;
	[tilespmem:$0x198E0] =	vst v63  }
0x68: {  	s8 =	rddreg [dreg:$0x8]  }
0x69: {  	[tilespmem:s31], [sflag:$0x4] =	stream.indirect.gather [hbm4b:s0+s3], $0x40, s8, s3, $0xb8;
	[tilespmem:$0x198E0] =	vst v63  }
0x6a: {  	s7 =	rddreg [dreg:$0x9]  }
0x6b: {  	[tilespmem:s10], [sflag:$0x5] =	stream.indirect.gather [hbm4b:s0+s3], $0x40, s7, s3, $0xb8;
	[tilespmem:$0x198E0] =	vst v63  }
0x6c: {  	s8 =	rddreg [dreg:$0xa]  }
0x6d: {  	[tilespmem:s9], [sflag:$0x6] =	stream.indirect.gather [hbm4b:s0+s3], $0x40, s8, s3, $0xb8;
	[tilespmem:$0x198E0] =	vst v63  }
0x6e: {  	s8 =	sld [smem:$0x7C4];
	_ =	sdelay $0x1  }
0x6f: {  	s6 =	simm.s32 @!p0 $0xF;
	s5 =	simm.s32 @!p0 $0x1C0F;
	s7 =	rddreg [dreg:$0x4]  }
0x70: {  	[spmem:s8], [sflag:s5] =	dma.local @!p0 [hbm:s7], $0x5DC0  }
0x71: {  	_ =	swait.ge @!p0 [sflag:s6], $0x5DC0  }
0x72: {  	[sflag:s6] =	ssyncset.done @!p0 $0x0  }
0x73: {  	[sflag:s6] =	ssyncadd.s32 @!p0 $0xFFFFA240  }
0x74: {  	[bflag:$0x0] =	sbarrier.arrive $0xFFFF  }
0x75: {  	s8 =	rddreg [dreg:$0xc]  }
0x76: {  	[tilespmem:s25], [sflag:$0x7] =	stream.indirect.gather [spmem:s2], $0x40, s8, s3, $0xb8;
	[tilespmem:$0x198E0] =	vst v63  }
0x77: {  	s5 =	rddreg [dreg:$0xd]  }
0x78: {  	[tilespmem:s23], [sflag:$0x8] =	stream.indirect.gather [spmem:s2], $0x40, s5, s3, $0xb8;
	[tilespmem:$0x198E0] =	vst v63  }
0x79: {  	_ =	swait.ge [sflag:s29], $0x2000  }
0x7a: {  	[sflag:s29] =	ssyncset.done $0x0  }
0x7b: {  	s8 =	rddreg [dreg:$0xe];
	[sflag:s29] =	ssyncadd.s32 $0xFFFFE000  }
0x7c: {  	[hbm4b:s1+s3] =	stream.indirect.scatter [tilespmem:s25], [sflag:$0xB], $0x40, s8, s3, $0xb8;
	[tilespmem:$0x198E0] =	vst v63  }
0x7d: {  	s5 =	rddreg [dreg:$0xf]  }
0x7e: {  	[tilespmem:s21], [sflag:$0x9] =	stream.indirect.gather [spmem:s2], $0x40, s5, s3, $0xb8;
	[tilespmem:$0x198E0] =	vst v63  }
0x7f: {  	_ =	swait.ge [sflag:s28], $0x2000  }
0x80: {  	[sflag:s28] =	ssyncset.done $0x0  }
0x81: {  	s8 =	rddreg [dreg:$0x10];
	[sflag:s28] =	ssyncadd.s32 $0xFFFFE000  }
0x82: {  	[hbm4b:s1+s3] =	stream.indirect.scatter [tilespmem:s23], [sflag:$0xC], $0x40, s8, s3, $0xb8;
	[tilespmem:$0x198E0] =	vst v63  }
0x83: {  	s5 =	rddreg [dreg:$0x11]  }
0x84: {  	[tilespmem:s22], [sflag:$0xA] =	stream.indirect.gather [spmem:s2], $0x40, s5, s3, $0xb8;
	[tilespmem:$0x198E0] =	vst v63  }
0x85: {  	_ =	swait.ge [sflag:s24], $0x2000  }
0x86: {  	[sflag:s24] =	ssyncset.done $0x0  }
0x87: {  	s8 =	rddreg [dreg:$0x12];
	[sflag:s24] =	ssyncadd.s32 $0xFFFFE000  }
0x88: {  	[hbm4b:s1+s3] =	stream.indirect.scatter [tilespmem:s21], [sflag:$0xD], $0x40, s8, s3, $0xb8;
	[tilespmem:$0x198E0] =	vst v63  }
0x89: {  	_ =	swait.ge [sflag:s17], $0x2000  }
0x8a: {  	[sflag:s17] =	ssyncset.done $0x0  }
0x8b: {  	s5 =	rddreg [dreg:$0x13];
	[sflag:s17] =	ssyncadd.s32 $0xFFFFE000  }
0x8c: {  	[tilespmem:s25], [sflag:$0x7] =	stream.indirect.gather [spmem:s2], $0x40, s5, s3, $0xb8;
	[tilespmem:$0x198E0] =	vst v63  }
0x8d: {  	_ =	swait.ge [sflag:s26], $0x2000  }
0x8e: {  	[sflag:s26] =	ssyncset.done $0x0  }
0x8f: {  	s7 =	rddreg [dreg:$0x14];
	[sflag:s26] =	ssyncadd.s32 $0xFFFFE000  }
0x90: {  	[hbm4b:s1+s3] =	stream.indirect.scatter [tilespmem:s22], [sflag:$0xE], $0x40, s7, s3, $0xb8;
	[tilespmem:$0x198E0] =	vst v63  }
0x91: {  	_ =	swait.ge [sflag:s19], $0x2000  }
0x92: {  	[sflag:s19] =	ssyncset.done $0x0  }
0x93: {  	s8 =	rddreg [dreg:$0x15];
	[sflag:s19] =	ssyncadd.s32 $0xFFFFE000  }
0x94: {  	[tilespmem:s23], [sflag:$0x8] =	stream.indirect.gather [spmem:s2], $0x40, s8, s3, $0xb8;
	[tilespmem:$0x198E0] =	vst v63  }
0x95: {  	_ =	swait.ge [sflag:s29], $0x2000  }
0x96: {  	[sflag:s29] =	ssyncset.done $0x0  }
0x97: {  	s5 =	rddreg [dreg:$0x16];
	[sflag:s29] =	ssyncadd.s32 $0xFFFFE000  }
0x98: {  	[hbm4b:s1+s3] =	stream.indirect.scatter [tilespmem:s25], [sflag:$0xB], $0x40, s5, s3, $0xb8;
	[tilespmem:$0x198E0] =	vst v63  }
0x99: {  	_ =	swait.ge [sflag:s20], $0x2000  }
0x9a: {  	[sflag:s20] =	ssyncset.done $0x0  }
0x9b: {  	s7 =	rddreg [dreg:$0x17];
	[sflag:s20] =	ssyncadd.s32 $0xFFFFE000  }
0x9c: {  	[tilespmem:s21], [sflag:$0x9] =	stream.indirect.gather [spmem:s2], $0x40, s7, s3, $0xb8;
	[tilespmem:$0x198E0] =	vst v63  }
0x9d: {  	_ =	swait.ge [sflag:s28], $0x2000  }
0x9e: {  	[sflag:s28] =	ssyncset.done $0x0  }
0x9f: {  	s8 =	rddreg [dreg:$0x18];
	[sflag:s28] =	ssyncadd.s32 $0xFFFFE000  }
0xa0: {  	[hbm4b:s1+s3] =	stream.indirect.scatter [tilespmem:s23], [sflag:$0xC], $0x40, s8, s3, $0xb8;
	[tilespmem:$0x198E0] =	vst v63  }
0xa1: {  	_ =	swait.ge [sflag:s18], $0x2000  }
0xa2: {  	[sflag:s18] =	ssyncset.done $0x0  }
0xa3: {  	s5 =	rddreg [dreg:$0x19];
	[sflag:s18] =	ssyncadd.s32 $0xFFFFE000  }
0xa4: {  	[tilespmem:s22], [sflag:$0xA] =	stream.indirect.gather [spmem:s2], $0x40, s5, s3, $0xb8;
	[tilespmem:$0x198E0] =	vst v63  }
0xa5: {  	_ =	swait.ge [sflag:s24], $0x2000  }
0xa6: {  	[sflag:s24] =	ssyncset.done $0x0  }
0xa7: {  	s7 =	rddreg [dreg:$0x1a];
	[sflag:s24] =	ssyncadd.s32 $0xFFFFE000  }
0xa8: {  	[hbm4b:s1+s3] =	stream.indirect.scatter [tilespmem:s21], [sflag:$0xD], $0x40, s7, s3, $0xb8;
	[tilespmem:$0x198E0] =	vst v63  }
0xa9: {  	_ =	swait.ge [sflag:s17], $0x2000  }
0xaa: {  	[sflag:s17] =	ssyncset.done $0x0  }
0xab: {  	s8 =	rddreg [dreg:$0x1b];
	[sflag:s17] =	ssyncadd.s32 $0xFFFFE000  }
0xac: {  	[tilespmem:s25], [sflag:$0x7] =	stream.indirect.gather [spmem:s2], $0x40, s8, s3, $0xb8;
	[tilespmem:$0x198E0] =	vst v63  }
0xad: {  	_ =	swait.ge [sflag:s26], $0x2000  }
0xae: {  	[sflag:s26] =	ssyncset.done $0x0  }
0xaf: {  	s5 =	rddreg [dreg:$0x1c];
	[sflag:s26] =	ssyncadd.s32 $0xFFFFE000  }
0xb0: {  	[hbm4b:s1+s3] =	stream.indirect.scatter [tilespmem:s22], [sflag:$0xE], $0x40, s5, s3, $0xb8;
	[tilespmem:$0x198E0] =	vst v63  }
0xb1: {  	_ =	swait.ge [sflag:s19], $0x2000  }
0xb2: {  	[sflag:s19] =	ssyncset.done $0x0  }
0xb3: {  	s7 =	rddreg [dreg:$0x1d];
	[sflag:s19] =	ssyncadd.s32 $0xFFFFE000  }
0xb4: {  	[tilespmem:s23], [sflag:$0x8] =	stream.indirect.gather [spmem:s2], $0x40, s7, s3, $0xb8;
	[tilespmem:$0x198E0] =	vst v63  }
0xb5: {  	_ =	swait.ge [sflag:s29], $0x2000  }
0xb6: {  	[sflag:s29] =	ssyncset.done $0x0  }
0xb7: {  	s8 =	rddreg [dreg:$0x1e];
	[sflag:s29] =	ssyncadd.s32 $0xFFFFE000  }
0xb8: {  	[hbm4b:s1+s3] =	stream.indirect.scatter [tilespmem:s25], [sflag:$0xB], $0x40, s8, s3, $0xb8;
	[tilespmem:$0x198E0] =	vst v63  }
0xb9: {  	_ =	swait.ge [sflag:s20], $0x2000  }
0xba: {  	[sflag:s20] =	ssyncset.done $0x0  }
0xbb: {  	s5 =	rddreg [dreg:$0x1f];
	[sflag:s20] =	ssyncadd.s32 $0xFFFFE000  }
0xbc: {  	[tilespmem:s21], [sflag:$0x9] =	stream.indirect.gather [spmem:s2], $0x40, s5, s3, $0xb8;
	[tilespmem:$0x198E0] =	vst v63  }
0xbd: {  	_ =	swait.ge [sflag:s28], $0x2000  }
0xbe: {  	s7 =	sld [smem:$0x7C6]  }
0xbf: {  	[sflag:s28] =	ssyncset.done $0x0  }
0xc0: {  	[sflag:s28] =	ssyncadd.s32 $0xFFFFE000  }
0xc1: {  	[hbm4b:s1+s3] =	stream.indirect.scatter [tilespmem:s23], [sflag:$0xC], $0x40, s7, s3, $0xb8;
	[tilespmem:$0x198E0] =	vst v63  }
0xc2: {  	_ =	swait.ge [sflag:s18], $0x2000  }
0xc3: {  	s8 =	sld [smem:$0x7C7]  }
0xc4: {  	[sflag:s18] =	ssyncset.done $0x0  }
0xc5: {  	[sflag:s18] =	ssyncadd.s32 $0xFFFFE000  }
0xc6: {  	[tilespmem:s22], [sflag:$0xA] =	stream.indirect.gather [spmem:s2], $0x40, s8, s3, $0xb8;
	[tilespmem:$0x198E0] =	vst v63  }
0xc7: {  	_ =	swait.ge [sflag:s24], $0x2000  }
0xc8: {  	s5 =	sld [smem:$0x7C8]  }
0xc9: {  	[sflag:s24] =	ssyncset.done $0x0  }
0xca: {  	[sflag:s24] =	ssyncadd.s32 $0xFFFFE000  }
0xcb: {  	[hbm4b:s1+s3] =	stream.indirect.scatter [tilespmem:s21], [sflag:$0xD], $0x40, s5, s3, $0xb8;
	[tilespmem:$0x198E0] =	vst v63  }
0xcc: {  	_ =	swait.ge [sflag:s17], $0x2000  }
0xcd: {  	s7 =	sld [smem:$0x7C9]  }
0xce: {  	[sflag:s17] =	ssyncset.done $0x0  }
0xcf: {  	[sflag:s17] =	ssyncadd.s32 $0xFFFFE000  }
0xd0: {  	[tilespmem:s25], [sflag:$0x7] =	stream.indirect.gather [spmem:s2], $0x40, s7, s3, $0xb8;
	[tilespmem:$0x198E0] =	vst v63  }
0xd1: {  	_ =	swait.ge [sflag:s26], $0x2000  }
0xd2: {  	s8 =	sld [smem:$0x7CA]  }
0xd3: {  	[sflag:s26] =	ssyncset.done $0x0  }
0xd4: {  	[sflag:s26] =	ssyncadd.s32 $0xFFFFE000  }
0xd5: {  	[hbm4b:s1+s3] =	stream.indirect.scatter [tilespmem:s22], [sflag:$0xE], $0x40, s8, s3, $0xb8;
	[tilespmem:$0x198E0] =	vst v63  }
0xd6: {  	_ =	swait.ge [sflag:s19], $0x2000  }
0xd7: {  	s5 =	sld [smem:$0x7CB]  }
0xd8: {  	[sflag:s19] =	ssyncset.done $0x0  }
0xd9: {  	[sflag:s19] =	ssyncadd.s32 $0xFFFFE000  }
0xda: {  	[tilespmem:s23], [sflag:$0x8] =	stream.indirect.gather [spmem:s2], $0x40, s5, s3, $0xb8;
	[tilespmem:$0x198E0] =	vst v63  }
0xdb: {  	_ =	swait.ge [sflag:s29], $0x2000  }
0xdc: {  	s7 =	sld [smem:$0x7CC]  }
0xdd: {  	[sflag:s29] =	ssyncset.done $0x0  }
0xde: {  	[sflag:s29] =	ssyncadd.s32 $0xFFFFE000  }
0xdf: {  	[hbm4b:s1+s3] =	stream.indirect.scatter [tilespmem:s25], [sflag:$0xB], $0x40, s7, s3, $0xb8;
	[tilespmem:$0x198E0] =	vst v63  }
0xe0: {  	_ =	swait.ge [sflag:s20], $0x2000  }
0xe1: {  	s8 =	sld [smem:$0x7CD]  }
0xe2: {  	[sflag:s20] =	ssyncset.done $0x0  }
0xe3: {  	[sflag:s20] =	ssyncadd.s32 $0xFFFFE000  }
0xe4: {  	[tilespmem:s21], [sflag:$0x9] =	stream.indirect.gather [spmem:s2], $0x40, s8, s3, $0xb8;
	[tilespmem:$0x198E0] =	vst v63  }
0xe5: {  	_ =	swait.ge [sflag:s28], $0x2000  }
0xe6: {  	s5 =	sld [smem:$0x7CE]  }
0xe7: {  	[sflag:s28] =	ssyncset.done $0x0  }
0xe8: {  	[sflag:s28] =	ssyncadd.s32 $0xFFFFE000  }
0xe9: {  	[hbm4b:s1+s3] =	stream.indirect.scatter [tilespmem:s23], [sflag:$0xC], $0x40, s5, s3, $0xb8;
	[tilespmem:$0x198E0] =	vst v63  }
0xea: {  	_ =	swait.ge [sflag:s18], $0x2000  }
0xeb: {  	s7 =	sld [smem:$0x7CF]  }
0xec: {  	[sflag:s18] =	ssyncset.done $0x0  }
0xed: {  	[sflag:s18] =	ssyncadd.s32 $0xFFFFE000  }
0xee: {  	[tilespmem:s22], [sflag:$0xA] =	stream.indirect.gather [spmem:s2], $0x40, s7, s3, $0xb8;
	[tilespmem:$0x198E0] =	vst v63  }
0xef: {  	_ =	swait.ge [sflag:s24], $0x2000  }
0xf0: {  	s8 =	sld [smem:$0x7D0]  }
0xf1: {  	[sflag:s24] =	ssyncset.done $0x0  }
0xf2: {  	[sflag:s24] =	ssyncadd.s32 $0xFFFFE000  }
0xf3: {  	[hbm4b:s1+s3] =	stream.indirect.scatter [tilespmem:s21], [sflag:$0xD], $0x40, s8, s3, $0xb8;
	[tilespmem:$0x198E0] =	vst v63  }
0xf4: {  	_ =	swait.ge [sflag:s17], $0x2000  }
0xf5: {  	s5 =	sld [smem:$0x7D1]  }
0xf6: {  	[sflag:s17] =	ssyncset.done $0x0  }
0xf7: {  	[sflag:s17] =	ssyncadd.s32 $0xFFFFE000  }
0xf8: {  	[tilespmem:s25], [sflag:$0x7] =	stream.indirect.gather [spmem:s2], $0x40, s5, s3, $0xb8;
	[tilespmem:$0x198E0] =	vst v63  }
0xf9: {  	_ =	swait.ge [sflag:s26], $0x2000  }
0xfa: {  	s7 =	sld [smem:$0x7D2]  }
0xfb: {  	[sflag:s26] =	ssyncset.done $0x0  }
0xfc: {  	[sflag:s26] =	ssyncadd.s32 $0xFFFFE000  }
0xfd: {  	[hbm4b:s1+s3] =	stream.indirect.scatter [tilespmem:s22], [sflag:$0xE], $0x40, s7, s3, $0xb8;
	[tilespmem:$0x198E0] =	vst v63  }
0xfe: {  	_ =	swait.ge [sflag:s19], $0x2000  }
0xff: {  	s8 =	sld [smem:$0x7D3]  }
0x100: {  	[sflag:s19] =	ssyncset.done $0x0  }
0x101: {  	[sflag:s19] =	ssyncadd.s32 $0xFFFFE000  }
0x102: {  	[tilespmem:s23], [sflag:$0x8] =	stream.indirect.gather [spmem:s2], $0x40, s8, s3, $0xb8;
	[tilespmem:$0x198E0] =	vst v63  }
0x103: {  	_ =	swait.ge [sflag:s29], $0x2000  }
0x104: {  	s5 =	sld [smem:$0x7D4]  }
0x105: {  	[sflag:s29] =	ssyncset.done $0x0  }
0x106: {  	[sflag:s29] =	ssyncadd.s32 $0xFFFFE000  }
0x107: {  	[hbm4b:s1+s3] =	stream.indirect.scatter [tilespmem:s25], [sflag:$0xB], $0x40, s5, s3, $0xb8;
	[tilespmem:$0x198E0] =	vst v63  }
0x108: {  	_ =	swait.ge [sflag:s20], $0x2000  }
0x109: {  	s7 =	sld [smem:$0x7D5]  }
0x10a: {  	[sflag:s20] =	ssyncset.done $0x0  }
0x10b: {  	[sflag:s20] =	ssyncadd.s32 $0xFFFFE000  }
0x10c: {  	[tilespmem:s21], [sflag:$0x9] =	stream.indirect.gather [spmem:s2], $0x40, s7, s3, $0xb8;
	[tilespmem:$0x198E0] =	vst v63  }
0x10d: {  	_ =	swait.ge [sflag:s28], $0x2000  }
0x10e: {  	s8 =	sld [smem:$0x7D6]  }
0x10f: {  	[sflag:s28] =	ssyncset.done $0x0  }
0x110: {  	[sflag:s28] =	ssyncadd.s32 $0xFFFFE000  }
0x111: {  	[hbm4b:s1+s3] =	stream.indirect.scatter [tilespmem:s23], [sflag:$0xC], $0x40, s8, s3, $0xb8;
	[tilespmem:$0x198E0] =	vst v63  }
0x112: {  	_ =	swait.ge [sflag:s18], $0x2000  }
0x113: {  	s5 =	sld [smem:$0x7D7]  }
0x114: {  	[sflag:s18] =	ssyncset.done $0x0  }
0x115: {  	[sflag:s18] =	ssyncadd.s32 $0xFFFFE000  }
0x116: {  	[tilespmem:s22], [sflag:$0xA] =	stream.indirect.gather [spmem:s2], $0x40, s5, s3, $0xb8;
	[tilespmem:$0x198E0] =	vst v63  }
0x117: {  	_ =	swait.ge [sflag:s24], $0x2000  }
0x118: {  	s7 =	sld [smem:$0x7D8]  }
0x119: {  	[sflag:s24] =	ssyncset.done $0x0  }
0x11a: {  	[sflag:s24] =	ssyncadd.s32 $0xFFFFE000  }
0x11b: {  	[hbm4b:s1+s3] =	stream.indirect.scatter [tilespmem:s21], [sflag:$0xD], $0x40, s7, s3, $0xb8;
	[tilespmem:$0x198E0] =	vst v63  }
0x11c: {  	_ =	swait.ge [sflag:s17], $0x2000  }
0x11d: {  	s8 =	sld [smem:$0x7D9]  }
0x11e: {  	[sflag:s17] =	ssyncset.done $0x0  }
0x11f: {  	[sflag:s17] =	ssyncadd.s32 $0xFFFFE000  }
0x120: {  	[tilespmem:s25], [sflag:$0x7] =	stream.indirect.gather [spmem:s2], $0x40, s8, s3, $0xb8;
	[tilespmem:$0x198E0] =	vst v63  }
0x121: {  	_ =	swait.ge [sflag:s26], $0x2000  }
0x122: {  	s5 =	sld [smem:$0x7DA]  }
0x123: {  	[sflag:s26] =	ssyncset.done $0x0  }
0x124: {  	[sflag:s26] =	ssyncadd.s32 $0xFFFFE000  }
0x125: {  	[hbm4b:s1+s3] =	stream.indirect.scatter [tilespmem:s22], [sflag:$0xE], $0x40, s5, s3, $0xb8;
	[tilespmem:$0x198E0] =	vst v63  }
0x126: {  	_ =	swait.ge [sflag:s19], $0x2000  }
0x127: {  	s7 =	sld [smem:$0x7DB]  }
0x128: {  	[sflag:s19] =	ssyncset.done $0x0  }
0x129: {  	[sflag:s19] =	ssyncadd.s32 $0xFFFFE000  }
0x12a: {  	[tilespmem:s23], [sflag:$0x8] =	stream.indirect.gather [spmem:s2], $0x40, s7, s3, $0xb8;
	[tilespmem:$0x198E0] =	vst v63  }
0x12b: {  	_ =	swait.ge [sflag:s29], $0x2000  }
0x12c: {  	s8 =	sld [smem:$0x7DC]  }
0x12d: {  	[sflag:s29] =	ssyncset.done $0x0  }
0x12e: {  	[sflag:s29] =	ssyncadd.s32 $0xFFFFE000  }
0x12f: {  	[hbm4b:s1+s3] =	stream.indirect.scatter [tilespmem:s25], [sflag:$0xB], $0x40, s8, s3, $0xb8;
	[tilespmem:$0x198E0] =	vst v63  }
0x130: {  	_ =	swait.ge [sflag:s20], $0x2000  }
0x131: {  	s5 =	sld [smem:$0x7DD]  }
0x132: {  	[sflag:s20] =	ssyncset.done $0x0  }
0x133: {  	[sflag:s20] =	ssyncadd.s32 $0xFFFFE000  }
0x134: {  	[tilespmem:s21], [sflag:$0x9] =	stream.indirect.gather [spmem:s2], $0x40, s5, s3, $0xb8;
	[tilespmem:$0x198E0] =	vst v63  }
0x135: {  	_ =	swait.ge [sflag:s28], $0x2000  }
0x136: {  	s7 =	sld [smem:$0x7DE]  }
0x137: {  	[sflag:s28] =	ssyncset.done $0x0  }
0x138: {  	[sflag:s28] =	ssyncadd.s32 $0xFFFFE000  }
0x139: {  	[hbm4b:s1+s3] =	stream.indirect.scatter [tilespmem:s23], [sflag:$0xC], $0x40, s7, s3, $0xb8;
	[tilespmem:$0x198E0] =	vst v63  }
0x13a: {  	_ =	swait.ge [sflag:s18], $0x2000  }
0x13b: {  	s8 =	sld [smem:$0x7DF]  }
0x13c: {  	[sflag:s18] =	ssyncset.done $0x0  }
0x13d: {  	[sflag:s18] =	ssyncadd.s32 $0xFFFFE000  }
0x13e: {  	[tilespmem:s22], [sflag:$0xA] =	stream.indirect.gather [spmem:s2], $0x40, s8, s3, $0xb8;
	[tilespmem:$0x198E0] =	vst v63  }
0x13f: {  	_ =	swait.ge [sflag:s24], $0x2000  }
0x140: {  	s5 =	sld [smem:$0x7E0]  }
0x141: {  	[sflag:s24] =	ssyncset.done $0x0  }
0x142: {  	[sflag:s24] =	ssyncadd.s32 $0xFFFFE000  }
0x143: {  	[hbm4b:s1+s3] =	stream.indirect.scatter [tilespmem:s21], [sflag:$0xD], $0x40, s5, s3, $0xb8;
	[tilespmem:$0x198E0] =	vst v63  }
0x144: {  	_ =	swait.ge [sflag:s17], $0x2000  }
0x145: {  	s7 =	sld [smem:$0x7E1]  }
0x146: {  	[sflag:s17] =	ssyncset.done $0x0  }
0x147: {  	[sflag:s17] =	ssyncadd.s32 $0xFFFFE000  }
0x148: {  	[tilespmem:s25], [sflag:$0x7] =	stream.indirect.gather [spmem:s2], $0x40, s7, s3, $0xb8;
	[tilespmem:$0x198E0] =	vst v63  }
0x149: {  	_ =	swait.ge [sflag:s26], $0x2000  }
0x14a: {  	s8 =	sld [smem:$0x7E2]  }
0x14b: {  	[sflag:s26] =	ssyncset.done $0x0  }
0x14c: {  	[sflag:s26] =	ssyncadd.s32 $0xFFFFE000  }
0x14d: {  	[hbm4b:s1+s3] =	stream.indirect.scatter [tilespmem:s22], [sflag:$0xE], $0x40, s8, s3, $0xb8;
	[tilespmem:$0x198E0] =	vst v63  }
0x14e: {  	_ =	swait.ge [sflag:s19], $0x2000  }
0x14f: {  	s5 =	sld [smem:$0x7E3]  }
0x150: {  	[sflag:s19] =	ssyncset.done $0x0  }
0x151: {  	[sflag:s19] =	ssyncadd.s32 $0xFFFFE000  }
0x152: {  	[tilespmem:s23], [sflag:$0x8] =	stream.indirect.gather [spmem:s2], $0x40, s5, s3, $0xb8;
	[tilespmem:$0x198E0] =	vst v63  }
0x153: {  	_ =	swait.ge [sflag:s29], $0x2000  }
0x154: {  	s7 =	sld [smem:$0x7E4]  }
0x155: {  	[sflag:s29] =	ssyncset.done $0x0  }
0x156: {  	[sflag:s29] =	ssyncadd.s32 $0xFFFFE000  }
0x157: {  	[hbm4b:s1+s3] =	stream.indirect.scatter [tilespmem:s25], [sflag:$0xB], $0x40, s7, s3, $0xb8;
	[tilespmem:$0x198E0] =	vst v63  }
0x158: {  	_ =	swait.ge [sflag:s20], $0x2000  }
0x159: {  	[sflag:s20] =	ssyncset.done $0x0  }
0x15a: {  	[sflag:s20] =	ssyncadd.s32 $0xFFFFE000  }
0x15b: {  	[tilespmem:s21], [sflag:$0x9] =	stream.indirect.gather [spmem:s2], $0x40, s11, s3, $0xb8;
	[tilespmem:$0x198E0] =	vst v63  }
0x15c: {  	_ =	swait.ge [sflag:s28], $0x2000  }
0x15d: {  	s8 =	sld [smem:$0x7E5]  }
0x15e: {  	[sflag:s28] =	ssyncset.done $0x0  }
0x15f: {  	[sflag:s28] =	ssyncadd.s32 $0xFFFFE000  }
0x160: {  	[hbm4b:s1+s3] =	stream.indirect.scatter [tilespmem:s23], [sflag:$0xC], $0x40, s8, s3, $0xb8;
	[tilespmem:$0x198E0] =	vst v63  }
0x161: {  	_ =	swait.ge [sflag:s18], $0x2000  }
0x162: {  	s11 =	sld [smem:$0x7E6]  }
0x163: {  	[sflag:s18] =	ssyncset.done $0x0  }
0x164: {  	[sflag:s18] =	ssyncadd.s32 $0xFFFFE000  }
0x165: {  	[tilespmem:s22], [sflag:$0xA] =	stream.indirect.gather [spmem:s2], $0x40, s11, s3, $0xb8;
	[tilespmem:$0x198E0] =	vst v63  }
0x166: {  	_ =	swait.ge [sflag:s24], $0x2000  }
0x167: {  	s5 =	sld [smem:$0x7E7]  }
0x168: {  	[sflag:s24] =	ssyncset.done $0x0  }
0x169: {  	[sflag:s24] =	ssyncadd.s32 $0xFFFFE000  }
0x16a: {  	[hbm4b:s1+s3] =	stream.indirect.scatter [tilespmem:s21], [sflag:$0xD], $0x40, s5, s3, $0xb8;
	[tilespmem:$0x198E0] =	vst v63  }
0x16b: {  	_ =	swait.ge [sflag:s17], $0x2000  }
0x16c: {  	s7 =	sld [smem:$0x7E8]  }
0x16d: {  	[sflag:s17] =	ssyncset.done $0x0  }
0x16e: {  	[sflag:s17] =	ssyncadd.s32 $0xFFFFE000  }
0x16f: {  	[tilespmem:s25], [sflag:$0x7] =	stream.indirect.gather [spmem:s2], $0x40, s7, s3, $0xb8;
	[tilespmem:$0x198E0] =	vst v63  }
0x170: {  	_ =	swait.ge [sflag:s26], $0x2000  }
0x171: {  	s8 =	sld [smem:$0x7E9]  }
0x172: {  	[sflag:s26] =	ssyncset.done $0x0  }
0x173: {  	[sflag:s26] =	ssyncadd.s32 $0xFFFFE000  }
0x174: {  	[hbm4b:s1+s3] =	stream.indirect.scatter [tilespmem:s22], [sflag:$0xE], $0x40, s8, s3, $0xb8;
	[tilespmem:$0x198E0] =	vst v63  }
0x175: {  	_ =	swait.ge [sflag:s19], $0x2000  }
0x176: {  	s11 =	sld [smem:$0x7EA]  }
0x177: {  	[sflag:s19] =	ssyncset.done $0x0  }
0x178: {  	[sflag:s19] =	ssyncadd.s32 $0xFFFFE000  }
0x179: {  	[tilespmem:s23], [sflag:$0x8] =	stream.indirect.gather [spmem:s2], $0x40, s11, s3, $0xb8;
	[tilespmem:$0x198E0] =	vst v63  }
0x17a: {  	_ =	swait.ge [sflag:s29], $0x2000  }
0x17b: {  	s5 =	sld [smem:$0x7EB]  }
0x17c: {  	[sflag:s29] =	ssyncset.done $0x0  }
0x17d: {  	[sflag:s29] =	ssyncadd.s32 $0xFFFFE000  }
0x17e: {  	[hbm4b:s1+s3] =	stream.indirect.scatter [tilespmem:s25], [sflag:$0xB], $0x40, s5, s3, $0xb8;
	[tilespmem:$0x198E0] =	vst v63  }
0x17f: {  	_ =	swait.ge [sflag:s20], $0x2000  }
0x180: {  	s7 =	sld [smem:$0x7EC]  }
0x181: {  	[sflag:s20] =	ssyncset.done $0x0  }
0x182: {  	[sflag:s20] =	ssyncadd.s32 $0xFFFFE000  }
0x183: {  	[tilespmem:s21], [sflag:$0x9] =	stream.indirect.gather [spmem:s2], $0x40, s7, s3, $0xb8;
	[tilespmem:$0x198E0] =	vst v63  }
0x184: {  	_ =	swait.ge [sflag:s28], $0x2000  }
0x185: {  	s8 =	sld [smem:$0x7ED]  }
0x186: {  	[sflag:s28] =	ssyncset.done $0x0  }
0x187: {  	[sflag:s28] =	ssyncadd.s32 $0xFFFFE000  }
0x188: {  	[hbm4b:s1+s3] =	stream.indirect.scatter [tilespmem:s23], [sflag:$0xC], $0x40, s8, s3, $0xb8;
	[tilespmem:$0x198E0] =	vst v63  }
0x189: {  	_ =	swait.ge [sflag:s18], $0x2000  }
0x18a: {  	s11 =	sld [smem:$0x7EE]  }
0x18b: {  	[sflag:s18] =	ssyncset.done $0x0  }
0x18c: {  	[sflag:s18] =	ssyncadd.s32 $0xFFFFE000  }
0x18d: {  	[tilespmem:s22], [sflag:$0xA] =	stream.indirect.gather [spmem:s2], $0x40, s11, s3, $0xb8;
	[tilespmem:$0x198E0] =	vst v63  }
0x18e: {  	_ =	swait.ge [sflag:s24], $0x2000  }
0x18f: {  	s5 =	sld [smem:$0x7EF]  }
0x190: {  	[sflag:s24] =	ssyncset.done $0x0  }
0x191: {  	[sflag:s24] =	ssyncadd.s32 $0xFFFFE000  }
0x192: {  	[hbm4b:s1+s3] =	stream.indirect.scatter [tilespmem:s21], [sflag:$0xD], $0x40, s5, s3, $0xb8;
	[tilespmem:$0x198E0] =	vst v63  }
0x193: {  	_ =	swait.ge [sflag:s17], $0x2000  }
0x194: {  	s7 =	sld [smem:$0x7F0]  }
0x195: {  	[sflag:s17] =	ssyncset.done $0x0  }
0x196: {  	[sflag:s17] =	ssyncadd.s32 $0xFFFFE000  }
0x197: {  	[tilespmem:s25], [sflag:$0x7] =	stream.indirect.gather [spmem:s2], $0x40, s7, s3, $0xb8;
	[tilespmem:$0x198E0] =	vst v63  }
0x198: {  	_ =	swait.ge [sflag:s26], $0x2000  }
0x199: {  	s8 =	sld [smem:$0x7F1]  }
0x19a: {  	[sflag:s26] =	ssyncset.done $0x0  }
0x19b: {  	[sflag:s26] =	ssyncadd.s32 $0xFFFFE000  }
0x19c: {  	[hbm4b:s1+s3] =	stream.indirect.scatter [tilespmem:s22], [sflag:$0xE], $0x40, s8, s3, $0xb8;
	[tilespmem:$0x198E0] =	vst v63  }
0x19d: {  	_ =	swait.ge [sflag:s19], $0x2000  }
0x19e: {  	s11 =	sld [smem:$0x7F2]  }
0x19f: {  	[sflag:s19] =	ssyncset.done $0x0  }
0x1a0: {  	[sflag:s19] =	ssyncadd.s32 $0xFFFFE000  }
0x1a1: {  	[tilespmem:s23], [sflag:$0x8] =	stream.indirect.gather [spmem:s2], $0x40, s11, s3, $0xb8;
	[tilespmem:$0x198E0] =	vst v63  }
0x1a2: {  	_ =	swait.ge [sflag:s29], $0x2000  }
0x1a3: {  	s5 =	sld [smem:$0x7F3]  }
0x1a4: {  	[sflag:s29] =	ssyncset.done $0x0  }
0x1a5: {  	[sflag:s29] =	ssyncadd.s32 $0xFFFFE000  }
0x1a6: {  	[hbm4b:s1+s3] =	stream.indirect.scatter [tilespmem:s25], [sflag:$0xB], $0x40, s5, s3, $0xb8;
	[tilespmem:$0x198E0] =	vst v63  }
0x1a7: {  	_ =	swait.ge [sflag:s20], $0x2000  }
0x1a8: {  	s7 =	sld [smem:$0x7F4]  }
0x1a9: {  	[sflag:s20] =	ssyncset.done $0x0  }
0x1aa: {  	[sflag:s20] =	ssyncadd.s32 $0xFFFFE000  }
0x1ab: {  	[tilespmem:s21], [sflag:$0x9] =	stream.indirect.gather [spmem:s2], $0x40, s7, s3, $0xb8;
	[tilespmem:$0x198E0] =	vst v63  }
0x1ac: {  	_ =	swait.ge [sflag:s28], $0x2000  }
0x1ad: {  	s8 =	sld [smem:$0x7F5]  }
0x1ae: {  	[sflag:s28] =	ssyncset.done $0x0  }
0x1af: {  	[sflag:s28] =	ssyncadd.s32 $0xFFFFE000  }
0x1b0: {  	[hbm4b:s1+s3] =	stream.indirect.scatter [tilespmem:s23], [sflag:$0xC], $0x40, s8, s3, $0xb8;
	[tilespmem:$0x198E0] =	vst v63  }
0x1b1: {  	_ =	swait.ge [sflag:s18], $0x2000  }
0x1b2: {  	s11 =	sld [smem:$0x7F6]  }
0x1b3: {  	[sflag:s18] =	ssyncset.done $0x0  }
0x1b4: {  	[sflag:s18] =	ssyncadd.s32 $0xFFFFE000  }
0x1b5: {  	[tilespmem:s22], [sflag:$0xA] =	stream.indirect.gather [spmem:s2], $0x40, s11, s3, $0xb8;
	[tilespmem:$0x198E0] =	vst v63  }
0x1b6: {  	_ =	swait.ge [sflag:s24], $0x2000  }
0x1b7: {  	s5 =	sld [smem:$0x7F7]  }
0x1b8: {  	[sflag:s24] =	ssyncset.done $0x0  }
0x1b9: {  	[sflag:s24] =	ssyncadd.s32 $0xFFFFE000  }
0x1ba: {  	[hbm4b:s1+s3] =	stream.indirect.scatter [tilespmem:s21], [sflag:$0xD], $0x40, s5, s3, $0xb8;
	[tilespmem:$0x198E0] =	vst v63  }
0x1bb: {  	_ =	swait.ge [sflag:s26], $0x2000  }
0x1bc: {  	s7 =	sld [smem:$0x7F8]  }
0x1bd: {  	[sflag:s26] =	ssyncset.done $0x0  }
0x1be: {  	[sflag:s26] =	ssyncadd.s32 $0xFFFFE000  }
0x1bf: {  	[hbm4b:s1+s3] =	stream.indirect.scatter [tilespmem:s22], [sflag:$0xE], $0x40, s7, s3, $0xb8;
	[tilespmem:$0x198E0] =	vst v63  }
0x1c0: {  	_ =	swait.ge [sflag:s16], $0x2000  }
0x1c1: {  	[sflag:s16] =	ssyncset.done $0x0  }
0x1c2: {  	s8 =	simm.s32 $0x1500;
	s11 =	simm.s32 $0x2A00;
	[sflag:s16] =	ssyncadd.s32 $0xFFFFE000  }
0x1c3: {  	[hbm4b:s1+s3] =	stream.indirect.scatter [tilespmem:s11], [sflag:$0x1], $0x40, s8, s3, $0xb8;
	[tilespmem:$0x198E0] =	vst v63  }
0x1c4: {  	_ =	swait.ge [sflag:s15], $0x2000  }
0x1c5: {  	s7 =	sld [smem:$0x7F9]  }
0x1c6: {  	[sflag:s15] =	ssyncset.done $0x0  }
0x1c7: {  	s8 =	simm.s32 $0x4A00;
	[sflag:s15] =	ssyncadd.s32 $0xFFFFE000  }
0x1c8: {  	[hbm4b:s1+s3] =	stream.indirect.scatter [tilespmem:s8], [sflag:$0x2], $0x40, s7, s3, $0xb8;
	[tilespmem:$0x198E0] =	vst v63  }
0x1c9: {  	_ =	swait.ge [sflag:s14], $0x2000  }
0x1ca: {  	s7 =	sld [smem:$0x7FA]  }
0x1cb: {  	[sflag:s14] =	ssyncset.done $0x0  }
0x1cc: {  	[sflag:s14] =	ssyncadd.s32 $0xFFFFE000  }
0x1cd: {  	[hbm4b:s1+s3] =	stream.indirect.scatter [tilespmem:s30], [sflag:$0x3], $0x40, s7, s3, $0xb8;
	[tilespmem:$0x198E0] =	vst v63  }
0x1ce: {  	_ =	swait.ge [sflag:s13], $0x2000  }
0x1cf: {  	s8 =	sld [smem:$0x7FB]  }
0x1d0: {  	[sflag:s13] =	ssyncset.done $0x0  }
0x1d1: {  	[sflag:s13] =	ssyncadd.s32 $0xFFFFE000  }
0x1d2: {  	[hbm4b:s1+s3] =	stream.indirect.scatter [tilespmem:s31], [sflag:$0x4], $0x40, s8, s3, $0xb8;
	[tilespmem:$0x198E0] =	vst v63  }
0x1d3: {  	_ =	swait.ge [sflag:s12], $0x2000  }
0x1d4: {  	s5 =	sld [smem:$0x7FC]  }
0x1d5: {  	[sflag:s12] =	ssyncset.done $0x0  }
0x1d6: {  	s11 =	simm.s32 $0x6;
	[sflag:s12] =	ssyncadd.s32 $0xFFFFE000  }
0x1d7: {  	[hbm4b:s1+s3] =	stream.indirect.scatter [tilespmem:s10], [sflag:$0x5], $0x40, s5, s3, $0xb8;
	[tilespmem:$0x198E0] =	vst v63  }
0x1d8: {  	_ =	swait.ge [sflag:s11], $0x2000  }
0x1d9: {  	s7 =	sld [smem:$0x7FD]  }
0x1da: {  	[sflag:s11] =	ssyncset.done $0x0  }
0x1db: {  	[sflag:s11] =	ssyncadd.s32 $0xFFFFE000  }
0x1dc: {  	[hbm4b:s1+s3] =	stream.indirect.scatter [tilespmem:s9], [sflag:$0x6], $0x40, s7, s3, $0xb8;
	[tilespmem:$0x198E0] =	vst v63  }
0x1dd: {  	_ =	swait.ge [sflag:s17], $0x2000  }
0x1de: {  	[sflag:s17] =	ssyncset.done $0x0  }
0x1df: {  	[sflag:s17] =	ssyncadd.s32 $0xFFFFE000  }
0x1e0: {  	_ =	swait.ge [sflag:s19], $0x2000  }
0x1e1: {  	[sflag:s19] =	ssyncset.done $0x0  }
0x1e2: {  	[sflag:s19] =	ssyncadd.s32 $0xFFFFE000  }
0x1e3: {  	_ =	swait.ge [sflag:s20], $0x2000  }
0x1e4: {  	[sflag:s20] =	ssyncset.done $0x0  }
0x1e5: {  	[sflag:s20] =	ssyncadd.s32 $0xFFFFE000  }
0x1e6: {  	_ =	swait.ge [sflag:s18], $0x2000  }
0x1e7: {  	[sflag:s18] =	ssyncset.done $0x0  }
0x1e8: {  	[sflag:s18] =	ssyncadd.s32 $0xFFFFE000  }
0x1e9: {  	_ =	swait.ge [sflag:s16], $0x2000  }
0x1ea: {  	[sflag:s16] =	ssyncset.done $0x0  }
0x1eb: {  	[sflag:s16] =	ssyncadd.s32 $0xFFFFE000  }
0x1ec: {  	_ =	swait.ge [sflag:s15], $0x2000  }
0x1ed: {  	[sflag:s15] =	ssyncset.done $0x0  }
0x1ee: {  	[sflag:s15] =	ssyncadd.s32 $0xFFFFE000  }
0x1ef: {  	_ =	swait.ge [sflag:s14], $0x2000  }
0x1f0: {  	[sflag:s14] =	ssyncset.done $0x0  }
0x1f1: {  	[sflag:s14] =	ssyncadd.s32 $0xFFFFE000  }
0x1f2: {  	_ =	swait.ge [sflag:s13], $0x2000  }
0x1f3: {  	[sflag:s13] =	ssyncset.done $0x0  }
0x1f4: {  	[sflag:s13] =	ssyncadd.s32 $0xFFFFE000  }
0x1f5: {  	_ =	swait.ge [sflag:s12], $0x2000  }
0x1f6: {  	s8 =	sld [smem:$0x7C5];
	_ =	sdelay $0x2  }
0x1f7: {  	s6 =	sadd.s32 $0xFFFFFFFF, s8  }
0x1f8: {  	p2 =	sne.s32 s6, $0x0  }
.Ltmp1:
0x1f9: {  	_ = 	snop;
	(pc) =	sbr.rel @!p2 .LBB2_3-.Ltmp1, $4  }
0x1fa: {  	[sflag:s12] =	ssyncset.done $0x0  }
0x1fb: {  	[sflag:s12] =	ssyncadd.s32 $0xFFFFE000  }
0x1fc: {  	p1 =	por $0x1, $0x1;
	s5 =	simm.s32 $0x1500;
	_ =	swait.ge [sflag:s11], $0x2000  }
0x1fd: {  	s7 =	rddreg [dreg:$0x5];
	[sflag:s11] =	ssyncset.done $0x0;
	s8 =	simm.s32 $0x1000  }
.LBB2_2:
0x1fe: {  	[sflag:s11] =	ssyncadd.s32 $0xFFFFE000;
	s9 =	simm.s32 $0x0  }
0x1ff: {  	[tilespmem:s9], [sflag:$0xF] =	stream.strided.gather [hbm4b:s7+s3], $0x1500, s8, s3, $0x38;
	[tilespmem:$0x198E0] =	vst v63  }
0x200: {  	_ =	swait.ge [sflag:s4], $0x1500  }
0x201: {  	[sflag:s4] =	ssyncset.done $0x0  }
0x202: {  	s12 =	rddreg [dreg:$0x6];
	[sflag:s4] =	ssyncadd.s32 $0xFFFFEB00  }
0x203: {  	[tilespmem:s5], [sflag:$0xF] =	stream.strided.gather [hbm4b:s12+s3], $0x1500, s8, s3, $0x38;
	[tilespmem:$0x198E0] =	vst v63  }
0x204: {  	_ =	swait.ge [sflag:s4], $0x1500  }
0x205: {  	[sflag:s4] =	ssyncset.done $0x0  }
0x206: {  	s11 =	simm.s32 $0x2A00;
	[sflag:s4] =	ssyncadd.s32 $0xFFFFEB00  }
0x207: {  	[tilespmem:s11], [sflag:$0x1] =	stream.indirect.gather [hbm4b:s0+s3], $0x40, s9, s3, $0xb8;
	[tilespmem:$0x198E0] =	vst v63  }
0x208: {  	s12 =	simm.s32 $0x4A00;
	s7 =	rddreg [dreg:$0xb]  }
0x209: {  	[tilespmem:s12], [sflag:$0x2] =	stream.indirect.gather [hbm4b:s0+s3], $0x40, s3, s3, $0xb8;
	[tilespmem:$0x198E0] =	vst v63  }
0x20a: {  	s5 =	simm.s32 $0x6A00;
	s9 =	rddreg [dreg:$0x7]  }
0x20b: {  	[tilespmem:s5], [sflag:$0x3] =	stream.indirect.gather [hbm4b:s0+s3], $0x40, s9, s3, $0xb8;
	[tilespmem:$0x198E0] =	vst v63  }
0x20c: {  	s30 =	simm.s32 $0x8A00;
	s10 =	rddreg [dreg:$0x8]  }
0x20d: {  	[tilespmem:s30], [sflag:$0x4] =	stream.indirect.gather [hbm4b:s0+s3], $0x40, s10, s3, $0xb8;
	[tilespmem:$0x198E0] =	vst v63  }
0x20e: {  	s31 =	simm.s32 $0xAA00;
	s9 =	rddreg [dreg:$0x9]  }
0x20f: {  	[tilespmem:s31], [sflag:$0x5] =	stream.indirect.gather [hbm4b:s0+s3], $0x40, s9, s3, $0xb8;
	[tilespmem:$0x198E0] =	vst v63  }
0x210: {  	s5 =	rddreg [dreg:$0xa];
	s9 =	simm.s32 $0xCA00  }
0x211: {  	[tilespmem:s9], [sflag:$0x6] =	stream.indirect.gather [hbm4b:s0+s3], $0x40, s5, s3, $0xb8;
	[tilespmem:$0x198E0] =	vst v63  }
0x212: {  	s8 =	rddreg [dreg:$0x4];
	s5 =	simm.s32 @!p0 $0x1C0F  }
0x213: {  	[spmem:s7], [sflag:s5] =	dma.local @!p0 [hbm:s8], $0x5DC0  }
0x214: {  	s5 =	simm.s32 @!p0 $0xF  }
0x215: {  	_ =	swait.ge @!p0 [sflag:s5], $0x5DC0  }
0x216: {  	[sflag:s5] =	ssyncset.done @!p0 $0x0  }
0x217: {  	[sflag:s5] =	ssyncadd.s32 @!p0 $0xFFFFA240  }
0x218: {  	[bflag:$0x0] =	sbarrier.arrive $0xFFFF  }
0x219: {  	s8 =	rddreg [dreg:$0xc]  }
0x21a: {  	[tilespmem:s25], [sflag:$0x7] =	stream.indirect.gather [spmem:s2], $0x40, s8, s3, $0xb8;
	[tilespmem:$0x198E0] =	vst v63  }
0x21b: {  	s5 =	rddreg [dreg:$0xd]  }
0x21c: {  	[tilespmem:s23], [sflag:$0x8] =	stream.indirect.gather [spmem:s2], $0x40, s5, s3, $0xb8;
	[tilespmem:$0x198E0] =	vst v63  }
0x21d: {  	_ =	swait.ge [sflag:s29], $0x2000  }
0x21e: {  	[sflag:s29] =	ssyncset.done $0x0  }
0x21f: {  	s8 =	rddreg [dreg:$0xe];
	[sflag:s29] =	ssyncadd.s32 $0xFFFFE000  }
0x220: {  	[hbm4b:s1+s3] =	stream.indirect.scatter [tilespmem:s25], [sflag:$0xB], $0x40, s8, s3, $0xb8;
	[tilespmem:$0x198E0] =	vst v63  }
0x221: {  	s5 =	rddreg [dreg:$0xf]  }
0x222: {  	[tilespmem:s21], [sflag:$0x9] =	stream.indirect.gather [spmem:s2], $0x40, s5, s3, $0xb8;
	[tilespmem:$0x198E0] =	vst v63  }
0x223: {  	_ =	swait.ge [sflag:s28], $0x2000  }
0x224: {  	[sflag:s28] =	ssyncset.done $0x0  }
0x225: {  	s8 =	rddreg [dreg:$0x10];
	[sflag:s28] =	ssyncadd.s32 $0xFFFFE000  }
0x226: {  	[hbm4b:s1+s3] =	stream.indirect.scatter [tilespmem:s23], [sflag:$0xC], $0x40, s8, s3, $0xb8;
	[tilespmem:$0x198E0] =	vst v63  }
0x227: {  	s5 =	rddreg [dreg:$0x11]  }
0x228: {  	[tilespmem:s22], [sflag:$0xA] =	stream.indirect.gather [spmem:s2], $0x40, s5, s3, $0xb8;
	[tilespmem:$0x198E0] =	vst v63  }
0x229: {  	_ =	swait.ge [sflag:s24], $0x2000  }
0x22a: {  	[sflag:s24] =	ssyncset.done $0x0  }
0x22b: {  	s7 =	rddreg [dreg:$0x12];
	[sflag:s24] =	ssyncadd.s32 $0xFFFFE000  }
0x22c: {  	[hbm4b:s1+s3] =	stream.indirect.scatter [tilespmem:s21], [sflag:$0xD], $0x40, s7, s3, $0xb8;
	[tilespmem:$0x198E0] =	vst v63  }
0x22d: {  	_ =	swait.ge [sflag:s17], $0x2000  }
0x22e: {  	[sflag:s17] =	ssyncset.done $0x0  }
0x22f: {  	s7 =	rddreg [dreg:$0x13];
	[sflag:s17] =	ssyncadd.s32 $0xFFFFE000  }
0x230: {  	[tilespmem:s25], [sflag:$0x7] =	stream.indirect.gather [spmem:s2], $0x40, s7, s3, $0xb8;
	[tilespmem:$0x198E0] =	vst v63  }
0x231: {  	_ =	swait.ge [sflag:s26], $0x2000  }
0x232: {  	[sflag:s26] =	ssyncset.done $0x0  }
0x233: {  	s7 =	rddreg [dreg:$0x14];
	[sflag:s26] =	ssyncadd.s32 $0xFFFFE000  }
0x234: {  	[hbm4b:s1+s3] =	stream.indirect.scatter [tilespmem:s22], [sflag:$0xE], $0x40, s7, s3, $0xb8;
	[tilespmem:$0x198E0] =	vst v63  }
0x235: {  	_ =	swait.ge [sflag:s19], $0x2000  }
0x236: {  	[sflag:s19] =	ssyncset.done $0x0  }
0x237: {  	s7 =	rddreg [dreg:$0x15];
	[sflag:s19] =	ssyncadd.s32 $0xFFFFE000  }
0x238: {  	[tilespmem:s23], [sflag:$0x8] =	stream.indirect.gather [spmem:s2], $0x40, s7, s3, $0xb8;
	[tilespmem:$0x198E0] =	vst v63  }
0x239: {  	_ =	swait.ge [sflag:s29], $0x2000  }
0x23a: {  	[sflag:s29] =	ssyncset.done $0x0  }
0x23b: {  	s7 =	rddreg [dreg:$0x16];
	[sflag:s29] =	ssyncadd.s32 $0xFFFFE000  }
0x23c: {  	[hbm4b:s1+s3] =	stream.indirect.scatter [tilespmem:s25], [sflag:$0xB], $0x40, s7, s3, $0xb8;
	[tilespmem:$0x198E0] =	vst v63  }
0x23d: {  	_ =	swait.ge [sflag:s20], $0x2000  }
0x23e: {  	[sflag:s20] =	ssyncset.done $0x0  }
0x23f: {  	s7 =	rddreg [dreg:$0x17];
	[sflag:s20] =	ssyncadd.s32 $0xFFFFE000  }
0x240: {  	[tilespmem:s21], [sflag:$0x9] =	stream.indirect.gather [spmem:s2], $0x40, s7, s3, $0xb8;
	[tilespmem:$0x198E0] =	vst v63  }
0x241: {  	_ =	swait.ge [sflag:s28], $0x2000  }
0x242: {  	[sflag:s28] =	ssyncset.done $0x0  }
0x243: {  	s7 =	rddreg [dreg:$0x18];
	[sflag:s28] =	ssyncadd.s32 $0xFFFFE000  }
0x244: {  	[hbm4b:s1+s3] =	stream.indirect.scatter [tilespmem:s23], [sflag:$0xC], $0x40, s7, s3, $0xb8;
	[tilespmem:$0x198E0] =	vst v63  }
0x245: {  	_ =	swait.ge [sflag:s18], $0x2000  }
0x246: {  	[sflag:s18] =	ssyncset.done $0x0  }
0x247: {  	s7 =	rddreg [dreg:$0x19];
	[sflag:s18] =	ssyncadd.s32 $0xFFFFE000  }
0x248: {  	[tilespmem:s22], [sflag:$0xA] =	stream.indirect.gather [spmem:s2], $0x40, s7, s3, $0xb8;
	[tilespmem:$0x198E0] =	vst v63  }
0x249: {  	_ =	swait.ge [sflag:s24], $0x2000  }
0x24a: {  	[sflag:s24] =	ssyncset.done $0x0  }
0x24b: {  	s7 =	rddreg [dreg:$0x1a];
	[sflag:s24] =	ssyncadd.s32 $0xFFFFE000  }
0x24c: {  	[hbm4b:s1+s3] =	stream.indirect.scatter [tilespmem:s21], [sflag:$0xD], $0x40, s7, s3, $0xb8;
	[tilespmem:$0x198E0] =	vst v63  }
0x24d: {  	_ =	swait.ge [sflag:s17], $0x2000  }
0x24e: {  	[sflag:s17] =	ssyncset.done $0x0  }
0x24f: {  	s7 =	rddreg [dreg:$0x1b];
	[sflag:s17] =	ssyncadd.s32 $0xFFFFE000  }
0x250: {  	[tilespmem:s25], [sflag:$0x7] =	stream.indirect.gather [spmem:s2], $0x40, s7, s3, $0xb8;
	[tilespmem:$0x198E0] =	vst v63  }
0x251: {  	_ =	swait.ge [sflag:s26], $0x2000  }
0x252: {  	[sflag:s26] =	ssyncset.done $0x0  }
0x253: {  	s7 =	rddreg [dreg:$0x1c];
	[sflag:s26] =	ssyncadd.s32 $0xFFFFE000  }
0x254: {  	[hbm4b:s1+s3] =	stream.indirect.scatter [tilespmem:s22], [sflag:$0xE], $0x40, s7, s3, $0xb8;
	[tilespmem:$0x198E0] =	vst v63  }
0x255: {  	_ =	swait.ge [sflag:s19], $0x2000  }
0x256: {  	[sflag:s19] =	ssyncset.done $0x0  }
0x257: {  	s7 =	rddreg [dreg:$0x1d];
	[sflag:s19] =	ssyncadd.s32 $0xFFFFE000  }
0x258: {  	[tilespmem:s23], [sflag:$0x8] =	stream.indirect.gather [spmem:s2], $0x40, s7, s3, $0xb8;
	[tilespmem:$0x198E0] =	vst v63  }
0x259: {  	_ =	swait.ge [sflag:s29], $0x2000  }
0x25a: {  	[sflag:s29] =	ssyncset.done $0x0  }
0x25b: {  	s7 =	rddreg [dreg:$0x1e];
	[sflag:s29] =	ssyncadd.s32 $0xFFFFE000  }
0x25c: {  	[hbm4b:s1+s3] =	stream.indirect.scatter [tilespmem:s25], [sflag:$0xB], $0x40, s7, s3, $0xb8;
	[tilespmem:$0x198E0] =	vst v63  }
0x25d: {  	_ =	swait.ge [sflag:s20], $0x2000  }
0x25e: {  	[sflag:s20] =	ssyncset.done $0x0  }
0x25f: {  	s7 =	rddreg [dreg:$0x1f];
	[sflag:s20] =	ssyncadd.s32 $0xFFFFE000  }
0x260: {  	[tilespmem:s21], [sflag:$0x9] =	stream.indirect.gather [spmem:s2], $0x40, s7, s3, $0xb8;
	[tilespmem:$0x198E0] =	vst v63  }
0x261: {  	_ =	swait.ge [sflag:s28], $0x2000  }
0x262: {  	s7 =	sld [smem:$0x7C6]  }
0x263: {  	[sflag:s28] =	ssyncset.done $0x0  }
0x264: {  	[sflag:s28] =	ssyncadd.s32 $0xFFFFE000  }
0x265: {  	[hbm4b:s1+s3] =	stream.indirect.scatter [tilespmem:s23], [sflag:$0xC], $0x40, s7, s3, $0xb8;
	[tilespmem:$0x198E0] =	vst v63  }
0x266: {  	_ =	swait.ge [sflag:s18], $0x2000  }
0x267: {  	s7 =	sld [smem:$0x7C7]  }
0x268: {  	[sflag:s18] =	ssyncset.done $0x0  }
0x269: {  	[sflag:s18] =	ssyncadd.s32 $0xFFFFE000  }
0x26a: {  	[tilespmem:s22], [sflag:$0xA] =	stream.indirect.gather [spmem:s2], $0x40, s7, s3, $0xb8;
	[tilespmem:$0x198E0] =	vst v63  }
0x26b: {  	_ =	swait.ge [sflag:s24], $0x2000  }
0x26c: {  	s7 =	sld [smem:$0x7C8]  }
0x26d: {  	[sflag:s24] =	ssyncset.done $0x0  }
0x26e: {  	[sflag:s24] =	ssyncadd.s32 $0xFFFFE000  }
0x26f: {  	[hbm4b:s1+s3] =	stream.indirect.scatter [tilespmem:s21], [sflag:$0xD], $0x40, s7, s3, $0xb8;
	[tilespmem:$0x198E0] =	vst v63  }
0x270: {  	_ =	swait.ge [sflag:s17], $0x2000  }
0x271: {  	s7 =	sld [smem:$0x7C9]  }
0x272: {  	[sflag:s17] =	ssyncset.done $0x0  }
0x273: {  	[sflag:s17] =	ssyncadd.s32 $0xFFFFE000  }
0x274: {  	[tilespmem:s25], [sflag:$0x7] =	stream.indirect.gather [spmem:s2], $0x40, s7, s3, $0xb8;
	[tilespmem:$0x198E0] =	vst v63  }
0x275: {  	_ =	swait.ge [sflag:s26], $0x2000  }
0x276: {  	s7 =	sld [smem:$0x7CA]  }
0x277: {  	[sflag:s26] =	ssyncset.done $0x0  }
0x278: {  	[sflag:s26] =	ssyncadd.s32 $0xFFFFE000  }
0x279: {  	[hbm4b:s1+s3] =	stream.indirect.scatter [tilespmem:s22], [sflag:$0xE], $0x40, s7, s3, $0xb8;
	[tilespmem:$0x198E0] =	vst v63  }
0x27a: {  	_ =	swait.ge [sflag:s19], $0x2000  }
0x27b: {  	s7 =	sld [smem:$0x7CB]  }
0x27c: {  	[sflag:s19] =	ssyncset.done $0x0  }
0x27d: {  	[sflag:s19] =	ssyncadd.s32 $0xFFFFE000  }
0x27e: {  	[tilespmem:s23], [sflag:$0x8] =	stream.indirect.gather [spmem:s2], $0x40, s7, s3, $0xb8;
	[tilespmem:$0x198E0] =	vst v63  }
0x27f: {  	_ =	swait.ge [sflag:s29], $0x2000  }
0x280: {  	s7 =	sld [smem:$0x7CC]  }
0x281: {  	[sflag:s29] =	ssyncset.done $0x0  }
0x282: {  	[sflag:s29] =	ssyncadd.s32 $0xFFFFE000  }
0x283: {  	[hbm4b:s1+s3] =	stream.indirect.scatter [tilespmem:s25], [sflag:$0xB], $0x40, s7, s3, $0xb8;
	[tilespmem:$0x198E0] =	vst v63  }
0x284: {  	_ =	swait.ge [sflag:s20], $0x2000  }
0x285: {  	s7 =	sld [smem:$0x7CD]  }
0x286: {  	[sflag:s20] =	ssyncset.done $0x0  }
0x287: {  	[sflag:s20] =	ssyncadd.s32 $0xFFFFE000  }
0x288: {  	[tilespmem:s21], [sflag:$0x9] =	stream.indirect.gather [spmem:s2], $0x40, s7, s3, $0xb8;
	[tilespmem:$0x198E0] =	vst v63  }
0x289: {  	_ =	swait.ge [sflag:s28], $0x2000  }
0x28a: {  	s7 =	sld [smem:$0x7CE]  }
0x28b: {  	[sflag:s28] =	ssyncset.done $0x0  }
0x28c: {  	[sflag:s28] =	ssyncadd.s32 $0xFFFFE000  }
0x28d: {  	[hbm4b:s1+s3] =	stream.indirect.scatter [tilespmem:s23], [sflag:$0xC], $0x40, s7, s3, $0xb8;
	[tilespmem:$0x198E0] =	vst v63  }
0x28e: {  	_ =	swait.ge [sflag:s18], $0x2000  }
0x28f: {  	s7 =	sld [smem:$0x7CF]  }
0x290: {  	[sflag:s18] =	ssyncset.done $0x0  }
0x291: {  	[sflag:s18] =	ssyncadd.s32 $0xFFFFE000  }
0x292: {  	[tilespmem:s22], [sflag:$0xA] =	stream.indirect.gather [spmem:s2], $0x40, s7, s3, $0xb8;
	[tilespmem:$0x198E0] =	vst v63  }
0x293: {  	_ =	swait.ge [sflag:s24], $0x2000  }
0x294: {  	s7 =	sld [smem:$0x7D0]  }
0x295: {  	[sflag:s24] =	ssyncset.done $0x0  }
0x296: {  	[sflag:s24] =	ssyncadd.s32 $0xFFFFE000  }
0x297: {  	[hbm4b:s1+s3] =	stream.indirect.scatter [tilespmem:s21], [sflag:$0xD], $0x40, s7, s3, $0xb8;
	[tilespmem:$0x198E0] =	vst v63  }
0x298: {  	_ =	swait.ge [sflag:s17], $0x2000  }
0x299: {  	s7 =	sld [smem:$0x7D1]  }
0x29a: {  	[sflag:s17] =	ssyncset.done $0x0  }
0x29b: {  	[sflag:s17] =	ssyncadd.s32 $0xFFFFE000  }
0x29c: {  	[tilespmem:s25], [sflag:$0x7] =	stream.indirect.gather [spmem:s2], $0x40, s7, s3, $0xb8;
	[tilespmem:$0x198E0] =	vst v63  }
0x29d: {  	_ =	swait.ge [sflag:s26], $0x2000  }
0x29e: {  	s7 =	sld [smem:$0x7D2]  }
0x29f: {  	[sflag:s26] =	ssyncset.done $0x0  }
0x2a0: {  	[sflag:s26] =	ssyncadd.s32 $0xFFFFE000  }
0x2a1: {  	[hbm4b:s1+s3] =	stream.indirect.scatter [tilespmem:s22], [sflag:$0xE], $0x40, s7, s3, $0xb8;
	[tilespmem:$0x198E0] =	vst v63  }
0x2a2: {  	_ =	swait.ge [sflag:s19], $0x2000  }
0x2a3: {  	s7 =	sld [smem:$0x7D3]  }
0x2a4: {  	[sflag:s19] =	ssyncset.done $0x0  }
0x2a5: {  	[sflag:s19] =	ssyncadd.s32 $0xFFFFE000  }
0x2a6: {  	[tilespmem:s23], [sflag:$0x8] =	stream.indirect.gather [spmem:s2], $0x40, s7, s3, $0xb8;
	[tilespmem:$0x198E0] =	vst v63  }
0x2a7: {  	_ =	swait.ge [sflag:s29], $0x2000  }
0x2a8: {  	s7 =	sld [smem:$0x7D4]  }
0x2a9: {  	[sflag:s29] =	ssyncset.done $0x0  }
0x2aa: {  	[sflag:s29] =	ssyncadd.s32 $0xFFFFE000  }
0x2ab: {  	[hbm4b:s1+s3] =	stream.indirect.scatter [tilespmem:s25], [sflag:$0xB], $0x40, s7, s3, $0xb8;
	[tilespmem:$0x198E0] =	vst v63  }
0x2ac: {  	_ =	swait.ge [sflag:s20], $0x2000  }
0x2ad: {  	s7 =	sld [smem:$0x7D5]  }
0x2ae: {  	[sflag:s20] =	ssyncset.done $0x0  }
0x2af: {  	[sflag:s20] =	ssyncadd.s32 $0xFFFFE000  }
0x2b0: {  	[tilespmem:s21], [sflag:$0x9] =	stream.indirect.gather [spmem:s2], $0x40, s7, s3, $0xb8;
	[tilespmem:$0x198E0] =	vst v63  }
0x2b1: {  	_ =	swait.ge [sflag:s28], $0x2000  }
0x2b2: {  	s7 =	sld [smem:$0x7D6]  }
0x2b3: {  	[sflag:s28] =	ssyncset.done $0x0  }
0x2b4: {  	[sflag:s28] =	ssyncadd.s32 $0xFFFFE000  }
0x2b5: {  	[hbm4b:s1+s3] =	stream.indirect.scatter [tilespmem:s23], [sflag:$0xC], $0x40, s7, s3, $0xb8;
	[tilespmem:$0x198E0] =	vst v63  }
0x2b6: {  	_ =	swait.ge [sflag:s18], $0x2000  }
0x2b7: {  	s7 =	sld [smem:$0x7D7]  }
0x2b8: {  	[sflag:s18] =	ssyncset.done $0x0  }
0x2b9: {  	[sflag:s18] =	ssyncadd.s32 $0xFFFFE000  }
0x2ba: {  	[tilespmem:s22], [sflag:$0xA] =	stream.indirect.gather [spmem:s2], $0x40, s7, s3, $0xb8;
	[tilespmem:$0x198E0] =	vst v63  }
0x2bb: {  	_ =	swait.ge [sflag:s24], $0x2000  }
0x2bc: {  	s7 =	sld [smem:$0x7D8]  }
0x2bd: {  	[sflag:s24] =	ssyncset.done $0x0  }
0x2be: {  	[sflag:s24] =	ssyncadd.s32 $0xFFFFE000  }
0x2bf: {  	[hbm4b:s1+s3] =	stream.indirect.scatter [tilespmem:s21], [sflag:$0xD], $0x40, s7, s3, $0xb8;
	[tilespmem:$0x198E0] =	vst v63  }
0x2c0: {  	_ =	swait.ge [sflag:s17], $0x2000  }
0x2c1: {  	s7 =	sld [smem:$0x7D9]  }
0x2c2: {  	[sflag:s17] =	ssyncset.done $0x0  }
0x2c3: {  	[sflag:s17] =	ssyncadd.s32 $0xFFFFE000  }
0x2c4: {  	[tilespmem:s25], [sflag:$0x7] =	stream.indirect.gather [spmem:s2], $0x40, s7, s3, $0xb8;
	[tilespmem:$0x198E0] =	vst v63  }
0x2c5: {  	_ =	swait.ge [sflag:s26], $0x2000  }
0x2c6: {  	s7 =	sld [smem:$0x7DA]  }
0x2c7: {  	[sflag:s26] =	ssyncset.done $0x0  }
0x2c8: {  	[sflag:s26] =	ssyncadd.s32 $0xFFFFE000  }
0x2c9: {  	[hbm4b:s1+s3] =	stream.indirect.scatter [tilespmem:s22], [sflag:$0xE], $0x40, s7, s3, $0xb8;
	[tilespmem:$0x198E0] =	vst v63  }
0x2ca: {  	_ =	swait.ge [sflag:s19], $0x2000  }
0x2cb: {  	s7 =	sld [smem:$0x7DB]  }
0x2cc: {  	[sflag:s19] =	ssyncset.done $0x0  }
0x2cd: {  	[sflag:s19] =	ssyncadd.s32 $0xFFFFE000  }
0x2ce: {  	[tilespmem:s23], [sflag:$0x8] =	stream.indirect.gather [spmem:s2], $0x40, s7, s3, $0xb8;
	[tilespmem:$0x198E0] =	vst v63  }
0x2cf: {  	_ =	swait.ge [sflag:s29], $0x2000  }
0x2d0: {  	s7 =	sld [smem:$0x7DC]  }
0x2d1: {  	[sflag:s29] =	ssyncset.done $0x0  }
0x2d2: {  	[sflag:s29] =	ssyncadd.s32 $0xFFFFE000  }
0x2d3: {  	[hbm4b:s1+s3] =	stream.indirect.scatter [tilespmem:s25], [sflag:$0xB], $0x40, s7, s3, $0xb8;
	[tilespmem:$0x198E0] =	vst v63  }
0x2d4: {  	_ =	swait.ge [sflag:s20], $0x2000  }
0x2d5: {  	s7 =	sld [smem:$0x7DD]  }
0x2d6: {  	[sflag:s20] =	ssyncset.done $0x0  }
0x2d7: {  	[sflag:s20] =	ssyncadd.s32 $0xFFFFE000  }
0x2d8: {  	[tilespmem:s21], [sflag:$0x9] =	stream.indirect.gather [spmem:s2], $0x40, s7, s3, $0xb8;
	[tilespmem:$0x198E0] =	vst v63  }
0x2d9: {  	_ =	swait.ge [sflag:s28], $0x2000  }
0x2da: {  	s7 =	sld [smem:$0x7DE]  }
0x2db: {  	[sflag:s28] =	ssyncset.done $0x0  }
0x2dc: {  	[sflag:s28] =	ssyncadd.s32 $0xFFFFE000  }
0x2dd: {  	[hbm4b:s1+s3] =	stream.indirect.scatter [tilespmem:s23], [sflag:$0xC], $0x40, s7, s3, $0xb8;
	[tilespmem:$0x198E0] =	vst v63  }
0x2de: {  	_ =	swait.ge [sflag:s18], $0x2000  }
0x2df: {  	s7 =	sld [smem:$0x7DF]  }
0x2e0: {  	[sflag:s18] =	ssyncset.done $0x0  }
0x2e1: {  	[sflag:s18] =	ssyncadd.s32 $0xFFFFE000  }
0x2e2: {  	[tilespmem:s22], [sflag:$0xA] =	stream.indirect.gather [spmem:s2], $0x40, s7, s3, $0xb8;
	[tilespmem:$0x198E0] =	vst v63  }
0x2e3: {  	_ =	swait.ge [sflag:s24], $0x2000  }
0x2e4: {  	s7 =	sld [smem:$0x7E0]  }
0x2e5: {  	[sflag:s24] =	ssyncset.done $0x0  }
0x2e6: {  	[sflag:s24] =	ssyncadd.s32 $0xFFFFE000  }
0x2e7: {  	[hbm4b:s1+s3] =	stream.indirect.scatter [tilespmem:s21], [sflag:$0xD], $0x40, s7, s3, $0xb8;
	[tilespmem:$0x198E0] =	vst v63  }
0x2e8: {  	_ =	swait.ge [sflag:s17], $0x2000  }
0x2e9: {  	s7 =	sld [smem:$0x7E1]  }
0x2ea: {  	[sflag:s17] =	ssyncset.done $0x0  }
0x2eb: {  	[sflag:s17] =	ssyncadd.s32 $0xFFFFE000  }
0x2ec: {  	[tilespmem:s25], [sflag:$0x7] =	stream.indirect.gather [spmem:s2], $0x40, s7, s3, $0xb8;
	[tilespmem:$0x198E0] =	vst v63  }
0x2ed: {  	_ =	swait.ge [sflag:s26], $0x2000  }
0x2ee: {  	s7 =	sld [smem:$0x7E2]  }
0x2ef: {  	[sflag:s26] =	ssyncset.done $0x0  }
0x2f0: {  	[sflag:s26] =	ssyncadd.s32 $0xFFFFE000  }
0x2f1: {  	[hbm4b:s1+s3] =	stream.indirect.scatter [tilespmem:s22], [sflag:$0xE], $0x40, s7, s3, $0xb8;
	[tilespmem:$0x198E0] =	vst v63  }
0x2f2: {  	_ =	swait.ge [sflag:s19], $0x2000  }
0x2f3: {  	s7 =	sld [smem:$0x7E3]  }
0x2f4: {  	[sflag:s19] =	ssyncset.done $0x0  }
0x2f5: {  	[sflag:s19] =	ssyncadd.s32 $0xFFFFE000  }
0x2f6: {  	[tilespmem:s23], [sflag:$0x8] =	stream.indirect.gather [spmem:s2], $0x40, s7, s3, $0xb8;
	[tilespmem:$0x198E0] =	vst v63  }
0x2f7: {  	_ =	swait.ge [sflag:s29], $0x2000  }
0x2f8: {  	s7 =	sld [smem:$0x7E4]  }
0x2f9: {  	[sflag:s29] =	ssyncset.done $0x0  }
0x2fa: {  	[sflag:s29] =	ssyncadd.s32 $0xFFFFE000  }
0x2fb: {  	[hbm4b:s1+s3] =	stream.indirect.scatter [tilespmem:s25], [sflag:$0xB], $0x40, s7, s3, $0xb8;
	[tilespmem:$0x198E0] =	vst v63  }
0x2fc: {  	_ =	swait.ge [sflag:s20], $0x2000  }
0x2fd: {  	[sflag:s20] =	ssyncset.done $0x0  }
0x2fe: {  	s8 =	simm.s32 $0x1000;
	[sflag:s20] =	ssyncadd.s32 $0xFFFFE000  }
0x2ff: {  	[tilespmem:s21], [sflag:$0x9] =	stream.indirect.gather [spmem:s2], $0x40, s8, s3, $0xb8;
	[tilespmem:$0x198E0] =	vst v63  }
0x300: {  	_ =	swait.ge [sflag:s28], $0x2000  }
0x301: {  	s7 =	sld [smem:$0x7E5]  }
0x302: {  	[sflag:s28] =	ssyncset.done $0x0  }
0x303: {  	[sflag:s28] =	ssyncadd.s32 $0xFFFFE000  }
0x304: {  	[hbm4b:s1+s3] =	stream.indirect.scatter [tilespmem:s23], [sflag:$0xC], $0x40, s7, s3, $0xb8;
	[tilespmem:$0x198E0] =	vst v63  }
0x305: {  	_ =	swait.ge [sflag:s18], $0x2000  }
0x306: {  	s7 =	sld [smem:$0x7E6]  }
0x307: {  	[sflag:s18] =	ssyncset.done $0x0  }
0x308: {  	[sflag:s18] =	ssyncadd.s32 $0xFFFFE000  }
0x309: {  	[tilespmem:s22], [sflag:$0xA] =	stream.indirect.gather [spmem:s2], $0x40, s7, s3, $0xb8;
	[tilespmem:$0x198E0] =	vst v63  }
0x30a: {  	_ =	swait.ge [sflag:s24], $0x2000  }
0x30b: {  	s7 =	sld [smem:$0x7E7]  }
0x30c: {  	[sflag:s24] =	ssyncset.done $0x0  }
0x30d: {  	[sflag:s24] =	ssyncadd.s32 $0xFFFFE000  }
0x30e: {  	[hbm4b:s1+s3] =	stream.indirect.scatter [tilespmem:s21], [sflag:$0xD], $0x40, s7, s3, $0xb8;
	[tilespmem:$0x198E0] =	vst v63  }
0x30f: {  	_ =	swait.ge [sflag:s17], $0x2000  }
0x310: {  	s7 =	sld [smem:$0x7E8]  }
0x311: {  	[sflag:s17] =	ssyncset.done $0x0  }
0x312: {  	[sflag:s17] =	ssyncadd.s32 $0xFFFFE000  }
0x313: {  	[tilespmem:s25], [sflag:$0x7] =	stream.indirect.gather [spmem:s2], $0x40, s7, s3, $0xb8;
	[tilespmem:$0x198E0] =	vst v63  }
0x314: {  	_ =	swait.ge [sflag:s26], $0x2000  }
0x315: {  	s7 =	sld [smem:$0x7E9]  }
0x316: {  	[sflag:s26] =	ssyncset.done $0x0  }
0x317: {  	[sflag:s26] =	ssyncadd.s32 $0xFFFFE000  }
0x318: {  	[hbm4b:s1+s3] =	stream.indirect.scatter [tilespmem:s22], [sflag:$0xE], $0x40, s7, s3, $0xb8;
	[tilespmem:$0x198E0] =	vst v63  }
0x319: {  	_ =	swait.ge [sflag:s19], $0x2000  }
0x31a: {  	s7 =	sld [smem:$0x7EA]  }
0x31b: {  	[sflag:s19] =	ssyncset.done $0x0  }
0x31c: {  	[sflag:s19] =	ssyncadd.s32 $0xFFFFE000  }
0x31d: {  	[tilespmem:s23], [sflag:$0x8] =	stream.indirect.gather [spmem:s2], $0x40, s7, s3, $0xb8;
	[tilespmem:$0x198E0] =	vst v63  }
0x31e: {  	_ =	swait.ge [sflag:s29], $0x2000  }
0x31f: {  	s7 =	sld [smem:$0x7EB]  }
0x320: {  	[sflag:s29] =	ssyncset.done $0x0  }
0x321: {  	[sflag:s29] =	ssyncadd.s32 $0xFFFFE000  }
0x322: {  	[hbm4b:s1+s3] =	stream.indirect.scatter [tilespmem:s25], [sflag:$0xB], $0x40, s7, s3, $0xb8;
	[tilespmem:$0x198E0] =	vst v63  }
0x323: {  	_ =	swait.ge [sflag:s20], $0x2000  }
0x324: {  	s7 =	sld [smem:$0x7EC]  }
0x325: {  	[sflag:s20] =	ssyncset.done $0x0  }
0x326: {  	[sflag:s20] =	ssyncadd.s32 $0xFFFFE000  }
0x327: {  	[tilespmem:s21], [sflag:$0x9] =	stream.indirect.gather [spmem:s2], $0x40, s7, s3, $0xb8;
	[tilespmem:$0x198E0] =	vst v63  }
0x328: {  	_ =	swait.ge [sflag:s28], $0x2000  }
0x329: {  	s7 =	sld [smem:$0x7ED]  }
0x32a: {  	[sflag:s28] =	ssyncset.done $0x0  }
0x32b: {  	[sflag:s28] =	ssyncadd.s32 $0xFFFFE000  }
0x32c: {  	[hbm4b:s1+s3] =	stream.indirect.scatter [tilespmem:s23], [sflag:$0xC], $0x40, s7, s3, $0xb8;
	[tilespmem:$0x198E0] =	vst v63  }
0x32d: {  	_ =	swait.ge [sflag:s18], $0x2000  }
0x32e: {  	s7 =	sld [smem:$0x7EE]  }
0x32f: {  	[sflag:s18] =	ssyncset.done $0x0  }
0x330: {  	[sflag:s18] =	ssyncadd.s32 $0xFFFFE000  }
0x331: {  	[tilespmem:s22], [sflag:$0xA] =	stream.indirect.gather [spmem:s2], $0x40, s7, s3, $0xb8;
	[tilespmem:$0x198E0] =	vst v63  }
0x332: {  	_ =	swait.ge [sflag:s24], $0x2000  }
0x333: {  	s7 =	sld [smem:$0x7EF]  }
0x334: {  	[sflag:s24] =	ssyncset.done $0x0  }
0x335: {  	[sflag:s24] =	ssyncadd.s32 $0xFFFFE000  }
0x336: {  	[hbm4b:s1+s3] =	stream.indirect.scatter [tilespmem:s21], [sflag:$0xD], $0x40, s7, s3, $0xb8;
	[tilespmem:$0x198E0] =	vst v63  }
0x337: {  	_ =	swait.ge [sflag:s17], $0x2000  }
0x338: {  	s7 =	sld [smem:$0x7F0]  }
0x339: {  	[sflag:s17] =	ssyncset.done $0x0  }
0x33a: {  	[sflag:s17] =	ssyncadd.s32 $0xFFFFE000  }
0x33b: {  	[tilespmem:s25], [sflag:$0x7] =	stream.indirect.gather [spmem:s2], $0x40, s7, s3, $0xb8;
	[tilespmem:$0x198E0] =	vst v63  }
0x33c: {  	_ =	swait.ge [sflag:s26], $0x2000  }
0x33d: {  	s7 =	sld [smem:$0x7F1]  }
0x33e: {  	[sflag:s26] =	ssyncset.done $0x0  }
0x33f: {  	[sflag:s26] =	ssyncadd.s32 $0xFFFFE000  }
0x340: {  	[hbm4b:s1+s3] =	stream.indirect.scatter [tilespmem:s22], [sflag:$0xE], $0x40, s7, s3, $0xb8;
	[tilespmem:$0x198E0] =	vst v63  }
0x341: {  	_ =	swait.ge [sflag:s19], $0x2000  }
0x342: {  	s7 =	sld [smem:$0x7F2]  }
0x343: {  	[sflag:s19] =	ssyncset.done $0x0  }
0x344: {  	[sflag:s19] =	ssyncadd.s32 $0xFFFFE000  }
0x345: {  	[tilespmem:s23], [sflag:$0x8] =	stream.indirect.gather [spmem:s2], $0x40, s7, s3, $0xb8;
	[tilespmem:$0x198E0] =	vst v63  }
0x346: {  	_ =	swait.ge [sflag:s29], $0x2000  }
0x347: {  	s7 =	sld [smem:$0x7F3]  }
0x348: {  	[sflag:s29] =	ssyncset.done $0x0  }
0x349: {  	[sflag:s29] =	ssyncadd.s32 $0xFFFFE000  }
0x34a: {  	[hbm4b:s1+s3] =	stream.indirect.scatter [tilespmem:s25], [sflag:$0xB], $0x40, s7, s3, $0xb8;
	[tilespmem:$0x198E0] =	vst v63  }
0x34b: {  	_ =	swait.ge [sflag:s20], $0x2000  }
0x34c: {  	s7 =	sld [smem:$0x7F4]  }
0x34d: {  	[sflag:s20] =	ssyncset.done $0x0  }
0x34e: {  	[sflag:s20] =	ssyncadd.s32 $0xFFFFE000  }
0x34f: {  	[tilespmem:s21], [sflag:$0x9] =	stream.indirect.gather [spmem:s2], $0x40, s7, s3, $0xb8;
	[tilespmem:$0x198E0] =	vst v63  }
0x350: {  	_ =	swait.ge [sflag:s28], $0x2000  }
0x351: {  	s7 =	sld [smem:$0x7F5]  }
0x352: {  	[sflag:s28] =	ssyncset.done $0x0  }
0x353: {  	[sflag:s28] =	ssyncadd.s32 $0xFFFFE000  }
0x354: {  	[hbm4b:s1+s3] =	stream.indirect.scatter [tilespmem:s23], [sflag:$0xC], $0x40, s7, s3, $0xb8;
	[tilespmem:$0x198E0] =	vst v63  }
0x355: {  	_ =	swait.ge [sflag:s18], $0x2000  }
0x356: {  	s7 =	sld [smem:$0x7F6]  }
0x357: {  	[sflag:s18] =	ssyncset.done $0x0  }
0x358: {  	[sflag:s18] =	ssyncadd.s32 $0xFFFFE000  }
0x359: {  	[tilespmem:s22], [sflag:$0xA] =	stream.indirect.gather [spmem:s2], $0x40, s7, s3, $0xb8;
	[tilespmem:$0x198E0] =	vst v63  }
0x35a: {  	_ =	swait.ge [sflag:s24], $0x2000  }
0x35b: {  	s7 =	sld [smem:$0x7F7]  }
0x35c: {  	[sflag:s24] =	ssyncset.done $0x0  }
0x35d: {  	[sflag:s24] =	ssyncadd.s32 $0xFFFFE000  }
0x35e: {  	[hbm4b:s1+s3] =	stream.indirect.scatter [tilespmem:s21], [sflag:$0xD], $0x40, s7, s3, $0xb8;
	[tilespmem:$0x198E0] =	vst v63  }
0x35f: {  	_ =	swait.ge [sflag:s26], $0x2000  }
0x360: {  	s7 =	sld [smem:$0x7F8]  }
0x361: {  	[sflag:s26] =	ssyncset.done $0x0  }
0x362: {  	[sflag:s26] =	ssyncadd.s32 $0xFFFFE000  }
0x363: {  	[hbm4b:s1+s3] =	stream.indirect.scatter [tilespmem:s22], [sflag:$0xE], $0x40, s7, s3, $0xb8;
	[tilespmem:$0x198E0] =	vst v63  }
0x364: {  	_ =	swait.ge [sflag:s16], $0x2000  }
0x365: {  	[sflag:s16] =	ssyncset.done $0x0  }
0x366: {  	s5 =	simm.s32 $0x1500;
	[sflag:s16] =	ssyncadd.s32 $0xFFFFE000  }
0x367: {  	[hbm4b:s1+s3] =	stream.indirect.scatter [tilespmem:s11], [sflag:$0x1], $0x40, s5, s3, $0xb8;
	[tilespmem:$0x198E0] =	vst v63  }
0x368: {  	_ =	swait.ge [sflag:s15], $0x2000  }
0x369: {  	s7 =	sld [smem:$0x7F9]  }
0x36a: {  	[sflag:s15] =	ssyncset.done $0x0  }
0x36b: {  	[sflag:s15] =	ssyncadd.s32 $0xFFFFE000  }
0x36c: {  	[hbm4b:s1+s3] =	stream.indirect.scatter [tilespmem:s12], [sflag:$0x2], $0x40, s7, s3, $0xb8;
	[tilespmem:$0x198E0] =	vst v63  }
0x36d: {  	_ =	swait.ge [sflag:s14], $0x2000  }
0x36e: {  	s7 =	sld [smem:$0x7FA]  }
0x36f: {  	[sflag:s14] =	ssyncset.done $0x0  }
0x370: {  	s30 =	simm.s32 $0x6A00;
	[sflag:s14] =	ssyncadd.s32 $0xFFFFE000  }
0x371: {  	[hbm4b:s1+s3] =	stream.indirect.scatter [tilespmem:s30], [sflag:$0x3], $0x40, s7, s3, $0xb8;
	[tilespmem:$0x198E0] =	vst v63  }
0x372: {  	_ =	swait.ge [sflag:s13], $0x2000  }
0x373: {  	s7 =	sld [smem:$0x7FB]  }
0x374: {  	[sflag:s13] =	ssyncset.done $0x0  }
0x375: {  	s31 =	simm.s32 $0x8A00;
	s12 =	simm.s32 $0x5;
	[sflag:s13] =	ssyncadd.s32 $0xFFFFE000  }
0x376: {  	[hbm4b:s1+s3] =	stream.indirect.scatter [tilespmem:s31], [sflag:$0x4], $0x40, s7, s3, $0xb8;
	[tilespmem:$0x198E0] =	vst v63  }
0x377: {  	_ =	swait.ge [sflag:s12], $0x2000  }
0x378: {  	s7 =	sld [smem:$0x7FC]  }
0x379: {  	[sflag:s12] =	ssyncset.done $0x0  }
0x37a: {  	s10 =	simm.s32 $0xAA00;
	s11 =	simm.s32 $0x6;
	[sflag:s12] =	ssyncadd.s32 $0xFFFFE000  }
0x37b: {  	[hbm4b:s1+s3] =	stream.indirect.scatter [tilespmem:s10], [sflag:$0x5], $0x40, s7, s3, $0xb8;
	[tilespmem:$0x198E0] =	vst v63  }
0x37c: {  	_ =	swait.ge [sflag:s11], $0x2000  }
0x37d: {  	s7 =	sld [smem:$0x7FD]  }
0x37e: {  	[sflag:s11] =	ssyncset.done $0x0  }
0x37f: {  	[sflag:s11] =	ssyncadd.s32 $0xFFFFE000  }
0x380: {  	[hbm4b:s1+s3] =	stream.indirect.scatter [tilespmem:s9], [sflag:$0x6], $0x40, s7, s3, $0xb8;
	[tilespmem:$0x198E0] =	vst v63  }
0x381: {  	_ =	swait.ge [sflag:s17], $0x2000  }
0x382: {  	[sflag:s17] =	ssyncset.done $0x0  }
0x383: {  	[sflag:s17] =	ssyncadd.s32 $0xFFFFE000  }
0x384: {  	_ =	swait.ge [sflag:s19], $0x2000  }
0x385: {  	[sflag:s19] =	ssyncset.done $0x0  }
0x386: {  	[sflag:s19] =	ssyncadd.s32 $0xFFFFE000  }
0x387: {  	_ =	swait.ge [sflag:s20], $0x2000  }
0x388: {  	[sflag:s20] =	ssyncset.done $0x0  }
0x389: {  	[sflag:s20] =	ssyncadd.s32 $0xFFFFE000  }
0x38a: {  	_ =	swait.ge [sflag:s18], $0x2000  }
0x38b: {  	[sflag:s18] =	ssyncset.done $0x0  }
0x38c: {  	[sflag:s18] =	ssyncadd.s32 $0xFFFFE000  }
0x38d: {  	_ =	swait.ge [sflag:s16], $0x2000  }
0x38e: {  	[sflag:s16] =	ssyncset.done $0x0  }
0x38f: {  	[sflag:s16] =	ssyncadd.s32 $0xFFFFE000  }
0x390: {  	_ =	swait.ge [sflag:s15], $0x2000  }
0x391: {  	[sflag:s15] =	ssyncset.done $0x0  }
0x392: {  	[sflag:s15] =	ssyncadd.s32 $0xFFFFE000  }
0x393: {  	_ =	swait.ge [sflag:s14], $0x2000  }
0x394: {  	[sflag:s14] =	ssyncset.done $0x0  }
0x395: {  	[sflag:s14] =	ssyncadd.s32 $0xFFFFE000  }
0x396: {  	_ =	swait.ge [sflag:s13], $0x2000  }
0x397: {  	s6 =	sadd.s32 $0xFFFFFFFF, s6;
	[sflag:s13] =	ssyncset.done $0x0  }
0x398: {  	p2 =	sne.s32 s6, $0x0;
	[sflag:s13] =	ssyncadd.s32 $0xFFFFE000  }
.Ltmp2:
0x399: {  	_ =	swait.ge [sflag:s12], $0x2000;
	(pc) =	sbr.rel @p2 .LBB2_2-.Ltmp2, $4  }
0x39a: {  	[sflag:s12] =	ssyncset.done $0x0  }
0x39b: {  	[sflag:s12] =	ssyncadd.s32 $0xFFFFE000  }
0x39c: {  	_ =	swait.ge [sflag:s11], $0x2000  }
0x39d: {  	s7 =	rddreg [dreg:$0x5];
	[sflag:s11] =	ssyncset.done $0x0  }
.LBB2_3:
0x39e: {  	[sflag:s11] =	ssyncadd.s32 @p1 $0xFFFFE000;
	s8 =	simm.s32 $0x1000;
	s6 =	simm.s32 $0x0  }
0x39f: {  	[tilespmem:s6], [sflag:$0xF] =	stream.strided.gather [hbm4b:s7+s3], $0x1500, s8, s3, $0x38;
	[tilespmem:$0x198E0] =	vst v63  }
0x3a0: {  	_ =	swait.ge [sflag:s4], $0x1500  }
0x3a1: {  	[sflag:s4] =	ssyncset.done $0x0  }
0x3a2: {  	s7 =	simm.s32 $0x1500;
	s5 =	rddreg [dreg:$0x6];
	[sflag:s4] =	ssyncadd.s32 $0xFFFFEB00  }
0x3a3: {  	[tilespmem:s7], [sflag:$0xF] =	stream.strided.gather [hbm4b:s5+s3], $0x1500, s8, s3, $0x38;
	[tilespmem:$0x198E0] =	vst v63  }
0x3a4: {  	_ =	swait.ge [sflag:s4], $0x1500  }
0x3a5: {  	[sflag:s4] =	ssyncset.done $0x0  }
0x3a6: {  	s7 =	simm.s32 $0x2A00;
	[sflag:s4] =	ssyncadd.s32 $0xFFFFEB00  }
0x3a7: {  	[tilespmem:s7], [sflag:$0x1] =	stream.indirect.gather [hbm4b:s0+s3], $0x40, s6, s3, $0xb8;
	[tilespmem:$0x198E0] =	vst v63  }
0x3a8: {  	s5 =	rddreg [dreg:$0x8];
	s6 =	simm.s32 $0x4A00  }
0x3a9: {  	[tilespmem:s6], [sflag:$0x2] =	stream.indirect.gather [hbm4b:s0+s3], $0x40, s3, s3, $0xb8;
	[tilespmem:$0x198E0] =	vst v63  }
0x3aa: {  	s4 =	rddreg [dreg:$0x7]  }
0x3ab: {  	[tilespmem:s30], [sflag:$0x3] =	stream.indirect.gather [hbm4b:s0+s3], $0x40, s4, s3, $0xb8;
	[tilespmem:$0x198E0] =	vst v63  }
0x3ac: {  	s6 =	rddreg [dreg:$0x9]  }
0x3ad: {  	[tilespmem:s31], [sflag:$0x4] =	stream.indirect.gather [hbm4b:s0+s3], $0x40, s5, s3, $0xb8;
	[tilespmem:$0x198E0] =	vst v63  }
0x3ae: {  	s4 =	rddreg [dreg:$0xa]  }
0x3af: {  	[tilespmem:s10], [sflag:$0x5] =	stream.indirect.gather [hbm4b:s0+s3], $0x40, s6, s3, $0xb8;
	[tilespmem:$0x198E0] =	vst v63  }
0x3b0: {  	s5 =	rddreg [dreg:$0xb]  }
0x3b1: {  	[tilespmem:s9], [sflag:$0x6] =	stream.indirect.gather [hbm4b:s0+s3], $0x40, s4, s3, $0xb8;
	[tilespmem:$0x198E0] =	vst v63  }
0x3b2: {  	s6 =	rddreg [dreg:$0x4];
	s0 =	simm.s32 @!p0 $0x1C0F  }
0x3b3: {  	[spmem:s5], [sflag:s0] =	dma.local @!p0 [hbm:s6], $0x5DC0  }
0x3b4: {  	s0 =	simm.s32 @!p0 $0xF  }
0x3b5: {  	_ =	swait.ge @!p0 [sflag:s0], $0x5DC0  }
0x3b6: {  	[sflag:s0] =	ssyncset.done @!p0 $0x0  }
0x3b7: {  	[sflag:s0] =	ssyncadd.s32 @!p0 $0xFFFFA240  }
0x3b8: {  	[bflag:$0x0] =	sbarrier.arrive $0xFFFF  }
0x3b9: {  	s5 =	rddreg [dreg:$0xc]  }
0x3ba: {  	[tilespmem:s25], [sflag:$0x7] =	stream.indirect.gather [spmem:s2], $0x40, s5, s3, $0xb8;
	[tilespmem:$0x198E0] =	vst v63  }
0x3bb: {  	s6 =	rddreg [dreg:$0xd]  }
0x3bc: {  	[tilespmem:s23], [sflag:$0x8] =	stream.indirect.gather [spmem:s2], $0x40, s6, s3, $0xb8;
	[tilespmem:$0x198E0] =	vst v63  }
0x3bd: {  	_ =	swait.ge [sflag:s29], $0x2000  }
0x3be: {  	[sflag:s29] =	ssyncset.done $0x0  }
0x3bf: {  	s5 =	rddreg [dreg:$0xe];
	[sflag:s29] =	ssyncadd.s32 $0xFFFFE000  }
0x3c0: {  	[hbm4b:s1+s3] =	stream.indirect.scatter [tilespmem:s25], [sflag:$0xB], $0x40, s5, s3, $0xb8;
	[tilespmem:$0x198E0] =	vst v63  }
0x3c1: {  	s6 =	rddreg [dreg:$0xf]  }
0x3c2: {  	[tilespmem:s21], [sflag:$0x9] =	stream.indirect.gather [spmem:s2], $0x40, s6, s3, $0xb8;
	[tilespmem:$0x198E0] =	vst v63  }
0x3c3: {  	_ =	swait.ge [sflag:s28], $0x2000  }
0x3c4: {  	[sflag:s28] =	ssyncset.done $0x0  }
0x3c5: {  	s5 =	rddreg [dreg:$0x10];
	[sflag:s28] =	ssyncadd.s32 $0xFFFFE000  }
0x3c6: {  	[hbm4b:s1+s3] =	stream.indirect.scatter [tilespmem:s23], [sflag:$0xC], $0x40, s5, s3, $0xb8;
	[tilespmem:$0x198E0] =	vst v63  }
0x3c7: {  	s6 =	rddreg [dreg:$0x11]  }
0x3c8: {  	[tilespmem:s22], [sflag:$0xA] =	stream.indirect.gather [spmem:s2], $0x40, s6, s3, $0xb8;
	[tilespmem:$0x198E0] =	vst v63  }
0x3c9: {  	_ =	swait.ge [sflag:s24], $0x2000  }
0x3ca: {  	[sflag:s24] =	ssyncset.done $0x0  }
0x3cb: {  	s5 =	rddreg [dreg:$0x12];
	[sflag:s24] =	ssyncadd.s32 $0xFFFFE000  }
0x3cc: {  	[hbm4b:s1+s3] =	stream.indirect.scatter [tilespmem:s21], [sflag:$0xD], $0x40, s5, s3, $0xb8;
	[tilespmem:$0x198E0] =	vst v63  }
0x3cd: {  	_ =	swait.ge [sflag:s17], $0x2000  }
0x3ce: {  	[sflag:s17] =	ssyncset.done $0x0  }
0x3cf: {  	s6 =	rddreg [dreg:$0x13];
	[sflag:s17] =	ssyncadd.s32 $0xFFFFE000  }
0x3d0: {  	[tilespmem:s25], [sflag:$0x7] =	stream.indirect.gather [spmem:s2], $0x40, s6, s3, $0xb8;
	[tilespmem:$0x198E0] =	vst v63  }
0x3d1: {  	_ =	swait.ge [sflag:s26], $0x2000  }
0x3d2: {  	[sflag:s26] =	ssyncset.done $0x0  }
0x3d3: {  	s4 =	rddreg [dreg:$0x14];
	[sflag:s26] =	ssyncadd.s32 $0xFFFFE000  }
0x3d4: {  	[hbm4b:s1+s3] =	stream.indirect.scatter [tilespmem:s22], [sflag:$0xE], $0x40, s4, s3, $0xb8;
	[tilespmem:$0x198E0] =	vst v63  }
0x3d5: {  	_ =	swait.ge [sflag:s19], $0x2000  }
0x3d6: {  	[sflag:s19] =	ssyncset.done $0x0  }
0x3d7: {  	s5 =	rddreg [dreg:$0x15];
	[sflag:s19] =	ssyncadd.s32 $0xFFFFE000  }
0x3d8: {  	[tilespmem:s23], [sflag:$0x8] =	stream.indirect.gather [spmem:s2], $0x40, s5, s3, $0xb8;
	[tilespmem:$0x198E0] =	vst v63  }
0x3d9: {  	_ =	swait.ge [sflag:s29], $0x2000  }
0x3da: {  	[sflag:s29] =	ssyncset.done $0x0  }
0x3db: {  	s6 =	rddreg [dreg:$0x16];
	[sflag:s29] =	ssyncadd.s32 $0xFFFFE000  }
0x3dc: {  	[hbm4b:s1+s3] =	stream.indirect.scatter [tilespmem:s25], [sflag:$0xB], $0x40, s6, s3, $0xb8;
	[tilespmem:$0x198E0] =	vst v63  }
0x3dd: {  	_ =	swait.ge [sflag:s20], $0x2000  }
0x3de: {  	[sflag:s20] =	ssyncset.done $0x0  }
0x3df: {  	s4 =	rddreg [dreg:$0x17];
	[sflag:s20] =	ssyncadd.s32 $0xFFFFE000  }
0x3e0: {  	[tilespmem:s21], [sflag:$0x9] =	stream.indirect.gather [spmem:s2], $0x40, s4, s3, $0xb8;
	[tilespmem:$0x198E0] =	vst v63  }
0x3e1: {  	_ =	swait.ge [sflag:s28], $0x2000  }
0x3e2: {  	[sflag:s28] =	ssyncset.done $0x0  }
0x3e3: {  	s5 =	rddreg [dreg:$0x18];
	[sflag:s28] =	ssyncadd.s32 $0xFFFFE000  }
0x3e4: {  	[hbm4b:s1+s3] =	stream.indirect.scatter [tilespmem:s23], [sflag:$0xC], $0x40, s5, s3, $0xb8;
	[tilespmem:$0x198E0] =	vst v63  }
0x3e5: {  	_ =	swait.ge [sflag:s18], $0x2000  }
0x3e6: {  	[sflag:s18] =	ssyncset.done $0x0  }
0x3e7: {  	s6 =	rddreg [dreg:$0x19];
	[sflag:s18] =	ssyncadd.s32 $0xFFFFE000  }
0x3e8: {  	[tilespmem:s22], [sflag:$0xA] =	stream.indirect.gather [spmem:s2], $0x40, s6, s3, $0xb8;
	[tilespmem:$0x198E0] =	vst v63  }
0x3e9: {  	_ =	swait.ge [sflag:s24], $0x2000  }
0x3ea: {  	[sflag:s24] =	ssyncset.done $0x0  }
0x3eb: {  	s4 =	rddreg [dreg:$0x1a];
	[sflag:s24] =	ssyncadd.s32 $0xFFFFE000  }
0x3ec: {  	[hbm4b:s1+s3] =	stream.indirect.scatter [tilespmem:s21], [sflag:$0xD], $0x40, s4, s3, $0xb8;
	[tilespmem:$0x198E0] =	vst v63  }
0x3ed: {  	_ =	swait.ge [sflag:s17], $0x2000  }
0x3ee: {  	[sflag:s17] =	ssyncset.done $0x0  }
0x3ef: {  	s5 =	rddreg [dreg:$0x1b];
	[sflag:s17] =	ssyncadd.s32 $0xFFFFE000  }
0x3f0: {  	[tilespmem:s25], [sflag:$0x7] =	stream.indirect.gather [spmem:s2], $0x40, s5, s3, $0xb8;
	[tilespmem:$0x198E0] =	vst v63  }
0x3f1: {  	_ =	swait.ge [sflag:s26], $0x2000  }
0x3f2: {  	[sflag:s26] =	ssyncset.done $0x0  }
0x3f3: {  	s6 =	rddreg [dreg:$0x1c];
	[sflag:s26] =	ssyncadd.s32 $0xFFFFE000  }
0x3f4: {  	[hbm4b:s1+s3] =	stream.indirect.scatter [tilespmem:s22], [sflag:$0xE], $0x40, s6, s3, $0xb8;
	[tilespmem:$0x198E0] =	vst v63  }
0x3f5: {  	_ =	swait.ge [sflag:s19], $0x2000  }
0x3f6: {  	[sflag:s19] =	ssyncset.done $0x0  }
0x3f7: {  	s4 =	rddreg [dreg:$0x1d];
	[sflag:s19] =	ssyncadd.s32 $0xFFFFE000  }
0x3f8: {  	[tilespmem:s23], [sflag:$0x8] =	stream.indirect.gather [spmem:s2], $0x40, s4, s3, $0xb8;
	[tilespmem:$0x198E0] =	vst v63  }
0x3f9: {  	_ =	swait.ge [sflag:s29], $0x2000  }
0x3fa: {  	[sflag:s29] =	ssyncset.done $0x0  }
0x3fb: {  	s5 =	rddreg [dreg:$0x1e];
	[sflag:s29] =	ssyncadd.s32 $0xFFFFE000  }
0x3fc: {  	[hbm4b:s1+s3] =	stream.indirect.scatter [tilespmem:s25], [sflag:$0xB], $0x40, s5, s3, $0xb8;
	[tilespmem:$0x198E0] =	vst v63  }
0x3fd: {  	_ =	swait.ge [sflag:s20], $0x2000  }
0x3fe: {  	[sflag:s20] =	ssyncset.done $0x0  }
0x3ff: {  	s6 =	rddreg [dreg:$0x1f];
	[sflag:s20] =	ssyncadd.s32 $0xFFFFE000  }
0x400: {  	[tilespmem:s21], [sflag:$0x9] =	stream.indirect.gather [spmem:s2], $0x40, s6, s3, $0xb8;
	[tilespmem:$0x198E0] =	vst v63  }
0x401: {  	_ =	swait.ge [sflag:s28], $0x2000  }
0x402: {  	s4 =	sld [smem:$0x7C6]  }
0x403: {  	[sflag:s28] =	ssyncset.done $0x0  }
0x404: {  	[sflag:s28] =	ssyncadd.s32 $0xFFFFE000  }
0x405: {  	[hbm4b:s1+s3] =	stream.indirect.scatter [tilespmem:s23], [sflag:$0xC], $0x40, s4, s3, $0xb8;
	[tilespmem:$0x198E0] =	vst v63  }
0x406: {  	_ =	swait.ge [sflag:s18], $0x2000  }
0x407: {  	s5 =	sld [smem:$0x7C7]  }
0x408: {  	[sflag:s18] =	ssyncset.done $0x0  }
0x409: {  	[sflag:s18] =	ssyncadd.s32 $0xFFFFE000  }
0x40a: {  	[tilespmem:s22], [sflag:$0xA] =	stream.indirect.gather [spmem:s2], $0x40, s5, s3, $0xb8;
	[tilespmem:$0x198E0] =	vst v63  }
0x40b: {  	_ =	swait.ge [sflag:s24], $0x2000  }
0x40c: {  	s6 =	sld [smem:$0x7C8]  }
0x40d: {  	[sflag:s24] =	ssyncset.done $0x0  }
0x40e: {  	[sflag:s24] =	ssyncadd.s32 $0xFFFFE000  }
0x40f: {  	[hbm4b:s1+s3] =	stream.indirect.scatter [tilespmem:s21], [sflag:$0xD], $0x40, s6, s3, $0xb8;
	[tilespmem:$0x198E0] =	vst v63  }
0x410: {  	_ =	swait.ge [sflag:s17], $0x2000  }
0x411: {  	s4 =	sld [smem:$0x7C9]  }
0x412: {  	[sflag:s17] =	ssyncset.done $0x0  }
0x413: {  	[sflag:s17] =	ssyncadd.s32 $0xFFFFE000  }
0x414: {  	[tilespmem:s25], [sflag:$0x7] =	stream.indirect.gather [spmem:s2], $0x40, s4, s3, $0xb8;
	[tilespmem:$0x198E0] =	vst v63  }
0x415: {  	_ =	swait.ge [sflag:s26], $0x2000  }
0x416: {  	s5 =	sld [smem:$0x7CA]  }
0x417: {  	[sflag:s26] =	ssyncset.done $0x0  }
0x418: {  	[sflag:s26] =	ssyncadd.s32 $0xFFFFE000  }
0x419: {  	[hbm4b:s1+s3] =	stream.indirect.scatter [tilespmem:s22], [sflag:$0xE], $0x40, s5, s3, $0xb8;
	[tilespmem:$0x198E0] =	vst v63  }
0x41a: {  	_ =	swait.ge [sflag:s19], $0x2000  }
0x41b: {  	s6 =	sld [smem:$0x7CB]  }
0x41c: {  	[sflag:s19] =	ssyncset.done $0x0  }
0x41d: {  	[sflag:s19] =	ssyncadd.s32 $0xFFFFE000  }
0x41e: {  	[tilespmem:s23], [sflag:$0x8] =	stream.indirect.gather [spmem:s2], $0x40, s6, s3, $0xb8;
	[tilespmem:$0x198E0] =	vst v63  }
0x41f: {  	_ =	swait.ge [sflag:s29], $0x2000  }
0x420: {  	s4 =	sld [smem:$0x7CC]  }
0x421: {  	[sflag:s29] =	ssyncset.done $0x0  }
0x422: {  	[sflag:s29] =	ssyncadd.s32 $0xFFFFE000  }
0x423: {  	[hbm4b:s1+s3] =	stream.indirect.scatter [tilespmem:s25], [sflag:$0xB], $0x40, s4, s3, $0xb8;
	[tilespmem:$0x198E0] =	vst v63  }
0x424: {  	_ =	swait.ge [sflag:s20], $0x2000  }
0x425: {  	s5 =	sld [smem:$0x7CD]  }
0x426: {  	[sflag:s20] =	ssyncset.done $0x0  }
0x427: {  	[sflag:s20] =	ssyncadd.s32 $0xFFFFE000  }
0x428: {  	[tilespmem:s21], [sflag:$0x9] =	stream.indirect.gather [spmem:s2], $0x40, s5, s3, $0xb8;
	[tilespmem:$0x198E0] =	vst v63  }
0x429: {  	_ =	swait.ge [sflag:s28], $0x2000  }
0x42a: {  	s6 =	sld [smem:$0x7CE]  }
0x42b: {  	[sflag:s28] =	ssyncset.done $0x0  }
0x42c: {  	[sflag:s28] =	ssyncadd.s32 $0xFFFFE000  }
0x42d: {  	[hbm4b:s1+s3] =	stream.indirect.scatter [tilespmem:s23], [sflag:$0xC], $0x40, s6, s3, $0xb8;
	[tilespmem:$0x198E0] =	vst v63  }
0x42e: {  	_ =	swait.ge [sflag:s18], $0x2000  }
0x42f: {  	s4 =	sld [smem:$0x7CF]  }
0x430: {  	[sflag:s18] =	ssyncset.done $0x0  }
0x431: {  	[sflag:s18] =	ssyncadd.s32 $0xFFFFE000  }
0x432: {  	[tilespmem:s22], [sflag:$0xA] =	stream.indirect.gather [spmem:s2], $0x40, s4, s3, $0xb8;
	[tilespmem:$0x198E0] =	vst v63  }
0x433: {  	_ =	swait.ge [sflag:s24], $0x2000  }
0x434: {  	s5 =	sld [smem:$0x7D0]  }
0x435: {  	[sflag:s24] =	ssyncset.done $0x0  }
0x436: {  	[sflag:s24] =	ssyncadd.s32 $0xFFFFE000  }
0x437: {  	[hbm4b:s1+s3] =	stream.indirect.scatter [tilespmem:s21], [sflag:$0xD], $0x40, s5, s3, $0xb8;
	[tilespmem:$0x198E0] =	vst v63  }
0x438: {  	_ =	swait.ge [sflag:s17], $0x2000  }
0x439: {  	s6 =	sld [smem:$0x7D1]  }
0x43a: {  	[sflag:s17] =	ssyncset.done $0x0  }
0x43b: {  	[sflag:s17] =	ssyncadd.s32 $0xFFFFE000  }
0x43c: {  	[tilespmem:s25], [sflag:$0x7] =	stream.indirect.gather [spmem:s2], $0x40, s6, s3, $0xb8;
	[tilespmem:$0x198E0] =	vst v63  }
0x43d: {  	_ =	swait.ge [sflag:s26], $0x2000  }
0x43e: {  	s4 =	sld [smem:$0x7D2]  }
0x43f: {  	[sflag:s26] =	ssyncset.done $0x0  }
0x440: {  	[sflag:s26] =	ssyncadd.s32 $0xFFFFE000  }
0x441: {  	[hbm4b:s1+s3] =	stream.indirect.scatter [tilespmem:s22], [sflag:$0xE], $0x40, s4, s3, $0xb8;
	[tilespmem:$0x198E0] =	vst v63  }
0x442: {  	_ =	swait.ge [sflag:s19], $0x2000  }
0x443: {  	s5 =	sld [smem:$0x7D3]  }
0x444: {  	[sflag:s19] =	ssyncset.done $0x0  }
0x445: {  	[sflag:s19] =	ssyncadd.s32 $0xFFFFE000  }
0x446: {  	[tilespmem:s23], [sflag:$0x8] =	stream.indirect.gather [spmem:s2], $0x40, s5, s3, $0xb8;
	[tilespmem:$0x198E0] =	vst v63  }
0x447: {  	_ =	swait.ge [sflag:s29], $0x2000  }
0x448: {  	s6 =	sld [smem:$0x7D4]  }
0x449: {  	[sflag:s29] =	ssyncset.done $0x0  }
0x44a: {  	[sflag:s29] =	ssyncadd.s32 $0xFFFFE000  }
0x44b: {  	[hbm4b:s1+s3] =	stream.indirect.scatter [tilespmem:s25], [sflag:$0xB], $0x40, s6, s3, $0xb8;
	[tilespmem:$0x198E0] =	vst v63  }
0x44c: {  	_ =	swait.ge [sflag:s20], $0x2000  }
0x44d: {  	s4 =	sld [smem:$0x7D5]  }
0x44e: {  	[sflag:s20] =	ssyncset.done $0x0  }
0x44f: {  	[sflag:s20] =	ssyncadd.s32 $0xFFFFE000  }
0x450: {  	[tilespmem:s21], [sflag:$0x9] =	stream.indirect.gather [spmem:s2], $0x40, s4, s3, $0xb8;
	[tilespmem:$0x198E0] =	vst v63  }
0x451: {  	_ =	swait.ge [sflag:s28], $0x2000  }
0x452: {  	s5 =	sld [smem:$0x7D6]  }
0x453: {  	[sflag:s28] =	ssyncset.done $0x0  }
0x454: {  	[sflag:s28] =	ssyncadd.s32 $0xFFFFE000  }
0x455: {  	[hbm4b:s1+s3] =	stream.indirect.scatter [tilespmem:s23], [sflag:$0xC], $0x40, s5, s3, $0xb8;
	[tilespmem:$0x198E0] =	vst v63  }
0x456: {  	_ =	swait.ge [sflag:s18], $0x2000  }
0x457: {  	s6 =	sld [smem:$0x7D7]  }
0x458: {  	[sflag:s18] =	ssyncset.done $0x0  }
0x459: {  	[sflag:s18] =	ssyncadd.s32 $0xFFFFE000  }
0x45a: {  	[tilespmem:s22], [sflag:$0xA] =	stream.indirect.gather [spmem:s2], $0x40, s6, s3, $0xb8;
	[tilespmem:$0x198E0] =	vst v63  }
0x45b: {  	_ =	swait.ge [sflag:s24], $0x2000  }
0x45c: {  	s4 =	sld [smem:$0x7D8]  }
0x45d: {  	[sflag:s24] =	ssyncset.done $0x0  }
0x45e: {  	[sflag:s24] =	ssyncadd.s32 $0xFFFFE000  }
0x45f: {  	[hbm4b:s1+s3] =	stream.indirect.scatter [tilespmem:s21], [sflag:$0xD], $0x40, s4, s3, $0xb8;
	[tilespmem:$0x198E0] =	vst v63  }
0x460: {  	_ =	swait.ge [sflag:s17], $0x2000  }
0x461: {  	s5 =	sld [smem:$0x7D9]  }
0x462: {  	[sflag:s17] =	ssyncset.done $0x0  }
0x463: {  	[sflag:s17] =	ssyncadd.s32 $0xFFFFE000  }
0x464: {  	[tilespmem:s25], [sflag:$0x7] =	stream.indirect.gather [spmem:s2], $0x40, s5, s3, $0xb8;
	[tilespmem:$0x198E0] =	vst v63  }
0x465: {  	_ =	swait.ge [sflag:s26], $0x2000  }
0x466: {  	s6 =	sld [smem:$0x7DA]  }
0x467: {  	[sflag:s26] =	ssyncset.done $0x0  }
0x468: {  	[sflag:s26] =	ssyncadd.s32 $0xFFFFE000  }
0x469: {  	[hbm4b:s1+s3] =	stream.indirect.scatter [tilespmem:s22], [sflag:$0xE], $0x40, s6, s3, $0xb8;
	[tilespmem:$0x198E0] =	vst v63  }
0x46a: {  	_ =	swait.ge [sflag:s19], $0x2000  }
0x46b: {  	s4 =	sld [smem:$0x7DB]  }
0x46c: {  	[sflag:s19] =	ssyncset.done $0x0  }
0x46d: {  	[sflag:s19] =	ssyncadd.s32 $0xFFFFE000  }
0x46e: {  	[tilespmem:s23], [sflag:$0x8] =	stream.indirect.gather [spmem:s2], $0x40, s4, s3, $0xb8;
	[tilespmem:$0x198E0] =	vst v63  }
0x46f: {  	_ =	swait.ge [sflag:s29], $0x2000  }
0x470: {  	s5 =	sld [smem:$0x7DC]  }
0x471: {  	[sflag:s29] =	ssyncset.done $0x0  }
0x472: {  	[sflag:s29] =	ssyncadd.s32 $0xFFFFE000  }
0x473: {  	[hbm4b:s1+s3] =	stream.indirect.scatter [tilespmem:s25], [sflag:$0xB], $0x40, s5, s3, $0xb8;
	[tilespmem:$0x198E0] =	vst v63  }
0x474: {  	_ =	swait.ge [sflag:s20], $0x2000  }
0x475: {  	s6 =	sld [smem:$0x7DD]  }
0x476: {  	[sflag:s20] =	ssyncset.done $0x0  }
0x477: {  	[sflag:s20] =	ssyncadd.s32 $0xFFFFE000  }
0x478: {  	[tilespmem:s21], [sflag:$0x9] =	stream.indirect.gather [spmem:s2], $0x40, s6, s3, $0xb8;
	[tilespmem:$0x198E0] =	vst v63  }
0x479: {  	_ =	swait.ge [sflag:s28], $0x2000  }
0x47a: {  	s4 =	sld [smem:$0x7DE]  }
0x47b: {  	[sflag:s28] =	ssyncset.done $0x0  }
0x47c: {  	[sflag:s28] =	ssyncadd.s32 $0xFFFFE000  }
0x47d: {  	[hbm4b:s1+s3] =	stream.indirect.scatter [tilespmem:s23], [sflag:$0xC], $0x40, s4, s3, $0xb8;
	[tilespmem:$0x198E0] =	vst v63  }
0x47e: {  	_ =	swait.ge [sflag:s18], $0x2000  }
0x47f: {  	s5 =	sld [smem:$0x7DF]  }
0x480: {  	[sflag:s18] =	ssyncset.done $0x0  }
0x481: {  	[sflag:s18] =	ssyncadd.s32 $0xFFFFE000  }
0x482: {  	[tilespmem:s22], [sflag:$0xA] =	stream.indirect.gather [spmem:s2], $0x40, s5, s3, $0xb8;
	[tilespmem:$0x198E0] =	vst v63  }
0x483: {  	_ =	swait.ge [sflag:s24], $0x2000  }
0x484: {  	s6 =	sld [smem:$0x7E0]  }
0x485: {  	[sflag:s24] =	ssyncset.done $0x0  }
0x486: {  	[sflag:s24] =	ssyncadd.s32 $0xFFFFE000  }
0x487: {  	[hbm4b:s1+s3] =	stream.indirect.scatter [tilespmem:s21], [sflag:$0xD], $0x40, s6, s3, $0xb8;
	[tilespmem:$0x198E0] =	vst v63  }
0x488: {  	_ =	swait.ge [sflag:s17], $0x2000  }
0x489: {  	s4 =	sld [smem:$0x7E1]  }
0x48a: {  	[sflag:s17] =	ssyncset.done $0x0  }
0x48b: {  	[sflag:s17] =	ssyncadd.s32 $0xFFFFE000  }
0x48c: {  	[tilespmem:s25], [sflag:$0x7] =	stream.indirect.gather [spmem:s2], $0x40, s4, s3, $0xb8;
	[tilespmem:$0x198E0] =	vst v63  }
0x48d: {  	_ =	swait.ge [sflag:s26], $0x2000  }
0x48e: {  	s5 =	sld [smem:$0x7E2]  }
0x48f: {  	[sflag:s26] =	ssyncset.done $0x0  }
0x490: {  	[sflag:s26] =	ssyncadd.s32 $0xFFFFE000  }
0x491: {  	[hbm4b:s1+s3] =	stream.indirect.scatter [tilespmem:s22], [sflag:$0xE], $0x40, s5, s3, $0xb8;
	[tilespmem:$0x198E0] =	vst v63  }
0x492: {  	_ =	swait.ge [sflag:s19], $0x2000  }
0x493: {  	s6 =	sld [smem:$0x7E3]  }
0x494: {  	[sflag:s19] =	ssyncset.done $0x0  }
0x495: {  	[sflag:s19] =	ssyncadd.s32 $0xFFFFE000  }
0x496: {  	[tilespmem:s23], [sflag:$0x8] =	stream.indirect.gather [spmem:s2], $0x40, s6, s3, $0xb8;
	[tilespmem:$0x198E0] =	vst v63  }
0x497: {  	_ =	swait.ge [sflag:s29], $0x2000  }
0x498: {  	s4 =	sld [smem:$0x7E4]  }
0x499: {  	[sflag:s29] =	ssyncset.done $0x0  }
0x49a: {  	[sflag:s29] =	ssyncadd.s32 $0xFFFFE000  }
0x49b: {  	[hbm4b:s1+s3] =	stream.indirect.scatter [tilespmem:s25], [sflag:$0xB], $0x40, s4, s3, $0xb8;
	[tilespmem:$0x198E0] =	vst v63  }
0x49c: {  	_ =	swait.ge [sflag:s20], $0x2000  }
0x49d: {  	[sflag:s20] =	ssyncset.done $0x0  }
0x49e: {  	[sflag:s20] =	ssyncadd.s32 $0xFFFFE000  }
0x49f: {  	[tilespmem:s21], [sflag:$0x9] =	stream.indirect.gather [spmem:s2], $0x40, s8, s3, $0xb8;
	[tilespmem:$0x198E0] =	vst v63  }
0x4a0: {  	_ =	swait.ge [sflag:s28], $0x2000  }
0x4a1: {  	s5 =	sld [smem:$0x7E5]  }
0x4a2: {  	[sflag:s28] =	ssyncset.done $0x0  }
0x4a3: {  	[sflag:s28] =	ssyncadd.s32 $0xFFFFE000  }
0x4a4: {  	[hbm4b:s1+s3] =	stream.indirect.scatter [tilespmem:s23], [sflag:$0xC], $0x40, s5, s3, $0xb8;
	[tilespmem:$0x198E0] =	vst v63  }
0x4a5: {  	_ =	swait.ge [sflag:s18], $0x2000  }
0x4a6: {  	s6 =	sld [smem:$0x7E6]  }
0x4a7: {  	[sflag:s18] =	ssyncset.done $0x0  }
0x4a8: {  	[sflag:s18] =	ssyncadd.s32 $0xFFFFE000  }
0x4a9: {  	[tilespmem:s22], [sflag:$0xA] =	stream.indirect.gather [spmem:s2], $0x40, s6, s3, $0xb8;
	[tilespmem:$0x198E0] =	vst v63  }
0x4aa: {  	_ =	swait.ge [sflag:s24], $0x2000  }
0x4ab: {  	s8 =	sld [smem:$0x7E7]  }
0x4ac: {  	[sflag:s24] =	ssyncset.done $0x0  }
0x4ad: {  	[sflag:s24] =	ssyncadd.s32 $0xFFFFE000  }
0x4ae: {  	[hbm4b:s1+s3] =	stream.indirect.scatter [tilespmem:s21], [sflag:$0xD], $0x40, s8, s3, $0xb8;
	[tilespmem:$0x198E0] =	vst v63  }
0x4af: {  	_ =	swait.ge [sflag:s17], $0x2000  }
0x4b0: {  	s4 =	sld [smem:$0x7E8]  }
0x4b1: {  	[sflag:s17] =	ssyncset.done $0x0  }
0x4b2: {  	[sflag:s17] =	ssyncadd.s32 $0xFFFFE000  }
0x4b3: {  	[tilespmem:s25], [sflag:$0x7] =	stream.indirect.gather [spmem:s2], $0x40, s4, s3, $0xb8;
	[tilespmem:$0x198E0] =	vst v63  }
0x4b4: {  	_ =	swait.ge [sflag:s26], $0x2000  }
0x4b5: {  	s5 =	sld [smem:$0x7E9]  }
0x4b6: {  	[sflag:s26] =	ssyncset.done $0x0  }
0x4b7: {  	[sflag:s26] =	ssyncadd.s32 $0xFFFFE000  }
0x4b8: {  	[hbm4b:s1+s3] =	stream.indirect.scatter [tilespmem:s22], [sflag:$0xE], $0x40, s5, s3, $0xb8;
	[tilespmem:$0x198E0] =	vst v63  }
0x4b9: {  	_ =	swait.ge [sflag:s19], $0x2000  }
0x4ba: {  	s6 =	sld [smem:$0x7EA]  }
0x4bb: {  	[sflag:s19] =	ssyncset.done $0x0  }
0x4bc: {  	[sflag:s19] =	ssyncadd.s32 $0xFFFFE000  }
0x4bd: {  	[tilespmem:s23], [sflag:$0x8] =	stream.indirect.gather [spmem:s2], $0x40, s6, s3, $0xb8;
	[tilespmem:$0x198E0] =	vst v63  }
0x4be: {  	_ =	swait.ge [sflag:s29], $0x2000  }
0x4bf: {  	s8 =	sld [smem:$0x7EB]  }
0x4c0: {  	[sflag:s29] =	ssyncset.done $0x0  }
0x4c1: {  	[sflag:s29] =	ssyncadd.s32 $0xFFFFE000  }
0x4c2: {  	[hbm4b:s1+s3] =	stream.indirect.scatter [tilespmem:s25], [sflag:$0xB], $0x40, s8, s3, $0xb8;
	[tilespmem:$0x198E0] =	vst v63  }
0x4c3: {  	_ =	swait.ge [sflag:s20], $0x2000  }
0x4c4: {  	s4 =	sld [smem:$0x7EC]  }
0x4c5: {  	[sflag:s20] =	ssyncset.done $0x0  }
0x4c6: {  	[sflag:s20] =	ssyncadd.s32 $0xFFFFE000  }
0x4c7: {  	[tilespmem:s21], [sflag:$0x9] =	stream.indirect.gather [spmem:s2], $0x40, s4, s3, $0xb8;
	[tilespmem:$0x198E0] =	vst v63  }
0x4c8: {  	_ =	swait.ge [sflag:s28], $0x2000  }
0x4c9: {  	s5 =	sld [smem:$0x7ED]  }
0x4ca: {  	[sflag:s28] =	ssyncset.done $0x0  }
0x4cb: {  	[sflag:s28] =	ssyncadd.s32 $0xFFFFE000  }
0x4cc: {  	[hbm4b:s1+s3] =	stream.indirect.scatter [tilespmem:s23], [sflag:$0xC], $0x40, s5, s3, $0xb8;
	[tilespmem:$0x198E0] =	vst v63  }
0x4cd: {  	_ =	swait.ge [sflag:s18], $0x2000  }
0x4ce: {  	s6 =	sld [smem:$0x7EE]  }
0x4cf: {  	[sflag:s18] =	ssyncset.done $0x0  }
0x4d0: {  	[sflag:s18] =	ssyncadd.s32 $0xFFFFE000  }
0x4d1: {  	[tilespmem:s22], [sflag:$0xA] =	stream.indirect.gather [spmem:s2], $0x40, s6, s3, $0xb8;
	[tilespmem:$0x198E0] =	vst v63  }
0x4d2: {  	_ =	swait.ge [sflag:s24], $0x2000  }
0x4d3: {  	s8 =	sld [smem:$0x7EF]  }
0x4d4: {  	[sflag:s24] =	ssyncset.done $0x0  }
0x4d5: {  	[sflag:s24] =	ssyncadd.s32 $0xFFFFE000  }
0x4d6: {  	[hbm4b:s1+s3] =	stream.indirect.scatter [tilespmem:s21], [sflag:$0xD], $0x40, s8, s3, $0xb8;
	[tilespmem:$0x198E0] =	vst v63  }
0x4d7: {  	_ =	swait.ge [sflag:s17], $0x2000  }
0x4d8: {  	s4 =	sld [smem:$0x7F0]  }
0x4d9: {  	[sflag:s17] =	ssyncset.done $0x0  }
0x4da: {  	[sflag:s17] =	ssyncadd.s32 $0xFFFFE000  }
0x4db: {  	[tilespmem:s25], [sflag:$0x7] =	stream.indirect.gather [spmem:s2], $0x40, s4, s3, $0xb8;
	[tilespmem:$0x198E0] =	vst v63  }
0x4dc: {  	_ =	swait.ge [sflag:s26], $0x2000  }
0x4dd: {  	s5 =	sld [smem:$0x7F1]  }
0x4de: {  	[sflag:s26] =	ssyncset.done $0x0  }
0x4df: {  	[sflag:s26] =	ssyncadd.s32 $0xFFFFE000  }
0x4e0: {  	[hbm4b:s1+s3] =	stream.indirect.scatter [tilespmem:s22], [sflag:$0xE], $0x40, s5, s3, $0xb8;
	[tilespmem:$0x198E0] =	vst v63  }
0x4e1: {  	_ =	swait.ge [sflag:s19], $0x2000  }
0x4e2: {  	s6 =	sld [smem:$0x7F2]  }
0x4e3: {  	[sflag:s19] =	ssyncset.done $0x0  }
0x4e4: {  	[sflag:s19] =	ssyncadd.s32 $0xFFFFE000  }
0x4e5: {  	[tilespmem:s23], [sflag:$0x8] =	stream.indirect.gather [spmem:s2], $0x40, s6, s3, $0xb8;
	[tilespmem:$0x198E0] =	vst v63  }
0x4e6: {  	_ =	swait.ge [sflag:s29], $0x2000  }
0x4e7: {  	s8 =	sld [smem:$0x7F3]  }
0x4e8: {  	[sflag:s29] =	ssyncset.done $0x0  }
0x4e9: {  	[sflag:s29] =	ssyncadd.s32 $0xFFFFE000  }
0x4ea: {  	[hbm4b:s1+s3] =	stream.indirect.scatter [tilespmem:s25], [sflag:$0xB], $0x40, s8, s3, $0xb8;
	[tilespmem:$0x198E0] =	vst v63  }
0x4eb: {  	_ =	swait.ge [sflag:s20], $0x2000  }
0x4ec: {  	s4 =	sld [smem:$0x7F4]  }
0x4ed: {  	[sflag:s20] =	ssyncset.done $0x0  }
0x4ee: {  	[sflag:s20] =	ssyncadd.s32 $0xFFFFE000  }
0x4ef: {  	[tilespmem:s21], [sflag:$0x9] =	stream.indirect.gather [spmem:s2], $0x40, s4, s3, $0xb8;
	[tilespmem:$0x198E0] =	vst v63  }
0x4f0: {  	_ =	swait.ge [sflag:s28], $0x2000  }
0x4f1: {  	s5 =	sld [smem:$0x7F5]  }
0x4f2: {  	[sflag:s28] =	ssyncset.done $0x0  }
0x4f3: {  	[sflag:s28] =	ssyncadd.s32 $0xFFFFE000  }
0x4f4: {  	[hbm4b:s1+s3] =	stream.indirect.scatter [tilespmem:s23], [sflag:$0xC], $0x40, s5, s3, $0xb8;
	[tilespmem:$0x198E0] =	vst v63  }
0x4f5: {  	_ =	swait.ge [sflag:s18], $0x2000  }
0x4f6: {  	s6 =	sld [smem:$0x7F6]  }
0x4f7: {  	[sflag:s18] =	ssyncset.done $0x0  }
0x4f8: {  	[sflag:s18] =	ssyncadd.s32 $0xFFFFE000  }
0x4f9: {  	[tilespmem:s22], [sflag:$0xA] =	stream.indirect.gather [spmem:s2], $0x40, s6, s3, $0xb8;
	[tilespmem:$0x198E0] =	vst v63  }
0x4fa: {  	_ =	swait.ge [sflag:s24], $0x2000  }
0x4fb: {  	s8 =	sld [smem:$0x7F7]  }
0x4fc: {  	[sflag:s24] =	ssyncset.done $0x0  }
0x4fd: {  	[sflag:s24] =	ssyncadd.s32 $0xFFFFE000  }
0x4fe: {  	[hbm4b:s1+s3] =	stream.indirect.scatter [tilespmem:s21], [sflag:$0xD], $0x40, s8, s3, $0xb8;
	[tilespmem:$0x198E0] =	vst v63  }
0x4ff: {  	_ =	swait.ge [sflag:s26], $0x2000  }
0x500: {  	s23 =	sld [smem:$0x7F8]  }
0x501: {  	[sflag:s26] =	ssyncset.done $0x0  }
0x502: {  	[sflag:s26] =	ssyncadd.s32 $0xFFFFE000  }
0x503: {  	[hbm4b:s1+s3] =	stream.indirect.scatter [tilespmem:s22], [sflag:$0xE], $0x40, s23, s3, $0xb8;
	[tilespmem:$0x198E0] =	vst v63  }
0x504: {  	_ =	swait.ge [sflag:s16], $0x2000  }
0x505: {  	[sflag:s16] =	ssyncset.done $0x0  }
0x506: {  	s24 =	simm.s32 $0x1500;
	[sflag:s16] =	ssyncadd.s32 $0xFFFFE000  }
0x507: {  	[hbm4b:s1+s3] =	stream.indirect.scatter [tilespmem:s7], [sflag:$0x1], $0x40, s24, s3, $0xb8;
	[tilespmem:$0x198E0] =	vst v63  }
0x508: {  	_ =	swait.ge [sflag:s15], $0x2000  }
0x509: {  	s25 =	sld [smem:$0x7F9]  }
0x50a: {  	[sflag:s15] =	ssyncset.done $0x0  }
0x50b: {  	s26 =	simm.s32 $0x4A00;
	[sflag:s15] =	ssyncadd.s32 $0xFFFFE000  }
0x50c: {  	[hbm4b:s1+s3] =	stream.indirect.scatter [tilespmem:s26], [sflag:$0x2], $0x40, s25, s3, $0xb8;
	[tilespmem:$0x198E0] =	vst v63  }
0x50d: {  	_ =	swait.ge [sflag:s14], $0x2000  }
0x50e: {  	s28 =	sld [smem:$0x7FA]  }
0x50f: {  	[sflag:s14] =	ssyncset.done $0x0  }
0x510: {  	[sflag:s14] =	ssyncadd.s32 $0xFFFFE000  }
0x511: {  	[hbm4b:s1+s3] =	stream.indirect.scatter [tilespmem:s30], [sflag:$0x3], $0x40, s28, s3, $0xb8;
	[tilespmem:$0x198E0] =	vst v63  }
0x512: {  	_ =	swait.ge [sflag:s13], $0x2000  }
0x513: {  	s29 =	sld [smem:$0x7FB]  }
0x514: {  	[sflag:s13] =	ssyncset.done $0x0  }
0x515: {  	[sflag:s13] =	ssyncadd.s32 $0xFFFFE000  }
0x516: {  	[hbm4b:s1+s3] =	stream.indirect.scatter [tilespmem:s31], [sflag:$0x4], $0x40, s29, s3, $0xb8;
	[tilespmem:$0x198E0] =	vst v63  }
0x517: {  	_ =	swait.ge [sflag:s12], $0x2000  }
0x518: {  	s30 =	sld [smem:$0x7FC]  }
0x519: {  	[sflag:s12] =	ssyncset.done $0x0  }
0x51a: {  	[sflag:s12] =	ssyncadd.s32 $0xFFFFE000  }
0x51b: {  	[hbm4b:s1+s3] =	stream.indirect.scatter [tilespmem:s10], [sflag:$0x5], $0x40, s30, s3, $0xb8;
	[tilespmem:$0x198E0] =	vst v63  }
0x51c: {  	_ =	swait.ge [sflag:s11], $0x2000  }
0x51d: {  	s31 =	sld [smem:$0x7FD]  }
0x51e: {  	[sflag:s11] =	ssyncset.done $0x0  }
0x51f: {  	[sflag:s11] =	ssyncadd.s32 $0xFFFFE000  }
0x520: {  	[hbm4b:s1+s3] =	stream.indirect.scatter [tilespmem:s9], [sflag:$0x6], $0x40, s31, s3, $0xb8;
	[tilespmem:$0x198E0] =	vst v63  }
0x521: {  	_ =	swait.ge [sflag:s17], $0x2000  }
0x522: {  	[sflag:s17] =	ssyncset.done $0x0  }
0x523: {  	[sflag:s17] =	ssyncadd.s32 $0xFFFFE000  }
0x524: {  	_ =	swait.ge [sflag:s19], $0x2000  }
0x525: {  	[sflag:s19] =	ssyncset.done $0x0  }
0x526: {  	[sflag:s19] =	ssyncadd.s32 $0xFFFFE000  }
0x527: {  	_ =	swait.ge [sflag:s20], $0x2000  }
0x528: {  	[sflag:s20] =	ssyncset.done $0x0  }
0x529: {  	[sflag:s20] =	ssyncadd.s32 $0xFFFFE000  }
0x52a: {  	_ =	swait.ge [sflag:s18], $0x2000  }
0x52b: {  	[sflag:s18] =	ssyncset.done $0x0  }
0x52c: {  	[sflag:s18] =	ssyncadd.s32 $0xFFFFE000  }
0x52d: {  	_ =	swait.ge [sflag:s16], $0x2000  }
0x52e: {  	[sflag:s16] =	ssyncset.done $0x0  }
0x52f: {  	[sflag:s16] =	ssyncadd.s32 $0xFFFFE000  }
0x530: {  	_ =	swait.ge [sflag:s15], $0x2000  }
0x531: {  	[sflag:s15] =	ssyncset.done $0x0  }
0x532: {  	[sflag:s15] =	ssyncadd.s32 $0xFFFFE000  }
0x533: {  	_ =	swait.ge [sflag:s14], $0x2000  }
0x534: {  	[sflag:s14] =	ssyncset.done $0x0  }
0x535: {  	[sflag:s14] =	ssyncadd.s32 $0xFFFFE000  }
0x536: {  	_ =	swait.ge [sflag:s13], $0x2000  }
0x537: {  	[sflag:s13] =	ssyncset.done $0x0  }
0x538: {  	[sflag:s13] =	ssyncadd.s32 $0xFFFFE000  }
0x539: {  	_ =	swait.ge [sflag:s12], $0x2000  }
0x53a: {  	[sflag:s12] =	ssyncset.done $0x0  }
0x53b: {  	[sflag:s12] =	ssyncadd.s32 $0xFFFFE000  }
0x53c: {  	_ =	swait.ge [sflag:s11], $0x2000  }
0x53d: {  	[sflag:s11] =	ssyncset.done $0x0  }
0x53e: {  	[sflag:s11] =	ssyncadd.s32 $0xFFFFE000  }
0x53f: {  	_ =	sfence.sel $0x180000  }
0x540: {  	[bflag:$0x0] =	sbarrier.arrive $0xFFFF  }
0x541: {  	_ =	strace $0x90000047  }
0x542: {  	[bflag:$0x2] =	sbarrier.arrive $0xFFFF  }
0x543: {  	s0 =	rddreg [dreg:$0x3]  }
0x544: {  	s0 =	sadd.s32 @!p0 $0x100000, s0  }
0x545: {  	[sflag:s0] =	ssyncadd.tile.s32 @!p0 $0x1;
	_ =	shalt  }
.Lfunc_end2:
_tile_overlayer_lowered:
.L_overlay_start_2:
0x546: {  	(tag) =	ssettag $0x2  }
0x547: {  	s0 =	rddreg [dreg:$0x0];
	s2 =	stileid.u32  }
0x548: {  	s1 =	rddreg [dreg:$0x1];
	p0 =	sne.s32 s2, $0x0  }
0x549: {  	s3 =	rddreg [dreg:$0x2];
	[bflag:$0x3] =	sbarrier.arrive $0xFFFF;
	s2 =	simm.s32 @!p0 $0x1C0F  }
0x54a: {  	[timem:s3], [sflag:s2] =	dma.local @!p0 [hbm:s0], s1  }
0x54b: {  	s0 =	simm.s32 @!p0 $0xF  }
0x54c: {  	_ =	swait.ge @!p0 [sflag:s0], s1  }
0x54d: {  	s1 =	ssub.s32 @!p0 $0x0, s1;
	[sflag:s0] =	ssyncset.done @!p0 $0x0  }
0x54e: {  	[sflag:s0] =	ssyncadd.s32 @!p0 s1  }
0x54f: {  	[bflag:$0x3] =	sbarrier.arrive $0xFFFF  }
0x550: {  	_ =	shalt  }

</sc_bundles>
